<compile_context>
chip_gen: v7x
topology: tpu7x:2x2x1
jax: 0.10.2.dev20260603
libtpu: 0.0.44.dev20260713+nightly
codegen_flags: <defaults>
</compile_context>

<pallas_src>
import functools
import jax
import jax.numpy as jnp
from jax import lax
from jax.experimental import pallas as pl
from jax.experimental.pallas import tpu as pltpu
from jax.experimental.pallas import tpu_sc as plsc

_N = 10000
_E = 320000
_F_IN = 128
_HID = 16
_C = 7

_NC = 2
_NS = 16
_CH = 128
_K = 8
_NCA = 2
_G0 = 12
_G1 = 8
_GMAX = max(_G0, _G1)
_NGRP = _NS * (_G0 + _G1)
_NCHK = _NGRP * _K
_EPAD = _NCHK * _CH
_CALLOC = _NCHK + _GMAX * _K
_NPAD = 10240
_RPT = _NPAD // _NS

def _tile_work(c, s):
    if _NCA == 1:
        return _G0, s * (_G0 * _K)
    ngrp = jnp.where(c == 0, _G0, _G1)
    base = jnp.where(c == 0, s * (_G0 * _K),
                     _NS * (_G0 * _K) + s * (_G1 * _K))
    return ngrp, base


def _preload(c, base, hbm, vmem):
    @pl.when(c == 0)
    def _():
        pltpu.sync_copy(hbm.at[pl.ds(base, _G0 * _K)],
                        vmem.at[pl.ds(0, _G0 * _K)])
    @pl.when(c != 0)
    def _():
        pltpu.sync_copy(hbm.at[pl.ds(base, _G1 * _K)],
                        vmem.at[pl.ds(0, _G1 * _K)])


def _deg_body(dst_hbm, out_hbm, accd, idx_d, ones_v, tmp_v, sem):
    c = lax.axis_index("c")
    s = lax.axis_index("s")
    ngrp, base = _tile_work(c, s)

    _preload(c, base, dst_hbm, idx_d)

    def _o(i, _):
        ones_v[pl.ds(i * 16, 16)] = jnp.ones((16,), jnp.float32)
        return 0
    lax.fori_loop(0, _K * _CH // 16, _o, 0)
    def _z(i, _):
        tmp_v[pl.ds(i * 16, 16)] = jnp.zeros((16,), jnp.float32)
        return 0
    lax.fori_loop(0, _RPT // 16, _z, 0)

    r0 = s * _RPT
    pltpu.sync_copy(tmp_v, accd.at[pl.ds(r0, _RPT)])
    plsc.subcore_barrier()

    def _grp(t, _):
        for i in range(_K):
            pltpu.async_copy(ones_v.at[pl.ds(0, _CH)],
                             accd.at[idx_d.at[t * _K + i]], sem, add=True)
        pltpu.make_async_copy(ones_v, accd.at[pl.ds(0, _K * _CH)], sem).wait()
        return 0

    lax.fori_loop(0, ngrp, _grp, 0)
    plsc.subcore_barrier()

    pltpu.sync_copy(accd.at[pl.ds(r0, _RPT)], tmp_v)
    pltpu.sync_copy(tmp_v, out_hbm.at[pl.ds(c * _NPAD + r0, _RPT)])


@functools.cache
def _deg_kernel():
    return pl.kernel(
        _deg_body,
        out_type=jax.ShapeDtypeStruct((_NCA * _NPAD,), jnp.float32),
        mesh=plsc.VectorSubcoreMesh(core_axis_name="c", subcore_axis_name="s", num_cores=_NCA),
        compiler_params=pltpu.CompilerParams(use_tc_tiling_on_sc=False),
        scratch_types=[
            pltpu.VMEM_SHARED((_NPAD,), jnp.float32),
            pltpu.VMEM((_GMAX * _K, _CH), jnp.int32),
            pltpu.VMEM((_K * _CH,), jnp.float32),
            pltpu.VMEM((_RPT,), jnp.float32),
            pltpu.SemaphoreType.DMA,
        ],
    )


def _segsum_body(src_hbm, dst_hbm, hs_hbm, out_hbm, acc, hs_sh, idx_s, idx_d,
                 msg0, msg1, tmp_v, gsem0, gsem1, ssem0, ssem1):
    c = lax.axis_index("c")
    s = lax.axis_index("s")
    ngrp, base = _tile_work(c, s)

    _preload(c, base, src_hbm, idx_s)
    _preload(c, base, dst_hbm, idx_d)

    r0 = s * _RPT
    pltpu.sync_copy(hs_hbm.at[pl.ds(r0, _RPT)], tmp_v)
    pltpu.sync_copy(tmp_v, hs_sh.at[pl.ds(r0, _RPT)])

    def _z(i, _):
        tmp_v[i] = jnp.zeros((16,), jnp.float32)
        return 0
    lax.fori_loop(0, _RPT // 4, _z, 0)
    for q in range(4):
        pltpu.sync_copy(tmp_v.at[pl.ds(0, _RPT // 4)],
                        acc.at[pl.ds(r0 + q * (_RPT // 4), _RPT // 4)])
    plsc.subcore_barrier()

    def _fire_gathers(g, msg, sem):
        for i in range(_K):
            pltpu.async_copy(hs_sh.at[idx_s.at[g * _K + i]],
                             msg.at[pl.ds(i * _CH, _CH)], sem)

    def _fire_scatters(g, msg, sem):
        for i in range(_K):
            pltpu.async_copy(msg.at[pl.ds(i * _CH, _CH)],
                             acc.at[idx_d.at[g * _K + i]], sem, add=True)

    def _drain(msg, sem):
        pltpu.make_async_copy(msg, acc.at[pl.ds(0, _K * _CH)], sem).wait()

    _fire_gathers(0, msg0, gsem0)
    _fire_gathers(1, msg1, gsem1)
    _drain(msg0, gsem0)
    _fire_scatters(0, msg0, ssem0)

    def _pair(t, _):
        g = 2 * t + 1
        _drain(msg0, ssem0)
        _fire_gathers(g + 1, msg0, gsem0)
        _drain(msg1, gsem1)
        _fire_scatters(g, msg1, ssem1)
        _drain(msg1, ssem1)
        _fire_gathers(g + 2, msg1, gsem1)
        _drain(msg0, gsem0)
        _fire_scatters(g + 1, msg0, ssem0)
        return 0

    lax.fori_loop(0, ngrp // 2 - 1, _pair, 0)
    _drain(msg0, ssem0)
    _drain(msg1, gsem1)
    _fire_scatters(ngrp - 1, msg1, ssem1)
    _drain(msg1, ssem1)

    plsc.subcore_barrier()
    pltpu.sync_copy(acc.at[pl.ds(r0, _RPT)], tmp_v)
    pltpu.sync_copy(tmp_v, out_hbm.at[pl.ds(c * _NPAD + r0, _RPT)])


@functools.cache
def _segsum_kernel():
    return pl.kernel(
        _segsum_body,
        out_type=jax.ShapeDtypeStruct((_NCA * _NPAD, _HID), jnp.float32),
        mesh=plsc.VectorSubcoreMesh(core_axis_name="c", subcore_axis_name="s", num_cores=_NCA),
        compiler_params=pltpu.CompilerParams(use_tc_tiling_on_sc=False),
        scratch_types=[
            pltpu.VMEM_SHARED((_NPAD, _HID), jnp.float32),
            pltpu.VMEM_SHARED((_NPAD, _HID), jnp.float32),
            pltpu.VMEM((_GMAX * _K, _CH), jnp.int32),
            pltpu.VMEM((_GMAX * _K, _CH), jnp.int32),
            pltpu.VMEM((_K * _CH, _HID), jnp.float32),
            pltpu.VMEM((_K * _CH, _HID), jnp.float32),
            pltpu.VMEM((_RPT, _HID), jnp.float32),
            pltpu.SemaphoreType.DMA,
            pltpu.SemaphoreType.DMA,
            pltpu.SemaphoreType.DMA,
            pltpu.SemaphoreType.DMA,
        ],
    )


_BLK = 1024
_NBLK = _NPAD // _BLK


def _dinv(degp_ref):
    deg = degp_ref[0, :] + 1.0
    if _NCA == 2:
        deg = deg + degp_ref[1, :]
    return lax.rsqrt(deg)


def _tc1_body(x_ref, w1_ref, degp_ref, out_ref):
    dinv = _dinv(degp_ref)
    h = jnp.dot(x_ref[...], w1_ref[...], preferred_element_type=jnp.float32)
    out_ref[...] = h * dinv[:, None]


def _tc2_body(*refs):
    (*ps, hs1_ref, degp_ref, b1_ref, w2_ref, out_ref) = refs
    dinv = _dinv(degp_ref)
    acc = sum(p[...] for p in ps) + hs1_ref[...]
    acc = acc * dinv[:, None]
    h2 = jnp.maximum(acc + b1_ref[...], 0.0)
    out_ref[...] = jnp.dot(
        h2, w2_ref[...], preferred_element_type=jnp.float32) * dinv[:, None]


def _tc3_body(*refs):
    (*ps, hs2_ref, degp_ref, b2_ref, out_ref) = refs
    dinv = _dinv(degp_ref)
    acc = sum(p[...] for p in ps) + hs2_ref[...]
    acc = acc * dinv[:, None]
    out_ref[...] = jnp.maximum(acc + b2_ref[...], 0.0)


def _row_spec(off):
    return pl.BlockSpec((_BLK, _HID), lambda i, off=off: (i + off, 0))


def kernel(x, edge_index, W1, b1, W2, b2):
    pad = _CALLOC * _CH - _E
    src = jnp.concatenate(
        [edge_index[0], jnp.zeros((pad,), jnp.int32)]).reshape(_CALLOC, _CH)
    dst = jnp.concatenate(
        [edge_index[1], jnp.full((pad,), _N, jnp.int32)]).reshape(
            _CALLOC, _CH)
    x_p = jnp.pad(x, ((0, _NPAD - _N), (0, 0)))
    w2_p = jnp.pad(W2, ((0, 0), (0, _HID - _C)))
    b1_r = b1.reshape(1, _HID)
    b2_r = jnp.pad(b2, (0, _HID - _C)).reshape(1, _HID)

    degp = _deg_kernel()(dst).reshape(_NCA, _NPAD)

    p_specs = [_row_spec(i * _NBLK) for i in range(_NCA)]
    degp_spec = pl.BlockSpec((_NCA, _BLK), lambda i: (0, i))

    hs1 = pl.pallas_call(
        _tc1_body,
        grid=(_NBLK,),
        in_specs=[
            pl.BlockSpec((_BLK, _F_IN), lambda i: (i, 0)),
            pl.BlockSpec((_F_IN, _HID), lambda i: (0, 0)),
            degp_spec,
        ],
        out_specs=pl.BlockSpec((_BLK, _HID), lambda i: (i, 0)),
        out_shape=jax.ShapeDtypeStruct((_NPAD, _HID), jnp.float32),
    )(x_p, W1, degp)

    acc1 = _segsum_kernel()(src, dst, hs1)

    hs2 = pl.pallas_call(
        _tc2_body,
        grid=(_NBLK,),
        in_specs=p_specs + [
            pl.BlockSpec((_BLK, _HID), lambda i: (i, 0)),
            degp_spec,
            pl.BlockSpec((1, _HID), lambda i: (0, 0)),
            pl.BlockSpec((_HID, _HID), lambda i: (0, 0)),
        ],
        out_specs=pl.BlockSpec((_BLK, _HID), lambda i: (i, 0)),
        out_shape=jax.ShapeDtypeStruct((_NPAD, _HID), jnp.float32),
    )(*([acc1] * _NCA), hs1, degp, b1_r, w2_p)

    acc2 = _segsum_kernel()(src, dst, hs2)

    out = pl.pallas_call(
        _tc3_body,
        grid=(_NBLK,),
        in_specs=p_specs + [
            pl.BlockSpec((_BLK, _HID), lambda i: (i, 0)),
            degp_spec,
            pl.BlockSpec((1, _HID), lambda i: (0, 0)),
        ],
        out_specs=pl.BlockSpec((_BLK, _HID), lambda i: (i, 0)),
        out_shape=jax.ShapeDtypeStruct((_NPAD, _HID), jnp.float32),
    )(*([acc2] * _NCA), hs2, degp, b2_r)

    return out[:_N, :_C]

# --- scband reference (transcript-rebuilt; emitter-appended) ---
"""Pipeline reference for scband-model-48026324304611 (READ-ONLY COPY).

The authoritative reference and input builder live on the scoring server;
editing this copy changes nothing except your own understanding.
"""

import jax, jax.numpy as jnp
import numpy as np

N = 10000
E = 320000
F_IN = 128
HID = 16
C = 7


def setup_inputs(seed: int = 0) -> dict:
    key = jax.random.key(seed)
    ks = jax.random.split(key, 6)
    x = jax.random.normal(ks[0], (N, F_IN), dtype=jnp.float32)
    edge_index = jax.random.randint(ks[1], (2, E), 0, N, dtype=jnp.int32)
    W1 = jax.random.normal(ks[2], (F_IN, HID), dtype=jnp.float32) * (1.0 / np.sqrt(F_IN))
    b1 = jnp.zeros((HID,), dtype=jnp.float32)
    W2 = jax.random.normal(ks[3], (HID, C), dtype=jnp.float32) * (1.0 / np.sqrt(HID))
    b2 = jnp.zeros((C,), dtype=jnp.float32)
    return {"x": x, "edge_index": edge_index, "W1": W1, "b1": b1, "W2": W2, "b2": b2}


def _gcn_conv(x, src, dst, W, b):
    # GCNConv: x' = D^{-1/2} (A + I) D^{-1/2} (X W) + b  (self-loops already appended to src/dst)
    h = x @ W
    ones = jnp.ones((src.shape[0],), dtype=h.dtype)
    deg = jax.ops.segment_sum(ones, dst, num_segments=N)
    dinv = jnp.where(deg > 0, deg ** -0.5, 0.0)
    norm = dinv[src] * dinv[dst]
    msg = h[src] * norm[:, None]
    out = jax.ops.segment_sum(msg, dst, num_segments=N)
    return out + b


def reference(x, edge_index, W1, b1, W2, b2):
    loop = jnp.arange(N, dtype=edge_index.dtype)
    src = jnp.concatenate([edge_index[0], loop])
    dst = jnp.concatenate([edge_index[1], loop])
    h = _gcn_conv(x, src, dst, W1, b1)
    h = jax.nn.relu(h)
    h = _gcn_conv(h, src, dst, W2, b2)
    return jax.nn.relu(h)

if __name__ == "__main__":
    import jax
    _d = setup_inputs()
    print(jax.jit(kernel)(*tuple(_d.values())))

</pallas_src>

<mosaic_0001>
#map = affine_map<(d0, d1) -> (0, 0)>
#map1 = affine_map<(d0, d1) -> (0)>
module attributes {stable_mosaic.version = 14 : i64} {
  func.func @_deg_body(%arg0: i32, %arg1: i32, %arg2: memref<2656x128xi32, #tpu.memory_space<hbm>>, %arg3: memref<20480xf32, #tpu.memory_space<hbm>>, %arg4: memref<10240xf32, #tpu.memory_space<vmem_shared>>, %arg5: memref<96x128xi32, #tpu.memory_space<vmem>>, %arg6: memref<1024xf32, #tpu.memory_space<vmem>>, %arg7: memref<640xf32, #tpu.memory_space<vmem>>, %arg8: memref<!tpu.dma_semaphore, #tpu.memory_space<semaphore_mem>>) attributes {dimension_semantics = [#tpu.dimension_semantics<core_parallel>, #tpu.dimension_semantics<subcore_parallel>], iteration_bounds = array<i64: 2, 16>, scalar_prefetch = 0 : i64, scratch_operands = 5 : i64, tpu.core_type = #tpu.core_type<sc_vector_subcore>, window_params = [{transform_indices = #map}, {transform_indices = #map1}]} {
    %eq3A = arith.constant 0 : i32
    %eq3A_0 = arith.cmpi eq, %arg0, %eq3A : i32
    %jit3A = arith.constant 12 : i32
    %jit3A_1 = arith.constant 8 : i32
    %select_n3A = arith.select %eq3A_0, %jit3A, %jit3A_1 : i32
    %eq3A_2 = arith.constant 0 : i32
    %eq3A_3 = arith.cmpi eq, %arg0, %eq3A_2 : i32
    %mul3A = arith.constant 96 : i32
    %mul3A_4 = arith.muli %arg1, %mul3A : i32
    %mul3A_5 = arith.constant 64 : i32
    %mul3A_6 = arith.muli %arg1, %mul3A_5 : i32
    %add3A = arith.constant 1536 : i32
    %add3A_7 = arith.addi %add3A, %mul3A_6 : i32
    %select_n3A_8 = arith.select %eq3A_3, %mul3A_4, %add3A_7 : i32
    %eq3A_9 = arith.constant 0 : i32
    %eq3A_10 = arith.cmpi eq, %arg0, %eq3A_9 : i32
    %convert_element_type3A = arith.extui %eq3A_10 : i1 to i32
    %cond3A = arith.constant 0 : i32
    %cond3A_11 = arith.cmpi ne, %convert_element_type3A, %cond3A : i32
    scf.if %cond3A_11 {
      "tpu.region"() ({
        %run_scoped3A = tpu.sem_alloc : memref<!tpu.dma_semaphore, #tpu.memory_space<semaphore_mem>>
        %dma_start3A = arith.constant 0 : i32
        %dma_start3A_46 = arith.constant 0 : i32
        %dma_start3A_47 = tpu.memref_slice %arg5[%dma_start3A, %dma_start3A_46] : memref<96x128xi32, #tpu.memory_space<vmem>> -> memref<96x128xi32, #tpu.memory_space<vmem>>
        %dma_start3A_48 = arith.constant 0 : i32
        %dma_start3A_49 = tpu.memref_slice %arg2[%select_n3A_8, %dma_start3A_48] : memref<2656x128xi32, #tpu.memory_space<hbm>> -> memref<96x128xi32, #tpu.memory_space<hbm>>
        %dma_start3A_50 = arith.constant 0 : i32
        %dma_start3A_51 = arith.constant 0 : i32
        %dma_start3A_52 = tpu.memref_slice %arg5[%dma_start3A_50, %dma_start3A_51] : memref<96x128xi32, #tpu.memory_space<vmem>> -> memref<96x128xi32, #tpu.memory_space<vmem>>
        %dma_start3A_53 = arith.constant 0 : i32
        %dma_start3A_54 = tpu.memref_slice %arg2[%select_n3A_8, %dma_start3A_53] : memref<2656x128xi32, #tpu.memory_space<hbm>> -> memref<96x128xi32, #tpu.memory_space<hbm>>
        tpu.enqueue_dma source(%dma_start3A_54 : memref<96x128xi32, #tpu.memory_space<hbm>>) target(%dma_start3A_52 : memref<96x128xi32, #tpu.memory_space<vmem>>) target_semaphore(%run_scoped3A : memref<!tpu.dma_semaphore, #tpu.memory_space<semaphore_mem>>)
        %dma_wait3A = arith.constant 0 : i32
        %dma_wait3A_55 = arith.constant 0 : i32
        %dma_wait3A_56 = tpu.memref_slice %arg5[%dma_wait3A, %dma_wait3A_55] : memref<96x128xi32, #tpu.memory_space<vmem>> -> memref<96x128xi32, #tpu.memory_space<vmem>>
        %dma_wait3A_57 = arith.constant 0 : i32
        %dma_wait3A_58 = tpu.memref_slice %arg2[%select_n3A_8, %dma_wait3A_57] : memref<2656x128xi32, #tpu.memory_space<hbm>> -> memref<96x128xi32, #tpu.memory_space<hbm>>
        %dma_wait3A_59 = arith.constant 0 : i32
        %dma_wait3A_60 = arith.constant 0 : i32
        %dma_wait3A_61 = tpu.memref_slice %arg5[%dma_wait3A_59, %dma_wait3A_60] : memref<96x128xi32, #tpu.memory_space<vmem>> -> memref<96x128xi32, #tpu.memory_space<vmem>>
        %dma_wait3A_62 = arith.constant 0 : i32
        %dma_wait3A_63 = tpu.memref_slice %arg2[%select_n3A_8, %dma_wait3A_62] : memref<2656x128xi32, #tpu.memory_space<hbm>> -> memref<96x128xi32, #tpu.memory_space<hbm>>
        tpu.wait_dma2 semaphore(%run_scoped3A : memref<!tpu.dma_semaphore, #tpu.memory_space<semaphore_mem>>) src(%dma_wait3A_63 : memref<96x128xi32, #tpu.memory_space<hbm>>) dst(%dma_wait3A_61 : memref<96x128xi32, #tpu.memory_space<vmem>>)
        tpu.yield
      }) : () -> ()
    } else {
    }
    %ne3A = arith.constant 0 : i32
    %ne3A_12 = arith.cmpi ne, %arg0, %ne3A : i32
    %convert_element_type3A_13 = arith.extui %ne3A_12 : i1 to i32
    %cond3A_14 = arith.constant 0 : i32
    %cond3A_15 = arith.cmpi ne, %convert_element_type3A_13, %cond3A_14 : i32
    scf.if %cond3A_15 {
      "tpu.region"() ({
        %run_scoped3A = tpu.sem_alloc : memref<!tpu.dma_semaphore, #tpu.memory_space<semaphore_mem>>
        %dma_start3A = arith.constant 0 : i32
        %dma_start3A_46 = arith.constant 0 : i32
        %dma_start3A_47 = tpu.memref_slice %arg5[%dma_start3A, %dma_start3A_46] : memref<96x128xi32, #tpu.memory_space<vmem>> -> memref<64x128xi32, #tpu.memory_space<vmem>>
        %dma_start3A_48 = arith.constant 0 : i32
        %dma_start3A_49 = tpu.memref_slice %arg2[%select_n3A_8, %dma_start3A_48] : memref<2656x128xi32, #tpu.memory_space<hbm>> -> memref<64x128xi32, #tpu.memory_space<hbm>>
        %dma_start3A_50 = arith.constant 0 : i32
        %dma_start3A_51 = arith.constant 0 : i32
        %dma_start3A_52 = tpu.memref_slice %arg5[%dma_start3A_50, %dma_start3A_51] : memref<96x128xi32, #tpu.memory_space<vmem>> -> memref<64x128xi32, #tpu.memory_space<vmem>>
        %dma_start3A_53 = arith.constant 0 : i32
        %dma_start3A_54 = tpu.memref_slice %arg2[%select_n3A_8, %dma_start3A_53] : memref<2656x128xi32, #tpu.memory_space<hbm>> -> memref<64x128xi32, #tpu.memory_space<hbm>>
        tpu.enqueue_dma source(%dma_start3A_54 : memref<64x128xi32, #tpu.memory_space<hbm>>) target(%dma_start3A_52 : memref<64x128xi32, #tpu.memory_space<vmem>>) target_semaphore(%run_scoped3A : memref<!tpu.dma_semaphore, #tpu.memory_space<semaphore_mem>>)
        %dma_wait3A = arith.constant 0 : i32
        %dma_wait3A_55 = arith.constant 0 : i32
        %dma_wait3A_56 = tpu.memref_slice %arg5[%dma_wait3A, %dma_wait3A_55] : memref<96x128xi32, #tpu.memory_space<vmem>> -> memref<64x128xi32, #tpu.memory_space<vmem>>
        %dma_wait3A_57 = arith.constant 0 : i32
        %dma_wait3A_58 = tpu.memref_slice %arg2[%select_n3A_8, %dma_wait3A_57] : memref<2656x128xi32, #tpu.memory_space<hbm>> -> memref<64x128xi32, #tpu.memory_space<hbm>>
        %dma_wait3A_59 = arith.constant 0 : i32
        %dma_wait3A_60 = arith.constant 0 : i32
        %dma_wait3A_61 = tpu.memref_slice %arg5[%dma_wait3A_59, %dma_wait3A_60] : memref<96x128xi32, #tpu.memory_space<vmem>> -> memref<64x128xi32, #tpu.memory_space<vmem>>
        %dma_wait3A_62 = arith.constant 0 : i32
        %dma_wait3A_63 = tpu.memref_slice %arg2[%select_n3A_8, %dma_wait3A_62] : memref<2656x128xi32, #tpu.memory_space<hbm>> -> memref<64x128xi32, #tpu.memory_space<hbm>>
        tpu.wait_dma2 semaphore(%run_scoped3A : memref<!tpu.dma_semaphore, #tpu.memory_space<semaphore_mem>>) src(%dma_wait3A_63 : memref<64x128xi32, #tpu.memory_space<hbm>>) dst(%dma_wait3A_61 : memref<64x128xi32, #tpu.memory_space<vmem>>)
        tpu.yield
      }) : () -> ()
    } else {
    }
    %scan3A = arith.constant 0 : i32
    %scan3A_16 = arith.constant 0 : i32
    %scan3A_17 = arith.constant 64 : i32
    %scan3A_18 = arith.addi %scan3A_16, %scan3A_17 : i32
    %scan3A_19 = arith.constant 1 : i32
    %scan3A_20 = scf.for %scan3A_46 = %scan3A_16 to %scan3A_18 step %scan3A_19 iter_args(%scan3A_47 = %scan3A) -> (i32)  : i32 {
      %broadcast_in_dim3A = arith.constant 1.000000e+00 : f32
      %broadcast_in_dim3A_48 = vector.broadcast %broadcast_in_dim3A : f32 to vector<16xf32>
      %mul3A_49 = arith.constant 16 : i32
      %mul3A_50 = arith.muli %scan3A_46, %mul3A_49 : i32
      %swap3A = arith.index_cast %mul3A_50 : i32 to index
      %swap3A_51 = tpu.vector_load %arg6[%swap3A] {strides = array<i32>} : memref<1024xf32, #tpu.memory_space<vmem>>, vector<16xf32>,
      %swap3A_52 = vector.shape_cast %swap3A_51 : vector<16xf32> to vector<16xf32>
      %swap3A_53 = vector.shape_cast %broadcast_in_dim3A_48 : vector<16xf32> to vector<16xf32>
      tpu.vector_store %arg6[%swap3A], %swap3A_53 {strides = array<i32>} : memref<1024xf32, #tpu.memory_space<vmem>>, vector<16xf32>,
      %scan3A_54 = arith.constant 0 : i32
      scf.yield %scan3A_54 : i32
    }
    %scan3A_21 = arith.constant 64 : i32
    %scan3A_22 = arith.constant 0 : i32
    %scan3A_23 = arith.constant 0 : i32
    %scan3A_24 = arith.constant 40 : i32
    %scan3A_25 = arith.addi %scan3A_23, %scan3A_24 : i32
    %scan3A_26 = arith.constant 1 : i32
    %scan3A_27 = scf.for %scan3A_46 = %scan3A_23 to %scan3A_25 step %scan3A_26 iter_args(%scan3A_47 = %scan3A_22) -> (i32)  : i32 {
      %broadcast_in_dim3A = arith.constant 0.000000e+00 : f32
      %broadcast_in_dim3A_48 = vector.broadcast %broadcast_in_dim3A : f32 to vector<16xf32>
      %mul3A_49 = arith.constant 16 : i32
      %mul3A_50 = arith.muli %scan3A_46, %mul3A_49 : i32
      %swap3A = arith.index_cast %mul3A_50 : i32 to index
      %swap3A_51 = tpu.vector_load %arg7[%swap3A] {strides = array<i32>} : memref<640xf32, #tpu.memory_space<vmem>>, vector<16xf32>,
      %swap3A_52 = vector.shape_cast %swap3A_51 : vector<16xf32> to vector<16xf32>
      %swap3A_53 = vector.shape_cast %broadcast_in_dim3A_48 : vector<16xf32> to vector<16xf32>
      tpu.vector_store %arg7[%swap3A], %swap3A_53 {strides = array<i32>} : memref<640xf32, #tpu.memory_space<vmem>>, vector<16xf32>,
      %scan3A_54 = arith.constant 0 : i32
      scf.yield %scan3A_54 : i32
    }
    %scan3A_28 = arith.constant 40 : i32
    %mul3A_29 = arith.constant 640 : i32
    %mul3A_30 = arith.muli %arg1, %mul3A_29 : i32
    "tpu.region"() ({
      %run_scoped3A = tpu.sem_alloc : memref<!tpu.dma_semaphore, #tpu.memory_space<semaphore_mem>>
      %dma_start3A = tpu.memref_slice %arg4[%mul3A_30] : memref<10240xf32, #tpu.memory_space<vmem_shared>> -> memref<640xf32, #tpu.memory_space<vmem_shared>>
      %dma_start3A_46 = tpu.memref_slice %arg4[%mul3A_30] : memref<10240xf32, #tpu.memory_space<vmem_shared>> -> memref<640xf32, #tpu.memory_space<vmem_shared>>
      tpu.enqueue_dma source(%arg7 : memref<640xf32, #tpu.memory_space<vmem>>) target(%dma_start3A_46 : memref<640xf32, #tpu.memory_space<vmem_shared>>) target_semaphore(%run_scoped3A : memref<!tpu.dma_semaphore, #tpu.memory_space<semaphore_mem>>)
      %dma_wait3A = tpu.memref_slice %arg4[%mul3A_30] : memref<10240xf32, #tpu.memory_space<vmem_shared>> -> memref<640xf32, #tpu.memory_space<vmem_shared>>
      %dma_wait3A_47 = tpu.memref_slice %arg4[%mul3A_30] : memref<10240xf32, #tpu.memory_space<vmem_shared>> -> memref<640xf32, #tpu.memory_space<vmem_shared>>
      tpu.wait_dma2 semaphore(%run_scoped3A : memref<!tpu.dma_semaphore, #tpu.memory_space<semaphore_mem>>) src(%arg7 : memref<640xf32, #tpu.memory_space<vmem>>) dst(%dma_wait3A_47 : memref<640xf32, #tpu.memory_space<vmem_shared>>)
      tpu.yield
    }) : () -> ()
    %barrier3A = arith.constant 0 : index
    tpu.barrier barrier_id(%barrier3A)
    %while3A = arith.constant 0 : i32
    %while3A_31 = arith.constant 0 : i32
    %while3A_32 = arith.subi %select_n3A, %while3A : i32
    %while3A_33 = arith.addi %while3A, %while3A_32 : i32
    %while3A_34 = arith.constant 1 : i32
    %while3A_35 = arith.divsi %while3A_32, %while3A_34 : i32
    %while3A_36 = arith.muli %while3A_35, %while3A_34 : i32
    %while3A_37 = arith.addi %while3A, %while3A_36 : i32
    %while3A_38 = arith.constant 1 : i32
    %while3A_39 = scf.for %while3A_46 = %while3A to %while3A_37 step %while3A_38 iter_args(%while3A_47 = %while3A_31) -> (i32)  : i32 {
      %mul3A_48 = arith.constant 8 : i32
      %mul3A_49 = arith.muli %while3A_46, %mul3A_48 : i32
      %add3A_50 = arith.constant 0 : i32
      %add3A_51 = arith.addi %mul3A_49, %add3A_50 : i32
      %dma_start3A = arith.constant 0 : i32
      %dma_start3A_52 = tpu.memref_slice %arg6[%dma_start3A] : memref<1024xf32, #tpu.memory_space<vmem>> -> memref<128xf32, #tpu.memory_space<vmem>>
      %dma_start3A_53 = arith.constant 0 : i32
      %dma_start3A_54 = tpu.memref_slice %arg5[%add3A_51, %dma_start3A_53] : memref<96x128xi32, #tpu.memory_space<vmem>> -> memref<1x128xi32, #tpu.memory_space<vmem>>
      %dma_start3A_55 = tpu.memref_squeeze %dma_start3A_54 : memref<1x128xi32, #tpu.memory_space<vmem>> -> memref<128xi32, #tpu.memory_space<vmem>>
      %dma_start3A_56 = arith.constant 0 : i32
      %dma_start3A_57 = tpu.memref_slice %arg4[%dma_start3A_56] : memref<10240xf32, #tpu.memory_space<vmem_shared>> -> memref<10240xf32, #tpu.memory_space<vmem_shared>>
      tpu.enqueue_indirect_dma source(%dma_start3A_52 : memref<128xf32, #tpu.memory_space<vmem>>) target(%dma_start3A_57 : memref<10240xf32, #tpu.memory_space<vmem_shared>>) offsets(%dma_start3A_55 : memref<128xi32, #tpu.memory_space<vmem>>) semaphore(%arg8 : memref<!tpu.dma_semaphore, #tpu.memory_space<semaphore_mem>>) {add = true}
      %mul3A_58 = arith.constant 8 : i32
      %mul3A_59 = arith.muli %while3A_46, %mul3A_58 : i32
      %add3A_60 = arith.constant 1 : i32
      %add3A_61 = arith.addi %mul3A_59, %add3A_60 : i32
      %dma_start3A_62 = arith.constant 0 : i32
      %dma_start3A_63 = tpu.memref_slice %arg6[%dma_start3A_62] : memref<1024xf32, #tpu.memory_space<vmem>> -> memref<128xf32, #tpu.memory_space<vmem>>
      %dma_start3A_64 = arith.constant 0 : i32
      %dma_start3A_65 = tpu.memref_slice %arg5[%add3A_61, %dma_start3A_64] : memref<96x128xi32, #tpu.memory_space<vmem>> -> memref<1x128xi32, #tpu.memory_space<vmem>>
      %dma_start3A_66 = tpu.memref_squeeze %dma_start3A_65 : memref<1x128xi32, #tpu.memory_space<vmem>> -> memref<128xi32, #tpu.memory_space<vmem>>
      %dma_start3A_67 = arith.constant 0 : i32
      %dma_start3A_68 = tpu.memref_slice %arg4[%dma_start3A_67] : memref<10240xf32, #tpu.memory_space<vmem_shared>> -> memref<10240xf32, #tpu.memory_space<vmem_shared>>
      tpu.enqueue_indirect_dma source(%dma_start3A_63 : memref<128xf32, #tpu.memory_space<vmem>>) target(%dma_start3A_68 : memref<10240xf32, #tpu.memory_space<vmem_shared>>) offsets(%dma_start3A_66 : memref<128xi32, #tpu.memory_space<vmem>>) semaphore(%arg8 : memref<!tpu.dma_semaphore, #tpu.memory_space<semaphore_mem>>) {add = true}
      %mul3A_69 = arith.constant 8 : i32
      %mul3A_70 = arith.muli %while3A_46, %mul3A_69 : i32
      %add3A_71 = arith.constant 2 : i32
      %add3A_72 = arith.addi %mul3A_70, %add3A_71 : i32
      %dma_start3A_73 = arith.constant 0 : i32
      %dma_start3A_74 = tpu.memref_slice %arg6[%dma_start3A_73] : memref<1024xf32, #tpu.memory_space<vmem>> -> memref<128xf32, #tpu.memory_space<vmem>>
      %dma_start3A_75 = arith.constant 0 : i32
      %dma_start3A_76 = tpu.memref_slice %arg5[%add3A_72, %dma_start3A_75] : memref<96x128xi32, #tpu.memory_space<vmem>> -> memref<1x128xi32, #tpu.memory_space<vmem>>
      %dma_start3A_77 = tpu.memref_squeeze %dma_start3A_76 : memref<1x128xi32, #tpu.memory_space<vmem>> -> memref<128xi32, #tpu.memory_space<vmem>>
      %dma_start3A_78 = arith.constant 0 : i32
      %dma_start3A_79 = tpu.memref_slice %arg4[%dma_start3A_78] : memref<10240xf32, #tpu.memory_space<vmem_shared>> -> memref<10240xf32, #tpu.memory_space<vmem_shared>>
      tpu.enqueue_indirect_dma source(%dma_start3A_74 : memref<128xf32, #tpu.memory_space<vmem>>) target(%dma_start3A_79 : memref<10240xf32, #tpu.memory_space<vmem_shared>>) offsets(%dma_start3A_77 : memref<128xi32, #tpu.memory_space<vmem>>) semaphore(%arg8 : memref<!tpu.dma_semaphore, #tpu.memory_space<semaphore_mem>>) {add = true}
      %mul3A_80 = arith.constant 8 : i32
      %mul3A_81 = arith.muli %while3A_46, %mul3A_80 : i32
      %add3A_82 = arith.constant 3 : i32
      %add3A_83 = arith.addi %mul3A_81, %add3A_82 : i32
      %dma_start3A_84 = arith.constant 0 : i32
      %dma_start3A_85 = tpu.memref_slice %arg6[%dma_start3A_84] : memref<1024xf32, #tpu.memory_space<vmem>> -> memref<128xf32, #tpu.memory_space<vmem>>
      %dma_start3A_86 = arith.constant 0 : i32
      %dma_start3A_87 = tpu.memref_slice %arg5[%add3A_83, %dma_start3A_86] : memref<96x128xi32, #tpu.memory_space<vmem>> -> memref<1x128xi32, #tpu.memory_space<vmem>>
      %dma_start3A_88 = tpu.memref_squeeze %dma_start3A_87 : memref<1x128xi32, #tpu.memory_space<vmem>> -> memref<128xi32, #tpu.memory_space<vmem>>
      %dma_start3A_89 = arith.constant 0 : i32
      %dma_start3A_90 = tpu.memref_slice %arg4[%dma_start3A_89] : memref<10240xf32, #tpu.memory_space<vmem_shared>> -> memref<10240xf32, #tpu.memory_space<vmem_shared>>
      tpu.enqueue_indirect_dma source(%dma_start3A_85 : memref<128xf32, #tpu.memory_space<vmem>>) target(%dma_start3A_90 : memref<10240xf32, #tpu.memory_space<vmem_shared>>) offsets(%dma_start3A_88 : memref<128xi32, #tpu.memory_space<vmem>>) semaphore(%arg8 : memref<!tpu.dma_semaphore, #tpu.memory_space<semaphore_mem>>) {add = true}
      %mul3A_91 = arith.constant 8 : i32
      %mul3A_92 = arith.muli %while3A_46, %mul3A_91 : i32
      %add3A_93 = arith.constant 4 : i32
      %add3A_94 = arith.addi %mul3A_92, %add3A_93 : i32
      %dma_start3A_95 = arith.constant 0 : i32
      %dma_start3A_96 = tpu.memref_slice %arg6[%dma_start3A_95] : memref<1024xf32, #tpu.memory_space<vmem>> -> memref<128xf32, #tpu.memory_space<vmem>>
      %dma_start3A_97 = arith.constant 0 : i32
      %dma_start3A_98 = tpu.memref_slice %arg5[%add3A_94, %dma_start3A_97] : memref<96x128xi32, #tpu.memory_space<vmem>> -> memref<1x128xi32, #tpu.memory_space<vmem>>
      %dma_start3A_99 = tpu.memref_squeeze %dma_start3A_98 : memref<1x128xi32, #tpu.memory_space<vmem>> -> memref<128xi32, #tpu.memory_space<vmem>>
      %dma_start3A_100 = arith.constant 0 : i32
      %dma_start3A_101 = tpu.memref_slice %arg4[%dma_start3A_100] : memref<10240xf32, #tpu.memory_space<vmem_shared>> -> memref<10240xf32, #tpu.memory_space<vmem_shared>>
      tpu.enqueue_indirect_dma source(%dma_start3A_96 : memref<128xf32, #tpu.memory_space<vmem>>) target(%dma_start3A_101 : memref<10240xf32, #tpu.memory_space<vmem_shared>>) offsets(%dma_start3A_99 : memref<128xi32, #tpu.memory_space<vmem>>) semaphore(%arg8 : memref<!tpu.dma_semaphore, #tpu.memory_space<semaphore_mem>>) {add = true}
      %mul3A_102 = arith.constant 8 : i32
      %mul3A_103 = arith.muli %while3A_46, %mul3A_102 : i32
      %add3A_104 = arith.constant 5 : i32
      %add3A_105 = arith.addi %mul3A_103, %add3A_104 : i32
      %dma_start3A_106 = arith.constant 0 : i32
      %dma_start3A_107 = tpu.memref_slice %arg6[%dma_start3A_106] : memref<1024xf32, #tpu.memory_space<vmem>> -> memref<128xf32, #tpu.memory_space<vmem>>
      %dma_start3A_108 = arith.constant 0 : i32
      %dma_start3A_109 = tpu.memref_slice %arg5[%add3A_105, %dma_start3A_108] : memref<96x128xi32, #tpu.memory_space<vmem>> -> memref<1x128xi32, #tpu.memory_space<vmem>>
      %dma_start3A_110 = tpu.memref_squeeze %dma_start3A_109 : memref<1x128xi32, #tpu.memory_space<vmem>> -> memref<128xi32, #tpu.memory_space<vmem>>
      %dma_start3A_111 = arith.constant 0 : i32
      %dma_start3A_112 = tpu.memref_slice %arg4[%dma_start3A_111] : memref<10240xf32, #tpu.memory_space<vmem_shared>> -> memref<10240xf32, #tpu.memory_space<vmem_shared>>
      tpu.enqueue_indirect_dma source(%dma_start3A_107 : memref<128xf32, #tpu.memory_space<vmem>>) target(%dma_start3A_112 : memref<10240xf32, #tpu.memory_space<vmem_shared>>) offsets(%dma_start3A_110 : memref<128xi32, #tpu.memory_space<vmem>>) semaphore(%arg8 : memref<!tpu.dma_semaphore, #tpu.memory_space<semaphore_mem>>) {add = true}
      %mul3A_113 = arith.constant 8 : i32
      %mul3A_114 = arith.muli %while3A_46, %mul3A_113 : i32
      %add3A_115 = arith.constant 6 : i32
      %add3A_116 = arith.addi %mul3A_114, %add3A_115 : i32
      %dma_start3A_117 = arith.constant 0 : i32
      %dma_start3A_118 = tpu.memref_slice %arg6[%dma_start3A_117] : memref<1024xf32, #tpu.memory_space<vmem>> -> memref<128xf32, #tpu.memory_space<vmem>>
      %dma_start3A_119 = arith.constant 0 : i32
      %dma_start3A_120 = tpu.memref_slice %arg5[%add3A_116, %dma_start3A_119] : memref<96x128xi32, #tpu.memory_space<vmem>> -> memref<1x128xi32, #tpu.memory_space<vmem>>
      %dma_start3A_121 = tpu.memref_squeeze %dma_start3A_120 : memref<1x128xi32, #tpu.memory_space<vmem>> -> memref<128xi32, #tpu.memory_space<vmem>>
      %dma_start3A_122 = arith.constant 0 : i32
      %dma_start3A_123 = tpu.memref_slice %arg4[%dma_start3A_122] : memref<10240xf32, #tpu.memory_space<vmem_shared>> -> memref<10240xf32, #tpu.memory_space<vmem_shared>>
      tpu.enqueue_indirect_dma source(%dma_start3A_118 : memref<128xf32, #tpu.memory_space<vmem>>) target(%dma_start3A_123 : memref<10240xf32, #tpu.memory_space<vmem_shared>>) offsets(%dma_start3A_121 : memref<128xi32, #tpu.memory_space<vmem>>) semaphore(%arg8 : memref<!tpu.dma_semaphore, #tpu.memory_space<semaphore_mem>>) {add = true}
      %mul3A_124 = arith.constant 8 : i32
      %mul3A_125 = arith.muli %while3A_46, %mul3A_124 : i32
      %add3A_126 = arith.constant 7 : i32
      %add3A_127 = arith.addi %mul3A_125, %add3A_126 : i32
      %dma_start3A_128 = arith.constant 0 : i32
      %dma_start3A_129 = tpu.memref_slice %arg6[%dma_start3A_128] : memref<1024xf32, #tpu.memory_space<vmem>> -> memref<128xf32, #tpu.memory_space<vmem>>
      %dma_start3A_130 = arith.constant 0 : i32
      %dma_start3A_131 = tpu.memref_slice %arg5[%add3A_127, %dma_start3A_130] : memref<96x128xi32, #tpu.memory_space<vmem>> -> memref<1x128xi32, #tpu.memory_space<vmem>>
      %dma_start3A_132 = tpu.memref_squeeze %dma_start3A_131 : memref<1x128xi32, #tpu.memory_space<vmem>> -> memref<128xi32, #tpu.memory_space<vmem>>
      %dma_start3A_133 = arith.constant 0 : i32
      %dma_start3A_134 = tpu.memref_slice %arg4[%dma_start3A_133] : memref<10240xf32, #tpu.memory_space<vmem_shared>> -> memref<10240xf32, #tpu.memory_space<vmem_shared>>
      tpu.enqueue_indirect_dma source(%dma_start3A_129 : memref<128xf32, #tpu.memory_space<vmem>>) target(%dma_start3A_134 : memref<10240xf32, #tpu.memory_space<vmem_shared>>) offsets(%dma_start3A_132 : memref<128xi32, #tpu.memory_space<vmem>>) semaphore(%arg8 : memref<!tpu.dma_semaphore, #tpu.memory_space<semaphore_mem>>) {add = true}
      %dma_wait3A = arith.constant 0 : i32
      %dma_wait3A_135 = tpu.memref_slice %arg4[%dma_wait3A] : memref<10240xf32, #tpu.memory_space<vmem_shared>> -> memref<1024xf32, #tpu.memory_space<vmem_shared>>
      %dma_wait3A_136 = arith.constant 0 : i32
      %dma_wait3A_137 = tpu.memref_slice %arg4[%dma_wait3A_136] : memref<10240xf32, #tpu.memory_space<vmem_shared>> -> memref<1024xf32, #tpu.memory_space<vmem_shared>>
      tpu.wait_dma2 semaphore(%arg8 : memref<!tpu.dma_semaphore, #tpu.memory_space<semaphore_mem>>) src(%arg6 : memref<1024xf32, #tpu.memory_space<vmem>>) dst(%dma_wait3A_137 : memref<1024xf32, #tpu.memory_space<vmem_shared>>)
      %while3A_138 = arith.constant 0 : i32
      scf.yield %while3A_138 : i32
    }
    %while3A_40 = arith.constant 1 : i32
    %while3A_41 = scf.for %while3A_46 = %while3A_37 to %while3A_33 step %while3A_40 iter_args(%while3A_47 = %while3A_39) -> (i32)  : i32 {
      %mul3A_48 = arith.constant 8 : i32
      %mul3A_49 = arith.muli %while3A_46, %mul3A_48 : i32
      %add3A_50 = arith.constant 0 : i32
      %add3A_51 = arith.addi %mul3A_49, %add3A_50 : i32
      %dma_start3A = arith.constant 0 : i32
      %dma_start3A_52 = tpu.memref_slice %arg6[%dma_start3A] : memref<1024xf32, #tpu.memory_space<vmem>> -> memref<128xf32, #tpu.memory_space<vmem>>
      %dma_start3A_53 = arith.constant 0 : i32
      %dma_start3A_54 = tpu.memref_slice %arg5[%add3A_51, %dma_start3A_53] : memref<96x128xi32, #tpu.memory_space<vmem>> -> memref<1x128xi32, #tpu.memory_space<vmem>>
      %dma_start3A_55 = tpu.memref_squeeze %dma_start3A_54 : memref<1x128xi32, #tpu.memory_space<vmem>> -> memref<128xi32, #tpu.memory_space<vmem>>
      %dma_start3A_56 = arith.constant 0 : i32
      %dma_start3A_57 = tpu.memref_slice %arg4[%dma_start3A_56] : memref<10240xf32, #tpu.memory_space<vmem_shared>> -> memref<10240xf32, #tpu.memory_space<vmem_shared>>
      tpu.enqueue_indirect_dma source(%dma_start3A_52 : memref<128xf32, #tpu.memory_space<vmem>>) target(%dma_start3A_57 : memref<10240xf32, #tpu.memory_space<vmem_shared>>) offsets(%dma_start3A_55 : memref<128xi32, #tpu.memory_space<vmem>>) semaphore(%arg8 : memref<!tpu.dma_semaphore, #tpu.memory_space<semaphore_mem>>) {add = true}
      %mul3A_58 = arith.constant 8 : i32
      %mul3A_59 = arith.muli %while3A_46, %mul3A_58 : i32
      %add3A_60 = arith.constant 1 : i32
      %add3A_61 = arith.addi %mul3A_59, %add3A_60 : i32
      %dma_start3A_62 = arith.constant 0 : i32
      %dma_start3A_63 = tpu.memref_slice %arg6[%dma_start3A_62] : memref<1024xf32, #tpu.memory_space<vmem>> -> memref<128xf32, #tpu.memory_space<vmem>>
      %dma_start3A_64 = arith.constant 0 : i32
      %dma_start3A_65 = tpu.memref_slice %arg5[%add3A_61, %dma_start3A_64] : memref<96x128xi32, #tpu.memory_space<vmem>> -> memref<1x128xi32, #tpu.memory_space<vmem>>
      %dma_start3A_66 = tpu.memref_squeeze %dma_start3A_65 : memref<1x128xi32, #tpu.memory_space<vmem>> -> memref<128xi32, #tpu.memory_space<vmem>>
      %dma_start3A_67 = arith.constant 0 : i32
      %dma_start3A_68 = tpu.memref_slice %arg4[%dma_start3A_67] : memref<10240xf32, #tpu.memory_space<vmem_shared>> -> memref<10240xf32, #tpu.memory_space<vmem_shared>>
      tpu.enqueue_indirect_dma source(%dma_start3A_63 : memref<128xf32, #tpu.memory_space<vmem>>) target(%dma_start3A_68 : memref<10240xf32, #tpu.memory_space<vmem_shared>>) offsets(%dma_start3A_66 : memref<128xi32, #tpu.memory_space<vmem>>) semaphore(%arg8 : memref<!tpu.dma_semaphore, #tpu.memory_space<semaphore_mem>>) {add = true}
      %mul3A_69 = arith.constant 8 : i32
      %mul3A_70 = arith.muli %while3A_46, %mul3A_69 : i32
      %add3A_71 = arith.constant 2 : i32
      %add3A_72 = arith.addi %mul3A_70, %add3A_71 : i32
      %dma_start3A_73 = arith.constant 0 : i32
      %dma_start3A_74 = tpu.memref_slice %arg6[%dma_start3A_73] : memref<1024xf32, #tpu.memory_space<vmem>> -> memref<128xf32, #tpu.memory_space<vmem>>
      %dma_start3A_75 = arith.constant 0 : i32
      %dma_start3A_76 = tpu.memref_slice %arg5[%add3A_72, %dma_start3A_75] : memref<96x128xi32, #tpu.memory_space<vmem>> -> memref<1x128xi32, #tpu.memory_space<vmem>>
      %dma_start3A_77 = tpu.memref_squeeze %dma_start3A_76 : memref<1x128xi32, #tpu.memory_space<vmem>> -> memref<128xi32, #tpu.memory_space<vmem>>
      %dma_start3A_78 = arith.constant 0 : i32
      %dma_start3A_79 = tpu.memref_slice %arg4[%dma_start3A_78] : memref<10240xf32, #tpu.memory_space<vmem_shared>> -> memref<10240xf32, #tpu.memory_space<vmem_shared>>
      tpu.enqueue_indirect_dma source(%dma_start3A_74 : memref<128xf32, #tpu.memory_space<vmem>>) target(%dma_start3A_79 : memref<10240xf32, #tpu.memory_space<vmem_shared>>) offsets(%dma_start3A_77 : memref<128xi32, #tpu.memory_space<vmem>>) semaphore(%arg8 : memref<!tpu.dma_semaphore, #tpu.memory_space<semaphore_mem>>) {add = true}
      %mul3A_80 = arith.constant 8 : i32
      %mul3A_81 = arith.muli %while3A_46, %mul3A_80 : i32
      %add3A_82 = arith.constant 3 : i32
      %add3A_83 = arith.addi %mul3A_81, %add3A_82 : i32
      %dma_start3A_84 = arith.constant 0 : i32
      %dma_start3A_85 = tpu.memref_slice %arg6[%dma_start3A_84] : memref<1024xf32, #tpu.memory_space<vmem>> -> memref<128xf32, #tpu.memory_space<vmem>>
      %dma_start3A_86 = arith.constant 0 : i32
      %dma_start3A_87 = tpu.memref_slice %arg5[%add3A_83, %dma_start3A_86] : memref<96x128xi32, #tpu.memory_space<vmem>> -> memref<1x128xi32, #tpu.memory_space<vmem>>
      %dma_start3A_88 = tpu.memref_squeeze %dma_start3A_87 : memref<1x128xi32, #tpu.memory_space<vmem>> -> memref<128xi32, #tpu.memory_space<vmem>>
      %dma_start3A_89 = arith.constant 0 : i32
      %dma_start3A_90 = tpu.memref_slice %arg4[%dma_start3A_89] : memref<10240xf32, #tpu.memory_space<vmem_shared>> -> memref<10240xf32, #tpu.memory_space<vmem_shared>>
      tpu.enqueue_indirect_dma source(%dma_start3A_85 : memref<128xf32, #tpu.memory_space<vmem>>) target(%dma_start3A_90 : memref<10240xf32, #tpu.memory_space<vmem_shared>>) offsets(%dma_start3A_88 : memref<128xi32, #tpu.memory_space<vmem>>) semaphore(%arg8 : memref<!tpu.dma_semaphore, #tpu.memory_space<semaphore_mem>>) {add = true}
      %mul3A_91 = arith.constant 8 : i32
      %mul3A_92 = arith.muli %while3A_46, %mul3A_91 : i32
      %add3A_93 = arith.constant 4 : i32
      %add3A_94 = arith.addi %mul3A_92, %add3A_93 : i32
      %dma_start3A_95 = arith.constant 0 : i32
      %dma_start3A_96 = tpu.memref_slice %arg6[%dma_start3A_95] : memref<1024xf32, #tpu.memory_space<vmem>> -> memref<128xf32, #tpu.memory_space<vmem>>
      %dma_start3A_97 = arith.constant 0 : i32
      %dma_start3A_98 = tpu.memref_slice %arg5[%add3A_94, %dma_start3A_97] : memref<96x128xi32, #tpu.memory_space<vmem>> -> memref<1x128xi32, #tpu.memory_space<vmem>>
      %dma_start3A_99 = tpu.memref_squeeze %dma_start3A_98 : memref<1x128xi32, #tpu.memory_space<vmem>> -> memref<128xi32, #tpu.memory_space<vmem>>
      %dma_start3A_100 = arith.constant 0 : i32
      %dma_start3A_101 = tpu.memref_slice %arg4[%dma_start3A_100] : memref<10240xf32, #tpu.memory_space<vmem_shared>> -> memref<10240xf32, #tpu.memory_space<vmem_shared>>
      tpu.enqueue_indirect_dma source(%dma_start3A_96 : memref<128xf32, #tpu.memory_space<vmem>>) target(%dma_start3A_101 : memref<10240xf32, #tpu.memory_space<vmem_shared>>) offsets(%dma_start3A_99 : memref<128xi32, #tpu.memory_space<vmem>>) semaphore(%arg8 : memref<!tpu.dma_semaphore, #tpu.memory_space<semaphore_mem>>) {add = true}
      %mul3A_102 = arith.constant 8 : i32
      %mul3A_103 = arith.muli %while3A_46, %mul3A_102 : i32
      %add3A_104 = arith.constant 5 : i32
      %add3A_105 = arith.addi %mul3A_103, %add3A_104 : i32
      %dma_start3A_106 = arith.constant 0 : i32
      %dma_start3A_107 = tpu.memref_slice %arg6[%dma_start3A_106] : memref<1024xf32, #tpu.memory_space<vmem>> -> memref<128xf32, #tpu.memory_space<vmem>>
      %dma_start3A_108 = arith.constant 0 : i32
      %dma_start3A_109 = tpu.memref_slice %arg5[%add3A_105, %dma_start3A_108] : memref<96x128xi32, #tpu.memory_space<vmem>> -> memref<1x128xi32, #tpu.memory_space<vmem>>
      %dma_start3A_110 = tpu.memref_squeeze %dma_start3A_109 : memref<1x128xi32, #tpu.memory_space<vmem>> -> memref<128xi32, #tpu.memory_space<vmem>>
      %dma_start3A_111 = arith.constant 0 : i32
      %dma_start3A_112 = tpu.memref_slice %arg4[%dma_start3A_111] : memref<10240xf32, #tpu.memory_space<vmem_shared>> -> memref<10240xf32, #tpu.memory_space<vmem_shared>>
      tpu.enqueue_indirect_dma source(%dma_start3A_107 : memref<128xf32, #tpu.memory_space<vmem>>) target(%dma_start3A_112 : memref<10240xf32, #tpu.memory_space<vmem_shared>>) offsets(%dma_start3A_110 : memref<128xi32, #tpu.memory_space<vmem>>) semaphore(%arg8 : memref<!tpu.dma_semaphore, #tpu.memory_space<semaphore_mem>>) {add = true}
      %mul3A_113 = arith.constant 8 : i32
      %mul3A_114 = arith.muli %while3A_46, %mul3A_113 : i32
      %add3A_115 = arith.constant 6 : i32
      %add3A_116 = arith.addi %mul3A_114, %add3A_115 : i32
      %dma_start3A_117 = arith.constant 0 : i32
      %dma_start3A_118 = tpu.memref_slice %arg6[%dma_start3A_117] : memref<1024xf32, #tpu.memory_space<vmem>> -> memref<128xf32, #tpu.memory_space<vmem>>
      %dma_start3A_119 = arith.constant 0 : i32
      %dma_start3A_120 = tpu.memref_slice %arg5[%add3A_116, %dma_start3A_119] : memref<96x128xi32, #tpu.memory_space<vmem>> -> memref<1x128xi32, #tpu.memory_space<vmem>>
      %dma_start3A_121 = tpu.memref_squeeze %dma_start3A_120 : memref<1x128xi32, #tpu.memory_space<vmem>> -> memref<128xi32, #tpu.memory_space<vmem>>
      %dma_start3A_122 = arith.constant 0 : i32
      %dma_start3A_123 = tpu.memref_slice %arg4[%dma_start3A_122] : memref<10240xf32, #tpu.memory_space<vmem_shared>> -> memref<10240xf32, #tpu.memory_space<vmem_shared>>
      tpu.enqueue_indirect_dma source(%dma_start3A_118 : memref<128xf32, #tpu.memory_space<vmem>>) target(%dma_start3A_123 : memref<10240xf32, #tpu.memory_space<vmem_shared>>) offsets(%dma_start3A_121 : memref<128xi32, #tpu.memory_space<vmem>>) semaphore(%arg8 : memref<!tpu.dma_semaphore, #tpu.memory_space<semaphore_mem>>) {add = true}
      %mul3A_124 = arith.constant 8 : i32
      %mul3A_125 = arith.muli %while3A_46, %mul3A_124 : i32
      %add3A_126 = arith.constant 7 : i32
      %add3A_127 = arith.addi %mul3A_125, %add3A_126 : i32
      %dma_start3A_128 = arith.constant 0 : i32
      %dma_start3A_129 = tpu.memref_slice %arg6[%dma_start3A_128] : memref<1024xf32, #tpu.memory_space<vmem>> -> memref<128xf32, #tpu.memory_space<vmem>>
      %dma_start3A_130 = arith.constant 0 : i32
      %dma_start3A_131 = tpu.memref_slice %arg5[%add3A_127, %dma_start3A_130] : memref<96x128xi32, #tpu.memory_space<vmem>> -> memref<1x128xi32, #tpu.memory_space<vmem>>
      %dma_start3A_132 = tpu.memref_squeeze %dma_start3A_131 : memref<1x128xi32, #tpu.memory_space<vmem>> -> memref<128xi32, #tpu.memory_space<vmem>>
      %dma_start3A_133 = arith.constant 0 : i32
      %dma_start3A_134 = tpu.memref_slice %arg4[%dma_start3A_133] : memref<10240xf32, #tpu.memory_space<vmem_shared>> -> memref<10240xf32, #tpu.memory_space<vmem_shared>>
      tpu.enqueue_indirect_dma source(%dma_start3A_129 : memref<128xf32, #tpu.memory_space<vmem>>) target(%dma_start3A_134 : memref<10240xf32, #tpu.memory_space<vmem_shared>>) offsets(%dma_start3A_132 : memref<128xi32, #tpu.memory_space<vmem>>) semaphore(%arg8 : memref<!tpu.dma_semaphore, #tpu.memory_space<semaphore_mem>>) {add = true}
      %dma_wait3A = arith.constant 0 : i32
      %dma_wait3A_135 = tpu.memref_slice %arg4[%dma_wait3A] : memref<10240xf32, #tpu.memory_space<vmem_shared>> -> memref<1024xf32, #tpu.memory_space<vmem_shared>>
      %dma_wait3A_136 = arith.constant 0 : i32
      %dma_wait3A_137 = tpu.memref_slice %arg4[%dma_wait3A_136] : memref<10240xf32, #tpu.memory_space<vmem_shared>> -> memref<1024xf32, #tpu.memory_space<vmem_shared>>
      tpu.wait_dma2 semaphore(%arg8 : memref<!tpu.dma_semaphore, #tpu.memory_space<semaphore_mem>>) src(%arg6 : memref<1024xf32, #tpu.memory_space<vmem>>) dst(%dma_wait3A_137 : memref<1024xf32, #tpu.memory_space<vmem_shared>>)
      %while3A_138 = arith.constant 0 : i32
      scf.yield %while3A_138 : i32
    }
    %barrier3A_42 = arith.constant 0 : index
    tpu.barrier barrier_id(%barrier3A_42)
    "tpu.region"() ({
      %run_scoped3A = tpu.sem_alloc : memref<!tpu.dma_semaphore, #tpu.memory_space<semaphore_mem>>
      %dma_start3A = tpu.memref_slice %arg4[%mul3A_30] : memref<10240xf32, #tpu.memory_space<vmem_shared>> -> memref<640xf32, #tpu.memory_space<vmem_shared>>
      %dma_start3A_46 = tpu.memref_slice %arg4[%mul3A_30] : memref<10240xf32, #tpu.memory_space<vmem_shared>> -> memref<640xf32, #tpu.memory_space<vmem_shared>>
      tpu.enqueue_dma source(%dma_start3A_46 : memref<640xf32, #tpu.memory_space<vmem_shared>>) target(%arg7 : memref<640xf32, #tpu.memory_space<vmem>>) target_semaphore(%run_scoped3A : memref<!tpu.dma_semaphore, #tpu.memory_space<semaphore_mem>>)
      %dma_wait3A = tpu.memref_slice %arg4[%mul3A_30] : memref<10240xf32, #tpu.memory_space<vmem_shared>> -> memref<640xf32, #tpu.memory_space<vmem_shared>>
      %dma_wait3A_47 = tpu.memref_slice %arg4[%mul3A_30] : memref<10240xf32, #tpu.memory_space<vmem_shared>> -> memref<640xf32, #tpu.memory_space<vmem_shared>>
      tpu.wait_dma2 semaphore(%run_scoped3A : memref<!tpu.dma_semaphore, #tpu.memory_space<semaphore_mem>>) src(%dma_wait3A_47 : memref<640xf32, #tpu.memory_space<vmem_shared>>) dst(%arg7 : memref<640xf32, #tpu.memory_space<vmem>>)
      tpu.yield
    }) : () -> ()
    %mul3A_43 = arith.constant 10240 : i32
    %mul3A_44 = arith.muli %arg0, %mul3A_43 : i32
    %add3A_45 = arith.addi %mul3A_44, %mul3A_30 : i32
    "tpu.region"() ({
      %run_scoped3A = tpu.sem_alloc : memref<!tpu.dma_semaphore, #tpu.memory_space<semaphore_mem>>
      %dma_start3A = tpu.memref_slice %arg3[%add3A_45] : memref<20480xf32, #tpu.memory_space<hbm>> -> memref<640xf32, #tpu.memory_space<hbm>>
      %dma_start3A_46 = tpu.memref_slice %arg3[%add3A_45] : memref<20480xf32, #tpu.memory_space<hbm>> -> memref<640xf32, #tpu.memory_space<hbm>>
      tpu.enqueue_dma source(%arg7 : memref<640xf32, #tpu.memory_space<vmem>>) target(%dma_start3A_46 : memref<640xf32, #tpu.memory_space<hbm>>) target_semaphore(%run_scoped3A : memref<!tpu.dma_semaphore, #tpu.memory_space<semaphore_mem>>)
      %dma_wait3A = tpu.memref_slice %arg3[%add3A_45] : memref<20480xf32, #tpu.memory_space<hbm>> -> memref<640xf32, #tpu.memory_space<hbm>>
      %dma_wait3A_47 = tpu.memref_slice %arg3[%add3A_45] : memref<20480xf32, #tpu.memory_space<hbm>> -> memref<640xf32, #tpu.memory_space<hbm>>
      tpu.wait_dma2 semaphore(%run_scoped3A : memref<!tpu.dma_semaphore, #tpu.memory_space<semaphore_mem>>) src(%arg7 : memref<640xf32, #tpu.memory_space<vmem>>) dst(%dma_wait3A_47 : memref<640xf32, #tpu.memory_space<hbm>>)
      tpu.yield
    }) : () -> ()
    return
  }
}

#map = affine_map<(d0, d1) -> (0, 0)>
module attributes {stable_mosaic.version = 14 : i64} {
  func.func @_segsum_body(%arg0: i32, %arg1: i32, %arg2: memref<2656x128xi32, #tpu.memory_space<hbm>>, %arg3: memref<2656x128xi32, #tpu.memory_space<hbm>>, %arg4: memref<10240x16xf32, #tpu.memory_space<hbm>>, %arg5: memref<20480x16xf32, #tpu.memory_space<hbm>>, %arg6: memref<10240x16xf32, #tpu.memory_space<vmem_shared>>, %arg7: memref<10240x16xf32, #tpu.memory_space<vmem_shared>>, %arg8: memref<96x128xi32, #tpu.memory_space<vmem>>, %arg9: memref<96x128xi32, #tpu.memory_space<vmem>>, %arg10: memref<1024x16xf32, #tpu.memory_space<vmem>>, %arg11: memref<1024x16xf32, #tpu.memory_space<vmem>>, %arg12: memref<640x16xf32, #tpu.memory_space<vmem>>, %arg13: memref<!tpu.dma_semaphore, #tpu.memory_space<semaphore_mem>>, %arg14: memref<!tpu.dma_semaphore, #tpu.memory_space<semaphore_mem>>, %arg15: memref<!tpu.dma_semaphore, #tpu.memory_space<semaphore_mem>>, %arg16: memref<!tpu.dma_semaphore, #tpu.memory_space<semaphore_mem>>) attributes {dimension_semantics = [#tpu.dimension_semantics<core_parallel>, #tpu.dimension_semantics<subcore_parallel>], iteration_bounds = array<i64: 2, 16>, scalar_prefetch = 0 : i64, scratch_operands = 11 : i64, tpu.core_type = #tpu.core_type<sc_vector_subcore>, window_params = [{transform_indices = #map}, {transform_indices = #map}, {transform_indices = #map}, {transform_indices = #map}]} {
    %eq3A = arith.constant 0 : i32
    %eq3A_0 = arith.cmpi eq, %arg0, %eq3A : i32
    %jit3A = arith.constant 12 : i32
    %jit3A_1 = arith.constant 8 : i32
    %select_n3A = arith.select %eq3A_0, %jit3A, %jit3A_1 : i32
    %eq3A_2 = arith.constant 0 : i32
    %eq3A_3 = arith.cmpi eq, %arg0, %eq3A_2 : i32
    %mul3A = arith.constant 96 : i32
    %mul3A_4 = arith.muli %arg1, %mul3A : i32
    %mul3A_5 = arith.constant 64 : i32
    %mul3A_6 = arith.muli %arg1, %mul3A_5 : i32
    %add3A = arith.constant 1536 : i32
    %add3A_7 = arith.addi %add3A, %mul3A_6 : i32
    %select_n3A_8 = arith.select %eq3A_3, %mul3A_4, %add3A_7 : i32
    %eq3A_9 = arith.constant 0 : i32
    %eq3A_10 = arith.cmpi eq, %arg0, %eq3A_9 : i32
    %convert_element_type3A = arith.extui %eq3A_10 : i1 to i32
    %cond3A = arith.constant 0 : i32
    %cond3A_11 = arith.cmpi ne, %convert_element_type3A, %cond3A : i32
    scf.if %cond3A_11 {
      "tpu.region"() ({
        %run_scoped3A = tpu.sem_alloc : memref<!tpu.dma_semaphore, #tpu.memory_space<semaphore_mem>>
        %dma_start3A_446 = arith.constant 0 : i32
        %dma_start3A_447 = arith.constant 0 : i32
        %dma_start3A_448 = tpu.memref_slice %arg8[%dma_start3A_446, %dma_start3A_447] : memref<96x128xi32, #tpu.memory_space<vmem>> -> memref<96x128xi32, #tpu.memory_space<vmem>>
        %dma_start3A_449 = arith.constant 0 : i32
        %dma_start3A_450 = tpu.memref_slice %arg2[%select_n3A_8, %dma_start3A_449] : memref<2656x128xi32, #tpu.memory_space<hbm>> -> memref<96x128xi32, #tpu.memory_space<hbm>>
        %dma_start3A_451 = arith.constant 0 : i32
        %dma_start3A_452 = arith.constant 0 : i32
        %dma_start3A_453 = tpu.memref_slice %arg8[%dma_start3A_451, %dma_start3A_452] : memref<96x128xi32, #tpu.memory_space<vmem>> -> memref<96x128xi32, #tpu.memory_space<vmem>>
        %dma_start3A_454 = arith.constant 0 : i32
        %dma_start3A_455 = tpu.memref_slice %arg2[%select_n3A_8, %dma_start3A_454] : memref<2656x128xi32, #tpu.memory_space<hbm>> -> memref<96x128xi32, #tpu.memory_space<hbm>>
        tpu.enqueue_dma source(%dma_start3A_455 : memref<96x128xi32, #tpu.memory_space<hbm>>) target(%dma_start3A_453 : memref<96x128xi32, #tpu.memory_space<vmem>>) target_semaphore(%run_scoped3A : memref<!tpu.dma_semaphore, #tpu.memory_space<semaphore_mem>>)
        %dma_wait3A_456 = arith.constant 0 : i32
        %dma_wait3A_457 = arith.constant 0 : i32
        %dma_wait3A_458 = tpu.memref_slice %arg8[%dma_wait3A_456, %dma_wait3A_457] : memref<96x128xi32, #tpu.memory_space<vmem>> -> memref<96x128xi32, #tpu.memory_space<vmem>>
        %dma_wait3A_459 = arith.constant 0 : i32
        %dma_wait3A_460 = tpu.memref_slice %arg2[%select_n3A_8, %dma_wait3A_459] : memref<2656x128xi32, #tpu.memory_space<hbm>> -> memref<96x128xi32, #tpu.memory_space<hbm>>
        %dma_wait3A_461 = arith.constant 0 : i32
        %dma_wait3A_462 = arith.constant 0 : i32
        %dma_wait3A_463 = tpu.memref_slice %arg8[%dma_wait3A_461, %dma_wait3A_462] : memref<96x128xi32, #tpu.memory_space<vmem>> -> memref<96x128xi32, #tpu.memory_space<vmem>>
        %dma_wait3A_464 = arith.constant 0 : i32
        %dma_wait3A_465 = tpu.memref_slice %arg2[%select_n3A_8, %dma_wait3A_464] : memref<2656x128xi32, #tpu.memory_space<hbm>> -> memref<96x128xi32, #tpu.memory_space<hbm>>
        tpu.wait_dma2 semaphore(%run_scoped3A : memref<!tpu.dma_semaphore, #tpu.memory_space<semaphore_mem>>) src(%dma_wait3A_465 : memref<96x128xi32, #tpu.memory_space<hbm>>) dst(%dma_wait3A_463 : memref<96x128xi32, #tpu.memory_space<vmem>>)
        tpu.yield
      }) : () -> ()
    } else {
    }
    %ne3A = arith.constant 0 : i32
    %ne3A_12 = arith.cmpi ne, %arg0, %ne3A : i32
    %convert_element_type3A_13 = arith.extui %ne3A_12 : i1 to i32
    %cond3A_14 = arith.constant 0 : i32
    %cond3A_15 = arith.cmpi ne, %convert_element_type3A_13, %cond3A_14 : i32
    scf.if %cond3A_15 {
      "tpu.region"() ({
        %run_scoped3A = tpu.sem_alloc : memref<!tpu.dma_semaphore, #tpu.memory_space<semaphore_mem>>
        %dma_start3A_446 = arith.constant 0 : i32
        %dma_start3A_447 = arith.constant 0 : i32
        %dma_start3A_448 = tpu.memref_slice %arg8[%dma_start3A_446, %dma_start3A_447] : memref<96x128xi32, #tpu.memory_space<vmem>> -> memref<64x128xi32, #tpu.memory_space<vmem>>
        %dma_start3A_449 = arith.constant 0 : i32
        %dma_start3A_450 = tpu.memref_slice %arg2[%select_n3A_8, %dma_start3A_449] : memref<2656x128xi32, #tpu.memory_space<hbm>> -> memref<64x128xi32, #tpu.memory_space<hbm>>
        %dma_start3A_451 = arith.constant 0 : i32
        %dma_start3A_452 = arith.constant 0 : i32
        %dma_start3A_453 = tpu.memref_slice %arg8[%dma_start3A_451, %dma_start3A_452] : memref<96x128xi32, #tpu.memory_space<vmem>> -> memref<64x128xi32, #tpu.memory_space<vmem>>
        %dma_start3A_454 = arith.constant 0 : i32
        %dma_start3A_455 = tpu.memref_slice %arg2[%select_n3A_8, %dma_start3A_454] : memref<2656x128xi32, #tpu.memory_space<hbm>> -> memref<64x128xi32, #tpu.memory_space<hbm>>
        tpu.enqueue_dma source(%dma_start3A_455 : memref<64x128xi32, #tpu.memory_space<hbm>>) target(%dma_start3A_453 : memref<64x128xi32, #tpu.memory_space<vmem>>) target_semaphore(%run_scoped3A : memref<!tpu.dma_semaphore, #tpu.memory_space<semaphore_mem>>)
        %dma_wait3A_456 = arith.constant 0 : i32
        %dma_wait3A_457 = arith.constant 0 : i32
        %dma_wait3A_458 = tpu.memref_slice %arg8[%dma_wait3A_456, %dma_wait3A_457] : memref<96x128xi32, #tpu.memory_space<vmem>> -> memref<64x128xi32, #tpu.memory_space<vmem>>
        %dma_wait3A_459 = arith.constant 0 : i32
        %dma_wait3A_460 = tpu.memref_slice %arg2[%select_n3A_8, %dma_wait3A_459] : memref<2656x128xi32, #tpu.memory_space<hbm>> -> memref<64x128xi32, #tpu.memory_space<hbm>>
        %dma_wait3A_461 = arith.constant 0 : i32
        %dma_wait3A_462 = arith.constant 0 : i32
        %dma_wait3A_463 = tpu.memref_slice %arg8[%dma_wait3A_461, %dma_wait3A_462] : memref<96x128xi32, #tpu.memory_space<vmem>> -> memref<64x128xi32, #tpu.memory_space<vmem>>
        %dma_wait3A_464 = arith.constant 0 : i32
        %dma_wait3A_465 = tpu.memref_slice %arg2[%select_n3A_8, %dma_wait3A_464] : memref<2656x128xi32, #tpu.memory_space<hbm>> -> memref<64x128xi32, #tpu.memory_space<hbm>>
        tpu.wait_dma2 semaphore(%run_scoped3A : memref<!tpu.dma_semaphore, #tpu.memory_space<semaphore_mem>>) src(%dma_wait3A_465 : memref<64x128xi32, #tpu.memory_space<hbm>>) dst(%dma_wait3A_463 : memref<64x128xi32, #tpu.memory_space<vmem>>)
        tpu.yield
      }) : () -> ()
    } else {
    }
    %eq3A_16 = arith.constant 0 : i32
    %eq3A_17 = arith.cmpi eq, %arg0, %eq3A_16 : i32
    %convert_element_type3A_18 = arith.extui %eq3A_17 : i1 to i32
    %cond3A_19 = arith.constant 0 : i32
    %cond3A_20 = arith.cmpi ne, %convert_element_type3A_18, %cond3A_19 : i32
    scf.if %cond3A_20 {
      "tpu.region"() ({
        %run_scoped3A = tpu.sem_alloc : memref<!tpu.dma_semaphore, #tpu.memory_space<semaphore_mem>>
        %dma_start3A_446 = arith.constant 0 : i32
        %dma_start3A_447 = arith.constant 0 : i32
        %dma_start3A_448 = tpu.memref_slice %arg9[%dma_start3A_446, %dma_start3A_447] : memref<96x128xi32, #tpu.memory_space<vmem>> -> memref<96x128xi32, #tpu.memory_space<vmem>>
        %dma_start3A_449 = arith.constant 0 : i32
        %dma_start3A_450 = tpu.memref_slice %arg3[%select_n3A_8, %dma_start3A_449] : memref<2656x128xi32, #tpu.memory_space<hbm>> -> memref<96x128xi32, #tpu.memory_space<hbm>>
        %dma_start3A_451 = arith.constant 0 : i32
        %dma_start3A_452 = arith.constant 0 : i32
        %dma_start3A_453 = tpu.memref_slice %arg9[%dma_start3A_451, %dma_start3A_452] : memref<96x128xi32, #tpu.memory_space<vmem>> -> memref<96x128xi32, #tpu.memory_space<vmem>>
        %dma_start3A_454 = arith.constant 0 : i32
        %dma_start3A_455 = tpu.memref_slice %arg3[%select_n3A_8, %dma_start3A_454] : memref<2656x128xi32, #tpu.memory_space<hbm>> -> memref<96x128xi32, #tpu.memory_space<hbm>>
        tpu.enqueue_dma source(%dma_start3A_455 : memref<96x128xi32, #tpu.memory_space<hbm>>) target(%dma_start3A_453 : memref<96x128xi32, #tpu.memory_space<vmem>>) target_semaphore(%run_scoped3A : memref<!tpu.dma_semaphore, #tpu.memory_space<semaphore_mem>>)
        %dma_wait3A_456 = arith.constant 0 : i32
        %dma_wait3A_457 = arith.constant 0 : i32
        %dma_wait3A_458 = tpu.memref_slice %arg9[%dma_wait3A_456, %dma_wait3A_457] : memref<96x128xi32, #tpu.memory_space<vmem>> -> memref<96x128xi32, #tpu.memory_space<vmem>>
        %dma_wait3A_459 = arith.constant 0 : i32
        %dma_wait3A_460 = tpu.memref_slice %arg3[%select_n3A_8, %dma_wait3A_459] : memref<2656x128xi32, #tpu.memory_space<hbm>> -> memref<96x128xi32, #tpu.memory_space<hbm>>
        %dma_wait3A_461 = arith.constant 0 : i32
        %dma_wait3A_462 = arith.constant 0 : i32
        %dma_wait3A_463 = tpu.memref_slice %arg9[%dma_wait3A_461, %dma_wait3A_462] : memref<96x128xi32, #tpu.memory_space<vmem>> -> memref<96x128xi32, #tpu.memory_space<vmem>>
        %dma_wait3A_464 = arith.constant 0 : i32
        %dma_wait3A_465 = tpu.memref_slice %arg3[%select_n3A_8, %dma_wait3A_464] : memref<2656x128xi32, #tpu.memory_space<hbm>> -> memref<96x128xi32, #tpu.memory_space<hbm>>
        tpu.wait_dma2 semaphore(%run_scoped3A : memref<!tpu.dma_semaphore, #tpu.memory_space<semaphore_mem>>) src(%dma_wait3A_465 : memref<96x128xi32, #tpu.memory_space<hbm>>) dst(%dma_wait3A_463 : memref<96x128xi32, #tpu.memory_space<vmem>>)
        tpu.yield
      }) : () -> ()
    } else {
    }
    %ne3A_21 = arith.constant 0 : i32
    %ne3A_22 = arith.cmpi ne, %arg0, %ne3A_21 : i32
    %convert_element_type3A_23 = arith.extui %ne3A_22 : i1 to i32
    %cond3A_24 = arith.constant 0 : i32
    %cond3A_25 = arith.cmpi ne, %convert_element_type3A_23, %cond3A_24 : i32
    scf.if %cond3A_25 {
      "tpu.region"() ({
        %run_scoped3A = tpu.sem_alloc : memref<!tpu.dma_semaphore, #tpu.memory_space<semaphore_mem>>
        %dma_start3A_446 = arith.constant 0 : i32
        %dma_start3A_447 = arith.constant 0 : i32
        %dma_start3A_448 = tpu.memref_slice %arg9[%dma_start3A_446, %dma_start3A_447] : memref<96x128xi32, #tpu.memory_space<vmem>> -> memref<64x128xi32, #tpu.memory_space<vmem>>
        %dma_start3A_449 = arith.constant 0 : i32
        %dma_start3A_450 = tpu.memref_slice %arg3[%select_n3A_8, %dma_start3A_449] : memref<2656x128xi32, #tpu.memory_space<hbm>> -> memref<64x128xi32, #tpu.memory_space<hbm>>
        %dma_start3A_451 = arith.constant 0 : i32
        %dma_start3A_452 = arith.constant 0 : i32
        %dma_start3A_453 = tpu.memref_slice %arg9[%dma_start3A_451, %dma_start3A_452] : memref<96x128xi32, #tpu.memory_space<vmem>> -> memref<64x128xi32, #tpu.memory_space<vmem>>
        %dma_start3A_454 = arith.constant 0 : i32
        %dma_start3A_455 = tpu.memref_slice %arg3[%select_n3A_8, %dma_start3A_454] : memref<2656x128xi32, #tpu.memory_space<hbm>> -> memref<64x128xi32, #tpu.memory_space<hbm>>
        tpu.enqueue_dma source(%dma_start3A_455 : memref<64x128xi32, #tpu.memory_space<hbm>>) target(%dma_start3A_453 : memref<64x128xi32, #tpu.memory_space<vmem>>) target_semaphore(%run_scoped3A : memref<!tpu.dma_semaphore, #tpu.memory_space<semaphore_mem>>)
        %dma_wait3A_456 = arith.constant 0 : i32
        %dma_wait3A_457 = arith.constant 0 : i32
        %dma_wait3A_458 = tpu.memref_slice %arg9[%dma_wait3A_456, %dma_wait3A_457] : memref<96x128xi32, #tpu.memory_space<vmem>> -> memref<64x128xi32, #tpu.memory_space<vmem>>
        %dma_wait3A_459 = arith.constant 0 : i32
        %dma_wait3A_460 = tpu.memref_slice %arg3[%select_n3A_8, %dma_wait3A_459] : memref<2656x128xi32, #tpu.memory_space<hbm>> -> memref<64x128xi32, #tpu.memory_space<hbm>>
        %dma_wait3A_461 = arith.constant 0 : i32
        %dma_wait3A_462 = arith.constant 0 : i32
        %dma_wait3A_463 = tpu.memref_slice %arg9[%dma_wait3A_461, %dma_wait3A_462] : memref<96x128xi32, #tpu.memory_space<vmem>> -> memref<64x128xi32, #tpu.memory_space<vmem>>
        %dma_wait3A_464 = arith.constant 0 : i32
        %dma_wait3A_465 = tpu.memref_slice %arg3[%select_n3A_8, %dma_wait3A_464] : memref<2656x128xi32, #tpu.memory_space<hbm>> -> memref<64x128xi32, #tpu.memory_space<hbm>>
        tpu.wait_dma2 semaphore(%run_scoped3A : memref<!tpu.dma_semaphore, #tpu.memory_space<semaphore_mem>>) src(%dma_wait3A_465 : memref<64x128xi32, #tpu.memory_space<hbm>>) dst(%dma_wait3A_463 : memref<64x128xi32, #tpu.memory_space<vmem>>)
        tpu.yield
      }) : () -> ()
    } else {
    }
    %mul3A_26 = arith.constant 640 : i32
    %mul3A_27 = arith.muli %arg1, %mul3A_26 : i32
    "tpu.region"() ({
      %run_scoped3A = tpu.sem_alloc : memref<!tpu.dma_semaphore, #tpu.memory_space<semaphore_mem>>
      %dma_start3A_446 = arith.constant 0 : i32
      %dma_start3A_447 = tpu.memref_slice %arg4[%mul3A_27, %dma_start3A_446] : memref<10240x16xf32, #tpu.memory_space<hbm>> -> memref<640x16xf32, #tpu.memory_space<hbm>>
      %dma_start3A_448 = arith.constant 0 : i32
      %dma_start3A_449 = tpu.memref_slice %arg4[%mul3A_27, %dma_start3A_448] : memref<10240x16xf32, #tpu.memory_space<hbm>> -> memref<640x16xf32, #tpu.memory_space<hbm>>
      tpu.enqueue_dma source(%dma_start3A_449 : memref<640x16xf32, #tpu.memory_space<hbm>>) target(%arg12 : memref<640x16xf32, #tpu.memory_space<vmem>>) target_semaphore(%run_scoped3A : memref<!tpu.dma_semaphore, #tpu.memory_space<semaphore_mem>>)
      %dma_wait3A_450 = arith.constant 0 : i32
      %dma_wait3A_451 = tpu.memref_slice %arg4[%mul3A_27, %dma_wait3A_450] : memref<10240x16xf32, #tpu.memory_space<hbm>> -> memref<640x16xf32, #tpu.memory_space<hbm>>
      %dma_wait3A_452 = arith.constant 0 : i32
      %dma_wait3A_453 = tpu.memref_slice %arg4[%mul3A_27, %dma_wait3A_452] : memref<10240x16xf32, #tpu.memory_space<hbm>> -> memref<640x16xf32, #tpu.memory_space<hbm>>
      tpu.wait_dma2 semaphore(%run_scoped3A : memref<!tpu.dma_semaphore, #tpu.memory_space<semaphore_mem>>) src(%dma_wait3A_453 : memref<640x16xf32, #tpu.memory_space<hbm>>) dst(%arg12 : memref<640x16xf32, #tpu.memory_space<vmem>>)
      tpu.yield
    }) : () -> ()
    "tpu.region"() ({
      %run_scoped3A = tpu.sem_alloc : memref<!tpu.dma_semaphore, #tpu.memory_space<semaphore_mem>>
      %dma_start3A_446 = arith.constant 0 : i32
      %dma_start3A_447 = tpu.memref_slice %arg7[%mul3A_27, %dma_start3A_446] : memref<10240x16xf32, #tpu.memory_space<vmem_shared>> -> memref<640x16xf32, #tpu.memory_space<vmem_shared>>
      %dma_start3A_448 = arith.constant 0 : i32
      %dma_start3A_449 = tpu.memref_slice %arg7[%mul3A_27, %dma_start3A_448] : memref<10240x16xf32, #tpu.memory_space<vmem_shared>> -> memref<640x16xf32, #tpu.memory_space<vmem_shared>>
      tpu.enqueue_dma source(%arg12 : memref<640x16xf32, #tpu.memory_space<vmem>>) target(%dma_start3A_449 : memref<640x16xf32, #tpu.memory_space<vmem_shared>>) target_semaphore(%run_scoped3A : memref<!tpu.dma_semaphore, #tpu.memory_space<semaphore_mem>>)
      %dma_wait3A_450 = arith.constant 0 : i32
      %dma_wait3A_451 = tpu.memref_slice %arg7[%mul3A_27, %dma_wait3A_450] : memref<10240x16xf32, #tpu.memory_space<vmem_shared>> -> memref<640x16xf32, #tpu.memory_space<vmem_shared>>
      %dma_wait3A_452 = arith.constant 0 : i32
      %dma_wait3A_453 = tpu.memref_slice %arg7[%mul3A_27, %dma_wait3A_452] : memref<10240x16xf32, #tpu.memory_space<vmem_shared>> -> memref<640x16xf32, #tpu.memory_space<vmem_shared>>
      tpu.wait_dma2 semaphore(%run_scoped3A : memref<!tpu.dma_semaphore, #tpu.memory_space<semaphore_mem>>) src(%arg12 : memref<640x16xf32, #tpu.memory_space<vmem>>) dst(%dma_wait3A_453 : memref<640x16xf32, #tpu.memory_space<vmem_shared>>)
      tpu.yield
    }) : () -> ()
    %scan3A = arith.constant 0 : i32
    %scan3A_28 = arith.constant 0 : i32
    %scan3A_29 = arith.constant 160 : i32
    %scan3A_30 = arith.addi %scan3A_28, %scan3A_29 : i32
    %scan3A_31 = arith.constant 1 : i32
    %scan3A_32 = scf.for %scan3A_446 = %scan3A_28 to %scan3A_30 step %scan3A_31 iter_args(%scan3A_447 = %scan3A) -> (i32)  : i32 {
      %broadcast_in_dim3A = arith.constant 0.000000e+00 : f32
      %broadcast_in_dim3A_448 = vector.broadcast %broadcast_in_dim3A : f32 to vector<16xf32>
      %swap3A = arith.index_cast %scan3A_446 : i32 to index
      %swap3A_449 = arith.constant 0 : index
      %swap3A_450 = tpu.vector_load %arg12[%swap3A, %swap3A_449] {strides = array<i32>} : memref<640x16xf32, #tpu.memory_space<vmem>>, vector<1x16xf32>,
      %swap3A_451 = vector.shape_cast %swap3A_450 : vector<1x16xf32> to vector<16xf32>
      %swap3A_452 = vector.shape_cast %broadcast_in_dim3A_448 : vector<16xf32> to vector<1x16xf32>
      tpu.vector_store %arg12[%swap3A, %swap3A_449], %swap3A_452 {strides = array<i32>} : memref<640x16xf32, #tpu.memory_space<vmem>>, vector<1x16xf32>,
      %scan3A_453 = arith.constant 0 : i32
      scf.yield %scan3A_453 : i32
    }
    %scan3A_33 = arith.constant 160 : i32
    %add3A_34 = arith.constant 0 : i32
    %add3A_35 = arith.addi %mul3A_27, %add3A_34 : i32
    "tpu.region"() ({
      %run_scoped3A = tpu.sem_alloc : memref<!tpu.dma_semaphore, #tpu.memory_space<semaphore_mem>>
      %dma_start3A_446 = arith.constant 0 : i32
      %dma_start3A_447 = arith.constant 0 : i32
      %dma_start3A_448 = tpu.memref_slice %arg12[%dma_start3A_446, %dma_start3A_447] : memref<640x16xf32, #tpu.memory_space<vmem>> -> memref<160x16xf32, #tpu.memory_space<vmem>>
      %dma_start3A_449 = arith.constant 0 : i32
      %dma_start3A_450 = tpu.memref_slice %arg6[%add3A_35, %dma_start3A_449] : memref<10240x16xf32, #tpu.memory_space<vmem_shared>> -> memref<160x16xf32, #tpu.memory_space<vmem_shared>>
      %dma_start3A_451 = arith.constant 0 : i32
      %dma_start3A_452 = tpu.memref_slice %arg6[%add3A_35, %dma_start3A_451] : memref<10240x16xf32, #tpu.memory_space<vmem_shared>> -> memref<160x16xf32, #tpu.memory_space<vmem_shared>>
      %dma_start3A_453 = arith.constant 0 : i32
      %dma_start3A_454 = arith.constant 0 : i32
      %dma_start3A_455 = tpu.memref_slice %arg12[%dma_start3A_453, %dma_start3A_454] : memref<640x16xf32, #tpu.memory_space<vmem>> -> memref<160x16xf32, #tpu.memory_space<vmem>>
      tpu.enqueue_dma source(%dma_start3A_455 : memref<160x16xf32, #tpu.memory_space<vmem>>) target(%dma_start3A_452 : memref<160x16xf32, #tpu.memory_space<vmem_shared>>) target_semaphore(%run_scoped3A : memref<!tpu.dma_semaphore, #tpu.memory_space<semaphore_mem>>)
      %dma_wait3A_456 = arith.constant 0 : i32
      %dma_wait3A_457 = arith.constant 0 : i32
      %dma_wait3A_458 = tpu.memref_slice %arg12[%dma_wait3A_456, %dma_wait3A_457] : memref<640x16xf32, #tpu.memory_space<vmem>> -> memref<160x16xf32, #tpu.memory_space<vmem>>
      %dma_wait3A_459 = arith.constant 0 : i32
      %dma_wait3A_460 = tpu.memref_slice %arg6[%add3A_35, %dma_wait3A_459] : memref<10240x16xf32, #tpu.memory_space<vmem_shared>> -> memref<160x16xf32, #tpu.memory_space<vmem_shared>>
      %dma_wait3A_461 = arith.constant 0 : i32
      %dma_wait3A_462 = tpu.memref_slice %arg6[%add3A_35, %dma_wait3A_461] : memref<10240x16xf32, #tpu.memory_space<vmem_shared>> -> memref<160x16xf32, #tpu.memory_space<vmem_shared>>
      %dma_wait3A_463 = arith.constant 0 : i32
      %dma_wait3A_464 = arith.constant 0 : i32
      %dma_wait3A_465 = tpu.memref_slice %arg12[%dma_wait3A_463, %dma_wait3A_464] : memref<640x16xf32, #tpu.memory_space<vmem>> -> memref<160x16xf32, #tpu.memory_space<vmem>>
      tpu.wait_dma2 semaphore(%run_scoped3A : memref<!tpu.dma_semaphore, #tpu.memory_space<semaphore_mem>>) src(%dma_wait3A_465 : memref<160x16xf32, #tpu.memory_space<vmem>>) dst(%dma_wait3A_462 : memref<160x16xf32, #tpu.memory_space<vmem_shared>>)
      tpu.yield
    }) : () -> ()
    %add3A_36 = arith.constant 160 : i32
    %add3A_37 = arith.addi %mul3A_27, %add3A_36 : i32
    "tpu.region"() ({
      %run_scoped3A = tpu.sem_alloc : memref<!tpu.dma_semaphore, #tpu.memory_space<semaphore_mem>>
      %dma_start3A_446 = arith.constant 0 : i32
      %dma_start3A_447 = arith.constant 0 : i32
      %dma_start3A_448 = tpu.memref_slice %arg12[%dma_start3A_446, %dma_start3A_447] : memref<640x16xf32, #tpu.memory_space<vmem>> -> memref<160x16xf32, #tpu.memory_space<vmem>>
      %dma_start3A_449 = arith.constant 0 : i32
      %dma_start3A_450 = tpu.memref_slice %arg6[%add3A_37, %dma_start3A_449] : memref<10240x16xf32, #tpu.memory_space<vmem_shared>> -> memref<160x16xf32, #tpu.memory_space<vmem_shared>>
      %dma_start3A_451 = arith.constant 0 : i32
      %dma_start3A_452 = tpu.memref_slice %arg6[%add3A_37, %dma_start3A_451] : memref<10240x16xf32, #tpu.memory_space<vmem_shared>> -> memref<160x16xf32, #tpu.memory_space<vmem_shared>>
      %dma_start3A_453 = arith.constant 0 : i32
      %dma_start3A_454 = arith.constant 0 : i32
      %dma_start3A_455 = tpu.memref_slice %arg12[%dma_start3A_453, %dma_start3A_454] : memref<640x16xf32, #tpu.memory_space<vmem>> -> memref<160x16xf32, #tpu.memory_space<vmem>>
      tpu.enqueue_dma source(%dma_start3A_455 : memref<160x16xf32, #tpu.memory_space<vmem>>) target(%dma_start3A_452 : memref<160x16xf32, #tpu.memory_space<vmem_shared>>) target_semaphore(%run_scoped3A : memref<!tpu.dma_semaphore, #tpu.memory_space<semaphore_mem>>)
      %dma_wait3A_456 = arith.constant 0 : i32
      %dma_wait3A_457 = arith.constant 0 : i32
      %dma_wait3A_458 = tpu.memref_slice %arg12[%dma_wait3A_456, %dma_wait3A_457] : memref<640x16xf32, #tpu.memory_space<vmem>> -> memref<160x16xf32, #tpu.memory_space<vmem>>
      %dma_wait3A_459 = arith.constant 0 : i32
      %dma_wait3A_460 = tpu.memref_slice %arg6[%add3A_37, %dma_wait3A_459] : memref<10240x16xf32, #tpu.memory_space<vmem_shared>> -> memref<160x16xf32, #tpu.memory_space<vmem_shared>>
      %dma_wait3A_461 = arith.constant 0 : i32
      %dma_wait3A_462 = tpu.memref_slice %arg6[%add3A_37, %dma_wait3A_461] : memref<10240x16xf32, #tpu.memory_space<vmem_shared>> -> memref<160x16xf32, #tpu.memory_space<vmem_shared>>
      %dma_wait3A_463 = arith.constant 0 : i32
      %dma_wait3A_464 = arith.constant 0 : i32
      %dma_wait3A_465 = tpu.memref_slice %arg12[%dma_wait3A_463, %dma_wait3A_464] : memref<640x16xf32, #tpu.memory_space<vmem>> -> memref<160x16xf32, #tpu.memory_space<vmem>>
      tpu.wait_dma2 semaphore(%run_scoped3A : memref<!tpu.dma_semaphore, #tpu.memory_space<semaphore_mem>>) src(%dma_wait3A_465 : memref<160x16xf32, #tpu.memory_space<vmem>>) dst(%dma_wait3A_462 : memref<160x16xf32, #tpu.memory_space<vmem_shared>>)
      tpu.yield
    }) : () -> ()
    %add3A_38 = arith.constant 320 : i32
    %add3A_39 = arith.addi %mul3A_27, %add3A_38 : i32
    "tpu.region"() ({
      %run_scoped3A = tpu.sem_alloc : memref<!tpu.dma_semaphore, #tpu.memory_space<semaphore_mem>>
      %dma_start3A_446 = arith.constant 0 : i32
      %dma_start3A_447 = arith.constant 0 : i32
      %dma_start3A_448 = tpu.memref_slice %arg12[%dma_start3A_446, %dma_start3A_447] : memref<640x16xf32, #tpu.memory_space<vmem>> -> memref<160x16xf32, #tpu.memory_space<vmem>>
      %dma_start3A_449 = arith.constant 0 : i32
      %dma_start3A_450 = tpu.memref_slice %arg6[%add3A_39, %dma_start3A_449] : memref<10240x16xf32, #tpu.memory_space<vmem_shared>> -> memref<160x16xf32, #tpu.memory_space<vmem_shared>>
      %dma_start3A_451 = arith.constant 0 : i32
      %dma_start3A_452 = tpu.memref_slice %arg6[%add3A_39, %dma_start3A_451] : memref<10240x16xf32, #tpu.memory_space<vmem_shared>> -> memref<160x16xf32, #tpu.memory_space<vmem_shared>>
      %dma_start3A_453 = arith.constant 0 : i32
      %dma_start3A_454 = arith.constant 0 : i32
      %dma_start3A_455 = tpu.memref_slice %arg12[%dma_start3A_453, %dma_start3A_454] : memref<640x16xf32, #tpu.memory_space<vmem>> -> memref<160x16xf32, #tpu.memory_space<vmem>>
      tpu.enqueue_dma source(%dma_start3A_455 : memref<160x16xf32, #tpu.memory_space<vmem>>) target(%dma_start3A_452 : memref<160x16xf32, #tpu.memory_space<vmem_shared>>) target_semaphore(%run_scoped3A : memref<!tpu.dma_semaphore, #tpu.memory_space<semaphore_mem>>)
      %dma_wait3A_456 = arith.constant 0 : i32
      %dma_wait3A_457 = arith.constant 0 : i32
      %dma_wait3A_458 = tpu.memref_slice %arg12[%dma_wait3A_456, %dma_wait3A_457] : memref<640x16xf32, #tpu.memory_space<vmem>> -> memref<160x16xf32, #tpu.memory_space<vmem>>
      %dma_wait3A_459 = arith.constant 0 : i32
      %dma_wait3A_460 = tpu.memref_slice %arg6[%add3A_39, %dma_wait3A_459] : memref<10240x16xf32, #tpu.memory_space<vmem_shared>> -> memref<160x16xf32, #tpu.memory_space<vmem_shared>>
      %dma_wait3A_461 = arith.constant 0 : i32
      %dma_wait3A_462 = tpu.memref_slice %arg6[%add3A_39, %dma_wait3A_461] : memref<10240x16xf32, #tpu.memory_space<vmem_shared>> -> memref<160x16xf32, #tpu.memory_space<vmem_shared>>
      %dma_wait3A_463 = arith.constant 0 : i32
      %dma_wait3A_464 = arith.constant 0 : i32
      %dma_wait3A_465 = tpu.memref_slice %arg12[%dma_wait3A_463, %dma_wait3A_464] : memref<640x16xf32, #tpu.memory_space<vmem>> -> memref<160x16xf32, #tpu.memory_space<vmem>>
      tpu.wait_dma2 semaphore(%run_scoped3A : memref<!tpu.dma_semaphore, #tpu.memory_space<semaphore_mem>>) src(%dma_wait3A_465 : memref<160x16xf32, #tpu.memory_space<vmem>>) dst(%dma_wait3A_462 : memref<160x16xf32, #tpu.memory_space<vmem_shared>>)
      tpu.yield
    }) : () -> ()
    %add3A_40 = arith.constant 480 : i32
    %add3A_41 = arith.addi %mul3A_27, %add3A_40 : i32
    "tpu.region"() ({
      %run_scoped3A = tpu.sem_alloc : memref<!tpu.dma_semaphore, #tpu.memory_space<semaphore_mem>>
      %dma_start3A_446 = arith.constant 0 : i32
      %dma_start3A_447 = arith.constant 0 : i32
      %dma_start3A_448 = tpu.memref_slice %arg12[%dma_start3A_446, %dma_start3A_447] : memref<640x16xf32, #tpu.memory_space<vmem>> -> memref<160x16xf32, #tpu.memory_space<vmem>>
      %dma_start3A_449 = arith.constant 0 : i32
      %dma_start3A_450 = tpu.memref_slice %arg6[%add3A_41, %dma_start3A_449] : memref<10240x16xf32, #tpu.memory_space<vmem_shared>> -> memref<160x16xf32, #tpu.memory_space<vmem_shared>>
      %dma_start3A_451 = arith.constant 0 : i32
      %dma_start3A_452 = tpu.memref_slice %arg6[%add3A_41, %dma_start3A_451] : memref<10240x16xf32, #tpu.memory_space<vmem_shared>> -> memref<160x16xf32, #tpu.memory_space<vmem_shared>>
      %dma_start3A_453 = arith.constant 0 : i32
      %dma_start3A_454 = arith.constant 0 : i32
      %dma_start3A_455 = tpu.memref_slice %arg12[%dma_start3A_453, %dma_start3A_454] : memref<640x16xf32, #tpu.memory_space<vmem>> -> memref<160x16xf32, #tpu.memory_space<vmem>>
      tpu.enqueue_dma source(%dma_start3A_455 : memref<160x16xf32, #tpu.memory_space<vmem>>) target(%dma_start3A_452 : memref<160x16xf32, #tpu.memory_space<vmem_shared>>) target_semaphore(%run_scoped3A : memref<!tpu.dma_semaphore, #tpu.memory_space<semaphore_mem>>)
      %dma_wait3A_456 = arith.constant 0 : i32
      %dma_wait3A_457 = arith.constant 0 : i32
      %dma_wait3A_458 = tpu.memref_slice %arg12[%dma_wait3A_456, %dma_wait3A_457] : memref<640x16xf32, #tpu.memory_space<vmem>> -> memref<160x16xf32, #tpu.memory_space<vmem>>
      %dma_wait3A_459 = arith.constant 0 : i32
      %dma_wait3A_460 = tpu.memref_slice %arg6[%add3A_41, %dma_wait3A_459] : memref<10240x16xf32, #tpu.memory_space<vmem_shared>> -> memref<160x16xf32, #tpu.memory_space<vmem_shared>>
      %dma_wait3A_461 = arith.constant 0 : i32
      %dma_wait3A_462 = tpu.memref_slice %arg6[%add3A_41, %dma_wait3A_461] : memref<10240x16xf32, #tpu.memory_space<vmem_shared>> -> memref<160x16xf32, #tpu.memory_space<vmem_shared>>
      %dma_wait3A_463 = arith.constant 0 : i32
      %dma_wait3A_464 = arith.constant 0 : i32
      %dma_wait3A_465 = tpu.memref_slice %arg12[%dma_wait3A_463, %dma_wait3A_464] : memref<640x16xf32, #tpu.memory_space<vmem>> -> memref<160x16xf32, #tpu.memory_space<vmem>>
      tpu.wait_dma2 semaphore(%run_scoped3A : memref<!tpu.dma_semaphore, #tpu.memory_space<semaphore_mem>>) src(%dma_wait3A_465 : memref<160x16xf32, #tpu.memory_space<vmem>>) dst(%dma_wait3A_462 : memref<160x16xf32, #tpu.memory_space<vmem_shared>>)
      tpu.yield
    }) : () -> ()
    %barrier3A = arith.constant 0 : index
    tpu.barrier barrier_id(%barrier3A)
    %dma_start3A = arith.constant 0 : i32
    %dma_start3A_42 = arith.constant 0 : i32
    %dma_start3A_43 = arith.constant 0 : i32
    %dma_start3A_44 = tpu.memref_slice %arg10[%dma_start3A_42, %dma_start3A_43] : memref<1024x16xf32, #tpu.memory_space<vmem>> -> memref<128x16xf32, #tpu.memory_space<vmem>>
    %dma_start3A_45 = arith.constant 0 : i32
    %dma_start3A_46 = tpu.memref_slice %arg8[%dma_start3A, %dma_start3A_45] : memref<96x128xi32, #tpu.memory_space<vmem>> -> memref<1x128xi32, #tpu.memory_space<vmem>>
    %dma_start3A_47 = tpu.memref_squeeze %dma_start3A_46 : memref<1x128xi32, #tpu.memory_space<vmem>> -> memref<128xi32, #tpu.memory_space<vmem>>
    %dma_start3A_48 = arith.constant 0 : i32
    %dma_start3A_49 = arith.constant 0 : i32
    %dma_start3A_50 = tpu.memref_slice %arg7[%dma_start3A_48, %dma_start3A_49] : memref<10240x16xf32, #tpu.memory_space<vmem_shared>> -> memref<10240x16xf32, #tpu.memory_space<vmem_shared>>
    tpu.enqueue_indirect_dma source(%dma_start3A_50 : memref<10240x16xf32, #tpu.memory_space<vmem_shared>>) target(%dma_start3A_44 : memref<128x16xf32, #tpu.memory_space<vmem>>) offsets(%dma_start3A_47 : memref<128xi32, #tpu.memory_space<vmem>>) semaphore(%arg13 : memref<!tpu.dma_semaphore, #tpu.memory_space<semaphore_mem>>)
    %dma_start3A_51 = arith.constant 1 : i32
    %dma_start3A_52 = arith.constant 128 : i32
    %dma_start3A_53 = arith.constant 0 : i32
    %dma_start3A_54 = tpu.memref_slice %arg10[%dma_start3A_52, %dma_start3A_53] : memref<1024x16xf32, #tpu.memory_space<vmem>> -> memref<128x16xf32, #tpu.memory_space<vmem>>
    %dma_start3A_55 = arith.constant 0 : i32
    %dma_start3A_56 = tpu.memref_slice %arg8[%dma_start3A_51, %dma_start3A_55] : memref<96x128xi32, #tpu.memory_space<vmem>> -> memref<1x128xi32, #tpu.memory_space<vmem>>
    %dma_start3A_57 = tpu.memref_squeeze %dma_start3A_56 : memref<1x128xi32, #tpu.memory_space<vmem>> -> memref<128xi32, #tpu.memory_space<vmem>>
    %dma_start3A_58 = arith.constant 0 : i32
    %dma_start3A_59 = arith.constant 0 : i32
    %dma_start3A_60 = tpu.memref_slice %arg7[%dma_start3A_58, %dma_start3A_59] : memref<10240x16xf32, #tpu.memory_space<vmem_shared>> -> memref<10240x16xf32, #tpu.memory_space<vmem_shared>>
    tpu.enqueue_indirect_dma source(%dma_start3A_60 : memref<10240x16xf32, #tpu.memory_space<vmem_shared>>) target(%dma_start3A_54 : memref<128x16xf32, #tpu.memory_space<vmem>>) offsets(%dma_start3A_57 : memref<128xi32, #tpu.memory_space<vmem>>) semaphore(%arg13 : memref<!tpu.dma_semaphore, #tpu.memory_space<semaphore_mem>>)
    %dma_start3A_61 = arith.constant 2 : i32
    %dma_start3A_62 = arith.constant 256 : i32
    %dma_start3A_63 = arith.constant 0 : i32
    %dma_start3A_64 = tpu.memref_slice %arg10[%dma_start3A_62, %dma_start3A_63] : memref<1024x16xf32, #tpu.memory_space<vmem>> -> memref<128x16xf32, #tpu.memory_space<vmem>>
    %dma_start3A_65 = arith.constant 0 : i32
    %dma_start3A_66 = tpu.memref_slice %arg8[%dma_start3A_61, %dma_start3A_65] : memref<96x128xi32, #tpu.memory_space<vmem>> -> memref<1x128xi32, #tpu.memory_space<vmem>>
    %dma_start3A_67 = tpu.memref_squeeze %dma_start3A_66 : memref<1x128xi32, #tpu.memory_space<vmem>> -> memref<128xi32, #tpu.memory_space<vmem>>
    %dma_start3A_68 = arith.constant 0 : i32
    %dma_start3A_69 = arith.constant 0 : i32
    %dma_start3A_70 = tpu.memref_slice %arg7[%dma_start3A_68, %dma_start3A_69] : memref<10240x16xf32, #tpu.memory_space<vmem_shared>> -> memref<10240x16xf32, #tpu.memory_space<vmem_shared>>
    tpu.enqueue_indirect_dma source(%dma_start3A_70 : memref<10240x16xf32, #tpu.memory_space<vmem_shared>>) target(%dma_start3A_64 : memref<128x16xf32, #tpu.memory_space<vmem>>) offsets(%dma_start3A_67 : memref<128xi32, #tpu.memory_space<vmem>>) semaphore(%arg13 : memref<!tpu.dma_semaphore, #tpu.memory_space<semaphore_mem>>)
    %dma_start3A_71 = arith.constant 3 : i32
    %dma_start3A_72 = arith.constant 384 : i32
    %dma_start3A_73 = arith.constant 0 : i32
    %dma_start3A_74 = tpu.memref_slice %arg10[%dma_start3A_72, %dma_start3A_73] : memref<1024x16xf32, #tpu.memory_space<vmem>> -> memref<128x16xf32, #tpu.memory_space<vmem>>
    %dma_start3A_75 = arith.constant 0 : i32
    %dma_start3A_76 = tpu.memref_slice %arg8[%dma_start3A_71, %dma_start3A_75] : memref<96x128xi32, #tpu.memory_space<vmem>> -> memref<1x128xi32, #tpu.memory_space<vmem>>
    %dma_start3A_77 = tpu.memref_squeeze %dma_start3A_76 : memref<1x128xi32, #tpu.memory_space<vmem>> -> memref<128xi32, #tpu.memory_space<vmem>>
    %dma_start3A_78 = arith.constant 0 : i32
    %dma_start3A_79 = arith.constant 0 : i32
    %dma_start3A_80 = tpu.memref_slice %arg7[%dma_start3A_78, %dma_start3A_79] : memref<10240x16xf32, #tpu.memory_space<vmem_shared>> -> memref<10240x16xf32, #tpu.memory_space<vmem_shared>>
    tpu.enqueue_indirect_dma source(%dma_start3A_80 : memref<10240x16xf32, #tpu.memory_space<vmem_shared>>) target(%dma_start3A_74 : memref<128x16xf32, #tpu.memory_space<vmem>>) offsets(%dma_start3A_77 : memref<128xi32, #tpu.memory_space<vmem>>) semaphore(%arg13 : memref<!tpu.dma_semaphore, #tpu.memory_space<semaphore_mem>>)
    %dma_start3A_81 = arith.constant 4 : i32
    %dma_start3A_82 = arith.constant 512 : i32
    %dma_start3A_83 = arith.constant 0 : i32
    %dma_start3A_84 = tpu.memref_slice %arg10[%dma_start3A_82, %dma_start3A_83] : memref<1024x16xf32, #tpu.memory_space<vmem>> -> memref<128x16xf32, #tpu.memory_space<vmem>>
    %dma_start3A_85 = arith.constant 0 : i32
    %dma_start3A_86 = tpu.memref_slice %arg8[%dma_start3A_81, %dma_start3A_85] : memref<96x128xi32, #tpu.memory_space<vmem>> -> memref<1x128xi32, #tpu.memory_space<vmem>>
    %dma_start3A_87 = tpu.memref_squeeze %dma_start3A_86 : memref<1x128xi32, #tpu.memory_space<vmem>> -> memref<128xi32, #tpu.memory_space<vmem>>
    %dma_start3A_88 = arith.constant 0 : i32
    %dma_start3A_89 = arith.constant 0 : i32
    %dma_start3A_90 = tpu.memref_slice %arg7[%dma_start3A_88, %dma_start3A_89] : memref<10240x16xf32, #tpu.memory_space<vmem_shared>> -> memref<10240x16xf32, #tpu.memory_space<vmem_shared>>
    tpu.enqueue_indirect_dma source(%dma_start3A_90 : memref<10240x16xf32, #tpu.memory_space<vmem_shared>>) target(%dma_start3A_84 : memref<128x16xf32, #tpu.memory_space<vmem>>) offsets(%dma_start3A_87 : memref<128xi32, #tpu.memory_space<vmem>>) semaphore(%arg13 : memref<!tpu.dma_semaphore, #tpu.memory_space<semaphore_mem>>)
    %dma_start3A_91 = arith.constant 5 : i32
    %dma_start3A_92 = arith.constant 640 : i32
    %dma_start3A_93 = arith.constant 0 : i32
    %dma_start3A_94 = tpu.memref_slice %arg10[%dma_start3A_92, %dma_start3A_93] : memref<1024x16xf32, #tpu.memory_space<vmem>> -> memref<128x16xf32, #tpu.memory_space<vmem>>
    %dma_start3A_95 = arith.constant 0 : i32
    %dma_start3A_96 = tpu.memref_slice %arg8[%dma_start3A_91, %dma_start3A_95] : memref<96x128xi32, #tpu.memory_space<vmem>> -> memref<1x128xi32, #tpu.memory_space<vmem>>
    %dma_start3A_97 = tpu.memref_squeeze %dma_start3A_96 : memref<1x128xi32, #tpu.memory_space<vmem>> -> memref<128xi32, #tpu.memory_space<vmem>>
    %dma_start3A_98 = arith.constant 0 : i32
    %dma_start3A_99 = arith.constant 0 : i32
    %dma_start3A_100 = tpu.memref_slice %arg7[%dma_start3A_98, %dma_start3A_99] : memref<10240x16xf32, #tpu.memory_space<vmem_shared>> -> memref<10240x16xf32, #tpu.memory_space<vmem_shared>>
    tpu.enqueue_indirect_dma source(%dma_start3A_100 : memref<10240x16xf32, #tpu.memory_space<vmem_shared>>) target(%dma_start3A_94 : memref<128x16xf32, #tpu.memory_space<vmem>>) offsets(%dma_start3A_97 : memref<128xi32, #tpu.memory_space<vmem>>) semaphore(%arg13 : memref<!tpu.dma_semaphore, #tpu.memory_space<semaphore_mem>>)
    %dma_start3A_101 = arith.constant 6 : i32
    %dma_start3A_102 = arith.constant 768 : i32
    %dma_start3A_103 = arith.constant 0 : i32
    %dma_start3A_104 = tpu.memref_slice %arg10[%dma_start3A_102, %dma_start3A_103] : memref<1024x16xf32, #tpu.memory_space<vmem>> -> memref<128x16xf32, #tpu.memory_space<vmem>>
    %dma_start3A_105 = arith.constant 0 : i32
    %dma_start3A_106 = tpu.memref_slice %arg8[%dma_start3A_101, %dma_start3A_105] : memref<96x128xi32, #tpu.memory_space<vmem>> -> memref<1x128xi32, #tpu.memory_space<vmem>>
    %dma_start3A_107 = tpu.memref_squeeze %dma_start3A_106 : memref<1x128xi32, #tpu.memory_space<vmem>> -> memref<128xi32, #tpu.memory_space<vmem>>
    %dma_start3A_108 = arith.constant 0 : i32
    %dma_start3A_109 = arith.constant 0 : i32
    %dma_start3A_110 = tpu.memref_slice %arg7[%dma_start3A_108, %dma_start3A_109] : memref<10240x16xf32, #tpu.memory_space<vmem_shared>> -> memref<10240x16xf32, #tpu.memory_space<vmem_shared>>
    tpu.enqueue_indirect_dma source(%dma_start3A_110 : memref<10240x16xf32, #tpu.memory_space<vmem_shared>>) target(%dma_start3A_104 : memref<128x16xf32, #tpu.memory_space<vmem>>) offsets(%dma_start3A_107 : memref<128xi32, #tpu.memory_space<vmem>>) semaphore(%arg13 : memref<!tpu.dma_semaphore, #tpu.memory_space<semaphore_mem>>)
    %dma_start3A_111 = arith.constant 7 : i32
    %dma_start3A_112 = arith.constant 896 : i32
    %dma_start3A_113 = arith.constant 0 : i32
    %dma_start3A_114 = tpu.memref_slice %arg10[%dma_start3A_112, %dma_start3A_113] : memref<1024x16xf32, #tpu.memory_space<vmem>> -> memref<128x16xf32, #tpu.memory_space<vmem>>
    %dma_start3A_115 = arith.constant 0 : i32
    %dma_start3A_116 = tpu.memref_slice %arg8[%dma_start3A_111, %dma_start3A_115] : memref<96x128xi32, #tpu.memory_space<vmem>> -> memref<1x128xi32, #tpu.memory_space<vmem>>
    %dma_start3A_117 = tpu.memref_squeeze %dma_start3A_116 : memref<1x128xi32, #tpu.memory_space<vmem>> -> memref<128xi32, #tpu.memory_space<vmem>>
    %dma_start3A_118 = arith.constant 0 : i32
    %dma_start3A_119 = arith.constant 0 : i32
    %dma_start3A_120 = tpu.memref_slice %arg7[%dma_start3A_118, %dma_start3A_119] : memref<10240x16xf32, #tpu.memory_space<vmem_shared>> -> memref<10240x16xf32, #tpu.memory_space<vmem_shared>>
    tpu.enqueue_indirect_dma source(%dma_start3A_120 : memref<10240x16xf32, #tpu.memory_space<vmem_shared>>) target(%dma_start3A_114 : memref<128x16xf32, #tpu.memory_space<vmem>>) offsets(%dma_start3A_117 : memref<128xi32, #tpu.memory_space<vmem>>) semaphore(%arg13 : memref<!tpu.dma_semaphore, #tpu.memory_space<semaphore_mem>>)
    %dma_start3A_121 = arith.constant 8 : i32
    %dma_start3A_122 = arith.constant 0 : i32
    %dma_start3A_123 = arith.constant 0 : i32
    %dma_start3A_124 = tpu.memref_slice %arg11[%dma_start3A_122, %dma_start3A_123] : memref<1024x16xf32, #tpu.memory_space<vmem>> -> memref<128x16xf32, #tpu.memory_space<vmem>>
    %dma_start3A_125 = arith.constant 0 : i32
    %dma_start3A_126 = tpu.memref_slice %arg8[%dma_start3A_121, %dma_start3A_125] : memref<96x128xi32, #tpu.memory_space<vmem>> -> memref<1x128xi32, #tpu.memory_space<vmem>>
    %dma_start3A_127 = tpu.memref_squeeze %dma_start3A_126 : memref<1x128xi32, #tpu.memory_space<vmem>> -> memref<128xi32, #tpu.memory_space<vmem>>
    %dma_start3A_128 = arith.constant 0 : i32
    %dma_start3A_129 = arith.constant 0 : i32
    %dma_start3A_130 = tpu.memref_slice %arg7[%dma_start3A_128, %dma_start3A_129] : memref<10240x16xf32, #tpu.memory_space<vmem_shared>> -> memref<10240x16xf32, #tpu.memory_space<vmem_shared>>
    tpu.enqueue_indirect_dma source(%dma_start3A_130 : memref<10240x16xf32, #tpu.memory_space<vmem_shared>>) target(%dma_start3A_124 : memref<128x16xf32, #tpu.memory_space<vmem>>) offsets(%dma_start3A_127 : memref<128xi32, #tpu.memory_space<vmem>>) semaphore(%arg14 : memref<!tpu.dma_semaphore, #tpu.memory_space<semaphore_mem>>)
    %dma_start3A_131 = arith.constant 9 : i32
    %dma_start3A_132 = arith.constant 128 : i32
    %dma_start3A_133 = arith.constant 0 : i32
    %dma_start3A_134 = tpu.memref_slice %arg11[%dma_start3A_132, %dma_start3A_133] : memref<1024x16xf32, #tpu.memory_space<vmem>> -> memref<128x16xf32, #tpu.memory_space<vmem>>
    %dma_start3A_135 = arith.constant 0 : i32
    %dma_start3A_136 = tpu.memref_slice %arg8[%dma_start3A_131, %dma_start3A_135] : memref<96x128xi32, #tpu.memory_space<vmem>> -> memref<1x128xi32, #tpu.memory_space<vmem>>
    %dma_start3A_137 = tpu.memref_squeeze %dma_start3A_136 : memref<1x128xi32, #tpu.memory_space<vmem>> -> memref<128xi32, #tpu.memory_space<vmem>>
    %dma_start3A_138 = arith.constant 0 : i32
    %dma_start3A_139 = arith.constant 0 : i32
    %dma_start3A_140 = tpu.memref_slice %arg7[%dma_start3A_138, %dma_start3A_139] : memref<10240x16xf32, #tpu.memory_space<vmem_shared>> -> memref<10240x16xf32, #tpu.memory_space<vmem_shared>>
    tpu.enqueue_indirect_dma source(%dma_start3A_140 : memref<10240x16xf32, #tpu.memory_space<vmem_shared>>) target(%dma_start3A_134 : memref<128x16xf32, #tpu.memory_space<vmem>>) offsets(%dma_start3A_137 : memref<128xi32, #tpu.memory_space<vmem>>) semaphore(%arg14 : memref<!tpu.dma_semaphore, #tpu.memory_space<semaphore_mem>>)
    %dma_start3A_141 = arith.constant 10 : i32
    %dma_start3A_142 = arith.constant 256 : i32
    %dma_start3A_143 = arith.constant 0 : i32
    %dma_start3A_144 = tpu.memref_slice %arg11[%dma_start3A_142, %dma_start3A_143] : memref<1024x16xf32, #tpu.memory_space<vmem>> -> memref<128x16xf32, #tpu.memory_space<vmem>>
    %dma_start3A_145 = arith.constant 0 : i32
    %dma_start3A_146 = tpu.memref_slice %arg8[%dma_start3A_141, %dma_start3A_145] : memref<96x128xi32, #tpu.memory_space<vmem>> -> memref<1x128xi32, #tpu.memory_space<vmem>>
    %dma_start3A_147 = tpu.memref_squeeze %dma_start3A_146 : memref<1x128xi32, #tpu.memory_space<vmem>> -> memref<128xi32, #tpu.memory_space<vmem>>
    %dma_start3A_148 = arith.constant 0 : i32
    %dma_start3A_149 = arith.constant 0 : i32
    %dma_start3A_150 = tpu.memref_slice %arg7[%dma_start3A_148, %dma_start3A_149] : memref<10240x16xf32, #tpu.memory_space<vmem_shared>> -> memref<10240x16xf32, #tpu.memory_space<vmem_shared>>
    tpu.enqueue_indirect_dma source(%dma_start3A_150 : memref<10240x16xf32, #tpu.memory_space<vmem_shared>>) target(%dma_start3A_144 : memref<128x16xf32, #tpu.memory_space<vmem>>) offsets(%dma_start3A_147 : memref<128xi32, #tpu.memory_space<vmem>>) semaphore(%arg14 : memref<!tpu.dma_semaphore, #tpu.memory_space<semaphore_mem>>)
    %dma_start3A_151 = arith.constant 11 : i32
    %dma_start3A_152 = arith.constant 384 : i32
    %dma_start3A_153 = arith.constant 0 : i32
    %dma_start3A_154 = tpu.memref_slice %arg11[%dma_start3A_152, %dma_start3A_153] : memref<1024x16xf32, #tpu.memory_space<vmem>> -> memref<128x16xf32, #tpu.memory_space<vmem>>
    %dma_start3A_155 = arith.constant 0 : i32
    %dma_start3A_156 = tpu.memref_slice %arg8[%dma_start3A_151, %dma_start3A_155] : memref<96x128xi32, #tpu.memory_space<vmem>> -> memref<1x128xi32, #tpu.memory_space<vmem>>
    %dma_start3A_157 = tpu.memref_squeeze %dma_start3A_156 : memref<1x128xi32, #tpu.memory_space<vmem>> -> memref<128xi32, #tpu.memory_space<vmem>>
    %dma_start3A_158 = arith.constant 0 : i32
    %dma_start3A_159 = arith.constant 0 : i32
    %dma_start3A_160 = tpu.memref_slice %arg7[%dma_start3A_158, %dma_start3A_159] : memref<10240x16xf32, #tpu.memory_space<vmem_shared>> -> memref<10240x16xf32, #tpu.memory_space<vmem_shared>>
    tpu.enqueue_indirect_dma source(%dma_start3A_160 : memref<10240x16xf32, #tpu.memory_space<vmem_shared>>) target(%dma_start3A_154 : memref<128x16xf32, #tpu.memory_space<vmem>>) offsets(%dma_start3A_157 : memref<128xi32, #tpu.memory_space<vmem>>) semaphore(%arg14 : memref<!tpu.dma_semaphore, #tpu.memory_space<semaphore_mem>>)
    %dma_start3A_161 = arith.constant 12 : i32
    %dma_start3A_162 = arith.constant 512 : i32
    %dma_start3A_163 = arith.constant 0 : i32
    %dma_start3A_164 = tpu.memref_slice %arg11[%dma_start3A_162, %dma_start3A_163] : memref<1024x16xf32, #tpu.memory_space<vmem>> -> memref<128x16xf32, #tpu.memory_space<vmem>>
    %dma_start3A_165 = arith.constant 0 : i32
    %dma_start3A_166 = tpu.memref_slice %arg8[%dma_start3A_161, %dma_start3A_165] : memref<96x128xi32, #tpu.memory_space<vmem>> -> memref<1x128xi32, #tpu.memory_space<vmem>>
    %dma_start3A_167 = tpu.memref_squeeze %dma_start3A_166 : memref<1x128xi32, #tpu.memory_space<vmem>> -> memref<128xi32, #tpu.memory_space<vmem>>
    %dma_start3A_168 = arith.constant 0 : i32
    %dma_start3A_169 = arith.constant 0 : i32
    %dma_start3A_170 = tpu.memref_slice %arg7[%dma_start3A_168, %dma_start3A_169] : memref<10240x16xf32, #tpu.memory_space<vmem_shared>> -> memref<10240x16xf32, #tpu.memory_space<vmem_shared>>
    tpu.enqueue_indirect_dma source(%dma_start3A_170 : memref<10240x16xf32, #tpu.memory_space<vmem_shared>>) target(%dma_start3A_164 : memref<128x16xf32, #tpu.memory_space<vmem>>) offsets(%dma_start3A_167 : memref<128xi32, #tpu.memory_space<vmem>>) semaphore(%arg14 : memref<!tpu.dma_semaphore, #tpu.memory_space<semaphore_mem>>)
    %dma_start3A_171 = arith.constant 13 : i32
    %dma_start3A_172 = arith.constant 640 : i32
    %dma_start3A_173 = arith.constant 0 : i32
    %dma_start3A_174 = tpu.memref_slice %arg11[%dma_start3A_172, %dma_start3A_173] : memref<1024x16xf32, #tpu.memory_space<vmem>> -> memref<128x16xf32, #tpu.memory_space<vmem>>
    %dma_start3A_175 = arith.constant 0 : i32
    %dma_start3A_176 = tpu.memref_slice %arg8[%dma_start3A_171, %dma_start3A_175] : memref<96x128xi32, #tpu.memory_space<vmem>> -> memref<1x128xi32, #tpu.memory_space<vmem>>
    %dma_start3A_177 = tpu.memref_squeeze %dma_start3A_176 : memref<1x128xi32, #tpu.memory_space<vmem>> -> memref<128xi32, #tpu.memory_space<vmem>>
    %dma_start3A_178 = arith.constant 0 : i32
    %dma_start3A_179 = arith.constant 0 : i32
    %dma_start3A_180 = tpu.memref_slice %arg7[%dma_start3A_178, %dma_start3A_179] : memref<10240x16xf32, #tpu.memory_space<vmem_shared>> -> memref<10240x16xf32, #tpu.memory_space<vmem_shared>>
    tpu.enqueue_indirect_dma source(%dma_start3A_180 : memref<10240x16xf32, #tpu.memory_space<vmem_shared>>) target(%dma_start3A_174 : memref<128x16xf32, #tpu.memory_space<vmem>>) offsets(%dma_start3A_177 : memref<128xi32, #tpu.memory_space<vmem>>) semaphore(%arg14 : memref<!tpu.dma_semaphore, #tpu.memory_space<semaphore_mem>>)
    %dma_start3A_181 = arith.constant 14 : i32
    %dma_start3A_182 = arith.constant 768 : i32
    %dma_start3A_183 = arith.constant 0 : i32
    %dma_start3A_184 = tpu.memref_slice %arg11[%dma_start3A_182, %dma_start3A_183] : memref<1024x16xf32, #tpu.memory_space<vmem>> -> memref<128x16xf32, #tpu.memory_space<vmem>>
    %dma_start3A_185 = arith.constant 0 : i32
    %dma_start3A_186 = tpu.memref_slice %arg8[%dma_start3A_181, %dma_start3A_185] : memref<96x128xi32, #tpu.memory_space<vmem>> -> memref<1x128xi32, #tpu.memory_space<vmem>>
    %dma_start3A_187 = tpu.memref_squeeze %dma_start3A_186 : memref<1x128xi32, #tpu.memory_space<vmem>> -> memref<128xi32, #tpu.memory_space<vmem>>
    %dma_start3A_188 = arith.constant 0 : i32
    %dma_start3A_189 = arith.constant 0 : i32
    %dma_start3A_190 = tpu.memref_slice %arg7[%dma_start3A_188, %dma_start3A_189] : memref<10240x16xf32, #tpu.memory_space<vmem_shared>> -> memref<10240x16xf32, #tpu.memory_space<vmem_shared>>
    tpu.enqueue_indirect_dma source(%dma_start3A_190 : memref<10240x16xf32, #tpu.memory_space<vmem_shared>>) target(%dma_start3A_184 : memref<128x16xf32, #tpu.memory_space<vmem>>) offsets(%dma_start3A_187 : memref<128xi32, #tpu.memory_space<vmem>>) semaphore(%arg14 : memref<!tpu.dma_semaphore, #tpu.memory_space<semaphore_mem>>)
    %dma_start3A_191 = arith.constant 15 : i32
    %dma_start3A_192 = arith.constant 896 : i32
    %dma_start3A_193 = arith.constant 0 : i32
    %dma_start3A_194 = tpu.memref_slice %arg11[%dma_start3A_192, %dma_start3A_193] : memref<1024x16xf32, #tpu.memory_space<vmem>> -> memref<128x16xf32, #tpu.memory_space<vmem>>
    %dma_start3A_195 = arith.constant 0 : i32
    %dma_start3A_196 = tpu.memref_slice %arg8[%dma_start3A_191, %dma_start3A_195] : memref<96x128xi32, #tpu.memory_space<vmem>> -> memref<1x128xi32, #tpu.memory_space<vmem>>
    %dma_start3A_197 = tpu.memref_squeeze %dma_start3A_196 : memref<1x128xi32, #tpu.memory_space<vmem>> -> memref<128xi32, #tpu.memory_space<vmem>>
    %dma_start3A_198 = arith.constant 0 : i32
    %dma_start3A_199 = arith.constant 0 : i32
    %dma_start3A_200 = tpu.memref_slice %arg7[%dma_start3A_198, %dma_start3A_199] : memref<10240x16xf32, #tpu.memory_space<vmem_shared>> -> memref<10240x16xf32, #tpu.memory_space<vmem_shared>>
    tpu.enqueue_indirect_dma source(%dma_start3A_200 : memref<10240x16xf32, #tpu.memory_space<vmem_shared>>) target(%dma_start3A_194 : memref<128x16xf32, #tpu.memory_space<vmem>>) offsets(%dma_start3A_197 : memref<128xi32, #tpu.memory_space<vmem>>) semaphore(%arg14 : memref<!tpu.dma_semaphore, #tpu.memory_space<semaphore_mem>>)
    %dma_wait3A = arith.constant 0 : i32
    %dma_wait3A_201 = arith.constant 0 : i32
    %dma_wait3A_202 = tpu.memref_slice %arg6[%dma_wait3A, %dma_wait3A_201] : memref<10240x16xf32, #tpu.memory_space<vmem_shared>> -> memref<1024x16xf32, #tpu.memory_space<vmem_shared>>
    %dma_wait3A_203 = arith.constant 0 : i32
    %dma_wait3A_204 = arith.constant 0 : i32
    %dma_wait3A_205 = tpu.memref_slice %arg6[%dma_wait3A_203, %dma_wait3A_204] : memref<10240x16xf32, #tpu.memory_space<vmem_shared>> -> memref<1024x16xf32, #tpu.memory_space<vmem_shared>>
    tpu.wait_dma2 semaphore(%arg13 : memref<!tpu.dma_semaphore, #tpu.memory_space<semaphore_mem>>) src(%arg10 : memref<1024x16xf32, #tpu.memory_space<vmem>>) dst(%dma_wait3A_205 : memref<1024x16xf32, #tpu.memory_space<vmem_shared>>)
    %dma_start3A_206 = arith.constant 0 : i32
    %dma_start3A_207 = arith.constant 0 : i32
    %dma_start3A_208 = arith.constant 0 : i32
    %dma_start3A_209 = tpu.memref_slice %arg10[%dma_start3A_207, %dma_start3A_208] : memref<1024x16xf32, #tpu.memory_space<vmem>> -> memref<128x16xf32, #tpu.memory_space<vmem>>
    %dma_start3A_210 = arith.constant 0 : i32
    %dma_start3A_211 = tpu.memref_slice %arg9[%dma_start3A_206, %dma_start3A_210] : memref<96x128xi32, #tpu.memory_space<vmem>> -> memref<1x128xi32, #tpu.memory_space<vmem>>
    %dma_start3A_212 = tpu.memref_squeeze %dma_start3A_211 : memref<1x128xi32, #tpu.memory_space<vmem>> -> memref<128xi32, #tpu.memory_space<vmem>>
    %dma_start3A_213 = arith.constant 0 : i32
    %dma_start3A_214 = arith.constant 0 : i32
    %dma_start3A_215 = tpu.memref_slice %arg6[%dma_start3A_213, %dma_start3A_214] : memref<10240x16xf32, #tpu.memory_space<vmem_shared>> -> memref<10240x16xf32, #tpu.memory_space<vmem_shared>>
    tpu.enqueue_indirect_dma source(%dma_start3A_209 : memref<128x16xf32, #tpu.memory_space<vmem>>) target(%dma_start3A_215 : memref<10240x16xf32, #tpu.memory_space<vmem_shared>>) offsets(%dma_start3A_212 : memref<128xi32, #tpu.memory_space<vmem>>) semaphore(%arg15 : memref<!tpu.dma_semaphore, #tpu.memory_space<semaphore_mem>>) {add = true}
    %dma_start3A_216 = arith.constant 1 : i32
    %dma_start3A_217 = arith.constant 128 : i32
    %dma_start3A_218 = arith.constant 0 : i32
    %dma_start3A_219 = tpu.memref_slice %arg10[%dma_start3A_217, %dma_start3A_218] : memref<1024x16xf32, #tpu.memory_space<vmem>> -> memref<128x16xf32, #tpu.memory_space<vmem>>
    %dma_start3A_220 = arith.constant 0 : i32
    %dma_start3A_221 = tpu.memref_slice %arg9[%dma_start3A_216, %dma_start3A_220] : memref<96x128xi32, #tpu.memory_space<vmem>> -> memref<1x128xi32, #tpu.memory_space<vmem>>
    %dma_start3A_222 = tpu.memref_squeeze %dma_start3A_221 : memref<1x128xi32, #tpu.memory_space<vmem>> -> memref<128xi32, #tpu.memory_space<vmem>>
    %dma_start3A_223 = arith.constant 0 : i32
    %dma_start3A_224 = arith.constant 0 : i32
    %dma_start3A_225 = tpu.memref_slice %arg6[%dma_start3A_223, %dma_start3A_224] : memref<10240x16xf32, #tpu.memory_space<vmem_shared>> -> memref<10240x16xf32, #tpu.memory_space<vmem_shared>>
    tpu.enqueue_indirect_dma source(%dma_start3A_219 : memref<128x16xf32, #tpu.memory_space<vmem>>) target(%dma_start3A_225 : memref<10240x16xf32, #tpu.memory_space<vmem_shared>>) offsets(%dma_start3A_222 : memref<128xi32, #tpu.memory_space<vmem>>) semaphore(%arg15 : memref<!tpu.dma_semaphore, #tpu.memory_space<semaphore_mem>>) {add = true}
    %dma_start3A_226 = arith.constant 2 : i32
    %dma_start3A_227 = arith.constant 256 : i32
    %dma_start3A_228 = arith.constant 0 : i32
    %dma_start3A_229 = tpu.memref_slice %arg10[%dma_start3A_227, %dma_start3A_228] : memref<1024x16xf32, #tpu.memory_space<vmem>> -> memref<128x16xf32, #tpu.memory_space<vmem>>
    %dma_start3A_230 = arith.constant 0 : i32
    %dma_start3A_231 = tpu.memref_slice %arg9[%dma_start3A_226, %dma_start3A_230] : memref<96x128xi32, #tpu.memory_space<vmem>> -> memref<1x128xi32, #tpu.memory_space<vmem>>
    %dma_start3A_232 = tpu.memref_squeeze %dma_start3A_231 : memref<1x128xi32, #tpu.memory_space<vmem>> -> memref<128xi32, #tpu.memory_space<vmem>>
    %dma_start3A_233 = arith.constant 0 : i32
    %dma_start3A_234 = arith.constant 0 : i32
    %dma_start3A_235 = tpu.memref_slice %arg6[%dma_start3A_233, %dma_start3A_234] : memref<10240x16xf32, #tpu.memory_space<vmem_shared>> -> memref<10240x16xf32, #tpu.memory_space<vmem_shared>>
    tpu.enqueue_indirect_dma source(%dma_start3A_229 : memref<128x16xf32, #tpu.memory_space<vmem>>) target(%dma_start3A_235 : memref<10240x16xf32, #tpu.memory_space<vmem_shared>>) offsets(%dma_start3A_232 : memref<128xi32, #tpu.memory_space<vmem>>) semaphore(%arg15 : memref<!tpu.dma_semaphore, #tpu.memory_space<semaphore_mem>>) {add = true}
    %dma_start3A_236 = arith.constant 3 : i32
    %dma_start3A_237 = arith.constant 384 : i32
    %dma_start3A_238 = arith.constant 0 : i32
    %dma_start3A_239 = tpu.memref_slice %arg10[%dma_start3A_237, %dma_start3A_238] : memref<1024x16xf32, #tpu.memory_space<vmem>> -> memref<128x16xf32, #tpu.memory_space<vmem>>
    %dma_start3A_240 = arith.constant 0 : i32
    %dma_start3A_241 = tpu.memref_slice %arg9[%dma_start3A_236, %dma_start3A_240] : memref<96x128xi32, #tpu.memory_space<vmem>> -> memref<1x128xi32, #tpu.memory_space<vmem>>
    %dma_start3A_242 = tpu.memref_squeeze %dma_start3A_241 : memref<1x128xi32, #tpu.memory_space<vmem>> -> memref<128xi32, #tpu.memory_space<vmem>>
    %dma_start3A_243 = arith.constant 0 : i32
    %dma_start3A_244 = arith.constant 0 : i32
    %dma_start3A_245 = tpu.memref_slice %arg6[%dma_start3A_243, %dma_start3A_244] : memref<10240x16xf32, #tpu.memory_space<vmem_shared>> -> memref<10240x16xf32, #tpu.memory_space<vmem_shared>>
    tpu.enqueue_indirect_dma source(%dma_start3A_239 : memref<128x16xf32, #tpu.memory_space<vmem>>) target(%dma_start3A_245 : memref<10240x16xf32, #tpu.memory_space<vmem_shared>>) offsets(%dma_start3A_242 : memref<128xi32, #tpu.memory_space<vmem>>) semaphore(%arg15 : memref<!tpu.dma_semaphore, #tpu.memory_space<semaphore_mem>>) {add = true}
    %dma_start3A_246 = arith.constant 4 : i32
    %dma_start3A_247 = arith.constant 512 : i32
    %dma_start3A_248 = arith.constant 0 : i32
    %dma_start3A_249 = tpu.memref_slice %arg10[%dma_start3A_247, %dma_start3A_248] : memref<1024x16xf32, #tpu.memory_space<vmem>> -> memref<128x16xf32, #tpu.memory_space<vmem>>
    %dma_start3A_250 = arith.constant 0 : i32
    %dma_start3A_251 = tpu.memref_slice %arg9[%dma_start3A_246, %dma_start3A_250] : memref<96x128xi32, #tpu.memory_space<vmem>> -> memref<1x128xi32, #tpu.memory_space<vmem>>
    %dma_start3A_252 = tpu.memref_squeeze %dma_start3A_251 : memref<1x128xi32, #tpu.memory_space<vmem>> -> memref<128xi32, #tpu.memory_space<vmem>>
    %dma_start3A_253 = arith.constant 0 : i32
    %dma_start3A_254 = arith.constant 0 : i32
    %dma_start3A_255 = tpu.memref_slice %arg6[%dma_start3A_253, %dma_start3A_254] : memref<10240x16xf32, #tpu.memory_space<vmem_shared>> -> memref<10240x16xf32, #tpu.memory_space<vmem_shared>>
    tpu.enqueue_indirect_dma source(%dma_start3A_249 : memref<128x16xf32, #tpu.memory_space<vmem>>) target(%dma_start3A_255 : memref<10240x16xf32, #tpu.memory_space<vmem_shared>>) offsets(%dma_start3A_252 : memref<128xi32, #tpu.memory_space<vmem>>) semaphore(%arg15 : memref<!tpu.dma_semaphore, #tpu.memory_space<semaphore_mem>>) {add = true}
    %dma_start3A_256 = arith.constant 5 : i32
    %dma_start3A_257 = arith.constant 640 : i32
    %dma_start3A_258 = arith.constant 0 : i32
    %dma_start3A_259 = tpu.memref_slice %arg10[%dma_start3A_257, %dma_start3A_258] : memref<1024x16xf32, #tpu.memory_space<vmem>> -> memref<128x16xf32, #tpu.memory_space<vmem>>
    %dma_start3A_260 = arith.constant 0 : i32
    %dma_start3A_261 = tpu.memref_slice %arg9[%dma_start3A_256, %dma_start3A_260] : memref<96x128xi32, #tpu.memory_space<vmem>> -> memref<1x128xi32, #tpu.memory_space<vmem>>
    %dma_start3A_262 = tpu.memref_squeeze %dma_start3A_261 : memref<1x128xi32, #tpu.memory_space<vmem>> -> memref<128xi32, #tpu.memory_space<vmem>>
    %dma_start3A_263 = arith.constant 0 : i32
    %dma_start3A_264 = arith.constant 0 : i32
    %dma_start3A_265 = tpu.memref_slice %arg6[%dma_start3A_263, %dma_start3A_264] : memref<10240x16xf32, #tpu.memory_space<vmem_shared>> -> memref<10240x16xf32, #tpu.memory_space<vmem_shared>>
    tpu.enqueue_indirect_dma source(%dma_start3A_259 : memref<128x16xf32, #tpu.memory_space<vmem>>) target(%dma_start3A_265 : memref<10240x16xf32, #tpu.memory_space<vmem_shared>>) offsets(%dma_start3A_262 : memref<128xi32, #tpu.memory_space<vmem>>) semaphore(%arg15 : memref<!tpu.dma_semaphore, #tpu.memory_space<semaphore_mem>>) {add = true}
    %dma_start3A_266 = arith.constant 6 : i32
    %dma_start3A_267 = arith.constant 768 : i32
    %dma_start3A_268 = arith.constant 0 : i32
    %dma_start3A_269 = tpu.memref_slice %arg10[%dma_start3A_267, %dma_start3A_268] : memref<1024x16xf32, #tpu.memory_space<vmem>> -> memref<128x16xf32, #tpu.memory_space<vmem>>
    %dma_start3A_270 = arith.constant 0 : i32
    %dma_start3A_271 = tpu.memref_slice %arg9[%dma_start3A_266, %dma_start3A_270] : memref<96x128xi32, #tpu.memory_space<vmem>> -> memref<1x128xi32, #tpu.memory_space<vmem>>
    %dma_start3A_272 = tpu.memref_squeeze %dma_start3A_271 : memref<1x128xi32, #tpu.memory_space<vmem>> -> memref<128xi32, #tpu.memory_space<vmem>>
    %dma_start3A_273 = arith.constant 0 : i32
    %dma_start3A_274 = arith.constant 0 : i32
    %dma_start3A_275 = tpu.memref_slice %arg6[%dma_start3A_273, %dma_start3A_274] : memref<10240x16xf32, #tpu.memory_space<vmem_shared>> -> memref<10240x16xf32, #tpu.memory_space<vmem_shared>>
    tpu.enqueue_indirect_dma source(%dma_start3A_269 : memref<128x16xf32, #tpu.memory_space<vmem>>) target(%dma_start3A_275 : memref<10240x16xf32, #tpu.memory_space<vmem_shared>>) offsets(%dma_start3A_272 : memref<128xi32, #tpu.memory_space<vmem>>) semaphore(%arg15 : memref<!tpu.dma_semaphore, #tpu.memory_space<semaphore_mem>>) {add = true}
    %dma_start3A_276 = arith.constant 7 : i32
    %dma_start3A_277 = arith.constant 896 : i32
    %dma_start3A_278 = arith.constant 0 : i32
    %dma_start3A_279 = tpu.memref_slice %arg10[%dma_start3A_277, %dma_start3A_278] : memref<1024x16xf32, #tpu.memory_space<vmem>> -> memref<128x16xf32, #tpu.memory_space<vmem>>
    %dma_start3A_280 = arith.constant 0 : i32
    %dma_start3A_281 = tpu.memref_slice %arg9[%dma_start3A_276, %dma_start3A_280] : memref<96x128xi32, #tpu.memory_space<vmem>> -> memref<1x128xi32, #tpu.memory_space<vmem>>
    %dma_start3A_282 = tpu.memref_squeeze %dma_start3A_281 : memref<1x128xi32, #tpu.memory_space<vmem>> -> memref<128xi32, #tpu.memory_space<vmem>>
    %dma_start3A_283 = arith.constant 0 : i32
    %dma_start3A_284 = arith.constant 0 : i32
    %dma_start3A_285 = tpu.memref_slice %arg6[%dma_start3A_283, %dma_start3A_284] : memref<10240x16xf32, #tpu.memory_space<vmem_shared>> -> memref<10240x16xf32, #tpu.memory_space<vmem_shared>>
    tpu.enqueue_indirect_dma source(%dma_start3A_279 : memref<128x16xf32, #tpu.memory_space<vmem>>) target(%dma_start3A_285 : memref<10240x16xf32, #tpu.memory_space<vmem_shared>>) offsets(%dma_start3A_282 : memref<128xi32, #tpu.memory_space<vmem>>) semaphore(%arg15 : memref<!tpu.dma_semaphore, #tpu.memory_space<semaphore_mem>>) {add = true}
    %jit3A_286 = arith.constant 2 : i32
    %div3A = arith.divsi %select_n3A, %jit3A_286 : i32
    %sign3A = arith.constant 0 : i32
    %sign3A_287 = arith.cmpi sgt, %select_n3A, %sign3A : i32
    %sign3A_288 = arith.extui %sign3A_287 : i1 to i32
    %sign3A_289 = arith.constant 0 : i32
    %sign3A_290 = arith.cmpi slt, %select_n3A, %sign3A_289 : i32
    %sign3A_291 = arith.extui %sign3A_290 : i1 to i32
    %sign3A_292 = arith.subi %sign3A_288, %sign3A_291 : i32
    %sign3A_293 = arith.constant 0 : i32
    %sign3A_294 = arith.cmpi sgt, %jit3A_286, %sign3A_293 : i32
    %sign3A_295 = arith.extui %sign3A_294 : i1 to i32
    %sign3A_296 = arith.constant 0 : i32
    %sign3A_297 = arith.cmpi slt, %jit3A_286, %sign3A_296 : i32
    %sign3A_298 = arith.extui %sign3A_297 : i1 to i32
    %sign3A_299 = arith.subi %sign3A_295, %sign3A_298 : i32
    %ne3A_300 = arith.cmpi ne, %sign3A_292, %sign3A_299 : i32
    %rem3A = arith.remsi %select_n3A, %jit3A_286 : i32
    %ne3A_301 = arith.constant 0 : i32
    %ne3A_302 = arith.cmpi ne, %rem3A, %ne3A_301 : i32
    %and3A = arith.andi %ne3A_300, %ne3A_302 : i1
    %sub3A = arith.constant 1 : i32
    %sub3A_303 = arith.subi %div3A, %sub3A : i32
    %select_n3A_304 = arith.select %and3A, %sub3A_303, %div3A : i32
    %sub3A_305 = arith.constant 1 : i32
    %sub3A_306 = arith.subi %select_n3A_304, %sub3A_305 : i32
    %while3A = arith.constant 0 : i32
    %while3A_307 = arith.constant 0 : i32
    %while3A_308 = arith.subi %sub3A_306, %while3A : i32
    %while3A_309 = arith.addi %while3A, %while3A_308 : i32
    %while3A_310 = arith.constant 1 : i32
    %while3A_311 = arith.divsi %while3A_308, %while3A_310 : i32
    %while3A_312 = arith.muli %while3A_311, %while3A_310 : i32
    %while3A_313 = arith.addi %while3A, %while3A_312 : i32
    %while3A_314 = arith.constant 1 : i32
    %while3A_315 = scf.for %while3A_446 = %while3A to %while3A_313 step %while3A_314 iter_args(%while3A_447 = %while3A_307) -> (i32)  : i32 {
      %mul3A_448 = arith.constant 2 : i32
      %mul3A_449 = arith.muli %mul3A_448, %while3A_446 : i32
      %add3A_450 = arith.constant 1 : i32
      %add3A_451 = arith.addi %mul3A_449, %add3A_450 : i32
      %dma_wait3A_452 = arith.constant 0 : i32
      %dma_wait3A_453 = arith.constant 0 : i32
      %dma_wait3A_454 = tpu.memref_slice %arg6[%dma_wait3A_452, %dma_wait3A_453] : memref<10240x16xf32, #tpu.memory_space<vmem_shared>> -> memref<1024x16xf32, #tpu.memory_space<vmem_shared>>
      %dma_wait3A_455 = arith.constant 0 : i32
      %dma_wait3A_456 = arith.constant 0 : i32
      %dma_wait3A_457 = tpu.memref_slice %arg6[%dma_wait3A_455, %dma_wait3A_456] : memref<10240x16xf32, #tpu.memory_space<vmem_shared>> -> memref<1024x16xf32, #tpu.memory_space<vmem_shared>>
      tpu.wait_dma2 semaphore(%arg15 : memref<!tpu.dma_semaphore, #tpu.memory_space<semaphore_mem>>) src(%arg10 : memref<1024x16xf32, #tpu.memory_space<vmem>>) dst(%dma_wait3A_457 : memref<1024x16xf32, #tpu.memory_space<vmem_shared>>)
      %add3A_458 = arith.constant 1 : i32
      %add3A_459 = arith.addi %add3A_451, %add3A_458 : i32
      %mul3A_460 = arith.constant 8 : i32
      %mul3A_461 = arith.muli %add3A_459, %mul3A_460 : i32
      %add3A_462 = arith.constant 0 : i32
      %add3A_463 = arith.addi %mul3A_461, %add3A_462 : i32
      %dma_start3A_464 = arith.constant 0 : i32
      %dma_start3A_465 = arith.constant 0 : i32
      %dma_start3A_466 = tpu.memref_slice %arg10[%dma_start3A_464, %dma_start3A_465] : memref<1024x16xf32, #tpu.memory_space<vmem>> -> memref<128x16xf32, #tpu.memory_space<vmem>>
      %dma_start3A_467 = arith.constant 0 : i32
      %dma_start3A_468 = tpu.memref_slice %arg8[%add3A_463, %dma_start3A_467] : memref<96x128xi32, #tpu.memory_space<vmem>> -> memref<1x128xi32, #tpu.memory_space<vmem>>
      %dma_start3A_469 = tpu.memref_squeeze %dma_start3A_468 : memref<1x128xi32, #tpu.memory_space<vmem>> -> memref<128xi32, #tpu.memory_space<vmem>>
      %dma_start3A_470 = arith.constant 0 : i32
      %dma_start3A_471 = arith.constant 0 : i32
      %dma_start3A_472 = tpu.memref_slice %arg7[%dma_start3A_470, %dma_start3A_471] : memref<10240x16xf32, #tpu.memory_space<vmem_shared>> -> memref<10240x16xf32, #tpu.memory_space<vmem_shared>>
      tpu.enqueue_indirect_dma source(%dma_start3A_472 : memref<10240x16xf32, #tpu.memory_space<vmem_shared>>) target(%dma_start3A_466 : memref<128x16xf32, #tpu.memory_space<vmem>>) offsets(%dma_start3A_469 : memref<128xi32, #tpu.memory_space<vmem>>) semaphore(%arg13 : memref<!tpu.dma_semaphore, #tpu.memory_space<semaphore_mem>>)
      %mul3A_473 = arith.constant 8 : i32
      %mul3A_474 = arith.muli %add3A_459, %mul3A_473 : i32
      %add3A_475 = arith.constant 1 : i32
      %add3A_476 = arith.addi %mul3A_474, %add3A_475 : i32
      %dma_start3A_477 = arith.constant 128 : i32
      %dma_start3A_478 = arith.constant 0 : i32
      %dma_start3A_479 = tpu.memref_slice %arg10[%dma_start3A_477, %dma_start3A_478] : memref<1024x16xf32, #tpu.memory_space<vmem>> -> memref<128x16xf32, #tpu.memory_space<vmem>>
      %dma_start3A_480 = arith.constant 0 : i32
      %dma_start3A_481 = tpu.memref_slice %arg8[%add3A_476, %dma_start3A_480] : memref<96x128xi32, #tpu.memory_space<vmem>> -> memref<1x128xi32, #tpu.memory_space<vmem>>
      %dma_start3A_482 = tpu.memref_squeeze %dma_start3A_481 : memref<1x128xi32, #tpu.memory_space<vmem>> -> memref<128xi32, #tpu.memory_space<vmem>>
      %dma_start3A_483 = arith.constant 0 : i32
      %dma_start3A_484 = arith.constant 0 : i32
      %dma_start3A_485 = tpu.memref_slice %arg7[%dma_start3A_483, %dma_start3A_484] : memref<10240x16xf32, #tpu.memory_space<vmem_shared>> -> memref<10240x16xf32, #tpu.memory_space<vmem_shared>>
      tpu.enqueue_indirect_dma source(%dma_start3A_485 : memref<10240x16xf32, #tpu.memory_space<vmem_shared>>) target(%dma_start3A_479 : memref<128x16xf32, #tpu.memory_space<vmem>>) offsets(%dma_start3A_482 : memref<128xi32, #tpu.memory_space<vmem>>) semaphore(%arg13 : memref<!tpu.dma_semaphore, #tpu.memory_space<semaphore_mem>>)
      %mul3A_486 = arith.constant 8 : i32
      %mul3A_487 = arith.muli %add3A_459, %mul3A_486 : i32
      %add3A_488 = arith.constant 2 : i32
      %add3A_489 = arith.addi %mul3A_487, %add3A_488 : i32
      %dma_start3A_490 = arith.constant 256 : i32
      %dma_start3A_491 = arith.constant 0 : i32
      %dma_start3A_492 = tpu.memref_slice %arg10[%dma_start3A_490, %dma_start3A_491] : memref<1024x16xf32, #tpu.memory_space<vmem>> -> memref<128x16xf32, #tpu.memory_space<vmem>>
      %dma_start3A_493 = arith.constant 0 : i32
      %dma_start3A_494 = tpu.memref_slice %arg8[%add3A_489, %dma_start3A_493] : memref<96x128xi32, #tpu.memory_space<vmem>> -> memref<1x128xi32, #tpu.memory_space<vmem>>
      %dma_start3A_495 = tpu.memref_squeeze %dma_start3A_494 : memref<1x128xi32, #tpu.memory_space<vmem>> -> memref<128xi32, #tpu.memory_space<vmem>>
      %dma_start3A_496 = arith.constant 0 : i32
      %dma_start3A_497 = arith.constant 0 : i32
      %dma_start3A_498 = tpu.memref_slice %arg7[%dma_start3A_496, %dma_start3A_497] : memref<10240x16xf32, #tpu.memory_space<vmem_shared>> -> memref<10240x16xf32, #tpu.memory_space<vmem_shared>>
      tpu.enqueue_indirect_dma source(%dma_start3A_498 : memref<10240x16xf32, #tpu.memory_space<vmem_shared>>) target(%dma_start3A_492 : memref<128x16xf32, #tpu.memory_space<vmem>>) offsets(%dma_start3A_495 : memref<128xi32, #tpu.memory_space<vmem>>) semaphore(%arg13 : memref<!tpu.dma_semaphore, #tpu.memory_space<semaphore_mem>>)
      %mul3A_499 = arith.constant 8 : i32
      %mul3A_500 = arith.muli %add3A_459, %mul3A_499 : i32
      %add3A_501 = arith.constant 3 : i32
      %add3A_502 = arith.addi %mul3A_500, %add3A_501 : i32
      %dma_start3A_503 = arith.constant 384 : i32
      %dma_start3A_504 = arith.constant 0 : i32
      %dma_start3A_505 = tpu.memref_slice %arg10[%dma_start3A_503, %dma_start3A_504] : memref<1024x16xf32, #tpu.memory_space<vmem>> -> memref<128x16xf32, #tpu.memory_space<vmem>>
      %dma_start3A_506 = arith.constant 0 : i32
      %dma_start3A_507 = tpu.memref_slice %arg8[%add3A_502, %dma_start3A_506] : memref<96x128xi32, #tpu.memory_space<vmem>> -> memref<1x128xi32, #tpu.memory_space<vmem>>
      %dma_start3A_508 = tpu.memref_squeeze %dma_start3A_507 : memref<1x128xi32, #tpu.memory_space<vmem>> -> memref<128xi32, #tpu.memory_space<vmem>>
      %dma_start3A_509 = arith.constant 0 : i32
      %dma_start3A_510 = arith.constant 0 : i32
      %dma_start3A_511 = tpu.memref_slice %arg7[%dma_start3A_509, %dma_start3A_510] : memref<10240x16xf32, #tpu.memory_space<vmem_shared>> -> memref<10240x16xf32, #tpu.memory_space<vmem_shared>>
      tpu.enqueue_indirect_dma source(%dma_start3A_511 : memref<10240x16xf32, #tpu.memory_space<vmem_shared>>) target(%dma_start3A_505 : memref<128x16xf32, #tpu.memory_space<vmem>>) offsets(%dma_start3A_508 : memref<128xi32, #tpu.memory_space<vmem>>) semaphore(%arg13 : memref<!tpu.dma_semaphore, #tpu.memory_space<semaphore_mem>>)
      %mul3A_512 = arith.constant 8 : i32
      %mul3A_513 = arith.muli %add3A_459, %mul3A_512 : i32
      %add3A_514 = arith.constant 4 : i32
      %add3A_515 = arith.addi %mul3A_513, %add3A_514 : i32
      %dma_start3A_516 = arith.constant 512 : i32
      %dma_start3A_517 = arith.constant 0 : i32
      %dma_start3A_518 = tpu.memref_slice %arg10[%dma_start3A_516, %dma_start3A_517] : memref<1024x16xf32, #tpu.memory_space<vmem>> -> memref<128x16xf32, #tpu.memory_space<vmem>>
      %dma_start3A_519 = arith.constant 0 : i32
      %dma_start3A_520 = tpu.memref_slice %arg8[%add3A_515, %dma_start3A_519] : memref<96x128xi32, #tpu.memory_space<vmem>> -> memref<1x128xi32, #tpu.memory_space<vmem>>
      %dma_start3A_521 = tpu.memref_squeeze %dma_start3A_520 : memref<1x128xi32, #tpu.memory_space<vmem>> -> memref<128xi32, #tpu.memory_space<vmem>>
      %dma_start3A_522 = arith.constant 0 : i32
      %dma_start3A_523 = arith.constant 0 : i32
      %dma_start3A_524 = tpu.memref_slice %arg7[%dma_start3A_522, %dma_start3A_523] : memref<10240x16xf32, #tpu.memory_space<vmem_shared>> -> memref<10240x16xf32, #tpu.memory_space<vmem_shared>>
      tpu.enqueue_indirect_dma source(%dma_start3A_524 : memref<10240x16xf32, #tpu.memory_space<vmem_shared>>) target(%dma_start3A_518 : memref<128x16xf32, #tpu.memory_space<vmem>>) offsets(%dma_start3A_521 : memref<128xi32, #tpu.memory_space<vmem>>) semaphore(%arg13 : memref<!tpu.dma_semaphore, #tpu.memory_space<semaphore_mem>>)
      %mul3A_525 = arith.constant 8 : i32
      %mul3A_526 = arith.muli %add3A_459, %mul3A_525 : i32
      %add3A_527 = arith.constant 5 : i32
      %add3A_528 = arith.addi %mul3A_526, %add3A_527 : i32
      %dma_start3A_529 = arith.constant 640 : i32
      %dma_start3A_530 = arith.constant 0 : i32
      %dma_start3A_531 = tpu.memref_slice %arg10[%dma_start3A_529, %dma_start3A_530] : memref<1024x16xf32, #tpu.memory_space<vmem>> -> memref<128x16xf32, #tpu.memory_space<vmem>>
      %dma_start3A_532 = arith.constant 0 : i32
      %dma_start3A_533 = tpu.memref_slice %arg8[%add3A_528, %dma_start3A_532] : memref<96x128xi32, #tpu.memory_space<vmem>> -> memref<1x128xi32, #tpu.memory_space<vmem>>
      %dma_start3A_534 = tpu.memref_squeeze %dma_start3A_533 : memref<1x128xi32, #tpu.memory_space<vmem>> -> memref<128xi32, #tpu.memory_space<vmem>>
      %dma_start3A_535 = arith.constant 0 : i32
      %dma_start3A_536 = arith.constant 0 : i32
      %dma_start3A_537 = tpu.memref_slice %arg7[%dma_start3A_535, %dma_start3A_536] : memref<10240x16xf32, #tpu.memory_space<vmem_shared>> -> memref<10240x16xf32, #tpu.memory_space<vmem_shared>>
      tpu.enqueue_indirect_dma source(%dma_start3A_537 : memref<10240x16xf32, #tpu.memory_space<vmem_shared>>) target(%dma_start3A_531 : memref<128x16xf32, #tpu.memory_space<vmem>>) offsets(%dma_start3A_534 : memref<128xi32, #tpu.memory_space<vmem>>) semaphore(%arg13 : memref<!tpu.dma_semaphore, #tpu.memory_space<semaphore_mem>>)
      %mul3A_538 = arith.constant 8 : i32
      %mul3A_539 = arith.muli %add3A_459, %mul3A_538 : i32
      %add3A_540 = arith.constant 6 : i32
      %add3A_541 = arith.addi %mul3A_539, %add3A_540 : i32
      %dma_start3A_542 = arith.constant 768 : i32
      %dma_start3A_543 = arith.constant 0 : i32
      %dma_start3A_544 = tpu.memref_slice %arg10[%dma_start3A_542, %dma_start3A_543] : memref<1024x16xf32, #tpu.memory_space<vmem>> -> memref<128x16xf32, #tpu.memory_space<vmem>>
      %dma_start3A_545 = arith.constant 0 : i32
      %dma_start3A_546 = tpu.memref_slice %arg8[%add3A_541, %dma_start3A_545] : memref<96x128xi32, #tpu.memory_space<vmem>> -> memref<1x128xi32, #tpu.memory_space<vmem>>
      %dma_start3A_547 = tpu.memref_squeeze %dma_start3A_546 : memref<1x128xi32, #tpu.memory_space<vmem>> -> memref<128xi32, #tpu.memory_space<vmem>>
      %dma_start3A_548 = arith.constant 0 : i32
      %dma_start3A_549 = arith.constant 0 : i32
      %dma_start3A_550 = tpu.memref_slice %arg7[%dma_start3A_548, %dma_start3A_549] : memref<10240x16xf32, #tpu.memory_space<vmem_shared>> -> memref<10240x16xf32, #tpu.memory_space<vmem_shared>>
      tpu.enqueue_indirect_dma source(%dma_start3A_550 : memref<10240x16xf32, #tpu.memory_space<vmem_shared>>) target(%dma_start3A_544 : memref<128x16xf32, #tpu.memory_space<vmem>>) offsets(%dma_start3A_547 : memref<128xi32, #tpu.memory_space<vmem>>) semaphore(%arg13 : memref<!tpu.dma_semaphore, #tpu.memory_space<semaphore_mem>>)
      %mul3A_551 = arith.constant 8 : i32
      %mul3A_552 = arith.muli %add3A_459, %mul3A_551 : i32
      %add3A_553 = arith.constant 7 : i32
      %add3A_554 = arith.addi %mul3A_552, %add3A_553 : i32
      %dma_start3A_555 = arith.constant 896 : i32
      %dma_start3A_556 = arith.constant 0 : i32
      %dma_start3A_557 = tpu.memref_slice %arg10[%dma_start3A_555, %dma_start3A_556] : memref<1024x16xf32, #tpu.memory_space<vmem>> -> memref<128x16xf32, #tpu.memory_space<vmem>>
      %dma_start3A_558 = arith.constant 0 : i32
      %dma_start3A_559 = tpu.memref_slice %arg8[%add3A_554, %dma_start3A_558] : memref<96x128xi32, #tpu.memory_space<vmem>> -> memref<1x128xi32, #tpu.memory_space<vmem>>
      %dma_start3A_560 = tpu.memref_squeeze %dma_start3A_559 : memref<1x128xi32, #tpu.memory_space<vmem>> -> memref<128xi32, #tpu.memory_space<vmem>>
      %dma_start3A_561 = arith.constant 0 : i32
      %dma_start3A_562 = arith.constant 0 : i32
      %dma_start3A_563 = tpu.memref_slice %arg7[%dma_start3A_561, %dma_start3A_562] : memref<10240x16xf32, #tpu.memory_space<vmem_shared>> -> memref<10240x16xf32, #tpu.memory_space<vmem_shared>>
      tpu.enqueue_indirect_dma source(%dma_start3A_563 : memref<10240x16xf32, #tpu.memory_space<vmem_shared>>) target(%dma_start3A_557 : memref<128x16xf32, #tpu.memory_space<vmem>>) offsets(%dma_start3A_560 : memref<128xi32, #tpu.memory_space<vmem>>) semaphore(%arg13 : memref<!tpu.dma_semaphore, #tpu.memory_space<semaphore_mem>>)
      %dma_wait3A_564 = arith.constant 0 : i32
      %dma_wait3A_565 = arith.constant 0 : i32
      %dma_wait3A_566 = tpu.memref_slice %arg6[%dma_wait3A_564, %dma_wait3A_565] : memref<10240x16xf32, #tpu.memory_space<vmem_shared>> -> memref<1024x16xf32, #tpu.memory_space<vmem_shared>>
      %dma_wait3A_567 = arith.constant 0 : i32
      %dma_wait3A_568 = arith.constant 0 : i32
      %dma_wait3A_569 = tpu.memref_slice %arg6[%dma_wait3A_567, %dma_wait3A_568] : memref<10240x16xf32, #tpu.memory_space<vmem_shared>> -> memref<1024x16xf32, #tpu.memory_space<vmem_shared>>
      tpu.wait_dma2 semaphore(%arg14 : memref<!tpu.dma_semaphore, #tpu.memory_space<semaphore_mem>>) src(%arg11 : memref<1024x16xf32, #tpu.memory_space<vmem>>) dst(%dma_wait3A_569 : memref<1024x16xf32, #tpu.memory_space<vmem_shared>>)
      %mul3A_570 = arith.constant 8 : i32
      %mul3A_571 = arith.muli %add3A_451, %mul3A_570 : i32
      %add3A_572 = arith.constant 0 : i32
      %add3A_573 = arith.addi %mul3A_571, %add3A_572 : i32
      %dma_start3A_574 = arith.constant 0 : i32
      %dma_start3A_575 = arith.constant 0 : i32
      %dma_start3A_576 = tpu.memref_slice %arg11[%dma_start3A_574, %dma_start3A_575] : memref<1024x16xf32, #tpu.memory_space<vmem>> -> memref<128x16xf32, #tpu.memory_space<vmem>>
      %dma_start3A_577 = arith.constant 0 : i32
      %dma_start3A_578 = tpu.memref_slice %arg9[%add3A_573, %dma_start3A_577] : memref<96x128xi32, #tpu.memory_space<vmem>> -> memref<1x128xi32, #tpu.memory_space<vmem>>
      %dma_start3A_579 = tpu.memref_squeeze %dma_start3A_578 : memref<1x128xi32, #tpu.memory_space<vmem>> -> memref<128xi32, #tpu.memory_space<vmem>>
      %dma_start3A_580 = arith.constant 0 : i32
      %dma_start3A_581 = arith.constant 0 : i32
      %dma_start3A_582 = tpu.memref_slice %arg6[%dma_start3A_580, %dma_start3A_581] : memref<10240x16xf32, #tpu.memory_space<vmem_shared>> -> memref<10240x16xf32, #tpu.memory_space<vmem_shared>>
      tpu.enqueue_indirect_dma source(%dma_start3A_576 : memref<128x16xf32, #tpu.memory_space<vmem>>) target(%dma_start3A_582 : memref<10240x16xf32, #tpu.memory_space<vmem_shared>>) offsets(%dma_start3A_579 : memref<128xi32, #tpu.memory_space<vmem>>) semaphore(%arg16 : memref<!tpu.dma_semaphore, #tpu.memory_space<semaphore_mem>>) {add = true}
      %mul3A_583 = arith.constant 8 : i32
      %mul3A_584 = arith.muli %add3A_451, %mul3A_583 : i32
      %add3A_585 = arith.constant 1 : i32
      %add3A_586 = arith.addi %mul3A_584, %add3A_585 : i32
      %dma_start3A_587 = arith.constant 128 : i32
      %dma_start3A_588 = arith.constant 0 : i32
      %dma_start3A_589 = tpu.memref_slice %arg11[%dma_start3A_587, %dma_start3A_588] : memref<1024x16xf32, #tpu.memory_space<vmem>> -> memref<128x16xf32, #tpu.memory_space<vmem>>
      %dma_start3A_590 = arith.constant 0 : i32
      %dma_start3A_591 = tpu.memref_slice %arg9[%add3A_586, %dma_start3A_590] : memref<96x128xi32, #tpu.memory_space<vmem>> -> memref<1x128xi32, #tpu.memory_space<vmem>>
      %dma_start3A_592 = tpu.memref_squeeze %dma_start3A_591 : memref<1x128xi32, #tpu.memory_space<vmem>> -> memref<128xi32, #tpu.memory_space<vmem>>
      %dma_start3A_593 = arith.constant 0 : i32
      %dma_start3A_594 = arith.constant 0 : i32
      %dma_start3A_595 = tpu.memref_slice %arg6[%dma_start3A_593, %dma_start3A_594] : memref<10240x16xf32, #tpu.memory_space<vmem_shared>> -> memref<10240x16xf32, #tpu.memory_space<vmem_shared>>
      tpu.enqueue_indirect_dma source(%dma_start3A_589 : memref<128x16xf32, #tpu.memory_space<vmem>>) target(%dma_start3A_595 : memref<10240x16xf32, #tpu.memory_space<vmem_shared>>) offsets(%dma_start3A_592 : memref<128xi32, #tpu.memory_space<vmem>>) semaphore(%arg16 : memref<!tpu.dma_semaphore, #tpu.memory_space<semaphore_mem>>) {add = true}
      %mul3A_596 = arith.constant 8 : i32
      %mul3A_597 = arith.muli %add3A_451, %mul3A_596 : i32
      %add3A_598 = arith.constant 2 : i32
      %add3A_599 = arith.addi %mul3A_597, %add3A_598 : i32
      %dma_start3A_600 = arith.constant 256 : i32
      %dma_start3A_601 = arith.constant 0 : i32
      %dma_start3A_602 = tpu.memref_slice %arg11[%dma_start3A_600, %dma_start3A_601] : memref<1024x16xf32, #tpu.memory_space<vmem>> -> memref<128x16xf32, #tpu.memory_space<vmem>>
      %dma_start3A_603 = arith.constant 0 : i32
      %dma_start3A_604 = tpu.memref_slice %arg9[%add3A_599, %dma_start3A_603] : memref<96x128xi32, #tpu.memory_space<vmem>> -> memref<1x128xi32, #tpu.memory_space<vmem>>
      %dma_start3A_605 = tpu.memref_squeeze %dma_start3A_604 : memref<1x128xi32, #tpu.memory_space<vmem>> -> memref<128xi32, #tpu.memory_space<vmem>>
      %dma_start3A_606 = arith.constant 0 : i32
      %dma_start3A_607 = arith.constant 0 : i32
      %dma_start3A_608 = tpu.memref_slice %arg6[%dma_start3A_606, %dma_start3A_607] : memref<10240x16xf32, #tpu.memory_space<vmem_shared>> -> memref<10240x16xf32, #tpu.memory_space<vmem_shared>>
      tpu.enqueue_indirect_dma source(%dma_start3A_602 : memref<128x16xf32, #tpu.memory_space<vmem>>) target(%dma_start3A_608 : memref<10240x16xf32, #tpu.memory_space<vmem_shared>>) offsets(%dma_start3A_605 : memref<128xi32, #tpu.memory_space<vmem>>) semaphore(%arg16 : memref<!tpu.dma_semaphore, #tpu.memory_space<semaphore_mem>>) {add = true}
      %mul3A_609 = arith.constant 8 : i32
      %mul3A_610 = arith.muli %add3A_451, %mul3A_609 : i32
      %add3A_611 = arith.constant 3 : i32
      %add3A_612 = arith.addi %mul3A_610, %add3A_611 : i32
      %dma_start3A_613 = arith.constant 384 : i32
      %dma_start3A_614 = arith.constant 0 : i32
      %dma_start3A_615 = tpu.memref_slice %arg11[%dma_start3A_613, %dma_start3A_614] : memref<1024x16xf32, #tpu.memory_space<vmem>> -> memref<128x16xf32, #tpu.memory_space<vmem>>
      %dma_start3A_616 = arith.constant 0 : i32
      %dma_start3A_617 = tpu.memref_slice %arg9[%add3A_612, %dma_start3A_616] : memref<96x128xi32, #tpu.memory_space<vmem>> -> memref<1x128xi32, #tpu.memory_space<vmem>>
      %dma_start3A_618 = tpu.memref_squeeze %dma_start3A_617 : memref<1x128xi32, #tpu.memory_space<vmem>> -> memref<128xi32, #tpu.memory_space<vmem>>
      %dma_start3A_619 = arith.constant 0 : i32
      %dma_start3A_620 = arith.constant 0 : i32
      %dma_start3A_621 = tpu.memref_slice %arg6[%dma_start3A_619, %dma_start3A_620] : memref<10240x16xf32, #tpu.memory_space<vmem_shared>> -> memref<10240x16xf32, #tpu.memory_space<vmem_shared>>
      tpu.enqueue_indirect_dma source(%dma_start3A_615 : memref<128x16xf32, #tpu.memory_space<vmem>>) target(%dma_start3A_621 : memref<10240x16xf32, #tpu.memory_space<vmem_shared>>) offsets(%dma_start3A_618 : memref<128xi32, #tpu.memory_space<vmem>>) semaphore(%arg16 : memref<!tpu.dma_semaphore, #tpu.memory_space<semaphore_mem>>) {add = true}
      %mul3A_622 = arith.constant 8 : i32
      %mul3A_623 = arith.muli %add3A_451, %mul3A_622 : i32
      %add3A_624 = arith.constant 4 : i32
      %add3A_625 = arith.addi %mul3A_623, %add3A_624 : i32
      %dma_start3A_626 = arith.constant 512 : i32
      %dma_start3A_627 = arith.constant 0 : i32
      %dma_start3A_628 = tpu.memref_slice %arg11[%dma_start3A_626, %dma_start3A_627] : memref<1024x16xf32, #tpu.memory_space<vmem>> -> memref<128x16xf32, #tpu.memory_space<vmem>>
      %dma_start3A_629 = arith.constant 0 : i32
      %dma_start3A_630 = tpu.memref_slice %arg9[%add3A_625, %dma_start3A_629] : memref<96x128xi32, #tpu.memory_space<vmem>> -> memref<1x128xi32, #tpu.memory_space<vmem>>
      %dma_start3A_631 = tpu.memref_squeeze %dma_start3A_630 : memref<1x128xi32, #tpu.memory_space<vmem>> -> memref<128xi32, #tpu.memory_space<vmem>>
      %dma_start3A_632 = arith.constant 0 : i32
      %dma_start3A_633 = arith.constant 0 : i32
      %dma_start3A_634 = tpu.memref_slice %arg6[%dma_start3A_632, %dma_start3A_633] : memref<10240x16xf32, #tpu.memory_space<vmem_shared>> -> memref<10240x16xf32, #tpu.memory_space<vmem_shared>>
      tpu.enqueue_indirect_dma source(%dma_start3A_628 : memref<128x16xf32, #tpu.memory_space<vmem>>) target(%dma_start3A_634 : memref<10240x16xf32, #tpu.memory_space<vmem_shared>>) offsets(%dma_start3A_631 : memref<128xi32, #tpu.memory_space<vmem>>) semaphore(%arg16 : memref<!tpu.dma_semaphore, #tpu.memory_space<semaphore_mem>>) {add = true}
      %mul3A_635 = arith.constant 8 : i32
      %mul3A_636 = arith.muli %add3A_451, %mul3A_635 : i32
      %add3A_637 = arith.constant 5 : i32
      %add3A_638 = arith.addi %mul3A_636, %add3A_637 : i32
      %dma_start3A_639 = arith.constant 640 : i32
      %dma_start3A_640 = arith.constant 0 : i32
      %dma_start3A_641 = tpu.memref_slice %arg11[%dma_start3A_639, %dma_start3A_640] : memref<1024x16xf32, #tpu.memory_space<vmem>> -> memref<128x16xf32, #tpu.memory_space<vmem>>
      %dma_start3A_642 = arith.constant 0 : i32
      %dma_start3A_643 = tpu.memref_slice %arg9[%add3A_638, %dma_start3A_642] : memref<96x128xi32, #tpu.memory_space<vmem>> -> memref<1x128xi32, #tpu.memory_space<vmem>>
      %dma_start3A_644 = tpu.memref_squeeze %dma_start3A_643 : memref<1x128xi32, #tpu.memory_space<vmem>> -> memref<128xi32, #tpu.memory_space<vmem>>
      %dma_start3A_645 = arith.constant 0 : i32
      %dma_start3A_646 = arith.constant 0 : i32
      %dma_start3A_647 = tpu.memref_slice %arg6[%dma_start3A_645, %dma_start3A_646] : memref<10240x16xf32, #tpu.memory_space<vmem_shared>> -> memref<10240x16xf32, #tpu.memory_space<vmem_shared>>
      tpu.enqueue_indirect_dma source(%dma_start3A_641 : memref<128x16xf32, #tpu.memory_space<vmem>>) target(%dma_start3A_647 : memref<10240x16xf32, #tpu.memory_space<vmem_shared>>) offsets(%dma_start3A_644 : memref<128xi32, #tpu.memory_space<vmem>>) semaphore(%arg16 : memref<!tpu.dma_semaphore, #tpu.memory_space<semaphore_mem>>) {add = true}
      %mul3A_648 = arith.constant 8 : i32
      %mul3A_649 = arith.muli %add3A_451, %mul3A_648 : i32
      %add3A_650 = arith.constant 6 : i32
      %add3A_651 = arith.addi %mul3A_649, %add3A_650 : i32
      %dma_start3A_652 = arith.constant 768 : i32
      %dma_start3A_653 = arith.constant 0 : i32
      %dma_start3A_654 = tpu.memref_slice %arg11[%dma_start3A_652, %dma_start3A_653] : memref<1024x16xf32, #tpu.memory_space<vmem>> -> memref<128x16xf32, #tpu.memory_space<vmem>>
      %dma_start3A_655 = arith.constant 0 : i32
      %dma_start3A_656 = tpu.memref_slice %arg9[%add3A_651, %dma_start3A_655] : memref<96x128xi32, #tpu.memory_space<vmem>> -> memref<1x128xi32, #tpu.memory_space<vmem>>
      %dma_start3A_657 = tpu.memref_squeeze %dma_start3A_656 : memref<1x128xi32, #tpu.memory_space<vmem>> -> memref<128xi32, #tpu.memory_space<vmem>>
      %dma_start3A_658 = arith.constant 0 : i32
      %dma_start3A_659 = arith.constant 0 : i32
      %dma_start3A_660 = tpu.memref_slice %arg6[%dma_start3A_658, %dma_start3A_659] : memref<10240x16xf32, #tpu.memory_space<vmem_shared>> -> memref<10240x16xf32, #tpu.memory_space<vmem_shared>>
      tpu.enqueue_indirect_dma source(%dma_start3A_654 : memref<128x16xf32, #tpu.memory_space<vmem>>) target(%dma_start3A_660 : memref<10240x16xf32, #tpu.memory_space<vmem_shared>>) offsets(%dma_start3A_657 : memref<128xi32, #tpu.memory_space<vmem>>) semaphore(%arg16 : memref<!tpu.dma_semaphore, #tpu.memory_space<semaphore_mem>>) {add = true}
      %mul3A_661 = arith.constant 8 : i32
      %mul3A_662 = arith.muli %add3A_451, %mul3A_661 : i32
      %add3A_663 = arith.constant 7 : i32
      %add3A_664 = arith.addi %mul3A_662, %add3A_663 : i32
      %dma_start3A_665 = arith.constant 896 : i32
      %dma_start3A_666 = arith.constant 0 : i32
      %dma_start3A_667 = tpu.memref_slice %arg11[%dma_start3A_665, %dma_start3A_666] : memref<1024x16xf32, #tpu.memory_space<vmem>> -> memref<128x16xf32, #tpu.memory_space<vmem>>
      %dma_start3A_668 = arith.constant 0 : i32
      %dma_start3A_669 = tpu.memref_slice %arg9[%add3A_664, %dma_start3A_668] : memref<96x128xi32, #tpu.memory_space<vmem>> -> memref<1x128xi32, #tpu.memory_space<vmem>>
      %dma_start3A_670 = tpu.memref_squeeze %dma_start3A_669 : memref<1x128xi32, #tpu.memory_space<vmem>> -> memref<128xi32, #tpu.memory_space<vmem>>
      %dma_start3A_671 = arith.constant 0 : i32
      %dma_start3A_672 = arith.constant 0 : i32
      %dma_start3A_673 = tpu.memref_slice %arg6[%dma_start3A_671, %dma_start3A_672] : memref<10240x16xf32, #tpu.memory_space<vmem_shared>> -> memref<10240x16xf32, #tpu.memory_space<vmem_shared>>
      tpu.enqueue_indirect_dma source(%dma_start3A_667 : memref<128x16xf32, #tpu.memory_space<vmem>>) target(%dma_start3A_673 : memref<10240x16xf32, #tpu.memory_space<vmem_shared>>) offsets(%dma_start3A_670 : memref<128xi32, #tpu.memory_space<vmem>>) semaphore(%arg16 : memref<!tpu.dma_semaphore, #tpu.memory_space<semaphore_mem>>) {add = true}
      %dma_wait3A_674 = arith.constant 0 : i32
      %dma_wait3A_675 = arith.constant 0 : i32
      %dma_wait3A_676 = tpu.memref_slice %arg6[%dma_wait3A_674, %dma_wait3A_675] : memref<10240x16xf32, #tpu.memory_space<vmem_shared>> -> memref<1024x16xf32, #tpu.memory_space<vmem_shared>>
      %dma_wait3A_677 = arith.constant 0 : i32
      %dma_wait3A_678 = arith.constant 0 : i32
      %dma_wait3A_679 = tpu.memref_slice %arg6[%dma_wait3A_677, %dma_wait3A_678] : memref<10240x16xf32, #tpu.memory_space<vmem_shared>> -> memref<1024x16xf32, #tpu.memory_space<vmem_shared>>
      tpu.wait_dma2 semaphore(%arg16 : memref<!tpu.dma_semaphore, #tpu.memory_space<semaphore_mem>>) src(%arg11 : memref<1024x16xf32, #tpu.memory_space<vmem>>) dst(%dma_wait3A_679 : memref<1024x16xf32, #tpu.memory_space<vmem_shared>>)
      %add3A_680 = arith.constant 2 : i32
      %add3A_681 = arith.addi %add3A_451, %add3A_680 : i32
      %mul3A_682 = arith.constant 8 : i32
      %mul3A_683 = arith.muli %add3A_681, %mul3A_682 : i32
      %add3A_684 = arith.constant 0 : i32
      %add3A_685 = arith.addi %mul3A_683, %add3A_684 : i32
      %dma_start3A_686 = arith.constant 0 : i32
      %dma_start3A_687 = arith.constant 0 : i32
      %dma_start3A_688 = tpu.memref_slice %arg11[%dma_start3A_686, %dma_start3A_687] : memref<1024x16xf32, #tpu.memory_space<vmem>> -> memref<128x16xf32, #tpu.memory_space<vmem>>
      %dma_start3A_689 = arith.constant 0 : i32
      %dma_start3A_690 = tpu.memref_slice %arg8[%add3A_685, %dma_start3A_689] : memref<96x128xi32, #tpu.memory_space<vmem>> -> memref<1x128xi32, #tpu.memory_space<vmem>>
      %dma_start3A_691 = tpu.memref_squeeze %dma_start3A_690 : memref<1x128xi32, #tpu.memory_space<vmem>> -> memref<128xi32, #tpu.memory_space<vmem>>
      %dma_start3A_692 = arith.constant 0 : i32
      %dma_start3A_693 = arith.constant 0 : i32
      %dma_start3A_694 = tpu.memref_slice %arg7[%dma_start3A_692, %dma_start3A_693] : memref<10240x16xf32, #tpu.memory_space<vmem_shared>> -> memref<10240x16xf32, #tpu.memory_space<vmem_shared>>
      tpu.enqueue_indirect_dma source(%dma_start3A_694 : memref<10240x16xf32, #tpu.memory_space<vmem_shared>>) target(%dma_start3A_688 : memref<128x16xf32, #tpu.memory_space<vmem>>) offsets(%dma_start3A_691 : memref<128xi32, #tpu.memory_space<vmem>>) semaphore(%arg14 : memref<!tpu.dma_semaphore, #tpu.memory_space<semaphore_mem>>)
      %mul3A_695 = arith.constant 8 : i32
      %mul3A_696 = arith.muli %add3A_681, %mul3A_695 : i32
      %add3A_697 = arith.constant 1 : i32
      %add3A_698 = arith.addi %mul3A_696, %add3A_697 : i32
      %dma_start3A_699 = arith.constant 128 : i32
      %dma_start3A_700 = arith.constant 0 : i32
      %dma_start3A_701 = tpu.memref_slice %arg11[%dma_start3A_699, %dma_start3A_700] : memref<1024x16xf32, #tpu.memory_space<vmem>> -> memref<128x16xf32, #tpu.memory_space<vmem>>
      %dma_start3A_702 = arith.constant 0 : i32
      %dma_start3A_703 = tpu.memref_slice %arg8[%add3A_698, %dma_start3A_702] : memref<96x128xi32, #tpu.memory_space<vmem>> -> memref<1x128xi32, #tpu.memory_space<vmem>>
      %dma_start3A_704 = tpu.memref_squeeze %dma_start3A_703 : memref<1x128xi32, #tpu.memory_space<vmem>> -> memref<128xi32, #tpu.memory_space<vmem>>
      %dma_start3A_705 = arith.constant 0 : i32
      %dma_start3A_706 = arith.constant 0 : i32
      %dma_start3A_707 = tpu.memref_slice %arg7[%dma_start3A_705, %dma_start3A_706] : memref<10240x16xf32, #tpu.memory_space<vmem_shared>> -> memref<10240x16xf32, #tpu.memory_space<vmem_shared>>
      tpu.enqueue_indirect_dma source(%dma_start3A_707 : memref<10240x16xf32, #tpu.memory_space<vmem_shared>>) target(%dma_start3A_701 : memref<128x16xf32, #tpu.memory_space<vmem>>) offsets(%dma_start3A_704 : memref<128xi32, #tpu.memory_space<vmem>>) semaphore(%arg14 : memref<!tpu.dma_semaphore, #tpu.memory_space<semaphore_mem>>)
      %mul3A_708 = arith.constant 8 : i32
      %mul3A_709 = arith.muli %add3A_681, %mul3A_708 : i32
      %add3A_710 = arith.constant 2 : i32
      %add3A_711 = arith.addi %mul3A_709, %add3A_710 : i32
      %dma_start3A_712 = arith.constant 256 : i32
      %dma_start3A_713 = arith.constant 0 : i32
      %dma_start3A_714 = tpu.memref_slice %arg11[%dma_start3A_712, %dma_start3A_713] : memref<1024x16xf32, #tpu.memory_space<vmem>> -> memref<128x16xf32, #tpu.memory_space<vmem>>
      %dma_start3A_715 = arith.constant 0 : i32
      %dma_start3A_716 = tpu.memref_slice %arg8[%add3A_711, %dma_start3A_715] : memref<96x128xi32, #tpu.memory_space<vmem>> -> memref<1x128xi32, #tpu.memory_space<vmem>>
      %dma_start3A_717 = tpu.memref_squeeze %dma_start3A_716 : memref<1x128xi32, #tpu.memory_space<vmem>> -> memref<128xi32, #tpu.memory_space<vmem>>
      %dma_start3A_718 = arith.constant 0 : i32
      %dma_start3A_719 = arith.constant 0 : i32
      %dma_start3A_720 = tpu.memref_slice %arg7[%dma_start3A_718, %dma_start3A_719] : memref<10240x16xf32, #tpu.memory_space<vmem_shared>> -> memref<10240x16xf32, #tpu.memory_space<vmem_shared>>
      tpu.enqueue_indirect_dma source(%dma_start3A_720 : memref<10240x16xf32, #tpu.memory_space<vmem_shared>>) target(%dma_start3A_714 : memref<128x16xf32, #tpu.memory_space<vmem>>) offsets(%dma_start3A_717 : memref<128xi32, #tpu.memory_space<vmem>>) semaphore(%arg14 : memref<!tpu.dma_semaphore, #tpu.memory_space<semaphore_mem>>)
      %mul3A_721 = arith.constant 8 : i32
      %mul3A_722 = arith.muli %add3A_681, %mul3A_721 : i32
      %add3A_723 = arith.constant 3 : i32
      %add3A_724 = arith.addi %mul3A_722, %add3A_723 : i32
      %dma_start3A_725 = arith.constant 384 : i32
      %dma_start3A_726 = arith.constant 0 : i32
      %dma_start3A_727 = tpu.memref_slice %arg11[%dma_start3A_725, %dma_start3A_726] : memref<1024x16xf32, #tpu.memory_space<vmem>> -> memref<128x16xf32, #tpu.memory_space<vmem>>
      %dma_start3A_728 = arith.constant 0 : i32
      %dma_start3A_729 = tpu.memref_slice %arg8[%add3A_724, %dma_start3A_728] : memref<96x128xi32, #tpu.memory_space<vmem>> -> memref<1x128xi32, #tpu.memory_space<vmem>>
      %dma_start3A_730 = tpu.memref_squeeze %dma_start3A_729 : memref<1x128xi32, #tpu.memory_space<vmem>> -> memref<128xi32, #tpu.memory_space<vmem>>
      %dma_start3A_731 = arith.constant 0 : i32
      %dma_start3A_732 = arith.constant 0 : i32
      %dma_start3A_733 = tpu.memref_slice %arg7[%dma_start3A_731, %dma_start3A_732] : memref<10240x16xf32, #tpu.memory_space<vmem_shared>> -> memref<10240x16xf32, #tpu.memory_space<vmem_shared>>
      tpu.enqueue_indirect_dma source(%dma_start3A_733 : memref<10240x16xf32, #tpu.memory_space<vmem_shared>>) target(%dma_start3A_727 : memref<128x16xf32, #tpu.memory_space<vmem>>) offsets(%dma_start3A_730 : memref<128xi32, #tpu.memory_space<vmem>>) semaphore(%arg14 : memref<!tpu.dma_semaphore, #tpu.memory_space<semaphore_mem>>)
      %mul3A_734 = arith.constant 8 : i32
      %mul3A_735 = arith.muli %add3A_681, %mul3A_734 : i32
      %add3A_736 = arith.constant 4 : i32
      %add3A_737 = arith.addi %mul3A_735, %add3A_736 : i32
      %dma_start3A_738 = arith.constant 512 : i32
      %dma_start3A_739 = arith.constant 0 : i32
      %dma_start3A_740 = tpu.memref_slice %arg11[%dma_start3A_738, %dma_start3A_739] : memref<1024x16xf32, #tpu.memory_space<vmem>> -> memref<128x16xf32, #tpu.memory_space<vmem>>
      %dma_start3A_741 = arith.constant 0 : i32
      %dma_start3A_742 = tpu.memref_slice %arg8[%add3A_737, %dma_start3A_741] : memref<96x128xi32, #tpu.memory_space<vmem>> -> memref<1x128xi32, #tpu.memory_space<vmem>>
      %dma_start3A_743 = tpu.memref_squeeze %dma_start3A_742 : memref<1x128xi32, #tpu.memory_space<vmem>> -> memref<128xi32, #tpu.memory_space<vmem>>
      %dma_start3A_744 = arith.constant 0 : i32
      %dma_start3A_745 = arith.constant 0 : i32
      %dma_start3A_746 = tpu.memref_slice %arg7[%dma_start3A_744, %dma_start3A_745] : memref<10240x16xf32, #tpu.memory_space<vmem_shared>> -> memref<10240x16xf32, #tpu.memory_space<vmem_shared>>
      tpu.enqueue_indirect_dma source(%dma_start3A_746 : memref<10240x16xf32, #tpu.memory_space<vmem_shared>>) target(%dma_start3A_740 : memref<128x16xf32, #tpu.memory_space<vmem>>) offsets(%dma_start3A_743 : memref<128xi32, #tpu.memory_space<vmem>>) semaphore(%arg14 : memref<!tpu.dma_semaphore, #tpu.memory_space<semaphore_mem>>)
      %mul3A_747 = arith.constant 8 : i32
      %mul3A_748 = arith.muli %add3A_681, %mul3A_747 : i32
      %add3A_749 = arith.constant 5 : i32
      %add3A_750 = arith.addi %mul3A_748, %add3A_749 : i32
      %dma_start3A_751 = arith.constant 640 : i32
      %dma_start3A_752 = arith.constant 0 : i32
      %dma_start3A_753 = tpu.memref_slice %arg11[%dma_start3A_751, %dma_start3A_752] : memref<1024x16xf32, #tpu.memory_space<vmem>> -> memref<128x16xf32, #tpu.memory_space<vmem>>
      %dma_start3A_754 = arith.constant 0 : i32
      %dma_start3A_755 = tpu.memref_slice %arg8[%add3A_750, %dma_start3A_754] : memref<96x128xi32, #tpu.memory_space<vmem>> -> memref<1x128xi32, #tpu.memory_space<vmem>>
      %dma_start3A_756 = tpu.memref_squeeze %dma_start3A_755 : memref<1x128xi32, #tpu.memory_space<vmem>> -> memref<128xi32, #tpu.memory_space<vmem>>
      %dma_start3A_757 = arith.constant 0 : i32
      %dma_start3A_758 = arith.constant 0 : i32
      %dma_start3A_759 = tpu.memref_slice %arg7[%dma_start3A_757, %dma_start3A_758] : memref<10240x16xf32, #tpu.memory_space<vmem_shared>> -> memref<10240x16xf32, #tpu.memory_space<vmem_shared>>
      tpu.enqueue_indirect_dma source(%dma_start3A_759 : memref<10240x16xf32, #tpu.memory_space<vmem_shared>>) target(%dma_start3A_753 : memref<128x16xf32, #tpu.memory_space<vmem>>) offsets(%dma_start3A_756 : memref<128xi32, #tpu.memory_space<vmem>>) semaphore(%arg14 : memref<!tpu.dma_semaphore, #tpu.memory_space<semaphore_mem>>)
      %mul3A_760 = arith.constant 8 : i32
      %mul3A_761 = arith.muli %add3A_681, %mul3A_760 : i32
      %add3A_762 = arith.constant 6 : i32
      %add3A_763 = arith.addi %mul3A_761, %add3A_762 : i32
      %dma_start3A_764 = arith.constant 768 : i32
      %dma_start3A_765 = arith.constant 0 : i32
      %dma_start3A_766 = tpu.memref_slice %arg11[%dma_start3A_764, %dma_start3A_765] : memref<1024x16xf32, #tpu.memory_space<vmem>> -> memref<128x16xf32, #tpu.memory_space<vmem>>
      %dma_start3A_767 = arith.constant 0 : i32
      %dma_start3A_768 = tpu.memref_slice %arg8[%add3A_763, %dma_start3A_767] : memref<96x128xi32, #tpu.memory_space<vmem>> -> memref<1x128xi32, #tpu.memory_space<vmem>>
      %dma_start3A_769 = tpu.memref_squeeze %dma_start3A_768 : memref<1x128xi32, #tpu.memory_space<vmem>> -> memref<128xi32, #tpu.memory_space<vmem>>
      %dma_start3A_770 = arith.constant 0 : i32
      %dma_start3A_771 = arith.constant 0 : i32
      %dma_start3A_772 = tpu.memref_slice %arg7[%dma_start3A_770, %dma_start3A_771] : memref<10240x16xf32, #tpu.memory_space<vmem_shared>> -> memref<10240x16xf32, #tpu.memory_space<vmem_shared>>
      tpu.enqueue_indirect_dma source(%dma_start3A_772 : memref<10240x16xf32, #tpu.memory_space<vmem_shared>>) target(%dma_start3A_766 : memref<128x16xf32, #tpu.memory_space<vmem>>) offsets(%dma_start3A_769 : memref<128xi32, #tpu.memory_space<vmem>>) semaphore(%arg14 : memref<!tpu.dma_semaphore, #tpu.memory_space<semaphore_mem>>)
      %mul3A_773 = arith.constant 8 : i32
      %mul3A_774 = arith.muli %add3A_681, %mul3A_773 : i32
      %add3A_775 = arith.constant 7 : i32
      %add3A_776 = arith.addi %mul3A_774, %add3A_775 : i32
      %dma_start3A_777 = arith.constant 896 : i32
      %dma_start3A_778 = arith.constant 0 : i32
      %dma_start3A_779 = tpu.memref_slice %arg11[%dma_start3A_777, %dma_start3A_778] : memref<1024x16xf32, #tpu.memory_space<vmem>> -> memref<128x16xf32, #tpu.memory_space<vmem>>
      %dma_start3A_780 = arith.constant 0 : i32
      %dma_start3A_781 = tpu.memref_slice %arg8[%add3A_776, %dma_start3A_780] : memref<96x128xi32, #tpu.memory_space<vmem>> -> memref<1x128xi32, #tpu.memory_space<vmem>>
      %dma_start3A_782 = tpu.memref_squeeze %dma_start3A_781 : memref<1x128xi32, #tpu.memory_space<vmem>> -> memref<128xi32, #tpu.memory_space<vmem>>
      %dma_start3A_783 = arith.constant 0 : i32
      %dma_start3A_784 = arith.constant 0 : i32
      %dma_start3A_785 = tpu.memref_slice %arg7[%dma_start3A_783, %dma_start3A_784] : memref<10240x16xf32, #tpu.memory_space<vmem_shared>> -> memref<10240x16xf32, #tpu.memory_space<vmem_shared>>
      tpu.enqueue_indirect_dma source(%dma_start3A_785 : memref<10240x16xf32, #tpu.memory_space<vmem_shared>>) target(%dma_start3A_779 : memref<128x16xf32, #tpu.memory_space<vmem>>) offsets(%dma_start3A_782 : memref<128xi32, #tpu.memory_space<vmem>>) semaphore(%arg14 : memref<!tpu.dma_semaphore, #tpu.memory_space<semaphore_mem>>)
      %dma_wait3A_786 = arith.constant 0 : i32
      %dma_wait3A_787 = arith.constant 0 : i32
      %dma_wait3A_788 = tpu.memref_slice %arg6[%dma_wait3A_786, %dma_wait3A_787] : memref<10240x16xf32, #tpu.memory_space<vmem_shared>> -> memref<1024x16xf32, #tpu.memory_space<vmem_shared>>
      %dma_wait3A_789 = arith.constant 0 : i32
      %dma_wait3A_790 = arith.constant 0 : i32
      %dma_wait3A_791 = tpu.memref_slice %arg6[%dma_wait3A_789, %dma_wait3A_790] : memref<10240x16xf32, #tpu.memory_space<vmem_shared>> -> memref<1024x16xf32, #tpu.memory_space<vmem_shared>>
      tpu.wait_dma2 semaphore(%arg13 : memref<!tpu.dma_semaphore, #tpu.memory_space<semaphore_mem>>) src(%arg10 : memref<1024x16xf32, #tpu.memory_space<vmem>>) dst(%dma_wait3A_791 : memref<1024x16xf32, #tpu.memory_space<vmem_shared>>)
      %add3A_792 = arith.constant 1 : i32
      %add3A_793 = arith.addi %add3A_451, %add3A_792 : i32
      %mul3A_794 = arith.constant 8 : i32
      %mul3A_795 = arith.muli %add3A_793, %mul3A_794 : i32
      %add3A_796 = arith.constant 0 : i32
      %add3A_797 = arith.addi %mul3A_795, %add3A_796 : i32
      %dma_start3A_798 = arith.constant 0 : i32
      %dma_start3A_799 = arith.constant 0 : i32
      %dma_start3A_800 = tpu.memref_slice %arg10[%dma_start3A_798, %dma_start3A_799] : memref<1024x16xf32, #tpu.memory_space<vmem>> -> memref<128x16xf32, #tpu.memory_space<vmem>>
      %dma_start3A_801 = arith.constant 0 : i32
      %dma_start3A_802 = tpu.memref_slice %arg9[%add3A_797, %dma_start3A_801] : memref<96x128xi32, #tpu.memory_space<vmem>> -> memref<1x128xi32, #tpu.memory_space<vmem>>
      %dma_start3A_803 = tpu.memref_squeeze %dma_start3A_802 : memref<1x128xi32, #tpu.memory_space<vmem>> -> memref<128xi32, #tpu.memory_space<vmem>>
      %dma_start3A_804 = arith.constant 0 : i32
      %dma_start3A_805 = arith.constant 0 : i32
      %dma_start3A_806 = tpu.memref_slice %arg6[%dma_start3A_804, %dma_start3A_805] : memref<10240x16xf32, #tpu.memory_space<vmem_shared>> -> memref<10240x16xf32, #tpu.memory_space<vmem_shared>>
      tpu.enqueue_indirect_dma source(%dma_start3A_800 : memref<128x16xf32, #tpu.memory_space<vmem>>) target(%dma_start3A_806 : memref<10240x16xf32, #tpu.memory_space<vmem_shared>>) offsets(%dma_start3A_803 : memref<128xi32, #tpu.memory_space<vmem>>) semaphore(%arg15 : memref<!tpu.dma_semaphore, #tpu.memory_space<semaphore_mem>>) {add = true}
      %mul3A_807 = arith.constant 8 : i32
      %mul3A_808 = arith.muli %add3A_793, %mul3A_807 : i32
      %add3A_809 = arith.constant 1 : i32
      %add3A_810 = arith.addi %mul3A_808, %add3A_809 : i32
      %dma_start3A_811 = arith.constant 128 : i32
      %dma_start3A_812 = arith.constant 0 : i32
      %dma_start3A_813 = tpu.memref_slice %arg10[%dma_start3A_811, %dma_start3A_812] : memref<1024x16xf32, #tpu.memory_space<vmem>> -> memref<128x16xf32, #tpu.memory_space<vmem>>
      %dma_start3A_814 = arith.constant 0 : i32
      %dma_start3A_815 = tpu.memref_slice %arg9[%add3A_810, %dma_start3A_814] : memref<96x128xi32, #tpu.memory_space<vmem>> -> memref<1x128xi32, #tpu.memory_space<vmem>>
      %dma_start3A_816 = tpu.memref_squeeze %dma_start3A_815 : memref<1x128xi32, #tpu.memory_space<vmem>> -> memref<128xi32, #tpu.memory_space<vmem>>
      %dma_start3A_817 = arith.constant 0 : i32
      %dma_start3A_818 = arith.constant 0 : i32
      %dma_start3A_819 = tpu.memref_slice %arg6[%dma_start3A_817, %dma_start3A_818] : memref<10240x16xf32, #tpu.memory_space<vmem_shared>> -> memref<10240x16xf32, #tpu.memory_space<vmem_shared>>
      tpu.enqueue_indirect_dma source(%dma_start3A_813 : memref<128x16xf32, #tpu.memory_space<vmem>>) target(%dma_start3A_819 : memref<10240x16xf32, #tpu.memory_space<vmem_shared>>) offsets(%dma_start3A_816 : memref<128xi32, #tpu.memory_space<vmem>>) semaphore(%arg15 : memref<!tpu.dma_semaphore, #tpu.memory_space<semaphore_mem>>) {add = true}
      %mul3A_820 = arith.constant 8 : i32
      %mul3A_821 = arith.muli %add3A_793, %mul3A_820 : i32
      %add3A_822 = arith.constant 2 : i32
      %add3A_823 = arith.addi %mul3A_821, %add3A_822 : i32
      %dma_start3A_824 = arith.constant 256 : i32
      %dma_start3A_825 = arith.constant 0 : i32
      %dma_start3A_826 = tpu.memref_slice %arg10[%dma_start3A_824, %dma_start3A_825] : memref<1024x16xf32, #tpu.memory_space<vmem>> -> memref<128x16xf32, #tpu.memory_space<vmem>>
      %dma_start3A_827 = arith.constant 0 : i32
      %dma_start3A_828 = tpu.memref_slice %arg9[%add3A_823, %dma_start3A_827] : memref<96x128xi32, #tpu.memory_space<vmem>> -> memref<1x128xi32, #tpu.memory_space<vmem>>
      %dma_start3A_829 = tpu.memref_squeeze %dma_start3A_828 : memref<1x128xi32, #tpu.memory_space<vmem>> -> memref<128xi32, #tpu.memory_space<vmem>>
      %dma_start3A_830 = arith.constant 0 : i32
      %dma_start3A_831 = arith.constant 0 : i32
      %dma_start3A_832 = tpu.memref_slice %arg6[%dma_start3A_830, %dma_start3A_831] : memref<10240x16xf32, #tpu.memory_space<vmem_shared>> -> memref<10240x16xf32, #tpu.memory_space<vmem_shared>>
      tpu.enqueue_indirect_dma source(%dma_start3A_826 : memref<128x16xf32, #tpu.memory_space<vmem>>) target(%dma_start3A_832 : memref<10240x16xf32, #tpu.memory_space<vmem_shared>>) offsets(%dma_start3A_829 : memref<128xi32, #tpu.memory_space<vmem>>) semaphore(%arg15 : memref<!tpu.dma_semaphore, #tpu.memory_space<semaphore_mem>>) {add = true}
      %mul3A_833 = arith.constant 8 : i32
      %mul3A_834 = arith.muli %add3A_793, %mul3A_833 : i32
      %add3A_835 = arith.constant 3 : i32
      %add3A_836 = arith.addi %mul3A_834, %add3A_835 : i32
      %dma_start3A_837 = arith.constant 384 : i32
      %dma_start3A_838 = arith.constant 0 : i32
      %dma_start3A_839 = tpu.memref_slice %arg10[%dma_start3A_837, %dma_start3A_838] : memref<1024x16xf32, #tpu.memory_space<vmem>> -> memref<128x16xf32, #tpu.memory_space<vmem>>
      %dma_start3A_840 = arith.constant 0 : i32
      %dma_start3A_841 = tpu.memref_slice %arg9[%add3A_836, %dma_start3A_840] : memref<96x128xi32, #tpu.memory_space<vmem>> -> memref<1x128xi32, #tpu.memory_space<vmem>>
      %dma_start3A_842 = tpu.memref_squeeze %dma_start3A_841 : memref<1x128xi32, #tpu.memory_space<vmem>> -> memref<128xi32, #tpu.memory_space<vmem>>
      %dma_start3A_843 = arith.constant 0 : i32
      %dma_start3A_844 = arith.constant 0 : i32
      %dma_start3A_845 = tpu.memref_slice %arg6[%dma_start3A_843, %dma_start3A_844] : memref<10240x16xf32, #tpu.memory_space<vmem_shared>> -> memref<10240x16xf32, #tpu.memory_space<vmem_shared>>
      tpu.enqueue_indirect_dma source(%dma_start3A_839 : memref<128x16xf32, #tpu.memory_space<vmem>>) target(%dma_start3A_845 : memref<10240x16xf32, #tpu.memory_space<vmem_shared>>) offsets(%dma_start3A_842 : memref<128xi32, #tpu.memory_space<vmem>>) semaphore(%arg15 : memref<!tpu.dma_semaphore, #tpu.memory_space<semaphore_mem>>) {add = true}
      %mul3A_846 = arith.constant 8 : i32
      %mul3A_847 = arith.muli %add3A_793, %mul3A_846 : i32
      %add3A_848 = arith.constant 4 : i32
      %add3A_849 = arith.addi %mul3A_847, %add3A_848 : i32
      %dma_start3A_850 = arith.constant 512 : i32
      %dma_start3A_851 = arith.constant 0 : i32
      %dma_start3A_852 = tpu.memref_slice %arg10[%dma_start3A_850, %dma_start3A_851] : memref<1024x16xf32, #tpu.memory_space<vmem>> -> memref<128x16xf32, #tpu.memory_space<vmem>>
      %dma_start3A_853 = arith.constant 0 : i32
      %dma_start3A_854 = tpu.memref_slice %arg9[%add3A_849, %dma_start3A_853] : memref<96x128xi32, #tpu.memory_space<vmem>> -> memref<1x128xi32, #tpu.memory_space<vmem>>
      %dma_start3A_855 = tpu.memref_squeeze %dma_start3A_854 : memref<1x128xi32, #tpu.memory_space<vmem>> -> memref<128xi32, #tpu.memory_space<vmem>>
      %dma_start3A_856 = arith.constant 0 : i32
      %dma_start3A_857 = arith.constant 0 : i32
      %dma_start3A_858 = tpu.memref_slice %arg6[%dma_start3A_856, %dma_start3A_857] : memref<10240x16xf32, #tpu.memory_space<vmem_shared>> -> memref<10240x16xf32, #tpu.memory_space<vmem_shared>>
      tpu.enqueue_indirect_dma source(%dma_start3A_852 : memref<128x16xf32, #tpu.memory_space<vmem>>) target(%dma_start3A_858 : memref<10240x16xf32, #tpu.memory_space<vmem_shared>>) offsets(%dma_start3A_855 : memref<128xi32, #tpu.memory_space<vmem>>) semaphore(%arg15 : memref<!tpu.dma_semaphore, #tpu.memory_space<semaphore_mem>>) {add = true}
      %mul3A_859 = arith.constant 8 : i32
      %mul3A_860 = arith.muli %add3A_793, %mul3A_859 : i32
      %add3A_861 = arith.constant 5 : i32
      %add3A_862 = arith.addi %mul3A_860, %add3A_861 : i32
      %dma_start3A_863 = arith.constant 640 : i32
      %dma_start3A_864 = arith.constant 0 : i32
      %dma_start3A_865 = tpu.memref_slice %arg10[%dma_start3A_863, %dma_start3A_864] : memref<1024x16xf32, #tpu.memory_space<vmem>> -> memref<128x16xf32, #tpu.memory_space<vmem>>
      %dma_start3A_866 = arith.constant 0 : i32
      %dma_start3A_867 = tpu.memref_slice %arg9[%add3A_862, %dma_start3A_866] : memref<96x128xi32, #tpu.memory_space<vmem>> -> memref<1x128xi32, #tpu.memory_space<vmem>>
      %dma_start3A_868 = tpu.memref_squeeze %dma_start3A_867 : memref<1x128xi32, #tpu.memory_space<vmem>> -> memref<128xi32, #tpu.memory_space<vmem>>
      %dma_start3A_869 = arith.constant 0 : i32
      %dma_start3A_870 = arith.constant 0 : i32
      %dma_start3A_871 = tpu.memref_slice %arg6[%dma_start3A_869, %dma_start3A_870] : memref<10240x16xf32, #tpu.memory_space<vmem_shared>> -> memref<10240x16xf32, #tpu.memory_space<vmem_shared>>
      tpu.enqueue_indirect_dma source(%dma_start3A_865 : memref<128x16xf32, #tpu.memory_space<vmem>>) target(%dma_start3A_871 : memref<10240x16xf32, #tpu.memory_space<vmem_shared>>) offsets(%dma_start3A_868 : memref<128xi32, #tpu.memory_space<vmem>>) semaphore(%arg15 : memref<!tpu.dma_semaphore, #tpu.memory_space<semaphore_mem>>) {add = true}
      %mul3A_872 = arith.constant 8 : i32
      %mul3A_873 = arith.muli %add3A_793, %mul3A_872 : i32
      %add3A_874 = arith.constant 6 : i32
      %add3A_875 = arith.addi %mul3A_873, %add3A_874 : i32
      %dma_start3A_876 = arith.constant 768 : i32
      %dma_start3A_877 = arith.constant 0 : i32
      %dma_start3A_878 = tpu.memref_slice %arg10[%dma_start3A_876, %dma_start3A_877] : memref<1024x16xf32, #tpu.memory_space<vmem>> -> memref<128x16xf32, #tpu.memory_space<vmem>>
      %dma_start3A_879 = arith.constant 0 : i32
      %dma_start3A_880 = tpu.memref_slice %arg9[%add3A_875, %dma_start3A_879] : memref<96x128xi32, #tpu.memory_space<vmem>> -> memref<1x128xi32, #tpu.memory_space<vmem>>
      %dma_start3A_881 = tpu.memref_squeeze %dma_start3A_880 : memref<1x128xi32, #tpu.memory_space<vmem>> -> memref<128xi32, #tpu.memory_space<vmem>>
      %dma_start3A_882 = arith.constant 0 : i32
      %dma_start3A_883 = arith.constant 0 : i32
      %dma_start3A_884 = tpu.memref_slice %arg6[%dma_start3A_882, %dma_start3A_883] : memref<10240x16xf32, #tpu.memory_space<vmem_shared>> -> memref<10240x16xf32, #tpu.memory_space<vmem_shared>>
      tpu.enqueue_indirect_dma source(%dma_start3A_878 : memref<128x16xf32, #tpu.memory_space<vmem>>) target(%dma_start3A_884 : memref<10240x16xf32, #tpu.memory_space<vmem_shared>>) offsets(%dma_start3A_881 : memref<128xi32, #tpu.memory_space<vmem>>) semaphore(%arg15 : memref<!tpu.dma_semaphore, #tpu.memory_space<semaphore_mem>>) {add = true}
      %mul3A_885 = arith.constant 8 : i32
      %mul3A_886 = arith.muli %add3A_793, %mul3A_885 : i32
      %add3A_887 = arith.constant 7 : i32
      %add3A_888 = arith.addi %mul3A_886, %add3A_887 : i32
      %dma_start3A_889 = arith.constant 896 : i32
      %dma_start3A_890 = arith.constant 0 : i32
      %dma_start3A_891 = tpu.memref_slice %arg10[%dma_start3A_889, %dma_start3A_890] : memref<1024x16xf32, #tpu.memory_space<vmem>> -> memref<128x16xf32, #tpu.memory_space<vmem>>
      %dma_start3A_892 = arith.constant 0 : i32
      %dma_start3A_893 = tpu.memref_slice %arg9[%add3A_888, %dma_start3A_892] : memref<96x128xi32, #tpu.memory_space<vmem>> -> memref<1x128xi32, #tpu.memory_space<vmem>>
      %dma_start3A_894 = tpu.memref_squeeze %dma_start3A_893 : memref<1x128xi32, #tpu.memory_space<vmem>> -> memref<128xi32, #tpu.memory_space<vmem>>
      %dma_start3A_895 = arith.constant 0 : i32
      %dma_start3A_896 = arith.constant 0 : i32
      %dma_start3A_897 = tpu.memref_slice %arg6[%dma_start3A_895, %dma_start3A_896] : memref<10240x16xf32, #tpu.memory_space<vmem_shared>> -> memref<10240x16xf32, #tpu.memory_space<vmem_shared>>
      tpu.enqueue_indirect_dma source(%dma_start3A_891 : memref<128x16xf32, #tpu.memory_space<vmem>>) target(%dma_start3A_897 : memref<10240x16xf32, #tpu.memory_space<vmem_shared>>) offsets(%dma_start3A_894 : memref<128xi32, #tpu.memory_space<vmem>>) semaphore(%arg15 : memref<!tpu.dma_semaphore, #tpu.memory_space<semaphore_mem>>) {add = true}
      %while3A_898 = arith.constant 0 : i32
      scf.yield %while3A_898 : i32
    }
    %while3A_316 = arith.constant 1 : i32
    %while3A_317 = scf.for %while3A_446 = %while3A_313 to %while3A_309 step %while3A_316 iter_args(%while3A_447 = %while3A_315) -> (i32)  : i32 {
      %mul3A_448 = arith.constant 2 : i32
      %mul3A_449 = arith.muli %mul3A_448, %while3A_446 : i32
      %add3A_450 = arith.constant 1 : i32
      %add3A_451 = arith.addi %mul3A_449, %add3A_450 : i32
      %dma_wait3A_452 = arith.constant 0 : i32
      %dma_wait3A_453 = arith.constant 0 : i32
      %dma_wait3A_454 = tpu.memref_slice %arg6[%dma_wait3A_452, %dma_wait3A_453] : memref<10240x16xf32, #tpu.memory_space<vmem_shared>> -> memref<1024x16xf32, #tpu.memory_space<vmem_shared>>
      %dma_wait3A_455 = arith.constant 0 : i32
      %dma_wait3A_456 = arith.constant 0 : i32
      %dma_wait3A_457 = tpu.memref_slice %arg6[%dma_wait3A_455, %dma_wait3A_456] : memref<10240x16xf32, #tpu.memory_space<vmem_shared>> -> memref<1024x16xf32, #tpu.memory_space<vmem_shared>>
      tpu.wait_dma2 semaphore(%arg15 : memref<!tpu.dma_semaphore, #tpu.memory_space<semaphore_mem>>) src(%arg10 : memref<1024x16xf32, #tpu.memory_space<vmem>>) dst(%dma_wait3A_457 : memref<1024x16xf32, #tpu.memory_space<vmem_shared>>)
      %add3A_458 = arith.constant 1 : i32
      %add3A_459 = arith.addi %add3A_451, %add3A_458 : i32
      %mul3A_460 = arith.constant 8 : i32
      %mul3A_461 = arith.muli %add3A_459, %mul3A_460 : i32
      %add3A_462 = arith.constant 0 : i32
      %add3A_463 = arith.addi %mul3A_461, %add3A_462 : i32
      %dma_start3A_464 = arith.constant 0 : i32
      %dma_start3A_465 = arith.constant 0 : i32
      %dma_start3A_466 = tpu.memref_slice %arg10[%dma_start3A_464, %dma_start3A_465] : memref<1024x16xf32, #tpu.memory_space<vmem>> -> memref<128x16xf32, #tpu.memory_space<vmem>>
      %dma_start3A_467 = arith.constant 0 : i32
      %dma_start3A_468 = tpu.memref_slice %arg8[%add3A_463, %dma_start3A_467] : memref<96x128xi32, #tpu.memory_space<vmem>> -> memref<1x128xi32, #tpu.memory_space<vmem>>
      %dma_start3A_469 = tpu.memref_squeeze %dma_start3A_468 : memref<1x128xi32, #tpu.memory_space<vmem>> -> memref<128xi32, #tpu.memory_space<vmem>>
      %dma_start3A_470 = arith.constant 0 : i32
      %dma_start3A_471 = arith.constant 0 : i32
      %dma_start3A_472 = tpu.memref_slice %arg7[%dma_start3A_470, %dma_start3A_471] : memref<10240x16xf32, #tpu.memory_space<vmem_shared>> -> memref<10240x16xf32, #tpu.memory_space<vmem_shared>>
      tpu.enqueue_indirect_dma source(%dma_start3A_472 : memref<10240x16xf32, #tpu.memory_space<vmem_shared>>) target(%dma_start3A_466 : memref<128x16xf32, #tpu.memory_space<vmem>>) offsets(%dma_start3A_469 : memref<128xi32, #tpu.memory_space<vmem>>) semaphore(%arg13 : memref<!tpu.dma_semaphore, #tpu.memory_space<semaphore_mem>>)
      %mul3A_473 = arith.constant 8 : i32
      %mul3A_474 = arith.muli %add3A_459, %mul3A_473 : i32
      %add3A_475 = arith.constant 1 : i32
      %add3A_476 = arith.addi %mul3A_474, %add3A_475 : i32
      %dma_start3A_477 = arith.constant 128 : i32
      %dma_start3A_478 = arith.constant 0 : i32
      %dma_start3A_479 = tpu.memref_slice %arg10[%dma_start3A_477, %dma_start3A_478] : memref<1024x16xf32, #tpu.memory_space<vmem>> -> memref<128x16xf32, #tpu.memory_space<vmem>>
      %dma_start3A_480 = arith.constant 0 : i32
      %dma_start3A_481 = tpu.memref_slice %arg8[%add3A_476, %dma_start3A_480] : memref<96x128xi32, #tpu.memory_space<vmem>> -> memref<1x128xi32, #tpu.memory_space<vmem>>
      %dma_start3A_482 = tpu.memref_squeeze %dma_start3A_481 : memref<1x128xi32, #tpu.memory_space<vmem>> -> memref<128xi32, #tpu.memory_space<vmem>>
      %dma_start3A_483 = arith.constant 0 : i32
      %dma_start3A_484 = arith.constant 0 : i32
      %dma_start3A_485 = tpu.memref_slice %arg7[%dma_start3A_483, %dma_start3A_484] : memref<10240x16xf32, #tpu.memory_space<vmem_shared>> -> memref<10240x16xf32, #tpu.memory_space<vmem_shared>>
      tpu.enqueue_indirect_dma source(%dma_start3A_485 : memref<10240x16xf32, #tpu.memory_space<vmem_shared>>) target(%dma_start3A_479 : memref<128x16xf32, #tpu.memory_space<vmem>>) offsets(%dma_start3A_482 : memref<128xi32, #tpu.memory_space<vmem>>) semaphore(%arg13 : memref<!tpu.dma_semaphore, #tpu.memory_space<semaphore_mem>>)
      %mul3A_486 = arith.constant 8 : i32
      %mul3A_487 = arith.muli %add3A_459, %mul3A_486 : i32
      %add3A_488 = arith.constant 2 : i32
      %add3A_489 = arith.addi %mul3A_487, %add3A_488 : i32
      %dma_start3A_490 = arith.constant 256 : i32
      %dma_start3A_491 = arith.constant 0 : i32
      %dma_start3A_492 = tpu.memref_slice %arg10[%dma_start3A_490, %dma_start3A_491] : memref<1024x16xf32, #tpu.memory_space<vmem>> -> memref<128x16xf32, #tpu.memory_space<vmem>>
      %dma_start3A_493 = arith.constant 0 : i32
      %dma_start3A_494 = tpu.memref_slice %arg8[%add3A_489, %dma_start3A_493] : memref<96x128xi32, #tpu.memory_space<vmem>> -> memref<1x128xi32, #tpu.memory_space<vmem>>
      %dma_start3A_495 = tpu.memref_squeeze %dma_start3A_494 : memref<1x128xi32, #tpu.memory_space<vmem>> -> memref<128xi32, #tpu.memory_space<vmem>>
      %dma_start3A_496 = arith.constant 0 : i32
      %dma_start3A_497 = arith.constant 0 : i32
      %dma_start3A_498 = tpu.memref_slice %arg7[%dma_start3A_496, %dma_start3A_497] : memref<10240x16xf32, #tpu.memory_space<vmem_shared>> -> memref<10240x16xf32, #tpu.memory_space<vmem_shared>>
      tpu.enqueue_indirect_dma source(%dma_start3A_498 : memref<10240x16xf32, #tpu.memory_space<vmem_shared>>) target(%dma_start3A_492 : memref<128x16xf32, #tpu.memory_space<vmem>>) offsets(%dma_start3A_495 : memref<128xi32, #tpu.memory_space<vmem>>) semaphore(%arg13 : memref<!tpu.dma_semaphore, #tpu.memory_space<semaphore_mem>>)
      %mul3A_499 = arith.constant 8 : i32
      %mul3A_500 = arith.muli %add3A_459, %mul3A_499 : i32
      %add3A_501 = arith.constant 3 : i32
      %add3A_502 = arith.addi %mul3A_500, %add3A_501 : i32
      %dma_start3A_503 = arith.constant 384 : i32
      %dma_start3A_504 = arith.constant 0 : i32
      %dma_start3A_505 = tpu.memref_slice %arg10[%dma_start3A_503, %dma_start3A_504] : memref<1024x16xf32, #tpu.memory_space<vmem>> -> memref<128x16xf32, #tpu.memory_space<vmem>>
      %dma_start3A_506 = arith.constant 0 : i32
      %dma_start3A_507 = tpu.memref_slice %arg8[%add3A_502, %dma_start3A_506] : memref<96x128xi32, #tpu.memory_space<vmem>> -> memref<1x128xi32, #tpu.memory_space<vmem>>
      %dma_start3A_508 = tpu.memref_squeeze %dma_start3A_507 : memref<1x128xi32, #tpu.memory_space<vmem>> -> memref<128xi32, #tpu.memory_space<vmem>>
      %dma_start3A_509 = arith.constant 0 : i32
      %dma_start3A_510 = arith.constant 0 : i32
      %dma_start3A_511 = tpu.memref_slice %arg7[%dma_start3A_509, %dma_start3A_510] : memref<10240x16xf32, #tpu.memory_space<vmem_shared>> -> memref<10240x16xf32, #tpu.memory_space<vmem_shared>>
      tpu.enqueue_indirect_dma source(%dma_start3A_511 : memref<10240x16xf32, #tpu.memory_space<vmem_shared>>) target(%dma_start3A_505 : memref<128x16xf32, #tpu.memory_space<vmem>>) offsets(%dma_start3A_508 : memref<128xi32, #tpu.memory_space<vmem>>) semaphore(%arg13 : memref<!tpu.dma_semaphore, #tpu.memory_space<semaphore_mem>>)
      %mul3A_512 = arith.constant 8 : i32
      %mul3A_513 = arith.muli %add3A_459, %mul3A_512 : i32
      %add3A_514 = arith.constant 4 : i32
      %add3A_515 = arith.addi %mul3A_513, %add3A_514 : i32
      %dma_start3A_516 = arith.constant 512 : i32
      %dma_start3A_517 = arith.constant 0 : i32
      %dma_start3A_518 = tpu.memref_slice %arg10[%dma_start3A_516, %dma_start3A_517] : memref<1024x16xf32, #tpu.memory_space<vmem>> -> memref<128x16xf32, #tpu.memory_space<vmem>>
      %dma_start3A_519 = arith.constant 0 : i32
      %dma_start3A_520 = tpu.memref_slice %arg8[%add3A_515, %dma_start3A_519] : memref<96x128xi32, #tpu.memory_space<vmem>> -> memref<1x128xi32, #tpu.memory_space<vmem>>
      %dma_start3A_521 = tpu.memref_squeeze %dma_start3A_520 : memref<1x128xi32, #tpu.memory_space<vmem>> -> memref<128xi32, #tpu.memory_space<vmem>>
      %dma_start3A_522 = arith.constant 0 : i32
      %dma_start3A_523 = arith.constant 0 : i32
      %dma_start3A_524 = tpu.memref_slice %arg7[%dma_start3A_522, %dma_start3A_523] : memref<10240x16xf32, #tpu.memory_space<vmem_shared>> -> memref<10240x16xf32, #tpu.memory_space<vmem_shared>>
      tpu.enqueue_indirect_dma source(%dma_start3A_524 : memref<10240x16xf32, #tpu.memory_space<vmem_shared>>) target(%dma_start3A_518 : memref<128x16xf32, #tpu.memory_space<vmem>>) offsets(%dma_start3A_521 : memref<128xi32, #tpu.memory_space<vmem>>) semaphore(%arg13 : memref<!tpu.dma_semaphore, #tpu.memory_space<semaphore_mem>>)
      %mul3A_525 = arith.constant 8 : i32
      %mul3A_526 = arith.muli %add3A_459, %mul3A_525 : i32
      %add3A_527 = arith.constant 5 : i32
      %add3A_528 = arith.addi %mul3A_526, %add3A_527 : i32
      %dma_start3A_529 = arith.constant 640 : i32
      %dma_start3A_530 = arith.constant 0 : i32
      %dma_start3A_531 = tpu.memref_slice %arg10[%dma_start3A_529, %dma_start3A_530] : memref<1024x16xf32, #tpu.memory_space<vmem>> -> memref<128x16xf32, #tpu.memory_space<vmem>>
      %dma_start3A_532 = arith.constant 0 : i32
      %dma_start3A_533 = tpu.memref_slice %arg8[%add3A_528, %dma_start3A_532] : memref<96x128xi32, #tpu.memory_space<vmem>> -> memref<1x128xi32, #tpu.memory_space<vmem>>
      %dma_start3A_534 = tpu.memref_squeeze %dma_start3A_533 : memref<1x128xi32, #tpu.memory_space<vmem>> -> memref<128xi32, #tpu.memory_space<vmem>>
      %dma_start3A_535 = arith.constant 0 : i32
      %dma_start3A_536 = arith.constant 0 : i32
      %dma_start3A_537 = tpu.memref_slice %arg7[%dma_start3A_535, %dma_start3A_536] : memref<10240x16xf32, #tpu.memory_space<vmem_shared>> -> memref<10240x16xf32, #tpu.memory_space<vmem_shared>>
      tpu.enqueue_indirect_dma source(%dma_start3A_537 : memref<10240x16xf32, #tpu.memory_space<vmem_shared>>) target(%dma_start3A_531 : memref<128x16xf32, #tpu.memory_space<vmem>>) offsets(%dma_start3A_534 : memref<128xi32, #tpu.memory_space<vmem>>) semaphore(%arg13 : memref<!tpu.dma_semaphore, #tpu.memory_space<semaphore_mem>>)
      %mul3A_538 = arith.constant 8 : i32
      %mul3A_539 = arith.muli %add3A_459, %mul3A_538 : i32
      %add3A_540 = arith.constant 6 : i32
      %add3A_541 = arith.addi %mul3A_539, %add3A_540 : i32
      %dma_start3A_542 = arith.constant 768 : i32
      %dma_start3A_543 = arith.constant 0 : i32
      %dma_start3A_544 = tpu.memref_slice %arg10[%dma_start3A_542, %dma_start3A_543] : memref<1024x16xf32, #tpu.memory_space<vmem>> -> memref<128x16xf32, #tpu.memory_space<vmem>>
      %dma_start3A_545 = arith.constant 0 : i32
      %dma_start3A_546 = tpu.memref_slice %arg8[%add3A_541, %dma_start3A_545] : memref<96x128xi32, #tpu.memory_space<vmem>> -> memref<1x128xi32, #tpu.memory_space<vmem>>
      %dma_start3A_547 = tpu.memref_squeeze %dma_start3A_546 : memref<1x128xi32, #tpu.memory_space<vmem>> -> memref<128xi32, #tpu.memory_space<vmem>>
      %dma_start3A_548 = arith.constant 0 : i32
      %dma_start3A_549 = arith.constant 0 : i32
      %dma_start3A_550 = tpu.memref_slice %arg7[%dma_start3A_548, %dma_start3A_549] : memref<10240x16xf32, #tpu.memory_space<vmem_shared>> -> memref<10240x16xf32, #tpu.memory_space<vmem_shared>>
      tpu.enqueue_indirect_dma source(%dma_start3A_550 : memref<10240x16xf32, #tpu.memory_space<vmem_shared>>) target(%dma_start3A_544 : memref<128x16xf32, #tpu.memory_space<vmem>>) offsets(%dma_start3A_547 : memref<128xi32, #tpu.memory_space<vmem>>) semaphore(%arg13 : memref<!tpu.dma_semaphore, #tpu.memory_space<semaphore_mem>>)
      %mul3A_551 = arith.constant 8 : i32
      %mul3A_552 = arith.muli %add3A_459, %mul3A_551 : i32
      %add3A_553 = arith.constant 7 : i32
      %add3A_554 = arith.addi %mul3A_552, %add3A_553 : i32
      %dma_start3A_555 = arith.constant 896 : i32
      %dma_start3A_556 = arith.constant 0 : i32
      %dma_start3A_557 = tpu.memref_slice %arg10[%dma_start3A_555, %dma_start3A_556] : memref<1024x16xf32, #tpu.memory_space<vmem>> -> memref<128x16xf32, #tpu.memory_space<vmem>>
      %dma_start3A_558 = arith.constant 0 : i32
      %dma_start3A_559 = tpu.memref_slice %arg8[%add3A_554, %dma_start3A_558] : memref<96x128xi32, #tpu.memory_space<vmem>> -> memref<1x128xi32, #tpu.memory_space<vmem>>
      %dma_start3A_560 = tpu.memref_squeeze %dma_start3A_559 : memref<1x128xi32, #tpu.memory_space<vmem>> -> memref<128xi32, #tpu.memory_space<vmem>>
      %dma_start3A_561 = arith.constant 0 : i32
      %dma_start3A_562 = arith.constant 0 : i32
      %dma_start3A_563 = tpu.memref_slice %arg7[%dma_start3A_561, %dma_start3A_562] : memref<10240x16xf32, #tpu.memory_space<vmem_shared>> -> memref<10240x16xf32, #tpu.memory_space<vmem_shared>>
      tpu.enqueue_indirect_dma source(%dma_start3A_563 : memref<10240x16xf32, #tpu.memory_space<vmem_shared>>) target(%dma_start3A_557 : memref<128x16xf32, #tpu.memory_space<vmem>>) offsets(%dma_start3A_560 : memref<128xi32, #tpu.memory_space<vmem>>) semaphore(%arg13 : memref<!tpu.dma_semaphore, #tpu.memory_space<semaphore_mem>>)
      %dma_wait3A_564 = arith.constant 0 : i32
      %dma_wait3A_565 = arith.constant 0 : i32
      %dma_wait3A_566 = tpu.memref_slice %arg6[%dma_wait3A_564, %dma_wait3A_565] : memref<10240x16xf32, #tpu.memory_space<vmem_shared>> -> memref<1024x16xf32, #tpu.memory_space<vmem_shared>>
      %dma_wait3A_567 = arith.constant 0 : i32
      %dma_wait3A_568 = arith.constant 0 : i32
      %dma_wait3A_569 = tpu.memref_slice %arg6[%dma_wait3A_567, %dma_wait3A_568] : memref<10240x16xf32, #tpu.memory_space<vmem_shared>> -> memref<1024x16xf32, #tpu.memory_space<vmem_shared>>
      tpu.wait_dma2 semaphore(%arg14 : memref<!tpu.dma_semaphore, #tpu.memory_space<semaphore_mem>>) src(%arg11 : memref<1024x16xf32, #tpu.memory_space<vmem>>) dst(%dma_wait3A_569 : memref<1024x16xf32, #tpu.memory_space<vmem_shared>>)
      %mul3A_570 = arith.constant 8 : i32
      %mul3A_571 = arith.muli %add3A_451, %mul3A_570 : i32
      %add3A_572 = arith.constant 0 : i32
      %add3A_573 = arith.addi %mul3A_571, %add3A_572 : i32
      %dma_start3A_574 = arith.constant 0 : i32
      %dma_start3A_575 = arith.constant 0 : i32
      %dma_start3A_576 = tpu.memref_slice %arg11[%dma_start3A_574, %dma_start3A_575] : memref<1024x16xf32, #tpu.memory_space<vmem>> -> memref<128x16xf32, #tpu.memory_space<vmem>>
      %dma_start3A_577 = arith.constant 0 : i32
      %dma_start3A_578 = tpu.memref_slice %arg9[%add3A_573, %dma_start3A_577] : memref<96x128xi32, #tpu.memory_space<vmem>> -> memref<1x128xi32, #tpu.memory_space<vmem>>
      %dma_start3A_579 = tpu.memref_squeeze %dma_start3A_578 : memref<1x128xi32, #tpu.memory_space<vmem>> -> memref<128xi32, #tpu.memory_space<vmem>>
      %dma_start3A_580 = arith.constant 0 : i32
      %dma_start3A_581 = arith.constant 0 : i32
      %dma_start3A_582 = tpu.memref_slice %arg6[%dma_start3A_580, %dma_start3A_581] : memref<10240x16xf32, #tpu.memory_space<vmem_shared>> -> memref<10240x16xf32, #tpu.memory_space<vmem_shared>>
      tpu.enqueue_indirect_dma source(%dma_start3A_576 : memref<128x16xf32, #tpu.memory_space<vmem>>) target(%dma_start3A_582 : memref<10240x16xf32, #tpu.memory_space<vmem_shared>>) offsets(%dma_start3A_579 : memref<128xi32, #tpu.memory_space<vmem>>) semaphore(%arg16 : memref<!tpu.dma_semaphore, #tpu.memory_space<semaphore_mem>>) {add = true}
      %mul3A_583 = arith.constant 8 : i32
      %mul3A_584 = arith.muli %add3A_451, %mul3A_583 : i32
      %add3A_585 = arith.constant 1 : i32
      %add3A_586 = arith.addi %mul3A_584, %add3A_585 : i32
      %dma_start3A_587 = arith.constant 128 : i32
      %dma_start3A_588 = arith.constant 0 : i32
      %dma_start3A_589 = tpu.memref_slice %arg11[%dma_start3A_587, %dma_start3A_588] : memref<1024x16xf32, #tpu.memory_space<vmem>> -> memref<128x16xf32, #tpu.memory_space<vmem>>
      %dma_start3A_590 = arith.constant 0 : i32
      %dma_start3A_591 = tpu.memref_slice %arg9[%add3A_586, %dma_start3A_590] : memref<96x128xi32, #tpu.memory_space<vmem>> -> memref<1x128xi32, #tpu.memory_space<vmem>>
      %dma_start3A_592 = tpu.memref_squeeze %dma_start3A_591 : memref<1x128xi32, #tpu.memory_space<vmem>> -> memref<128xi32, #tpu.memory_space<vmem>>
      %dma_start3A_593 = arith.constant 0 : i32
      %dma_start3A_594 = arith.constant 0 : i32
      %dma_start3A_595 = tpu.memref_slice %arg6[%dma_start3A_593, %dma_start3A_594] : memref<10240x16xf32, #tpu.memory_space<vmem_shared>> -> memref<10240x16xf32, #tpu.memory_space<vmem_shared>>
      tpu.enqueue_indirect_dma source(%dma_start3A_589 : memref<128x16xf32, #tpu.memory_space<vmem>>) target(%dma_start3A_595 : memref<10240x16xf32, #tpu.memory_space<vmem_shared>>) offsets(%dma_start3A_592 : memref<128xi32, #tpu.memory_space<vmem>>) semaphore(%arg16 : memref<!tpu.dma_semaphore, #tpu.memory_space<semaphore_mem>>) {add = true}
      %mul3A_596 = arith.constant 8 : i32
      %mul3A_597 = arith.muli %add3A_451, %mul3A_596 : i32
      %add3A_598 = arith.constant 2 : i32
      %add3A_599 = arith.addi %mul3A_597, %add3A_598 : i32
      %dma_start3A_600 = arith.constant 256 : i32
      %dma_start3A_601 = arith.constant 0 : i32
      %dma_start3A_602 = tpu.memref_slice %arg11[%dma_start3A_600, %dma_start3A_601] : memref<1024x16xf32, #tpu.memory_space<vmem>> -> memref<128x16xf32, #tpu.memory_space<vmem>>
      %dma_start3A_603 = arith.constant 0 : i32
      %dma_start3A_604 = tpu.memref_slice %arg9[%add3A_599, %dma_start3A_603] : memref<96x128xi32, #tpu.memory_space<vmem>> -> memref<1x128xi32, #tpu.memory_space<vmem>>
      %dma_start3A_605 = tpu.memref_squeeze %dma_start3A_604 : memref<1x128xi32, #tpu.memory_space<vmem>> -> memref<128xi32, #tpu.memory_space<vmem>>
      %dma_start3A_606 = arith.constant 0 : i32
      %dma_start3A_607 = arith.constant 0 : i32
      %dma_start3A_608 = tpu.memref_slice %arg6[%dma_start3A_606, %dma_start3A_607] : memref<10240x16xf32, #tpu.memory_space<vmem_shared>> -> memref<10240x16xf32, #tpu.memory_space<vmem_shared>>
      tpu.enqueue_indirect_dma source(%dma_start3A_602 : memref<128x16xf32, #tpu.memory_space<vmem>>) target(%dma_start3A_608 : memref<10240x16xf32, #tpu.memory_space<vmem_shared>>) offsets(%dma_start3A_605 : memref<128xi32, #tpu.memory_space<vmem>>) semaphore(%arg16 : memref<!tpu.dma_semaphore, #tpu.memory_space<semaphore_mem>>) {add = true}
      %mul3A_609 = arith.constant 8 : i32
      %mul3A_610 = arith.muli %add3A_451, %mul3A_609 : i32
      %add3A_611 = arith.constant 3 : i32
      %add3A_612 = arith.addi %mul3A_610, %add3A_611 : i32
      %dma_start3A_613 = arith.constant 384 : i32
      %dma_start3A_614 = arith.constant 0 : i32
      %dma_start3A_615 = tpu.memref_slice %arg11[%dma_start3A_613, %dma_start3A_614] : memref<1024x16xf32, #tpu.memory_space<vmem>> -> memref<128x16xf32, #tpu.memory_space<vmem>>
      %dma_start3A_616 = arith.constant 0 : i32
      %dma_start3A_617 = tpu.memref_slice %arg9[%add3A_612, %dma_start3A_616] : memref<96x128xi32, #tpu.memory_space<vmem>> -> memref<1x128xi32, #tpu.memory_space<vmem>>
      %dma_start3A_618 = tpu.memref_squeeze %dma_start3A_617 : memref<1x128xi32, #tpu.memory_space<vmem>> -> memref<128xi32, #tpu.memory_space<vmem>>
      %dma_start3A_619 = arith.constant 0 : i32
      %dma_start3A_620 = arith.constant 0 : i32
      %dma_start3A_621 = tpu.memref_slice %arg6[%dma_start3A_619, %dma_start3A_620] : memref<10240x16xf32, #tpu.memory_space<vmem_shared>> -> memref<10240x16xf32, #tpu.memory_space<vmem_shared>>
      tpu.enqueue_indirect_dma source(%dma_start3A_615 : memref<128x16xf32, #tpu.memory_space<vmem>>) target(%dma_start3A_621 : memref<10240x16xf32, #tpu.memory_space<vmem_shared>>) offsets(%dma_start3A_618 : memref<128xi32, #tpu.memory_space<vmem>>) semaphore(%arg16 : memref<!tpu.dma_semaphore, #tpu.memory_space<semaphore_mem>>) {add = true}
      %mul3A_622 = arith.constant 8 : i32
      %mul3A_623 = arith.muli %add3A_451, %mul3A_622 : i32
      %add3A_624 = arith.constant 4 : i32
      %add3A_625 = arith.addi %mul3A_623, %add3A_624 : i32
      %dma_start3A_626 = arith.constant 512 : i32
      %dma_start3A_627 = arith.constant 0 : i32
      %dma_start3A_628 = tpu.memref_slice %arg11[%dma_start3A_626, %dma_start3A_627] : memref<1024x16xf32, #tpu.memory_space<vmem>> -> memref<128x16xf32, #tpu.memory_space<vmem>>
      %dma_start3A_629 = arith.constant 0 : i32
      %dma_start3A_630 = tpu.memref_slice %arg9[%add3A_625, %dma_start3A_629] : memref<96x128xi32, #tpu.memory_space<vmem>> -> memref<1x128xi32, #tpu.memory_space<vmem>>
      %dma_start3A_631 = tpu.memref_squeeze %dma_start3A_630 : memref<1x128xi32, #tpu.memory_space<vmem>> -> memref<128xi32, #tpu.memory_space<vmem>>
      %dma_start3A_632 = arith.constant 0 : i32
      %dma_start3A_633 = arith.constant 0 : i32
      %dma_start3A_634 = tpu.memref_slice %arg6[%dma_start3A_632, %dma_start3A_633] : memref<10240x16xf32, #tpu.memory_space<vmem_shared>> -> memref<10240x16xf32, #tpu.memory_space<vmem_shared>>
      tpu.enqueue_indirect_dma source(%dma_start3A_628 : memref<128x16xf32, #tpu.memory_space<vmem>>) target(%dma_start3A_634 : memref<10240x16xf32, #tpu.memory_space<vmem_shared>>) offsets(%dma_start3A_631 : memref<128xi32, #tpu.memory_space<vmem>>) semaphore(%arg16 : memref<!tpu.dma_semaphore, #tpu.memory_space<semaphore_mem>>) {add = true}
      %mul3A_635 = arith.constant 8 : i32
      %mul3A_636 = arith.muli %add3A_451, %mul3A_635 : i32
      %add3A_637 = arith.constant 5 : i32
      %add3A_638 = arith.addi %mul3A_636, %add3A_637 : i32
      %dma_start3A_639 = arith.constant 640 : i32
      %dma_start3A_640 = arith.constant 0 : i32
      %dma_start3A_641 = tpu.memref_slice %arg11[%dma_start3A_639, %dma_start3A_640] : memref<1024x16xf32, #tpu.memory_space<vmem>> -> memref<128x16xf32, #tpu.memory_space<vmem>>
      %dma_start3A_642 = arith.constant 0 : i32
      %dma_start3A_643 = tpu.memref_slice %arg9[%add3A_638, %dma_start3A_642] : memref<96x128xi32, #tpu.memory_space<vmem>> -> memref<1x128xi32, #tpu.memory_space<vmem>>
      %dma_start3A_644 = tpu.memref_squeeze %dma_start3A_643 : memref<1x128xi32, #tpu.memory_space<vmem>> -> memref<128xi32, #tpu.memory_space<vmem>>
      %dma_start3A_645 = arith.constant 0 : i32
      %dma_start3A_646 = arith.constant 0 : i32
      %dma_start3A_647 = tpu.memref_slice %arg6[%dma_start3A_645, %dma_start3A_646] : memref<10240x16xf32, #tpu.memory_space<vmem_shared>> -> memref<10240x16xf32, #tpu.memory_space<vmem_shared>>
      tpu.enqueue_indirect_dma source(%dma_start3A_641 : memref<128x16xf32, #tpu.memory_space<vmem>>) target(%dma_start3A_647 : memref<10240x16xf32, #tpu.memory_space<vmem_shared>>) offsets(%dma_start3A_644 : memref<128xi32, #tpu.memory_space<vmem>>) semaphore(%arg16 : memref<!tpu.dma_semaphore, #tpu.memory_space<semaphore_mem>>) {add = true}
      %mul3A_648 = arith.constant 8 : i32
      %mul3A_649 = arith.muli %add3A_451, %mul3A_648 : i32
      %add3A_650 = arith.constant 6 : i32
      %add3A_651 = arith.addi %mul3A_649, %add3A_650 : i32
      %dma_start3A_652 = arith.constant 768 : i32
      %dma_start3A_653 = arith.constant 0 : i32
      %dma_start3A_654 = tpu.memref_slice %arg11[%dma_start3A_652, %dma_start3A_653] : memref<1024x16xf32, #tpu.memory_space<vmem>> -> memref<128x16xf32, #tpu.memory_space<vmem>>
      %dma_start3A_655 = arith.constant 0 : i32
      %dma_start3A_656 = tpu.memref_slice %arg9[%add3A_651, %dma_start3A_655] : memref<96x128xi32, #tpu.memory_space<vmem>> -> memref<1x128xi32, #tpu.memory_space<vmem>>
      %dma_start3A_657 = tpu.memref_squeeze %dma_start3A_656 : memref<1x128xi32, #tpu.memory_space<vmem>> -> memref<128xi32, #tpu.memory_space<vmem>>
      %dma_start3A_658 = arith.constant 0 : i32
      %dma_start3A_659 = arith.constant 0 : i32
      %dma_start3A_660 = tpu.memref_slice %arg6[%dma_start3A_658, %dma_start3A_659] : memref<10240x16xf32, #tpu.memory_space<vmem_shared>> -> memref<10240x16xf32, #tpu.memory_space<vmem_shared>>
      tpu.enqueue_indirect_dma source(%dma_start3A_654 : memref<128x16xf32, #tpu.memory_space<vmem>>) target(%dma_start3A_660 : memref<10240x16xf32, #tpu.memory_space<vmem_shared>>) offsets(%dma_start3A_657 : memref<128xi32, #tpu.memory_space<vmem>>) semaphore(%arg16 : memref<!tpu.dma_semaphore, #tpu.memory_space<semaphore_mem>>) {add = true}
      %mul3A_661 = arith.constant 8 : i32
      %mul3A_662 = arith.muli %add3A_451, %mul3A_661 : i32
      %add3A_663 = arith.constant 7 : i32
      %add3A_664 = arith.addi %mul3A_662, %add3A_663 : i32
      %dma_start3A_665 = arith.constant 896 : i32
      %dma_start3A_666 = arith.constant 0 : i32
      %dma_start3A_667 = tpu.memref_slice %arg11[%dma_start3A_665, %dma_start3A_666] : memref<1024x16xf32, #tpu.memory_space<vmem>> -> memref<128x16xf32, #tpu.memory_space<vmem>>
      %dma_start3A_668 = arith.constant 0 : i32
      %dma_start3A_669 = tpu.memref_slice %arg9[%add3A_664, %dma_start3A_668] : memref<96x128xi32, #tpu.memory_space<vmem>> -> memref<1x128xi32, #tpu.memory_space<vmem>>
      %dma_start3A_670 = tpu.memref_squeeze %dma_start3A_669 : memref<1x128xi32, #tpu.memory_space<vmem>> -> memref<128xi32, #tpu.memory_space<vmem>>
      %dma_start3A_671 = arith.constant 0 : i32
      %dma_start3A_672 = arith.constant 0 : i32
      %dma_start3A_673 = tpu.memref_slice %arg6[%dma_start3A_671, %dma_start3A_672] : memref<10240x16xf32, #tpu.memory_space<vmem_shared>> -> memref<10240x16xf32, #tpu.memory_space<vmem_shared>>
      tpu.enqueue_indirect_dma source(%dma_start3A_667 : memref<128x16xf32, #tpu.memory_space<vmem>>) target(%dma_start3A_673 : memref<10240x16xf32, #tpu.memory_space<vmem_shared>>) offsets(%dma_start3A_670 : memref<128xi32, #tpu.memory_space<vmem>>) semaphore(%arg16 : memref<!tpu.dma_semaphore, #tpu.memory_space<semaphore_mem>>) {add = true}
      %dma_wait3A_674 = arith.constant 0 : i32
      %dma_wait3A_675 = arith.constant 0 : i32
      %dma_wait3A_676 = tpu.memref_slice %arg6[%dma_wait3A_674, %dma_wait3A_675] : memref<10240x16xf32, #tpu.memory_space<vmem_shared>> -> memref<1024x16xf32, #tpu.memory_space<vmem_shared>>
      %dma_wait3A_677 = arith.constant 0 : i32
      %dma_wait3A_678 = arith.constant 0 : i32
      %dma_wait3A_679 = tpu.memref_slice %arg6[%dma_wait3A_677, %dma_wait3A_678] : memref<10240x16xf32, #tpu.memory_space<vmem_shared>> -> memref<1024x16xf32, #tpu.memory_space<vmem_shared>>
      tpu.wait_dma2 semaphore(%arg16 : memref<!tpu.dma_semaphore, #tpu.memory_space<semaphore_mem>>) src(%arg11 : memref<1024x16xf32, #tpu.memory_space<vmem>>) dst(%dma_wait3A_679 : memref<1024x16xf32, #tpu.memory_space<vmem_shared>>)
      %add3A_680 = arith.constant 2 : i32
      %add3A_681 = arith.addi %add3A_451, %add3A_680 : i32
      %mul3A_682 = arith.constant 8 : i32
      %mul3A_683 = arith.muli %add3A_681, %mul3A_682 : i32
      %add3A_684 = arith.constant 0 : i32
      %add3A_685 = arith.addi %mul3A_683, %add3A_684 : i32
      %dma_start3A_686 = arith.constant 0 : i32
      %dma_start3A_687 = arith.constant 0 : i32
      %dma_start3A_688 = tpu.memref_slice %arg11[%dma_start3A_686, %dma_start3A_687] : memref<1024x16xf32, #tpu.memory_space<vmem>> -> memref<128x16xf32, #tpu.memory_space<vmem>>
      %dma_start3A_689 = arith.constant 0 : i32
      %dma_start3A_690 = tpu.memref_slice %arg8[%add3A_685, %dma_start3A_689] : memref<96x128xi32, #tpu.memory_space<vmem>> -> memref<1x128xi32, #tpu.memory_space<vmem>>
      %dma_start3A_691 = tpu.memref_squeeze %dma_start3A_690 : memref<1x128xi32, #tpu.memory_space<vmem>> -> memref<128xi32, #tpu.memory_space<vmem>>
      %dma_start3A_692 = arith.constant 0 : i32
      %dma_start3A_693 = arith.constant 0 : i32
      %dma_start3A_694 = tpu.memref_slice %arg7[%dma_start3A_692, %dma_start3A_693] : memref<10240x16xf32, #tpu.memory_space<vmem_shared>> -> memref<10240x16xf32, #tpu.memory_space<vmem_shared>>
      tpu.enqueue_indirect_dma source(%dma_start3A_694 : memref<10240x16xf32, #tpu.memory_space<vmem_shared>>) target(%dma_start3A_688 : memref<128x16xf32, #tpu.memory_space<vmem>>) offsets(%dma_start3A_691 : memref<128xi32, #tpu.memory_space<vmem>>) semaphore(%arg14 : memref<!tpu.dma_semaphore, #tpu.memory_space<semaphore_mem>>)
      %mul3A_695 = arith.constant 8 : i32
      %mul3A_696 = arith.muli %add3A_681, %mul3A_695 : i32
      %add3A_697 = arith.constant 1 : i32
      %add3A_698 = arith.addi %mul3A_696, %add3A_697 : i32
      %dma_start3A_699 = arith.constant 128 : i32
      %dma_start3A_700 = arith.constant 0 : i32
      %dma_start3A_701 = tpu.memref_slice %arg11[%dma_start3A_699, %dma_start3A_700] : memref<1024x16xf32, #tpu.memory_space<vmem>> -> memref<128x16xf32, #tpu.memory_space<vmem>>
      %dma_start3A_702 = arith.constant 0 : i32
      %dma_start3A_703 = tpu.memref_slice %arg8[%add3A_698, %dma_start3A_702] : memref<96x128xi32, #tpu.memory_space<vmem>> -> memref<1x128xi32, #tpu.memory_space<vmem>>
      %dma_start3A_704 = tpu.memref_squeeze %dma_start3A_703 : memref<1x128xi32, #tpu.memory_space<vmem>> -> memref<128xi32, #tpu.memory_space<vmem>>
      %dma_start3A_705 = arith.constant 0 : i32
      %dma_start3A_706 = arith.constant 0 : i32
      %dma_start3A_707 = tpu.memref_slice %arg7[%dma_start3A_705, %dma_start3A_706] : memref<10240x16xf32, #tpu.memory_space<vmem_shared>> -> memref<10240x16xf32, #tpu.memory_space<vmem_shared>>
      tpu.enqueue_indirect_dma source(%dma_start3A_707 : memref<10240x16xf32, #tpu.memory_space<vmem_shared>>) target(%dma_start3A_701 : memref<128x16xf32, #tpu.memory_space<vmem>>) offsets(%dma_start3A_704 : memref<128xi32, #tpu.memory_space<vmem>>) semaphore(%arg14 : memref<!tpu.dma_semaphore, #tpu.memory_space<semaphore_mem>>)
      %mul3A_708 = arith.constant 8 : i32
      %mul3A_709 = arith.muli %add3A_681, %mul3A_708 : i32
      %add3A_710 = arith.constant 2 : i32
      %add3A_711 = arith.addi %mul3A_709, %add3A_710 : i32
      %dma_start3A_712 = arith.constant 256 : i32
      %dma_start3A_713 = arith.constant 0 : i32
      %dma_start3A_714 = tpu.memref_slice %arg11[%dma_start3A_712, %dma_start3A_713] : memref<1024x16xf32, #tpu.memory_space<vmem>> -> memref<128x16xf32, #tpu.memory_space<vmem>>
      %dma_start3A_715 = arith.constant 0 : i32
      %dma_start3A_716 = tpu.memref_slice %arg8[%add3A_711, %dma_start3A_715] : memref<96x128xi32, #tpu.memory_space<vmem>> -> memref<1x128xi32, #tpu.memory_space<vmem>>
      %dma_start3A_717 = tpu.memref_squeeze %dma_start3A_716 : memref<1x128xi32, #tpu.memory_space<vmem>> -> memref<128xi32, #tpu.memory_space<vmem>>
      %dma_start3A_718 = arith.constant 0 : i32
      %dma_start3A_719 = arith.constant 0 : i32
      %dma_start3A_720 = tpu.memref_slice %arg7[%dma_start3A_718, %dma_start3A_719] : memref<10240x16xf32, #tpu.memory_space<vmem_shared>> -> memref<10240x16xf32, #tpu.memory_space<vmem_shared>>
      tpu.enqueue_indirect_dma source(%dma_start3A_720 : memref<10240x16xf32, #tpu.memory_space<vmem_shared>>) target(%dma_start3A_714 : memref<128x16xf32, #tpu.memory_space<vmem>>) offsets(%dma_start3A_717 : memref<128xi32, #tpu.memory_space<vmem>>) semaphore(%arg14 : memref<!tpu.dma_semaphore, #tpu.memory_space<semaphore_mem>>)
      %mul3A_721 = arith.constant 8 : i32
      %mul3A_722 = arith.muli %add3A_681, %mul3A_721 : i32
      %add3A_723 = arith.constant 3 : i32
      %add3A_724 = arith.addi %mul3A_722, %add3A_723 : i32
      %dma_start3A_725 = arith.constant 384 : i32
      %dma_start3A_726 = arith.constant 0 : i32
      %dma_start3A_727 = tpu.memref_slice %arg11[%dma_start3A_725, %dma_start3A_726] : memref<1024x16xf32, #tpu.memory_space<vmem>> -> memref<128x16xf32, #tpu.memory_space<vmem>>
      %dma_start3A_728 = arith.constant 0 : i32
      %dma_start3A_729 = tpu.memref_slice %arg8[%add3A_724, %dma_start3A_728] : memref<96x128xi32, #tpu.memory_space<vmem>> -> memref<1x128xi32, #tpu.memory_space<vmem>>
      %dma_start3A_730 = tpu.memref_squeeze %dma_start3A_729 : memref<1x128xi32, #tpu.memory_space<vmem>> -> memref<128xi32, #tpu.memory_space<vmem>>
      %dma_start3A_731 = arith.constant 0 : i32
      %dma_start3A_732 = arith.constant 0 : i32
      %dma_start3A_733 = tpu.memref_slice %arg7[%dma_start3A_731, %dma_start3A_732] : memref<10240x16xf32, #tpu.memory_space<vmem_shared>> -> memref<10240x16xf32, #tpu.memory_space<vmem_shared>>
      tpu.enqueue_indirect_dma source(%dma_start3A_733 : memref<10240x16xf32, #tpu.memory_space<vmem_shared>>) target(%dma_start3A_727 : memref<128x16xf32, #tpu.memory_space<vmem>>) offsets(%dma_start3A_730 : memref<128xi32, #tpu.memory_space<vmem>>) semaphore(%arg14 : memref<!tpu.dma_semaphore, #tpu.memory_space<semaphore_mem>>)
      %mul3A_734 = arith.constant 8 : i32
      %mul3A_735 = arith.muli %add3A_681, %mul3A_734 : i32
      %add3A_736 = arith.constant 4 : i32
      %add3A_737 = arith.addi %mul3A_735, %add3A_736 : i32
      %dma_start3A_738 = arith.constant 512 : i32
      %dma_start3A_739 = arith.constant 0 : i32
      %dma_start3A_740 = tpu.memref_slice %arg11[%dma_start3A_738, %dma_start3A_739] : memref<1024x16xf32, #tpu.memory_space<vmem>> -> memref<128x16xf32, #tpu.memory_space<vmem>>
      %dma_start3A_741 = arith.constant 0 : i32
      %dma_start3A_742 = tpu.memref_slice %arg8[%add3A_737, %dma_start3A_741] : memref<96x128xi32, #tpu.memory_space<vmem>> -> memref<1x128xi32, #tpu.memory_space<vmem>>
      %dma_start3A_743 = tpu.memref_squeeze %dma_start3A_742 : memref<1x128xi32, #tpu.memory_space<vmem>> -> memref<128xi32, #tpu.memory_space<vmem>>
      %dma_start3A_744 = arith.constant 0 : i32
      %dma_start3A_745 = arith.constant 0 : i32
      %dma_start3A_746 = tpu.memref_slice %arg7[%dma_start3A_744, %dma_start3A_745] : memref<10240x16xf32, #tpu.memory_space<vmem_shared>> -> memref<10240x16xf32, #tpu.memory_space<vmem_shared>>
      tpu.enqueue_indirect_dma source(%dma_start3A_746 : memref<10240x16xf32, #tpu.memory_space<vmem_shared>>) target(%dma_start3A_740 : memref<128x16xf32, #tpu.memory_space<vmem>>) offsets(%dma_start3A_743 : memref<128xi32, #tpu.memory_space<vmem>>) semaphore(%arg14 : memref<!tpu.dma_semaphore, #tpu.memory_space<semaphore_mem>>)
      %mul3A_747 = arith.constant 8 : i32
      %mul3A_748 = arith.muli %add3A_681, %mul3A_747 : i32
      %add3A_749 = arith.constant 5 : i32
      %add3A_750 = arith.addi %mul3A_748, %add3A_749 : i32
      %dma_start3A_751 = arith.constant 640 : i32
      %dma_start3A_752 = arith.constant 0 : i32
      %dma_start3A_753 = tpu.memref_slice %arg11[%dma_start3A_751, %dma_start3A_752] : memref<1024x16xf32, #tpu.memory_space<vmem>> -> memref<128x16xf32, #tpu.memory_space<vmem>>
      %dma_start3A_754 = arith.constant 0 : i32
      %dma_start3A_755 = tpu.memref_slice %arg8[%add3A_750, %dma_start3A_754] : memref<96x128xi32, #tpu.memory_space<vmem>> -> memref<1x128xi32, #tpu.memory_space<vmem>>
      %dma_start3A_756 = tpu.memref_squeeze %dma_start3A_755 : memref<1x128xi32, #tpu.memory_space<vmem>> -> memref<128xi32, #tpu.memory_space<vmem>>
      %dma_start3A_757 = arith.constant 0 : i32
      %dma_start3A_758 = arith.constant 0 : i32
      %dma_start3A_759 = tpu.memref_slice %arg7[%dma_start3A_757, %dma_start3A_758] : memref<10240x16xf32, #tpu.memory_space<vmem_shared>> -> memref<10240x16xf32, #tpu.memory_space<vmem_shared>>
      tpu.enqueue_indirect_dma source(%dma_start3A_759 : memref<10240x16xf32, #tpu.memory_space<vmem_shared>>) target(%dma_start3A_753 : memref<128x16xf32, #tpu.memory_space<vmem>>) offsets(%dma_start3A_756 : memref<128xi32, #tpu.memory_space<vmem>>) semaphore(%arg14 : memref<!tpu.dma_semaphore, #tpu.memory_space<semaphore_mem>>)
      %mul3A_760 = arith.constant 8 : i32
      %mul3A_761 = arith.muli %add3A_681, %mul3A_760 : i32
      %add3A_762 = arith.constant 6 : i32
      %add3A_763 = arith.addi %mul3A_761, %add3A_762 : i32
      %dma_start3A_764 = arith.constant 768 : i32
      %dma_start3A_765 = arith.constant 0 : i32
      %dma_start3A_766 = tpu.memref_slice %arg11[%dma_start3A_764, %dma_start3A_765] : memref<1024x16xf32, #tpu.memory_space<vmem>> -> memref<128x16xf32, #tpu.memory_space<vmem>>
      %dma_start3A_767 = arith.constant 0 : i32
      %dma_start3A_768 = tpu.memref_slice %arg8[%add3A_763, %dma_start3A_767] : memref<96x128xi32, #tpu.memory_space<vmem>> -> memref<1x128xi32, #tpu.memory_space<vmem>>
      %dma_start3A_769 = tpu.memref_squeeze %dma_start3A_768 : memref<1x128xi32, #tpu.memory_space<vmem>> -> memref<128xi32, #tpu.memory_space<vmem>>
      %dma_start3A_770 = arith.constant 0 : i32
      %dma_start3A_771 = arith.constant 0 : i32
      %dma_start3A_772 = tpu.memref_slice %arg7[%dma_start3A_770, %dma_start3A_771] : memref<10240x16xf32, #tpu.memory_space<vmem_shared>> -> memref<10240x16xf32, #tpu.memory_space<vmem_shared>>
      tpu.enqueue_indirect_dma source(%dma_start3A_772 : memref<10240x16xf32, #tpu.memory_space<vmem_shared>>) target(%dma_start3A_766 : memref<128x16xf32, #tpu.memory_space<vmem>>) offsets(%dma_start3A_769 : memref<128xi32, #tpu.memory_space<vmem>>) semaphore(%arg14 : memref<!tpu.dma_semaphore, #tpu.memory_space<semaphore_mem>>)
      %mul3A_773 = arith.constant 8 : i32
      %mul3A_774 = arith.muli %add3A_681, %mul3A_773 : i32
      %add3A_775 = arith.constant 7 : i32
      %add3A_776 = arith.addi %mul3A_774, %add3A_775 : i32
      %dma_start3A_777 = arith.constant 896 : i32
      %dma_start3A_778 = arith.constant 0 : i32
      %dma_start3A_779 = tpu.memref_slice %arg11[%dma_start3A_777, %dma_start3A_778] : memref<1024x16xf32, #tpu.memory_space<vmem>> -> memref<128x16xf32, #tpu.memory_space<vmem>>
      %dma_start3A_780 = arith.constant 0 : i32
      %dma_start3A_781 = tpu.memref_slice %arg8[%add3A_776, %dma_start3A_780] : memref<96x128xi32, #tpu.memory_space<vmem>> -> memref<1x128xi32, #tpu.memory_space<vmem>>
      %dma_start3A_782 = tpu.memref_squeeze %dma_start3A_781 : memref<1x128xi32, #tpu.memory_space<vmem>> -> memref<128xi32, #tpu.memory_space<vmem>>
      %dma_start3A_783 = arith.constant 0 : i32
      %dma_start3A_784 = arith.constant 0 : i32
      %dma_start3A_785 = tpu.memref_slice %arg7[%dma_start3A_783, %dma_start3A_784] : memref<10240x16xf32, #tpu.memory_space<vmem_shared>> -> memref<10240x16xf32, #tpu.memory_space<vmem_shared>>
      tpu.enqueue_indirect_dma source(%dma_start3A_785 : memref<10240x16xf32, #tpu.memory_space<vmem_shared>>) target(%dma_start3A_779 : memref<128x16xf32, #tpu.memory_space<vmem>>) offsets(%dma_start3A_782 : memref<128xi32, #tpu.memory_space<vmem>>) semaphore(%arg14 : memref<!tpu.dma_semaphore, #tpu.memory_space<semaphore_mem>>)
      %dma_wait3A_786 = arith.constant 0 : i32
      %dma_wait3A_787 = arith.constant 0 : i32
      %dma_wait3A_788 = tpu.memref_slice %arg6[%dma_wait3A_786, %dma_wait3A_787] : memref<10240x16xf32, #tpu.memory_space<vmem_shared>> -> memref<1024x16xf32, #tpu.memory_space<vmem_shared>>
      %dma_wait3A_789 = arith.constant 0 : i32
      %dma_wait3A_790 = arith.constant 0 : i32
      %dma_wait3A_791 = tpu.memref_slice %arg6[%dma_wait3A_789, %dma_wait3A_790] : memref<10240x16xf32, #tpu.memory_space<vmem_shared>> -> memref<1024x16xf32, #tpu.memory_space<vmem_shared>>
      tpu.wait_dma2 semaphore(%arg13 : memref<!tpu.dma_semaphore, #tpu.memory_space<semaphore_mem>>) src(%arg10 : memref<1024x16xf32, #tpu.memory_space<vmem>>) dst(%dma_wait3A_791 : memref<1024x16xf32, #tpu.memory_space<vmem_shared>>)
      %add3A_792 = arith.constant 1 : i32
      %add3A_793 = arith.addi %add3A_451, %add3A_792 : i32
      %mul3A_794 = arith.constant 8 : i32
      %mul3A_795 = arith.muli %add3A_793, %mul3A_794 : i32
      %add3A_796 = arith.constant 0 : i32
      %add3A_797 = arith.addi %mul3A_795, %add3A_796 : i32
      %dma_start3A_798 = arith.constant 0 : i32
      %dma_start3A_799 = arith.constant 0 : i32
      %dma_start3A_800 = tpu.memref_slice %arg10[%dma_start3A_798, %dma_start3A_799] : memref<1024x16xf32, #tpu.memory_space<vmem>> -> memref<128x16xf32, #tpu.memory_space<vmem>>
      %dma_start3A_801 = arith.constant 0 : i32
      %dma_start3A_802 = tpu.memref_slice %arg9[%add3A_797, %dma_start3A_801] : memref<96x128xi32, #tpu.memory_space<vmem>> -> memref<1x128xi32, #tpu.memory_space<vmem>>
      %dma_start3A_803 = tpu.memref_squeeze %dma_start3A_802 : memref<1x128xi32, #tpu.memory_space<vmem>> -> memref<128xi32, #tpu.memory_space<vmem>>
      %dma_start3A_804 = arith.constant 0 : i32
      %dma_start3A_805 = arith.constant 0 : i32
      %dma_start3A_806 = tpu.memref_slice %arg6[%dma_start3A_804, %dma_start3A_805] : memref<10240x16xf32, #tpu.memory_space<vmem_shared>> -> memref<10240x16xf32, #tpu.memory_space<vmem_shared>>
      tpu.enqueue_indirect_dma source(%dma_start3A_800 : memref<128x16xf32, #tpu.memory_space<vmem>>) target(%dma_start3A_806 : memref<10240x16xf32, #tpu.memory_space<vmem_shared>>) offsets(%dma_start3A_803 : memref<128xi32, #tpu.memory_space<vmem>>) semaphore(%arg15 : memref<!tpu.dma_semaphore, #tpu.memory_space<semaphore_mem>>) {add = true}
      %mul3A_807 = arith.constant 8 : i32
      %mul3A_808 = arith.muli %add3A_793, %mul3A_807 : i32
      %add3A_809 = arith.constant 1 : i32
      %add3A_810 = arith.addi %mul3A_808, %add3A_809 : i32
      %dma_start3A_811 = arith.constant 128 : i32
      %dma_start3A_812 = arith.constant 0 : i32
      %dma_start3A_813 = tpu.memref_slice %arg10[%dma_start3A_811, %dma_start3A_812] : memref<1024x16xf32, #tpu.memory_space<vmem>> -> memref<128x16xf32, #tpu.memory_space<vmem>>
      %dma_start3A_814 = arith.constant 0 : i32
      %dma_start3A_815 = tpu.memref_slice %arg9[%add3A_810, %dma_start3A_814] : memref<96x128xi32, #tpu.memory_space<vmem>> -> memref<1x128xi32, #tpu.memory_space<vmem>>
      %dma_start3A_816 = tpu.memref_squeeze %dma_start3A_815 : memref<1x128xi32, #tpu.memory_space<vmem>> -> memref<128xi32, #tpu.memory_space<vmem>>
      %dma_start3A_817 = arith.constant 0 : i32
      %dma_start3A_818 = arith.constant 0 : i32
      %dma_start3A_819 = tpu.memref_slice %arg6[%dma_start3A_817, %dma_start3A_818] : memref<10240x16xf32, #tpu.memory_space<vmem_shared>> -> memref<10240x16xf32, #tpu.memory_space<vmem_shared>>
      tpu.enqueue_indirect_dma source(%dma_start3A_813 : memref<128x16xf32, #tpu.memory_space<vmem>>) target(%dma_start3A_819 : memref<10240x16xf32, #tpu.memory_space<vmem_shared>>) offsets(%dma_start3A_816 : memref<128xi32, #tpu.memory_space<vmem>>) semaphore(%arg15 : memref<!tpu.dma_semaphore, #tpu.memory_space<semaphore_mem>>) {add = true}
      %mul3A_820 = arith.constant 8 : i32
      %mul3A_821 = arith.muli %add3A_793, %mul3A_820 : i32
      %add3A_822 = arith.constant 2 : i32
      %add3A_823 = arith.addi %mul3A_821, %add3A_822 : i32
      %dma_start3A_824 = arith.constant 256 : i32
      %dma_start3A_825 = arith.constant 0 : i32
      %dma_start3A_826 = tpu.memref_slice %arg10[%dma_start3A_824, %dma_start3A_825] : memref<1024x16xf32, #tpu.memory_space<vmem>> -> memref<128x16xf32, #tpu.memory_space<vmem>>
      %dma_start3A_827 = arith.constant 0 : i32
      %dma_start3A_828 = tpu.memref_slice %arg9[%add3A_823, %dma_start3A_827] : memref<96x128xi32, #tpu.memory_space<vmem>> -> memref<1x128xi32, #tpu.memory_space<vmem>>
      %dma_start3A_829 = tpu.memref_squeeze %dma_start3A_828 : memref<1x128xi32, #tpu.memory_space<vmem>> -> memref<128xi32, #tpu.memory_space<vmem>>
      %dma_start3A_830 = arith.constant 0 : i32
      %dma_start3A_831 = arith.constant 0 : i32
      %dma_start3A_832 = tpu.memref_slice %arg6[%dma_start3A_830, %dma_start3A_831] : memref<10240x16xf32, #tpu.memory_space<vmem_shared>> -> memref<10240x16xf32, #tpu.memory_space<vmem_shared>>
      tpu.enqueue_indirect_dma source(%dma_start3A_826 : memref<128x16xf32, #tpu.memory_space<vmem>>) target(%dma_start3A_832 : memref<10240x16xf32, #tpu.memory_space<vmem_shared>>) offsets(%dma_start3A_829 : memref<128xi32, #tpu.memory_space<vmem>>) semaphore(%arg15 : memref<!tpu.dma_semaphore, #tpu.memory_space<semaphore_mem>>) {add = true}
      %mul3A_833 = arith.constant 8 : i32
      %mul3A_834 = arith.muli %add3A_793, %mul3A_833 : i32
      %add3A_835 = arith.constant 3 : i32
      %add3A_836 = arith.addi %mul3A_834, %add3A_835 : i32
      %dma_start3A_837 = arith.constant 384 : i32
      %dma_start3A_838 = arith.constant 0 : i32
      %dma_start3A_839 = tpu.memref_slice %arg10[%dma_start3A_837, %dma_start3A_838] : memref<1024x16xf32, #tpu.memory_space<vmem>> -> memref<128x16xf32, #tpu.memory_space<vmem>>
      %dma_start3A_840 = arith.constant 0 : i32
      %dma_start3A_841 = tpu.memref_slice %arg9[%add3A_836, %dma_start3A_840] : memref<96x128xi32, #tpu.memory_space<vmem>> -> memref<1x128xi32, #tpu.memory_space<vmem>>
      %dma_start3A_842 = tpu.memref_squeeze %dma_start3A_841 : memref<1x128xi32, #tpu.memory_space<vmem>> -> memref<128xi32, #tpu.memory_space<vmem>>
      %dma_start3A_843 = arith.constant 0 : i32
      %dma_start3A_844 = arith.constant 0 : i32
      %dma_start3A_845 = tpu.memref_slice %arg6[%dma_start3A_843, %dma_start3A_844] : memref<10240x16xf32, #tpu.memory_space<vmem_shared>> -> memref<10240x16xf32, #tpu.memory_space<vmem_shared>>
      tpu.enqueue_indirect_dma source(%dma_start3A_839 : memref<128x16xf32, #tpu.memory_space<vmem>>) target(%dma_start3A_845 : memref<10240x16xf32, #tpu.memory_space<vmem_shared>>) offsets(%dma_start3A_842 : memref<128xi32, #tpu.memory_space<vmem>>) semaphore(%arg15 : memref<!tpu.dma_semaphore, #tpu.memory_space<semaphore_mem>>) {add = true}
      %mul3A_846 = arith.constant 8 : i32
      %mul3A_847 = arith.muli %add3A_793, %mul3A_846 : i32
      %add3A_848 = arith.constant 4 : i32
      %add3A_849 = arith.addi %mul3A_847, %add3A_848 : i32
      %dma_start3A_850 = arith.constant 512 : i32
      %dma_start3A_851 = arith.constant 0 : i32
      %dma_start3A_852 = tpu.memref_slice %arg10[%dma_start3A_850, %dma_start3A_851] : memref<1024x16xf32, #tpu.memory_space<vmem>> -> memref<128x16xf32, #tpu.memory_space<vmem>>
      %dma_start3A_853 = arith.constant 0 : i32
      %dma_start3A_854 = tpu.memref_slice %arg9[%add3A_849, %dma_start3A_853] : memref<96x128xi32, #tpu.memory_space<vmem>> -> memref<1x128xi32, #tpu.memory_space<vmem>>
      %dma_start3A_855 = tpu.memref_squeeze %dma_start3A_854 : memref<1x128xi32, #tpu.memory_space<vmem>> -> memref<128xi32, #tpu.memory_space<vmem>>
      %dma_start3A_856 = arith.constant 0 : i32
      %dma_start3A_857 = arith.constant 0 : i32
      %dma_start3A_858 = tpu.memref_slice %arg6[%dma_start3A_856, %dma_start3A_857] : memref<10240x16xf32, #tpu.memory_space<vmem_shared>> -> memref<10240x16xf32, #tpu.memory_space<vmem_shared>>
      tpu.enqueue_indirect_dma source(%dma_start3A_852 : memref<128x16xf32, #tpu.memory_space<vmem>>) target(%dma_start3A_858 : memref<10240x16xf32, #tpu.memory_space<vmem_shared>>) offsets(%dma_start3A_855 : memref<128xi32, #tpu.memory_space<vmem>>) semaphore(%arg15 : memref<!tpu.dma_semaphore, #tpu.memory_space<semaphore_mem>>) {add = true}
      %mul3A_859 = arith.constant 8 : i32
      %mul3A_860 = arith.muli %add3A_793, %mul3A_859 : i32
      %add3A_861 = arith.constant 5 : i32
      %add3A_862 = arith.addi %mul3A_860, %add3A_861 : i32
      %dma_start3A_863 = arith.constant 640 : i32
      %dma_start3A_864 = arith.constant 0 : i32
      %dma_start3A_865 = tpu.memref_slice %arg10[%dma_start3A_863, %dma_start3A_864] : memref<1024x16xf32, #tpu.memory_space<vmem>> -> memref<128x16xf32, #tpu.memory_space<vmem>>
      %dma_start3A_866 = arith.constant 0 : i32
      %dma_start3A_867 = tpu.memref_slice %arg9[%add3A_862, %dma_start3A_866] : memref<96x128xi32, #tpu.memory_space<vmem>> -> memref<1x128xi32, #tpu.memory_space<vmem>>
      %dma_start3A_868 = tpu.memref_squeeze %dma_start3A_867 : memref<1x128xi32, #tpu.memory_space<vmem>> -> memref<128xi32, #tpu.memory_space<vmem>>
      %dma_start3A_869 = arith.constant 0 : i32
      %dma_start3A_870 = arith.constant 0 : i32
      %dma_start3A_871 = tpu.memref_slice %arg6[%dma_start3A_869, %dma_start3A_870] : memref<10240x16xf32, #tpu.memory_space<vmem_shared>> -> memref<10240x16xf32, #tpu.memory_space<vmem_shared>>
      tpu.enqueue_indirect_dma source(%dma_start3A_865 : memref<128x16xf32, #tpu.memory_space<vmem>>) target(%dma_start3A_871 : memref<10240x16xf32, #tpu.memory_space<vmem_shared>>) offsets(%dma_start3A_868 : memref<128xi32, #tpu.memory_space<vmem>>) semaphore(%arg15 : memref<!tpu.dma_semaphore, #tpu.memory_space<semaphore_mem>>) {add = true}
      %mul3A_872 = arith.constant 8 : i32
      %mul3A_873 = arith.muli %add3A_793, %mul3A_872 : i32
      %add3A_874 = arith.constant 6 : i32
      %add3A_875 = arith.addi %mul3A_873, %add3A_874 : i32
      %dma_start3A_876 = arith.constant 768 : i32
      %dma_start3A_877 = arith.constant 0 : i32
      %dma_start3A_878 = tpu.memref_slice %arg10[%dma_start3A_876, %dma_start3A_877] : memref<1024x16xf32, #tpu.memory_space<vmem>> -> memref<128x16xf32, #tpu.memory_space<vmem>>
      %dma_start3A_879 = arith.constant 0 : i32
      %dma_start3A_880 = tpu.memref_slice %arg9[%add3A_875, %dma_start3A_879] : memref<96x128xi32, #tpu.memory_space<vmem>> -> memref<1x128xi32, #tpu.memory_space<vmem>>
      %dma_start3A_881 = tpu.memref_squeeze %dma_start3A_880 : memref<1x128xi32, #tpu.memory_space<vmem>> -> memref<128xi32, #tpu.memory_space<vmem>>
      %dma_start3A_882 = arith.constant 0 : i32
      %dma_start3A_883 = arith.constant 0 : i32
      %dma_start3A_884 = tpu.memref_slice %arg6[%dma_start3A_882, %dma_start3A_883] : memref<10240x16xf32, #tpu.memory_space<vmem_shared>> -> memref<10240x16xf32, #tpu.memory_space<vmem_shared>>
      tpu.enqueue_indirect_dma source(%dma_start3A_878 : memref<128x16xf32, #tpu.memory_space<vmem>>) target(%dma_start3A_884 : memref<10240x16xf32, #tpu.memory_space<vmem_shared>>) offsets(%dma_start3A_881 : memref<128xi32, #tpu.memory_space<vmem>>) semaphore(%arg15 : memref<!tpu.dma_semaphore, #tpu.memory_space<semaphore_mem>>) {add = true}
      %mul3A_885 = arith.constant 8 : i32
      %mul3A_886 = arith.muli %add3A_793, %mul3A_885 : i32
      %add3A_887 = arith.constant 7 : i32
      %add3A_888 = arith.addi %mul3A_886, %add3A_887 : i32
      %dma_start3A_889 = arith.constant 896 : i32
      %dma_start3A_890 = arith.constant 0 : i32
      %dma_start3A_891 = tpu.memref_slice %arg10[%dma_start3A_889, %dma_start3A_890] : memref<1024x16xf32, #tpu.memory_space<vmem>> -> memref<128x16xf32, #tpu.memory_space<vmem>>
      %dma_start3A_892 = arith.constant 0 : i32
      %dma_start3A_893 = tpu.memref_slice %arg9[%add3A_888, %dma_start3A_892] : memref<96x128xi32, #tpu.memory_space<vmem>> -> memref<1x128xi32, #tpu.memory_space<vmem>>
      %dma_start3A_894 = tpu.memref_squeeze %dma_start3A_893 : memref<1x128xi32, #tpu.memory_space<vmem>> -> memref<128xi32, #tpu.memory_space<vmem>>
      %dma_start3A_895 = arith.constant 0 : i32
      %dma_start3A_896 = arith.constant 0 : i32
      %dma_start3A_897 = tpu.memref_slice %arg6[%dma_start3A_895, %dma_start3A_896] : memref<10240x16xf32, #tpu.memory_space<vmem_shared>> -> memref<10240x16xf32, #tpu.memory_space<vmem_shared>>
      tpu.enqueue_indirect_dma source(%dma_start3A_891 : memref<128x16xf32, #tpu.memory_space<vmem>>) target(%dma_start3A_897 : memref<10240x16xf32, #tpu.memory_space<vmem_shared>>) offsets(%dma_start3A_894 : memref<128xi32, #tpu.memory_space<vmem>>) semaphore(%arg15 : memref<!tpu.dma_semaphore, #tpu.memory_space<semaphore_mem>>) {add = true}
      %while3A_898 = arith.constant 0 : i32
      scf.yield %while3A_898 : i32
    }
    %dma_wait3A_318 = arith.constant 0 : i32
    %dma_wait3A_319 = arith.constant 0 : i32
    %dma_wait3A_320 = tpu.memref_slice %arg6[%dma_wait3A_318, %dma_wait3A_319] : memref<10240x16xf32, #tpu.memory_space<vmem_shared>> -> memref<1024x16xf32, #tpu.memory_space<vmem_shared>>
    %dma_wait3A_321 = arith.constant 0 : i32
    %dma_wait3A_322 = arith.constant 0 : i32
    %dma_wait3A_323 = tpu.memref_slice %arg6[%dma_wait3A_321, %dma_wait3A_322] : memref<10240x16xf32, #tpu.memory_space<vmem_shared>> -> memref<1024x16xf32, #tpu.memory_space<vmem_shared>>
    tpu.wait_dma2 semaphore(%arg15 : memref<!tpu.dma_semaphore, #tpu.memory_space<semaphore_mem>>) src(%arg10 : memref<1024x16xf32, #tpu.memory_space<vmem>>) dst(%dma_wait3A_323 : memref<1024x16xf32, #tpu.memory_space<vmem_shared>>)
    %dma_wait3A_324 = arith.constant 0 : i32
    %dma_wait3A_325 = arith.constant 0 : i32
    %dma_wait3A_326 = tpu.memref_slice %arg6[%dma_wait3A_324, %dma_wait3A_325] : memref<10240x16xf32, #tpu.memory_space<vmem_shared>> -> memref<1024x16xf32, #tpu.memory_space<vmem_shared>>
    %dma_wait3A_327 = arith.constant 0 : i32
    %dma_wait3A_328 = arith.constant 0 : i32
    %dma_wait3A_329 = tpu.memref_slice %arg6[%dma_wait3A_327, %dma_wait3A_328] : memref<10240x16xf32, #tpu.memory_space<vmem_shared>> -> memref<1024x16xf32, #tpu.memory_space<vmem_shared>>
    tpu.wait_dma2 semaphore(%arg14 : memref<!tpu.dma_semaphore, #tpu.memory_space<semaphore_mem>>) src(%arg11 : memref<1024x16xf32, #tpu.memory_space<vmem>>) dst(%dma_wait3A_329 : memref<1024x16xf32, #tpu.memory_space<vmem_shared>>)
    %sub3A_330 = arith.constant 1 : i32
    %sub3A_331 = arith.subi %select_n3A, %sub3A_330 : i32
    %mul3A_332 = arith.constant 8 : i32
    %mul3A_333 = arith.muli %sub3A_331, %mul3A_332 : i32
    %add3A_334 = arith.constant 0 : i32
    %add3A_335 = arith.addi %mul3A_333, %add3A_334 : i32
    %dma_start3A_336 = arith.constant 0 : i32
    %dma_start3A_337 = arith.constant 0 : i32
    %dma_start3A_338 = tpu.memref_slice %arg11[%dma_start3A_336, %dma_start3A_337] : memref<1024x16xf32, #tpu.memory_space<vmem>> -> memref<128x16xf32, #tpu.memory_space<vmem>>
    %dma_start3A_339 = arith.constant 0 : i32
    %dma_start3A_340 = tpu.memref_slice %arg9[%add3A_335, %dma_start3A_339] : memref<96x128xi32, #tpu.memory_space<vmem>> -> memref<1x128xi32, #tpu.memory_space<vmem>>
    %dma_start3A_341 = tpu.memref_squeeze %dma_start3A_340 : memref<1x128xi32, #tpu.memory_space<vmem>> -> memref<128xi32, #tpu.memory_space<vmem>>
    %dma_start3A_342 = arith.constant 0 : i32
    %dma_start3A_343 = arith.constant 0 : i32
    %dma_start3A_344 = tpu.memref_slice %arg6[%dma_start3A_342, %dma_start3A_343] : memref<10240x16xf32, #tpu.memory_space<vmem_shared>> -> memref<10240x16xf32, #tpu.memory_space<vmem_shared>>
    tpu.enqueue_indirect_dma source(%dma_start3A_338 : memref<128x16xf32, #tpu.memory_space<vmem>>) target(%dma_start3A_344 : memref<10240x16xf32, #tpu.memory_space<vmem_shared>>) offsets(%dma_start3A_341 : memref<128xi32, #tpu.memory_space<vmem>>) semaphore(%arg16 : memref<!tpu.dma_semaphore, #tpu.memory_space<semaphore_mem>>) {add = true}
    %mul3A_345 = arith.constant 8 : i32
    %mul3A_346 = arith.muli %sub3A_331, %mul3A_345 : i32
    %add3A_347 = arith.constant 1 : i32
    %add3A_348 = arith.addi %mul3A_346, %add3A_347 : i32
    %dma_start3A_349 = arith.constant 128 : i32
    %dma_start3A_350 = arith.constant 0 : i32
    %dma_start3A_351 = tpu.memref_slice %arg11[%dma_start3A_349, %dma_start3A_350] : memref<1024x16xf32, #tpu.memory_space<vmem>> -> memref<128x16xf32, #tpu.memory_space<vmem>>
    %dma_start3A_352 = arith.constant 0 : i32
    %dma_start3A_353 = tpu.memref_slice %arg9[%add3A_348, %dma_start3A_352] : memref<96x128xi32, #tpu.memory_space<vmem>> -> memref<1x128xi32, #tpu.memory_space<vmem>>
    %dma_start3A_354 = tpu.memref_squeeze %dma_start3A_353 : memref<1x128xi32, #tpu.memory_space<vmem>> -> memref<128xi32, #tpu.memory_space<vmem>>
    %dma_start3A_355 = arith.constant 0 : i32
    %dma_start3A_356 = arith.constant 0 : i32
    %dma_start3A_357 = tpu.memref_slice %arg6[%dma_start3A_355, %dma_start3A_356] : memref<10240x16xf32, #tpu.memory_space<vmem_shared>> -> memref<10240x16xf32, #tpu.memory_space<vmem_shared>>
    tpu.enqueue_indirect_dma source(%dma_start3A_351 : memref<128x16xf32, #tpu.memory_space<vmem>>) target(%dma_start3A_357 : memref<10240x16xf32, #tpu.memory_space<vmem_shared>>) offsets(%dma_start3A_354 : memref<128xi32, #tpu.memory_space<vmem>>) semaphore(%arg16 : memref<!tpu.dma_semaphore, #tpu.memory_space<semaphore_mem>>) {add = true}
    %mul3A_358 = arith.constant 8 : i32
    %mul3A_359 = arith.muli %sub3A_331, %mul3A_358 : i32
    %add3A_360 = arith.constant 2 : i32
    %add3A_361 = arith.addi %mul3A_359, %add3A_360 : i32
    %dma_start3A_362 = arith.constant 256 : i32
    %dma_start3A_363 = arith.constant 0 : i32
    %dma_start3A_364 = tpu.memref_slice %arg11[%dma_start3A_362, %dma_start3A_363] : memref<1024x16xf32, #tpu.memory_space<vmem>> -> memref<128x16xf32, #tpu.memory_space<vmem>>
    %dma_start3A_365 = arith.constant 0 : i32
    %dma_start3A_366 = tpu.memref_slice %arg9[%add3A_361, %dma_start3A_365] : memref<96x128xi32, #tpu.memory_space<vmem>> -> memref<1x128xi32, #tpu.memory_space<vmem>>
    %dma_start3A_367 = tpu.memref_squeeze %dma_start3A_366 : memref<1x128xi32, #tpu.memory_space<vmem>> -> memref<128xi32, #tpu.memory_space<vmem>>
    %dma_start3A_368 = arith.constant 0 : i32
    %dma_start3A_369 = arith.constant 0 : i32
    %dma_start3A_370 = tpu.memref_slice %arg6[%dma_start3A_368, %dma_start3A_369] : memref<10240x16xf32, #tpu.memory_space<vmem_shared>> -> memref<10240x16xf32, #tpu.memory_space<vmem_shared>>
    tpu.enqueue_indirect_dma source(%dma_start3A_364 : memref<128x16xf32, #tpu.memory_space<vmem>>) target(%dma_start3A_370 : memref<10240x16xf32, #tpu.memory_space<vmem_shared>>) offsets(%dma_start3A_367 : memref<128xi32, #tpu.memory_space<vmem>>) semaphore(%arg16 : memref<!tpu.dma_semaphore, #tpu.memory_space<semaphore_mem>>) {add = true}
    %mul3A_371 = arith.constant 8 : i32
    %mul3A_372 = arith.muli %sub3A_331, %mul3A_371 : i32
    %add3A_373 = arith.constant 3 : i32
    %add3A_374 = arith.addi %mul3A_372, %add3A_373 : i32
    %dma_start3A_375 = arith.constant 384 : i32
    %dma_start3A_376 = arith.constant 0 : i32
    %dma_start3A_377 = tpu.memref_slice %arg11[%dma_start3A_375, %dma_start3A_376] : memref<1024x16xf32, #tpu.memory_space<vmem>> -> memref<128x16xf32, #tpu.memory_space<vmem>>
    %dma_start3A_378 = arith.constant 0 : i32
    %dma_start3A_379 = tpu.memref_slice %arg9[%add3A_374, %dma_start3A_378] : memref<96x128xi32, #tpu.memory_space<vmem>> -> memref<1x128xi32, #tpu.memory_space<vmem>>
    %dma_start3A_380 = tpu.memref_squeeze %dma_start3A_379 : memref<1x128xi32, #tpu.memory_space<vmem>> -> memref<128xi32, #tpu.memory_space<vmem>>
    %dma_start3A_381 = arith.constant 0 : i32
    %dma_start3A_382 = arith.constant 0 : i32
    %dma_start3A_383 = tpu.memref_slice %arg6[%dma_start3A_381, %dma_start3A_382] : memref<10240x16xf32, #tpu.memory_space<vmem_shared>> -> memref<10240x16xf32, #tpu.memory_space<vmem_shared>>
    tpu.enqueue_indirect_dma source(%dma_start3A_377 : memref<128x16xf32, #tpu.memory_space<vmem>>) target(%dma_start3A_383 : memref<10240x16xf32, #tpu.memory_space<vmem_shared>>) offsets(%dma_start3A_380 : memref<128xi32, #tpu.memory_space<vmem>>) semaphore(%arg16 : memref<!tpu.dma_semaphore, #tpu.memory_space<semaphore_mem>>) {add = true}
    %mul3A_384 = arith.constant 8 : i32
    %mul3A_385 = arith.muli %sub3A_331, %mul3A_384 : i32
    %add3A_386 = arith.constant 4 : i32
    %add3A_387 = arith.addi %mul3A_385, %add3A_386 : i32
    %dma_start3A_388 = arith.constant 512 : i32
    %dma_start3A_389 = arith.constant 0 : i32
    %dma_start3A_390 = tpu.memref_slice %arg11[%dma_start3A_388, %dma_start3A_389] : memref<1024x16xf32, #tpu.memory_space<vmem>> -> memref<128x16xf32, #tpu.memory_space<vmem>>
    %dma_start3A_391 = arith.constant 0 : i32
    %dma_start3A_392 = tpu.memref_slice %arg9[%add3A_387, %dma_start3A_391] : memref<96x128xi32, #tpu.memory_space<vmem>> -> memref<1x128xi32, #tpu.memory_space<vmem>>
    %dma_start3A_393 = tpu.memref_squeeze %dma_start3A_392 : memref<1x128xi32, #tpu.memory_space<vmem>> -> memref<128xi32, #tpu.memory_space<vmem>>
    %dma_start3A_394 = arith.constant 0 : i32
    %dma_start3A_395 = arith.constant 0 : i32
    %dma_start3A_396 = tpu.memref_slice %arg6[%dma_start3A_394, %dma_start3A_395] : memref<10240x16xf32, #tpu.memory_space<vmem_shared>> -> memref<10240x16xf32, #tpu.memory_space<vmem_shared>>
    tpu.enqueue_indirect_dma source(%dma_start3A_390 : memref<128x16xf32, #tpu.memory_space<vmem>>) target(%dma_start3A_396 : memref<10240x16xf32, #tpu.memory_space<vmem_shared>>) offsets(%dma_start3A_393 : memref<128xi32, #tpu.memory_space<vmem>>) semaphore(%arg16 : memref<!tpu.dma_semaphore, #tpu.memory_space<semaphore_mem>>) {add = true}
    %mul3A_397 = arith.constant 8 : i32
    %mul3A_398 = arith.muli %sub3A_331, %mul3A_397 : i32
    %add3A_399 = arith.constant 5 : i32
    %add3A_400 = arith.addi %mul3A_398, %add3A_399 : i32
    %dma_start3A_401 = arith.constant 640 : i32
    %dma_start3A_402 = arith.constant 0 : i32
    %dma_start3A_403 = tpu.memref_slice %arg11[%dma_start3A_401, %dma_start3A_402] : memref<1024x16xf32, #tpu.memory_space<vmem>> -> memref<128x16xf32, #tpu.memory_space<vmem>>
    %dma_start3A_404 = arith.constant 0 : i32
    %dma_start3A_405 = tpu.memref_slice %arg9[%add3A_400, %dma_start3A_404] : memref<96x128xi32, #tpu.memory_space<vmem>> -> memref<1x128xi32, #tpu.memory_space<vmem>>
    %dma_start3A_406 = tpu.memref_squeeze %dma_start3A_405 : memref<1x128xi32, #tpu.memory_space<vmem>> -> memref<128xi32, #tpu.memory_space<vmem>>
    %dma_start3A_407 = arith.constant 0 : i32
    %dma_start3A_408 = arith.constant 0 : i32
    %dma_start3A_409 = tpu.memref_slice %arg6[%dma_start3A_407, %dma_start3A_408] : memref<10240x16xf32, #tpu.memory_space<vmem_shared>> -> memref<10240x16xf32, #tpu.memory_space<vmem_shared>>
    tpu.enqueue_indirect_dma source(%dma_start3A_403 : memref<128x16xf32, #tpu.memory_space<vmem>>) target(%dma_start3A_409 : memref<10240x16xf32, #tpu.memory_space<vmem_shared>>) offsets(%dma_start3A_406 : memref<128xi32, #tpu.memory_space<vmem>>) semaphore(%arg16 : memref<!tpu.dma_semaphore, #tpu.memory_space<semaphore_mem>>) {add = true}
    %mul3A_410 = arith.constant 8 : i32
    %mul3A_411 = arith.muli %sub3A_331, %mul3A_410 : i32
    %add3A_412 = arith.constant 6 : i32
    %add3A_413 = arith.addi %mul3A_411, %add3A_412 : i32
    %dma_start3A_414 = arith.constant 768 : i32
    %dma_start3A_415 = arith.constant 0 : i32
    %dma_start3A_416 = tpu.memref_slice %arg11[%dma_start3A_414, %dma_start3A_415] : memref<1024x16xf32, #tpu.memory_space<vmem>> -> memref<128x16xf32, #tpu.memory_space<vmem>>
    %dma_start3A_417 = arith.constant 0 : i32
    %dma_start3A_418 = tpu.memref_slice %arg9[%add3A_413, %dma_start3A_417] : memref<96x128xi32, #tpu.memory_space<vmem>> -> memref<1x128xi32, #tpu.memory_space<vmem>>
    %dma_start3A_419 = tpu.memref_squeeze %dma_start3A_418 : memref<1x128xi32, #tpu.memory_space<vmem>> -> memref<128xi32, #tpu.memory_space<vmem>>
    %dma_start3A_420 = arith.constant 0 : i32
    %dma_start3A_421 = arith.constant 0 : i32
    %dma_start3A_422 = tpu.memref_slice %arg6[%dma_start3A_420, %dma_start3A_421] : memref<10240x16xf32, #tpu.memory_space<vmem_shared>> -> memref<10240x16xf32, #tpu.memory_space<vmem_shared>>
    tpu.enqueue_indirect_dma source(%dma_start3A_416 : memref<128x16xf32, #tpu.memory_space<vmem>>) target(%dma_start3A_422 : memref<10240x16xf32, #tpu.memory_space<vmem_shared>>) offsets(%dma_start3A_419 : memref<128xi32, #tpu.memory_space<vmem>>) semaphore(%arg16 : memref<!tpu.dma_semaphore, #tpu.memory_space<semaphore_mem>>) {add = true}
    %mul3A_423 = arith.constant 8 : i32
    %mul3A_424 = arith.muli %sub3A_331, %mul3A_423 : i32
    %add3A_425 = arith.constant 7 : i32
    %add3A_426 = arith.addi %mul3A_424, %add3A_425 : i32
    %dma_start3A_427 = arith.constant 896 : i32
    %dma_start3A_428 = arith.constant 0 : i32
    %dma_start3A_429 = tpu.memref_slice %arg11[%dma_start3A_427, %dma_start3A_428] : memref<1024x16xf32, #tpu.memory_space<vmem>> -> memref<128x16xf32, #tpu.memory_space<vmem>>
    %dma_start3A_430 = arith.constant 0 : i32
    %dma_start3A_431 = tpu.memref_slice %arg9[%add3A_426, %dma_start3A_430] : memref<96x128xi32, #tpu.memory_space<vmem>> -> memref<1x128xi32, #tpu.memory_space<vmem>>
    %dma_start3A_432 = tpu.memref_squeeze %dma_start3A_431 : memref<1x128xi32, #tpu.memory_space<vmem>> -> memref<128xi32, #tpu.memory_space<vmem>>
    %dma_start3A_433 = arith.constant 0 : i32
    %dma_start3A_434 = arith.constant 0 : i32
    %dma_start3A_435 = tpu.memref_slice %arg6[%dma_start3A_433, %dma_start3A_434] : memref<10240x16xf32, #tpu.memory_space<vmem_shared>> -> memref<10240x16xf32, #tpu.memory_space<vmem_shared>>
    tpu.enqueue_indirect_dma source(%dma_start3A_429 : memref<128x16xf32, #tpu.memory_space<vmem>>) target(%dma_start3A_435 : memref<10240x16xf32, #tpu.memory_space<vmem_shared>>) offsets(%dma_start3A_432 : memref<128xi32, #tpu.memory_space<vmem>>) semaphore(%arg16 : memref<!tpu.dma_semaphore, #tpu.memory_space<semaphore_mem>>) {add = true}
    %dma_wait3A_436 = arith.constant 0 : i32
    %dma_wait3A_437 = arith.constant 0 : i32
    %dma_wait3A_438 = tpu.memref_slice %arg6[%dma_wait3A_436, %dma_wait3A_437] : memref<10240x16xf32, #tpu.memory_space<vmem_shared>> -> memref<1024x16xf32, #tpu.memory_space<vmem_shared>>
    %dma_wait3A_439 = arith.constant 0 : i32
    %dma_wait3A_440 = arith.constant 0 : i32
    %dma_wait3A_441 = tpu.memref_slice %arg6[%dma_wait3A_439, %dma_wait3A_440] : memref<10240x16xf32, #tpu.memory_space<vmem_shared>> -> memref<1024x16xf32, #tpu.memory_space<vmem_shared>>
    tpu.wait_dma2 semaphore(%arg16 : memref<!tpu.dma_semaphore, #tpu.memory_space<semaphore_mem>>) src(%arg11 : memref<1024x16xf32, #tpu.memory_space<vmem>>) dst(%dma_wait3A_441 : memref<1024x16xf32, #tpu.memory_space<vmem_shared>>)
    %barrier3A_442 = arith.constant 0 : index
    tpu.barrier barrier_id(%barrier3A_442)
    "tpu.region"() ({
      %run_scoped3A = tpu.sem_alloc : memref<!tpu.dma_semaphore, #tpu.memory_space<semaphore_mem>>
      %dma_start3A_446 = arith.constant 0 : i32
      %dma_start3A_447 = tpu.memref_slice %arg6[%mul3A_27, %dma_start3A_446] : memref<10240x16xf32, #tpu.memory_space<vmem_shared>> -> memref<640x16xf32, #tpu.memory_space<vmem_shared>>
      %dma_start3A_448 = arith.constant 0 : i32
      %dma_start3A_449 = tpu.memref_slice %arg6[%mul3A_27, %dma_start3A_448] : memref<10240x16xf32, #tpu.memory_space<vmem_shared>> -> memref<640x16xf32, #tpu.memory_space<vmem_shared>>
      tpu.enqueue_dma source(%dma_start3A_449 : memref<640x16xf32, #tpu.memory_space<vmem_shared>>) target(%arg12 : memref<640x16xf32, #tpu.memory_space<vmem>>) target_semaphore(%run_scoped3A : memref<!tpu.dma_semaphore, #tpu.memory_space<semaphore_mem>>)
      %dma_wait3A_450 = arith.constant 0 : i32
      %dma_wait3A_451 = tpu.memref_slice %arg6[%mul3A_27, %dma_wait3A_450] : memref<10240x16xf32, #tpu.memory_space<vmem_shared>> -> memref<640x16xf32, #tpu.memory_space<vmem_shared>>
      %dma_wait3A_452 = arith.constant 0 : i32
      %dma_wait3A_453 = tpu.memref_slice %arg6[%mul3A_27, %dma_wait3A_452] : memref<10240x16xf32, #tpu.memory_space<vmem_shared>> -> memref<640x16xf32, #tpu.memory_space<vmem_shared>>
      tpu.wait_dma2 semaphore(%run_scoped3A : memref<!tpu.dma_semaphore, #tpu.memory_space<semaphore_mem>>) src(%dma_wait3A_453 : memref<640x16xf32, #tpu.memory_space<vmem_shared>>) dst(%arg12 : memref<640x16xf32, #tpu.memory_space<vmem>>)
      tpu.yield
    }) : () -> ()
    %mul3A_443 = arith.constant 10240 : i32
    %mul3A_444 = arith.muli %arg0, %mul3A_443 : i32
    %add3A_445 = arith.addi %mul3A_444, %mul3A_27 : i32
    "tpu.region"() ({
      %run_scoped3A = tpu.sem_alloc : memref<!tpu.dma_semaphore, #tpu.memory_space<semaphore_mem>>
      %dma_start3A_446 = arith.constant 0 : i32
      %dma_start3A_447 = tpu.memref_slice %arg5[%add3A_445, %dma_start3A_446] : memref<20480x16xf32, #tpu.memory_space<hbm>> -> memref<640x16xf32, #tpu.memory_space<hbm>>
      %dma_start3A_448 = arith.constant 0 : i32
      %dma_start3A_449 = tpu.memref_slice %arg5[%add3A_445, %dma_start3A_448] : memref<20480x16xf32, #tpu.memory_space<hbm>> -> memref<640x16xf32, #tpu.memory_space<hbm>>
      tpu.enqueue_dma source(%arg12 : memref<640x16xf32, #tpu.memory_space<vmem>>) target(%dma_start3A_449 : memref<640x16xf32, #tpu.memory_space<hbm>>) target_semaphore(%run_scoped3A : memref<!tpu.dma_semaphore, #tpu.memory_space<semaphore_mem>>)
      %dma_wait3A_450 = arith.constant 0 : i32
      %dma_wait3A_451 = tpu.memref_slice %arg5[%add3A_445, %dma_wait3A_450] : memref<20480x16xf32, #tpu.memory_space<hbm>> -> memref<640x16xf32, #tpu.memory_space<hbm>>
      %dma_wait3A_452 = arith.constant 0 : i32
      %dma_wait3A_453 = tpu.memref_slice %arg5[%add3A_445, %dma_wait3A_452] : memref<20480x16xf32, #tpu.memory_space<hbm>> -> memref<640x16xf32, #tpu.memory_space<hbm>>
      tpu.wait_dma2 semaphore(%run_scoped3A : memref<!tpu.dma_semaphore, #tpu.memory_space<semaphore_mem>>) src(%arg12 : memref<640x16xf32, #tpu.memory_space<vmem>>) dst(%dma_wait3A_453 : memref<640x16xf32, #tpu.memory_space<hbm>>)
      tpu.yield
    }) : () -> ()
    return
  }
}

#map = affine_map<(d0, d1) -> (0, 0)>
module attributes {stable_mosaic.version = 14 : i64} {
  func.func @_segsum_body(%arg0: i32, %arg1: i32, %arg2: memref<2656x128xi32, #tpu.memory_space<hbm>>, %arg3: memref<2656x128xi32, #tpu.memory_space<hbm>>, %arg4: memref<10240x16xf32, #tpu.memory_space<hbm>>, %arg5: memref<20480x16xf32, #tpu.memory_space<hbm>>, %arg6: memref<10240x16xf32, #tpu.memory_space<vmem_shared>>, %arg7: memref<10240x16xf32, #tpu.memory_space<vmem_shared>>, %arg8: memref<96x128xi32, #tpu.memory_space<vmem>>, %arg9: memref<96x128xi32, #tpu.memory_space<vmem>>, %arg10: memref<1024x16xf32, #tpu.memory_space<vmem>>, %arg11: memref<1024x16xf32, #tpu.memory_space<vmem>>, %arg12: memref<640x16xf32, #tpu.memory_space<vmem>>, %arg13: memref<!tpu.dma_semaphore, #tpu.memory_space<semaphore_mem>>, %arg14: memref<!tpu.dma_semaphore, #tpu.memory_space<semaphore_mem>>, %arg15: memref<!tpu.dma_semaphore, #tpu.memory_space<semaphore_mem>>, %arg16: memref<!tpu.dma_semaphore, #tpu.memory_space<semaphore_mem>>) attributes {dimension_semantics = [#tpu.dimension_semantics<core_parallel>, #tpu.dimension_semantics<subcore_parallel>], iteration_bounds = array<i64: 2, 16>, scalar_prefetch = 0 : i64, scratch_operands = 11 : i64, tpu.core_type = #tpu.core_type<sc_vector_subcore>, window_params = [{transform_indices = #map}, {transform_indices = #map}, {transform_indices = #map}, {transform_indices = #map}]} {
    %eq3A = arith.constant 0 : i32
    %eq3A_0 = arith.cmpi eq, %arg0, %eq3A : i32
    %jit3A = arith.constant 12 : i32
    %jit3A_1 = arith.constant 8 : i32
    %select_n3A = arith.select %eq3A_0, %jit3A, %jit3A_1 : i32
    %eq3A_2 = arith.constant 0 : i32
    %eq3A_3 = arith.cmpi eq, %arg0, %eq3A_2 : i32
    %mul3A = arith.constant 96 : i32
    %mul3A_4 = arith.muli %arg1, %mul3A : i32
    %mul3A_5 = arith.constant 64 : i32
    %mul3A_6 = arith.muli %arg1, %mul3A_5 : i32
    %add3A = arith.constant 1536 : i32
    %add3A_7 = arith.addi %add3A, %mul3A_6 : i32
    %select_n3A_8 = arith.select %eq3A_3, %mul3A_4, %add3A_7 : i32
    %eq3A_9 = arith.constant 0 : i32
    %eq3A_10 = arith.cmpi eq, %arg0, %eq3A_9 : i32
    %convert_element_type3A = arith.extui %eq3A_10 : i1 to i32
    %cond3A = arith.constant 0 : i32
    %cond3A_11 = arith.cmpi ne, %convert_element_type3A, %cond3A : i32
    scf.if %cond3A_11 {
      "tpu.region"() ({
        %run_scoped3A = tpu.sem_alloc : memref<!tpu.dma_semaphore, #tpu.memory_space<semaphore_mem>>
        %dma_start3A_446 = arith.constant 0 : i32
        %dma_start3A_447 = arith.constant 0 : i32
        %dma_start3A_448 = tpu.memref_slice %arg8[%dma_start3A_446, %dma_start3A_447] : memref<96x128xi32, #tpu.memory_space<vmem>> -> memref<96x128xi32, #tpu.memory_space<vmem>>
        %dma_start3A_449 = arith.constant 0 : i32
        %dma_start3A_450 = tpu.memref_slice %arg2[%select_n3A_8, %dma_start3A_449] : memref<2656x128xi32, #tpu.memory_space<hbm>> -> memref<96x128xi32, #tpu.memory_space<hbm>>
        %dma_start3A_451 = arith.constant 0 : i32
        %dma_start3A_452 = arith.constant 0 : i32
        %dma_start3A_453 = tpu.memref_slice %arg8[%dma_start3A_451, %dma_start3A_452] : memref<96x128xi32, #tpu.memory_space<vmem>> -> memref<96x128xi32, #tpu.memory_space<vmem>>
        %dma_start3A_454 = arith.constant 0 : i32
        %dma_start3A_455 = tpu.memref_slice %arg2[%select_n3A_8, %dma_start3A_454] : memref<2656x128xi32, #tpu.memory_space<hbm>> -> memref<96x128xi32, #tpu.memory_space<hbm>>
        tpu.enqueue_dma source(%dma_start3A_455 : memref<96x128xi32, #tpu.memory_space<hbm>>) target(%dma_start3A_453 : memref<96x128xi32, #tpu.memory_space<vmem>>) target_semaphore(%run_scoped3A : memref<!tpu.dma_semaphore, #tpu.memory_space<semaphore_mem>>)
        %dma_wait3A_456 = arith.constant 0 : i32
        %dma_wait3A_457 = arith.constant 0 : i32
        %dma_wait3A_458 = tpu.memref_slice %arg8[%dma_wait3A_456, %dma_wait3A_457] : memref<96x128xi32, #tpu.memory_space<vmem>> -> memref<96x128xi32, #tpu.memory_space<vmem>>
        %dma_wait3A_459 = arith.constant 0 : i32
        %dma_wait3A_460 = tpu.memref_slice %arg2[%select_n3A_8, %dma_wait3A_459] : memref<2656x128xi32, #tpu.memory_space<hbm>> -> memref<96x128xi32, #tpu.memory_space<hbm>>
        %dma_wait3A_461 = arith.constant 0 : i32
        %dma_wait3A_462 = arith.constant 0 : i32
        %dma_wait3A_463 = tpu.memref_slice %arg8[%dma_wait3A_461, %dma_wait3A_462] : memref<96x128xi32, #tpu.memory_space<vmem>> -> memref<96x128xi32, #tpu.memory_space<vmem>>
        %dma_wait3A_464 = arith.constant 0 : i32
        %dma_wait3A_465 = tpu.memref_slice %arg2[%select_n3A_8, %dma_wait3A_464] : memref<2656x128xi32, #tpu.memory_space<hbm>> -> memref<96x128xi32, #tpu.memory_space<hbm>>
        tpu.wait_dma2 semaphore(%run_scoped3A : memref<!tpu.dma_semaphore, #tpu.memory_space<semaphore_mem>>) src(%dma_wait3A_465 : memref<96x128xi32, #tpu.memory_space<hbm>>) dst(%dma_wait3A_463 : memref<96x128xi32, #tpu.memory_space<vmem>>)
        tpu.yield
      }) : () -> ()
    } else {
    }
    %ne3A = arith.constant 0 : i32
    %ne3A_12 = arith.cmpi ne, %arg0, %ne3A : i32
    %convert_element_type3A_13 = arith.extui %ne3A_12 : i1 to i32
    %cond3A_14 = arith.constant 0 : i32
    %cond3A_15 = arith.cmpi ne, %convert_element_type3A_13, %cond3A_14 : i32
    scf.if %cond3A_15 {
      "tpu.region"() ({
        %run_scoped3A = tpu.sem_alloc : memref<!tpu.dma_semaphore, #tpu.memory_space<semaphore_mem>>
        %dma_start3A_446 = arith.constant 0 : i32
        %dma_start3A_447 = arith.constant 0 : i32
        %dma_start3A_448 = tpu.memref_slice %arg8[%dma_start3A_446, %dma_start3A_447] : memref<96x128xi32, #tpu.memory_space<vmem>> -> memref<64x128xi32, #tpu.memory_space<vmem>>
        %dma_start3A_449 = arith.constant 0 : i32
        %dma_start3A_450 = tpu.memref_slice %arg2[%select_n3A_8, %dma_start3A_449] : memref<2656x128xi32, #tpu.memory_space<hbm>> -> memref<64x128xi32, #tpu.memory_space<hbm>>
        %dma_start3A_451 = arith.constant 0 : i32
        %dma_start3A_452 = arith.constant 0 : i32
        %dma_start3A_453 = tpu.memref_slice %arg8[%dma_start3A_451, %dma_start3A_452] : memref<96x128xi32, #tpu.memory_space<vmem>> -> memref<64x128xi32, #tpu.memory_space<vmem>>
        %dma_start3A_454 = arith.constant 0 : i32
        %dma_start3A_455 = tpu.memref_slice %arg2[%select_n3A_8, %dma_start3A_454] : memref<2656x128xi32, #tpu.memory_space<hbm>> -> memref<64x128xi32, #tpu.memory_space<hbm>>
        tpu.enqueue_dma source(%dma_start3A_455 : memref<64x128xi32, #tpu.memory_space<hbm>>) target(%dma_start3A_453 : memref<64x128xi32, #tpu.memory_space<vmem>>) target_semaphore(%run_scoped3A : memref<!tpu.dma_semaphore, #tpu.memory_space<semaphore_mem>>)
        %dma_wait3A_456 = arith.constant 0 : i32
        %dma_wait3A_457 = arith.constant 0 : i32
        %dma_wait3A_458 = tpu.memref_slice %arg8[%dma_wait3A_456, %dma_wait3A_457] : memref<96x128xi32, #tpu.memory_space<vmem>> -> memref<64x128xi32, #tpu.memory_space<vmem>>
        %dma_wait3A_459 = arith.constant 0 : i32
        %dma_wait3A_460 = tpu.memref_slice %arg2[%select_n3A_8, %dma_wait3A_459] : memref<2656x128xi32, #tpu.memory_space<hbm>> -> memref<64x128xi32, #tpu.memory_space<hbm>>
        %dma_wait3A_461 = arith.constant 0 : i32
        %dma_wait3A_462 = arith.constant 0 : i32
        %dma_wait3A_463 = tpu.memref_slice %arg8[%dma_wait3A_461, %dma_wait3A_462] : memref<96x128xi32, #tpu.memory_space<vmem>> -> memref<64x128xi32, #tpu.memory_space<vmem>>
        %dma_wait3A_464 = arith.constant 0 : i32
        %dma_wait3A_465 = tpu.memref_slice %arg2[%select_n3A_8, %dma_wait3A_464] : memref<2656x128xi32, #tpu.memory_space<hbm>> -> memref<64x128xi32, #tpu.memory_space<hbm>>
        tpu.wait_dma2 semaphore(%run_scoped3A : memref<!tpu.dma_semaphore, #tpu.memory_space<semaphore_mem>>) src(%dma_wait3A_465 : memref<64x128xi32, #tpu.memory_space<hbm>>) dst(%dma_wait3A_463 : memref<64x128xi32, #tpu.memory_space<vmem>>)
        tpu.yield
      }) : () -> ()
    } else {
    }
    %eq3A_16 = arith.constant 0 : i32
    %eq3A_17 = arith.cmpi eq, %arg0, %eq3A_16 : i32
    %convert_element_type3A_18 = arith.extui %eq3A_17 : i1 to i32
    %cond3A_19 = arith.constant 0 : i32
    %cond3A_20 = arith.cmpi ne, %convert_element_type3A_18, %cond3A_19 : i32
    scf.if %cond3A_20 {
      "tpu.region"() ({
        %run_scoped3A = tpu.sem_alloc : memref<!tpu.dma_semaphore, #tpu.memory_space<semaphore_mem>>
        %dma_start3A_446 = arith.constant 0 : i32
        %dma_start3A_447 = arith.constant 0 : i32
        %dma_start3A_448 = tpu.memref_slice %arg9[%dma_start3A_446, %dma_start3A_447] : memref<96x128xi32, #tpu.memory_space<vmem>> -> memref<96x128xi32, #tpu.memory_space<vmem>>
        %dma_start3A_449 = arith.constant 0 : i32
        %dma_start3A_450 = tpu.memref_slice %arg3[%select_n3A_8, %dma_start3A_449] : memref<2656x128xi32, #tpu.memory_space<hbm>> -> memref<96x128xi32, #tpu.memory_space<hbm>>
        %dma_start3A_451 = arith.constant 0 : i32
        %dma_start3A_452 = arith.constant 0 : i32
        %dma_start3A_453 = tpu.memref_slice %arg9[%dma_start3A_451, %dma_start3A_452] : memref<96x128xi32, #tpu.memory_space<vmem>> -> memref<96x128xi32, #tpu.memory_space<vmem>>
        %dma_start3A_454 = arith.constant 0 : i32
        %dma_start3A_455 = tpu.memref_slice %arg3[%select_n3A_8, %dma_start3A_454] : memref<2656x128xi32, #tpu.memory_space<hbm>> -> memref<96x128xi32, #tpu.memory_space<hbm>>
        tpu.enqueue_dma source(%dma_start3A_455 : memref<96x128xi32, #tpu.memory_space<hbm>>) target(%dma_start3A_453 : memref<96x128xi32, #tpu.memory_space<vmem>>) target_semaphore(%run_scoped3A : memref<!tpu.dma_semaphore, #tpu.memory_space<semaphore_mem>>)
        %dma_wait3A_456 = arith.constant 0 : i32
        %dma_wait3A_457 = arith.constant 0 : i32
        %dma_wait3A_458 = tpu.memref_slice %arg9[%dma_wait3A_456, %dma_wait3A_457] : memref<96x128xi32, #tpu.memory_space<vmem>> -> memref<96x128xi32, #tpu.memory_space<vmem>>
        %dma_wait3A_459 = arith.constant 0 : i32
        %dma_wait3A_460 = tpu.memref_slice %arg3[%select_n3A_8, %dma_wait3A_459] : memref<2656x128xi32, #tpu.memory_space<hbm>> -> memref<96x128xi32, #tpu.memory_space<hbm>>
        %dma_wait3A_461 = arith.constant 0 : i32
        %dma_wait3A_462 = arith.constant 0 : i32
        %dma_wait3A_463 = tpu.memref_slice %arg9[%dma_wait3A_461, %dma_wait3A_462] : memref<96x128xi32, #tpu.memory_space<vmem>> -> memref<96x128xi32, #tpu.memory_space<vmem>>
        %dma_wait3A_464 = arith.constant 0 : i32
        %dma_wait3A_465 = tpu.memref_slice %arg3[%select_n3A_8, %dma_wait3A_464] : memref<2656x128xi32, #tpu.memory_space<hbm>> -> memref<96x128xi32, #tpu.memory_space<hbm>>
        tpu.wait_dma2 semaphore(%run_scoped3A : memref<!tpu.dma_semaphore, #tpu.memory_space<semaphore_mem>>) src(%dma_wait3A_465 : memref<96x128xi32, #tpu.memory_space<hbm>>) dst(%dma_wait3A_463 : memref<96x128xi32, #tpu.memory_space<vmem>>)
        tpu.yield
      }) : () -> ()
    } else {
    }
    %ne3A_21 = arith.constant 0 : i32
    %ne3A_22 = arith.cmpi ne, %arg0, %ne3A_21 : i32
    %convert_element_type3A_23 = arith.extui %ne3A_22 : i1 to i32
    %cond3A_24 = arith.constant 0 : i32
    %cond3A_25 = arith.cmpi ne, %convert_element_type3A_23, %cond3A_24 : i32
    scf.if %cond3A_25 {
      "tpu.region"() ({
        %run_scoped3A = tpu.sem_alloc : memref<!tpu.dma_semaphore, #tpu.memory_space<semaphore_mem>>
        %dma_start3A_446 = arith.constant 0 : i32
        %dma_start3A_447 = arith.constant 0 : i32
        %dma_start3A_448 = tpu.memref_slice %arg9[%dma_start3A_446, %dma_start3A_447] : memref<96x128xi32, #tpu.memory_space<vmem>> -> memref<64x128xi32, #tpu.memory_space<vmem>>
        %dma_start3A_449 = arith.constant 0 : i32
        %dma_start3A_450 = tpu.memref_slice %arg3[%select_n3A_8, %dma_start3A_449] : memref<2656x128xi32, #tpu.memory_space<hbm>> -> memref<64x128xi32, #tpu.memory_space<hbm>>
        %dma_start3A_451 = arith.constant 0 : i32
        %dma_start3A_452 = arith.constant 0 : i32
        %dma_start3A_453 = tpu.memref_slice %arg9[%dma_start3A_451, %dma_start3A_452] : memref<96x128xi32, #tpu.memory_space<vmem>> -> memref<64x128xi32, #tpu.memory_space<vmem>>
        %dma_start3A_454 = arith.constant 0 : i32
        %dma_start3A_455 = tpu.memref_slice %arg3[%select_n3A_8, %dma_start3A_454] : memref<2656x128xi32, #tpu.memory_space<hbm>> -> memref<64x128xi32, #tpu.memory_space<hbm>>
        tpu.enqueue_dma source(%dma_start3A_455 : memref<64x128xi32, #tpu.memory_space<hbm>>) target(%dma_start3A_453 : memref<64x128xi32, #tpu.memory_space<vmem>>) target_semaphore(%run_scoped3A : memref<!tpu.dma_semaphore, #tpu.memory_space<semaphore_mem>>)
        %dma_wait3A_456 = arith.constant 0 : i32
        %dma_wait3A_457 = arith.constant 0 : i32
        %dma_wait3A_458 = tpu.memref_slice %arg9[%dma_wait3A_456, %dma_wait3A_457] : memref<96x128xi32, #tpu.memory_space<vmem>> -> memref<64x128xi32, #tpu.memory_space<vmem>>
        %dma_wait3A_459 = arith.constant 0 : i32
        %dma_wait3A_460 = tpu.memref_slice %arg3[%select_n3A_8, %dma_wait3A_459] : memref<2656x128xi32, #tpu.memory_space<hbm>> -> memref<64x128xi32, #tpu.memory_space<hbm>>
        %dma_wait3A_461 = arith.constant 0 : i32
        %dma_wait3A_462 = arith.constant 0 : i32
        %dma_wait3A_463 = tpu.memref_slice %arg9[%dma_wait3A_461, %dma_wait3A_462] : memref<96x128xi32, #tpu.memory_space<vmem>> -> memref<64x128xi32, #tpu.memory_space<vmem>>
        %dma_wait3A_464 = arith.constant 0 : i32
        %dma_wait3A_465 = tpu.memref_slice %arg3[%select_n3A_8, %dma_wait3A_464] : memref<2656x128xi32, #tpu.memory_space<hbm>> -> memref<64x128xi32, #tpu.memory_space<hbm>>
        tpu.wait_dma2 semaphore(%run_scoped3A : memref<!tpu.dma_semaphore, #tpu.memory_space<semaphore_mem>>) src(%dma_wait3A_465 : memref<64x128xi32, #tpu.memory_space<hbm>>) dst(%dma_wait3A_463 : memref<64x128xi32, #tpu.memory_space<vmem>>)
        tpu.yield
      }) : () -> ()
    } else {
    }
    %mul3A_26 = arith.constant 640 : i32
    %mul3A_27 = arith.muli %arg1, %mul3A_26 : i32
    "tpu.region"() ({
      %run_scoped3A = tpu.sem_alloc : memref<!tpu.dma_semaphore, #tpu.memory_space<semaphore_mem>>
      %dma_start3A_446 = arith.constant 0 : i32
      %dma_start3A_447 = tpu.memref_slice %arg4[%mul3A_27, %dma_start3A_446] : memref<10240x16xf32, #tpu.memory_space<hbm>> -> memref<640x16xf32, #tpu.memory_space<hbm>>
      %dma_start3A_448 = arith.constant 0 : i32
      %dma_start3A_449 = tpu.memref_slice %arg4[%mul3A_27, %dma_start3A_448] : memref<10240x16xf32, #tpu.memory_space<hbm>> -> memref<640x16xf32, #tpu.memory_space<hbm>>
      tpu.enqueue_dma source(%dma_start3A_449 : memref<640x16xf32, #tpu.memory_space<hbm>>) target(%arg12 : memref<640x16xf32, #tpu.memory_space<vmem>>) target_semaphore(%run_scoped3A : memref<!tpu.dma_semaphore, #tpu.memory_space<semaphore_mem>>)
      %dma_wait3A_450 = arith.constant 0 : i32
      %dma_wait3A_451 = tpu.memref_slice %arg4[%mul3A_27, %dma_wait3A_450] : memref<10240x16xf32, #tpu.memory_space<hbm>> -> memref<640x16xf32, #tpu.memory_space<hbm>>
      %dma_wait3A_452 = arith.constant 0 : i32
      %dma_wait3A_453 = tpu.memref_slice %arg4[%mul3A_27, %dma_wait3A_452] : memref<10240x16xf32, #tpu.memory_space<hbm>> -> memref<640x16xf32, #tpu.memory_space<hbm>>
      tpu.wait_dma2 semaphore(%run_scoped3A : memref<!tpu.dma_semaphore, #tpu.memory_space<semaphore_mem>>) src(%dma_wait3A_453 : memref<640x16xf32, #tpu.memory_space<hbm>>) dst(%arg12 : memref<640x16xf32, #tpu.memory_space<vmem>>)
      tpu.yield
    }) : () -> ()
    "tpu.region"() ({
      %run_scoped3A = tpu.sem_alloc : memref<!tpu.dma_semaphore, #tpu.memory_space<semaphore_mem>>
      %dma_start3A_446 = arith.constant 0 : i32
      %dma_start3A_447 = tpu.memref_slice %arg7[%mul3A_27, %dma_start3A_446] : memref<10240x16xf32, #tpu.memory_space<vmem_shared>> -> memref<640x16xf32, #tpu.memory_space<vmem_shared>>
      %dma_start3A_448 = arith.constant 0 : i32
      %dma_start3A_449 = tpu.memref_slice %arg7[%mul3A_27, %dma_start3A_448] : memref<10240x16xf32, #tpu.memory_space<vmem_shared>> -> memref<640x16xf32, #tpu.memory_space<vmem_shared>>
      tpu.enqueue_dma source(%arg12 : memref<640x16xf32, #tpu.memory_space<vmem>>) target(%dma_start3A_449 : memref<640x16xf32, #tpu.memory_space<vmem_shared>>) target_semaphore(%run_scoped3A : memref<!tpu.dma_semaphore, #tpu.memory_space<semaphore_mem>>)
      %dma_wait3A_450 = arith.constant 0 : i32
      %dma_wait3A_451 = tpu.memref_slice %arg7[%mul3A_27, %dma_wait3A_450] : memref<10240x16xf32, #tpu.memory_space<vmem_shared>> -> memref<640x16xf32, #tpu.memory_space<vmem_shared>>
      %dma_wait3A_452 = arith.constant 0 : i32
      %dma_wait3A_453 = tpu.memref_slice %arg7[%mul3A_27, %dma_wait3A_452] : memref<10240x16xf32, #tpu.memory_space<vmem_shared>> -> memref<640x16xf32, #tpu.memory_space<vmem_shared>>
      tpu.wait_dma2 semaphore(%run_scoped3A : memref<!tpu.dma_semaphore, #tpu.memory_space<semaphore_mem>>) src(%arg12 : memref<640x16xf32, #tpu.memory_space<vmem>>) dst(%dma_wait3A_453 : memref<640x16xf32, #tpu.memory_space<vmem_shared>>)
      tpu.yield
    }) : () -> ()
    %scan3A = arith.constant 0 : i32
    %scan3A_28 = arith.constant 0 : i32
    %scan3A_29 = arith.constant 160 : i32
    %scan3A_30 = arith.addi %scan3A_28, %scan3A_29 : i32
    %scan3A_31 = arith.constant 1 : i32
    %scan3A_32 = scf.for %scan3A_446 = %scan3A_28 to %scan3A_30 step %scan3A_31 iter_args(%scan3A_447 = %scan3A) -> (i32)  : i32 {
      %broadcast_in_dim3A = arith.constant 0.000000e+00 : f32
      %broadcast_in_dim3A_448 = vector.broadcast %broadcast_in_dim3A : f32 to vector<16xf32>
      %swap3A = arith.index_cast %scan3A_446 : i32 to index
      %swap3A_449 = arith.constant 0 : index
      %swap3A_450 = tpu.vector_load %arg12[%swap3A, %swap3A_449] {strides = array<i32>} : memref<640x16xf32, #tpu.memory_space<vmem>>, vector<1x16xf32>,
      %swap3A_451 = vector.shape_cast %swap3A_450 : vector<1x16xf32> to vector<16xf32>
      %swap3A_452 = vector.shape_cast %broadcast_in_dim3A_448 : vector<16xf32> to vector<1x16xf32>
      tpu.vector_store %arg12[%swap3A, %swap3A_449], %swap3A_452 {strides = array<i32>} : memref<640x16xf32, #tpu.memory_space<vmem>>, vector<1x16xf32>,
      %scan3A_453 = arith.constant 0 : i32
      scf.yield %scan3A_453 : i32
    }
    %scan3A_33 = arith.constant 160 : i32
    %add3A_34 = arith.constant 0 : i32
    %add3A_35 = arith.addi %mul3A_27, %add3A_34 : i32
    "tpu.region"() ({
      %run_scoped3A = tpu.sem_alloc : memref<!tpu.dma_semaphore, #tpu.memory_space<semaphore_mem>>
      %dma_start3A_446 = arith.constant 0 : i32
      %dma_start3A_447 = arith.constant 0 : i32
      %dma_start3A_448 = tpu.memref_slice %arg12[%dma_start3A_446, %dma_start3A_447] : memref<640x16xf32, #tpu.memory_space<vmem>> -> memref<160x16xf32, #tpu.memory_space<vmem>>
      %dma_start3A_449 = arith.constant 0 : i32
      %dma_start3A_450 = tpu.memref_slice %arg6[%add3A_35, %dma_start3A_449] : memref<10240x16xf32, #tpu.memory_space<vmem_shared>> -> memref<160x16xf32, #tpu.memory_space<vmem_shared>>
      %dma_start3A_451 = arith.constant 0 : i32
      %dma_start3A_452 = tpu.memref_slice %arg6[%add3A_35, %dma_start3A_451] : memref<10240x16xf32, #tpu.memory_space<vmem_shared>> -> memref<160x16xf32, #tpu.memory_space<vmem_shared>>
      %dma_start3A_453 = arith.constant 0 : i32
      %dma_start3A_454 = arith.constant 0 : i32
      %dma_start3A_455 = tpu.memref_slice %arg12[%dma_start3A_453, %dma_start3A_454] : memref<640x16xf32, #tpu.memory_space<vmem>> -> memref<160x16xf32, #tpu.memory_space<vmem>>
      tpu.enqueue_dma source(%dma_start3A_455 : memref<160x16xf32, #tpu.memory_space<vmem>>) target(%dma_start3A_452 : memref<160x16xf32, #tpu.memory_space<vmem_shared>>) target_semaphore(%run_scoped3A : memref<!tpu.dma_semaphore, #tpu.memory_space<semaphore_mem>>)
      %dma_wait3A_456 = arith.constant 0 : i32
      %dma_wait3A_457 = arith.constant 0 : i32
      %dma_wait3A_458 = tpu.memref_slice %arg12[%dma_wait3A_456, %dma_wait3A_457] : memref<640x16xf32, #tpu.memory_space<vmem>> -> memref<160x16xf32, #tpu.memory_space<vmem>>
      %dma_wait3A_459 = arith.constant 0 : i32
      %dma_wait3A_460 = tpu.memref_slice %arg6[%add3A_35, %dma_wait3A_459] : memref<10240x16xf32, #tpu.memory_space<vmem_shared>> -> memref<160x16xf32, #tpu.memory_space<vmem_shared>>
      %dma_wait3A_461 = arith.constant 0 : i32
      %dma_wait3A_462 = tpu.memref_slice %arg6[%add3A_35, %dma_wait3A_461] : memref<10240x16xf32, #tpu.memory_space<vmem_shared>> -> memref<160x16xf32, #tpu.memory_space<vmem_shared>>
      %dma_wait3A_463 = arith.constant 0 : i32
      %dma_wait3A_464 = arith.constant 0 : i32
      %dma_wait3A_465 = tpu.memref_slice %arg12[%dma_wait3A_463, %dma_wait3A_464] : memref<640x16xf32, #tpu.memory_space<vmem>> -> memref<160x16xf32, #tpu.memory_space<vmem>>
      tpu.wait_dma2 semaphore(%run_scoped3A : memref<!tpu.dma_semaphore, #tpu.memory_space<semaphore_mem>>) src(%dma_wait3A_465 : memref<160x16xf32, #tpu.memory_space<vmem>>) dst(%dma_wait3A_462 : memref<160x16xf32, #tpu.memory_space<vmem_shared>>)
      tpu.yield
    }) : () -> ()
    %add3A_36 = arith.constant 160 : i32
    %add3A_37 = arith.addi %mul3A_27, %add3A_36 : i32
    "tpu.region"() ({
      %run_scoped3A = tpu.sem_alloc : memref<!tpu.dma_semaphore, #tpu.memory_space<semaphore_mem>>
      %dma_start3A_446 = arith.constant 0 : i32
      %dma_start3A_447 = arith.constant 0 : i32
      %dma_start3A_448 = tpu.memref_slice %arg12[%dma_start3A_446, %dma_start3A_447] : memref<640x16xf32, #tpu.memory_space<vmem>> -> memref<160x16xf32, #tpu.memory_space<vmem>>
      %dma_start3A_449 = arith.constant 0 : i32
      %dma_start3A_450 = tpu.memref_slice %arg6[%add3A_37, %dma_start3A_449] : memref<10240x16xf32, #tpu.memory_space<vmem_shared>> -> memref<160x16xf32, #tpu.memory_space<vmem_shared>>
      %dma_start3A_451 = arith.constant 0 : i32
      %dma_start3A_452 = tpu.memref_slice %arg6[%add3A_37, %dma_start3A_451] : memref<10240x16xf32, #tpu.memory_space<vmem_shared>> -> memref<160x16xf32, #tpu.memory_space<vmem_shared>>
      %dma_start3A_453 = arith.constant 0 : i32
      %dma_start3A_454 = arith.constant 0 : i32
      %dma_start3A_455 = tpu.memref_slice %arg12[%dma_start3A_453, %dma_start3A_454] : memref<640x16xf32, #tpu.memory_space<vmem>> -> memref<160x16xf32, #tpu.memory_space<vmem>>
      tpu.enqueue_dma source(%dma_start3A_455 : memref<160x16xf32, #tpu.memory_space<vmem>>) target(%dma_start3A_452 : memref<160x16xf32, #tpu.memory_space<vmem_shared>>) target_semaphore(%run_scoped3A : memref<!tpu.dma_semaphore, #tpu.memory_space<semaphore_mem>>)
      %dma_wait3A_456 = arith.constant 0 : i32
      %dma_wait3A_457 = arith.constant 0 : i32
      %dma_wait3A_458 = tpu.memref_slice %arg12[%dma_wait3A_456, %dma_wait3A_457] : memref<640x16xf32, #tpu.memory_space<vmem>> -> memref<160x16xf32, #tpu.memory_space<vmem>>
      %dma_wait3A_459 = arith.constant 0 : i32
      %dma_wait3A_460 = tpu.memref_slice %arg6[%add3A_37, %dma_wait3A_459] : memref<10240x16xf32, #tpu.memory_space<vmem_shared>> -> memref<160x16xf32, #tpu.memory_space<vmem_shared>>
      %dma_wait3A_461 = arith.constant 0 : i32
      %dma_wait3A_462 = tpu.memref_slice %arg6[%add3A_37, %dma_wait3A_461] : memref<10240x16xf32, #tpu.memory_space<vmem_shared>> -> memref<160x16xf32, #tpu.memory_space<vmem_shared>>
      %dma_wait3A_463 = arith.constant 0 : i32
      %dma_wait3A_464 = arith.constant 0 : i32
      %dma_wait3A_465 = tpu.memref_slice %arg12[%dma_wait3A_463, %dma_wait3A_464] : memref<640x16xf32, #tpu.memory_space<vmem>> -> memref<160x16xf32, #tpu.memory_space<vmem>>
      tpu.wait_dma2 semaphore(%run_scoped3A : memref<!tpu.dma_semaphore, #tpu.memory_space<semaphore_mem>>) src(%dma_wait3A_465 : memref<160x16xf32, #tpu.memory_space<vmem>>) dst(%dma_wait3A_462 : memref<160x16xf32, #tpu.memory_space<vmem_shared>>)
      tpu.yield
    }) : () -> ()
    %add3A_38 = arith.constant 320 : i32
    %add3A_39 = arith.addi %mul3A_27, %add3A_38 : i32
    "tpu.region"() ({
      %run_scoped3A = tpu.sem_alloc : memref<!tpu.dma_semaphore, #tpu.memory_space<semaphore_mem>>
      %dma_start3A_446 = arith.constant 0 : i32
      %dma_start3A_447 = arith.constant 0 : i32
      %dma_start3A_448 = tpu.memref_slice %arg12[%dma_start3A_446, %dma_start3A_447] : memref<640x16xf32, #tpu.memory_space<vmem>> -> memref<160x16xf32, #tpu.memory_space<vmem>>
      %dma_start3A_449 = arith.constant 0 : i32
      %dma_start3A_450 = tpu.memref_slice %arg6[%add3A_39, %dma_start3A_449] : memref<10240x16xf32, #tpu.memory_space<vmem_shared>> -> memref<160x16xf32, #tpu.memory_space<vmem_shared>>
      %dma_start3A_451 = arith.constant 0 : i32
      %dma_start3A_452 = tpu.memref_slice %arg6[%add3A_39, %dma_start3A_451] : memref<10240x16xf32, #tpu.memory_space<vmem_shared>> -> memref<160x16xf32, #tpu.memory_space<vmem_shared>>
      %dma_start3A_453 = arith.constant 0 : i32
      %dma_start3A_454 = arith.constant 0 : i32
      %dma_start3A_455 = tpu.memref_slice %arg12[%dma_start3A_453, %dma_start3A_454] : memref<640x16xf32, #tpu.memory_space<vmem>> -> memref<160x16xf32, #tpu.memory_space<vmem>>
      tpu.enqueue_dma source(%dma_start3A_455 : memref<160x16xf32, #tpu.memory_space<vmem>>) target(%dma_start3A_452 : memref<160x16xf32, #tpu.memory_space<vmem_shared>>) target_semaphore(%run_scoped3A : memref<!tpu.dma_semaphore, #tpu.memory_space<semaphore_mem>>)
      %dma_wait3A_456 = arith.constant 0 : i32
      %dma_wait3A_457 = arith.constant 0 : i32
      %dma_wait3A_458 = tpu.memref_slice %arg12[%dma_wait3A_456, %dma_wait3A_457] : memref<640x16xf32, #tpu.memory_space<vmem>> -> memref<160x16xf32, #tpu.memory_space<vmem>>
      %dma_wait3A_459 = arith.constant 0 : i32
      %dma_wait3A_460 = tpu.memref_slice %arg6[%add3A_39, %dma_wait3A_459] : memref<10240x16xf32, #tpu.memory_space<vmem_shared>> -> memref<160x16xf32, #tpu.memory_space<vmem_shared>>
      %dma_wait3A_461 = arith.constant 0 : i32
      %dma_wait3A_462 = tpu.memref_slice %arg6[%add3A_39, %dma_wait3A_461] : memref<10240x16xf32, #tpu.memory_space<vmem_shared>> -> memref<160x16xf32, #tpu.memory_space<vmem_shared>>
      %dma_wait3A_463 = arith.constant 0 : i32
      %dma_wait3A_464 = arith.constant 0 : i32
      %dma_wait3A_465 = tpu.memref_slice %arg12[%dma_wait3A_463, %dma_wait3A_464] : memref<640x16xf32, #tpu.memory_space<vmem>> -> memref<160x16xf32, #tpu.memory_space<vmem>>
      tpu.wait_dma2 semaphore(%run_scoped3A : memref<!tpu.dma_semaphore, #tpu.memory_space<semaphore_mem>>) src(%dma_wait3A_465 : memref<160x16xf32, #tpu.memory_space<vmem>>) dst(%dma_wait3A_462 : memref<160x16xf32, #tpu.memory_space<vmem_shared>>)
      tpu.yield
    }) : () -> ()
    %add3A_40 = arith.constant 480 : i32
    %add3A_41 = arith.addi %mul3A_27, %add3A_40 : i32
    "tpu.region"() ({
      %run_scoped3A = tpu.sem_alloc : memref<!tpu.dma_semaphore, #tpu.memory_space<semaphore_mem>>
      %dma_start3A_446 = arith.constant 0 : i32
      %dma_start3A_447 = arith.constant 0 : i32
      %dma_start3A_448 = tpu.memref_slice %arg12[%dma_start3A_446, %dma_start3A_447] : memref<640x16xf32, #tpu.memory_space<vmem>> -> memref<160x16xf32, #tpu.memory_space<vmem>>
      %dma_start3A_449 = arith.constant 0 : i32
      %dma_start3A_450 = tpu.memref_slice %arg6[%add3A_41, %dma_start3A_449] : memref<10240x16xf32, #tpu.memory_space<vmem_shared>> -> memref<160x16xf32, #tpu.memory_space<vmem_shared>>
      %dma_start3A_451 = arith.constant 0 : i32
      %dma_start3A_452 = tpu.memref_slice %arg6[%add3A_41, %dma_start3A_451] : memref<10240x16xf32, #tpu.memory_space<vmem_shared>> -> memref<160x16xf32, #tpu.memory_space<vmem_shared>>
      %dma_start3A_453 = arith.constant 0 : i32
      %dma_start3A_454 = arith.constant 0 : i32
      %dma_start3A_455 = tpu.memref_slice %arg12[%dma_start3A_453, %dma_start3A_454] : memref<640x16xf32, #tpu.memory_space<vmem>> -> memref<160x16xf32, #tpu.memory_space<vmem>>
      tpu.enqueue_dma source(%dma_start3A_455 : memref<160x16xf32, #tpu.memory_space<vmem>>) target(%dma_start3A_452 : memref<160x16xf32, #tpu.memory_space<vmem_shared>>) target_semaphore(%run_scoped3A : memref<!tpu.dma_semaphore, #tpu.memory_space<semaphore_mem>>)
      %dma_wait3A_456 = arith.constant 0 : i32
      %dma_wait3A_457 = arith.constant 0 : i32
      %dma_wait3A_458 = tpu.memref_slice %arg12[%dma_wait3A_456, %dma_wait3A_457] : memref<640x16xf32, #tpu.memory_space<vmem>> -> memref<160x16xf32, #tpu.memory_space<vmem>>
      %dma_wait3A_459 = arith.constant 0 : i32
      %dma_wait3A_460 = tpu.memref_slice %arg6[%add3A_41, %dma_wait3A_459] : memref<10240x16xf32, #tpu.memory_space<vmem_shared>> -> memref<160x16xf32, #tpu.memory_space<vmem_shared>>
      %dma_wait3A_461 = arith.constant 0 : i32
      %dma_wait3A_462 = tpu.memref_slice %arg6[%add3A_41, %dma_wait3A_461] : memref<10240x16xf32, #tpu.memory_space<vmem_shared>> -> memref<160x16xf32, #tpu.memory_space<vmem_shared>>
      %dma_wait3A_463 = arith.constant 0 : i32
      %dma_wait3A_464 = arith.constant 0 : i32
      %dma_wait3A_465 = tpu.memref_slice %arg12[%dma_wait3A_463, %dma_wait3A_464] : memref<640x16xf32, #tpu.memory_space<vmem>> -> memref<160x16xf32, #tpu.memory_space<vmem>>
      tpu.wait_dma2 semaphore(%run_scoped3A : memref<!tpu.dma_semaphore, #tpu.memory_space<semaphore_mem>>) src(%dma_wait3A_465 : memref<160x16xf32, #tpu.memory_space<vmem>>) dst(%dma_wait3A_462 : memref<160x16xf32, #tpu.memory_space<vmem_shared>>)
      tpu.yield
    }) : () -> ()
    %barrier3A = arith.constant 0 : index
    tpu.barrier barrier_id(%barrier3A)
    %dma_start3A = arith.constant 0 : i32
    %dma_start3A_42 = arith.constant 0 : i32
    %dma_start3A_43 = arith.constant 0 : i32
    %dma_start3A_44 = tpu.memref_slice %arg10[%dma_start3A_42, %dma_start3A_43] : memref<1024x16xf32, #tpu.memory_space<vmem>> -> memref<128x16xf32, #tpu.memory_space<vmem>>
    %dma_start3A_45 = arith.constant 0 : i32
    %dma_start3A_46 = tpu.memref_slice %arg8[%dma_start3A, %dma_start3A_45] : memref<96x128xi32, #tpu.memory_space<vmem>> -> memref<1x128xi32, #tpu.memory_space<vmem>>
    %dma_start3A_47 = tpu.memref_squeeze %dma_start3A_46 : memref<1x128xi32, #tpu.memory_space<vmem>> -> memref<128xi32, #tpu.memory_space<vmem>>
    %dma_start3A_48 = arith.constant 0 : i32
    %dma_start3A_49 = arith.constant 0 : i32
    %dma_start3A_50 = tpu.memref_slice %arg7[%dma_start3A_48, %dma_start3A_49] : memref<10240x16xf32, #tpu.memory_space<vmem_shared>> -> memref<10240x16xf32, #tpu.memory_space<vmem_shared>>
    tpu.enqueue_indirect_dma source(%dma_start3A_50 : memref<10240x16xf32, #tpu.memory_space<vmem_shared>>) target(%dma_start3A_44 : memref<128x16xf32, #tpu.memory_space<vmem>>) offsets(%dma_start3A_47 : memref<128xi32, #tpu.memory_space<vmem>>) semaphore(%arg13 : memref<!tpu.dma_semaphore, #tpu.memory_space<semaphore_mem>>)
    %dma_start3A_51 = arith.constant 1 : i32
    %dma_start3A_52 = arith.constant 128 : i32
    %dma_start3A_53 = arith.constant 0 : i32
    %dma_start3A_54 = tpu.memref_slice %arg10[%dma_start3A_52, %dma_start3A_53] : memref<1024x16xf32, #tpu.memory_space<vmem>> -> memref<128x16xf32, #tpu.memory_space<vmem>>
    %dma_start3A_55 = arith.constant 0 : i32
    %dma_start3A_56 = tpu.memref_slice %arg8[%dma_start3A_51, %dma_start3A_55] : memref<96x128xi32, #tpu.memory_space<vmem>> -> memref<1x128xi32, #tpu.memory_space<vmem>>
    %dma_start3A_57 = tpu.memref_squeeze %dma_start3A_56 : memref<1x128xi32, #tpu.memory_space<vmem>> -> memref<128xi32, #tpu.memory_space<vmem>>
    %dma_start3A_58 = arith.constant 0 : i32
    %dma_start3A_59 = arith.constant 0 : i32
    %dma_start3A_60 = tpu.memref_slice %arg7[%dma_start3A_58, %dma_start3A_59] : memref<10240x16xf32, #tpu.memory_space<vmem_shared>> -> memref<10240x16xf32, #tpu.memory_space<vmem_shared>>
    tpu.enqueue_indirect_dma source(%dma_start3A_60 : memref<10240x16xf32, #tpu.memory_space<vmem_shared>>) target(%dma_start3A_54 : memref<128x16xf32, #tpu.memory_space<vmem>>) offsets(%dma_start3A_57 : memref<128xi32, #tpu.memory_space<vmem>>) semaphore(%arg13 : memref<!tpu.dma_semaphore, #tpu.memory_space<semaphore_mem>>)
    %dma_start3A_61 = arith.constant 2 : i32
    %dma_start3A_62 = arith.constant 256 : i32
    %dma_start3A_63 = arith.constant 0 : i32
    %dma_start3A_64 = tpu.memref_slice %arg10[%dma_start3A_62, %dma_start3A_63] : memref<1024x16xf32, #tpu.memory_space<vmem>> -> memref<128x16xf32, #tpu.memory_space<vmem>>
    %dma_start3A_65 = arith.constant 0 : i32
    %dma_start3A_66 = tpu.memref_slice %arg8[%dma_start3A_61, %dma_start3A_65] : memref<96x128xi32, #tpu.memory_space<vmem>> -> memref<1x128xi32, #tpu.memory_space<vmem>>
    %dma_start3A_67 = tpu.memref_squeeze %dma_start3A_66 : memref<1x128xi32, #tpu.memory_space<vmem>> -> memref<128xi32, #tpu.memory_space<vmem>>
    %dma_start3A_68 = arith.constant 0 : i32
    %dma_start3A_69 = arith.constant 0 : i32
    %dma_start3A_70 = tpu.memref_slice %arg7[%dma_start3A_68, %dma_start3A_69] : memref<10240x16xf32, #tpu.memory_space<vmem_shared>> -> memref<10240x16xf32, #tpu.memory_space<vmem_shared>>
    tpu.enqueue_indirect_dma source(%dma_start3A_70 : memref<10240x16xf32, #tpu.memory_space<vmem_shared>>) target(%dma_start3A_64 : memref<128x16xf32, #tpu.memory_space<vmem>>) offsets(%dma_start3A_67 : memref<128xi32, #tpu.memory_space<vmem>>) semaphore(%arg13 : memref<!tpu.dma_semaphore, #tpu.memory_space<semaphore_mem>>)
    %dma_start3A_71 = arith.constant 3 : i32
    %dma_start3A_72 = arith.constant 384 : i32
    %dma_start3A_73 = arith.constant 0 : i32
    %dma_start3A_74 = tpu.memref_slice %arg10[%dma_start3A_72, %dma_start3A_73] : memref<1024x16xf32, #tpu.memory_space<vmem>> -> memref<128x16xf32, #tpu.memory_space<vmem>>
    %dma_start3A_75 = arith.constant 0 : i32
    %dma_start3A_76 = tpu.memref_slice %arg8[%dma_start3A_71, %dma_start3A_75] : memref<96x128xi32, #tpu.memory_space<vmem>> -> memref<1x128xi32, #tpu.memory_space<vmem>>
    %dma_start3A_77 = tpu.memref_squeeze %dma_start3A_76 : memref<1x128xi32, #tpu.memory_space<vmem>> -> memref<128xi32, #tpu.memory_space<vmem>>
    %dma_start3A_78 = arith.constant 0 : i32
    %dma_start3A_79 = arith.constant 0 : i32
    %dma_start3A_80 = tpu.memref_slice %arg7[%dma_start3A_78, %dma_start3A_79] : memref<10240x16xf32, #tpu.memory_space<vmem_shared>> -> memref<10240x16xf32, #tpu.memory_space<vmem_shared>>
    tpu.enqueue_indirect_dma source(%dma_start3A_80 : memref<10240x16xf32, #tpu.memory_space<vmem_shared>>) target(%dma_start3A_74 : memref<128x16xf32, #tpu.memory_space<vmem>>) offsets(%dma_start3A_77 : memref<128xi32, #tpu.memory_space<vmem>>) semaphore(%arg13 : memref<!tpu.dma_semaphore, #tpu.memory_space<semaphore_mem>>)
    %dma_start3A_81 = arith.constant 4 : i32
    %dma_start3A_82 = arith.constant 512 : i32
    %dma_start3A_83 = arith.constant 0 : i32
    %dma_start3A_84 = tpu.memref_slice %arg10[%dma_start3A_82, %dma_start3A_83] : memref<1024x16xf32, #tpu.memory_space<vmem>> -> memref<128x16xf32, #tpu.memory_space<vmem>>
    %dma_start3A_85 = arith.constant 0 : i32
    %dma_start3A_86 = tpu.memref_slice %arg8[%dma_start3A_81, %dma_start3A_85] : memref<96x128xi32, #tpu.memory_space<vmem>> -> memref<1x128xi32, #tpu.memory_space<vmem>>
    %dma_start3A_87 = tpu.memref_squeeze %dma_start3A_86 : memref<1x128xi32, #tpu.memory_space<vmem>> -> memref<128xi32, #tpu.memory_space<vmem>>
    %dma_start3A_88 = arith.constant 0 : i32
    %dma_start3A_89 = arith.constant 0 : i32
    %dma_start3A_90 = tpu.memref_slice %arg7[%dma_start3A_88, %dma_start3A_89] : memref<10240x16xf32, #tpu.memory_space<vmem_shared>> -> memref<10240x16xf32, #tpu.memory_space<vmem_shared>>
    tpu.enqueue_indirect_dma source(%dma_start3A_90 : memref<10240x16xf32, #tpu.memory_space<vmem_shared>>) target(%dma_start3A_84 : memref<128x16xf32, #tpu.memory_space<vmem>>) offsets(%dma_start3A_87 : memref<128xi32, #tpu.memory_space<vmem>>) semaphore(%arg13 : memref<!tpu.dma_semaphore, #tpu.memory_space<semaphore_mem>>)
    %dma_start3A_91 = arith.constant 5 : i32
    %dma_start3A_92 = arith.constant 640 : i32
    %dma_start3A_93 = arith.constant 0 : i32
    %dma_start3A_94 = tpu.memref_slice %arg10[%dma_start3A_92, %dma_start3A_93] : memref<1024x16xf32, #tpu.memory_space<vmem>> -> memref<128x16xf32, #tpu.memory_space<vmem>>
    %dma_start3A_95 = arith.constant 0 : i32
    %dma_start3A_96 = tpu.memref_slice %arg8[%dma_start3A_91, %dma_start3A_95] : memref<96x128xi32, #tpu.memory_space<vmem>> -> memref<1x128xi32, #tpu.memory_space<vmem>>
    %dma_start3A_97 = tpu.memref_squeeze %dma_start3A_96 : memref<1x128xi32, #tpu.memory_space<vmem>> -> memref<128xi32, #tpu.memory_space<vmem>>
    %dma_start3A_98 = arith.constant 0 : i32
    %dma_start3A_99 = arith.constant 0 : i32
    %dma_start3A_100 = tpu.memref_slice %arg7[%dma_start3A_98, %dma_start3A_99] : memref<10240x16xf32, #tpu.memory_space<vmem_shared>> -> memref<10240x16xf32, #tpu.memory_space<vmem_shared>>
    tpu.enqueue_indirect_dma source(%dma_start3A_100 : memref<10240x16xf32, #tpu.memory_space<vmem_shared>>) target(%dma_start3A_94 : memref<128x16xf32, #tpu.memory_space<vmem>>) offsets(%dma_start3A_97 : memref<128xi32, #tpu.memory_space<vmem>>) semaphore(%arg13 : memref<!tpu.dma_semaphore, #tpu.memory_space<semaphore_mem>>)
    %dma_start3A_101 = arith.constant 6 : i32
    %dma_start3A_102 = arith.constant 768 : i32
    %dma_start3A_103 = arith.constant 0 : i32
    %dma_start3A_104 = tpu.memref_slice %arg10[%dma_start3A_102, %dma_start3A_103] : memref<1024x16xf32, #tpu.memory_space<vmem>> -> memref<128x16xf32, #tpu.memory_space<vmem>>
    %dma_start3A_105 = arith.constant 0 : i32
    %dma_start3A_106 = tpu.memref_slice %arg8[%dma_start3A_101, %dma_start3A_105] : memref<96x128xi32, #tpu.memory_space<vmem>> -> memref<1x128xi32, #tpu.memory_space<vmem>>
    %dma_start3A_107 = tpu.memref_squeeze %dma_start3A_106 : memref<1x128xi32, #tpu.memory_space<vmem>> -> memref<128xi32, #tpu.memory_space<vmem>>
    %dma_start3A_108 = arith.constant 0 : i32
    %dma_start3A_109 = arith.constant 0 : i32
    %dma_start3A_110 = tpu.memref_slice %arg7[%dma_start3A_108, %dma_start3A_109] : memref<10240x16xf32, #tpu.memory_space<vmem_shared>> -> memref<10240x16xf32, #tpu.memory_space<vmem_shared>>
    tpu.enqueue_indirect_dma source(%dma_start3A_110 : memref<10240x16xf32, #tpu.memory_space<vmem_shared>>) target(%dma_start3A_104 : memref<128x16xf32, #tpu.memory_space<vmem>>) offsets(%dma_start3A_107 : memref<128xi32, #tpu.memory_space<vmem>>) semaphore(%arg13 : memref<!tpu.dma_semaphore, #tpu.memory_space<semaphore_mem>>)
    %dma_start3A_111 = arith.constant 7 : i32
    %dma_start3A_112 = arith.constant 896 : i32
    %dma_start3A_113 = arith.constant 0 : i32
    %dma_start3A_114 = tpu.memref_slice %arg10[%dma_start3A_112, %dma_start3A_113] : memref<1024x16xf32, #tpu.memory_space<vmem>> -> memref<128x16xf32, #tpu.memory_space<vmem>>
    %dma_start3A_115 = arith.constant 0 : i32
    %dma_start3A_116 = tpu.memref_slice %arg8[%dma_start3A_111, %dma_start3A_115] : memref<96x128xi32, #tpu.memory_space<vmem>> -> memref<1x128xi32, #tpu.memory_space<vmem>>
    %dma_start3A_117 = tpu.memref_squeeze %dma_start3A_116 : memref<1x128xi32, #tpu.memory_space<vmem>> -> memref<128xi32, #tpu.memory_space<vmem>>
    %dma_start3A_118 = arith.constant 0 : i32
    %dma_start3A_119 = arith.constant 0 : i32
    %dma_start3A_120 = tpu.memref_slice %arg7[%dma_start3A_118, %dma_start3A_119] : memref<10240x16xf32, #tpu.memory_space<vmem_shared>> -> memref<10240x16xf32, #tpu.memory_space<vmem_shared>>
    tpu.enqueue_indirect_dma source(%dma_start3A_120 : memref<10240x16xf32, #tpu.memory_space<vmem_shared>>) target(%dma_start3A_114 : memref<128x16xf32, #tpu.memory_space<vmem>>) offsets(%dma_start3A_117 : memref<128xi32, #tpu.memory_space<vmem>>) semaphore(%arg13 : memref<!tpu.dma_semaphore, #tpu.memory_space<semaphore_mem>>)
    %dma_start3A_121 = arith.constant 8 : i32
    %dma_start3A_122 = arith.constant 0 : i32
    %dma_start3A_123 = arith.constant 0 : i32
    %dma_start3A_124 = tpu.memref_slice %arg11[%dma_start3A_122, %dma_start3A_123] : memref<1024x16xf32, #tpu.memory_space<vmem>> -> memref<128x16xf32, #tpu.memory_space<vmem>>
    %dma_start3A_125 = arith.constant 0 : i32
    %dma_start3A_126 = tpu.memref_slice %arg8[%dma_start3A_121, %dma_start3A_125] : memref<96x128xi32, #tpu.memory_space<vmem>> -> memref<1x128xi32, #tpu.memory_space<vmem>>
    %dma_start3A_127 = tpu.memref_squeeze %dma_start3A_126 : memref<1x128xi32, #tpu.memory_space<vmem>> -> memref<128xi32, #tpu.memory_space<vmem>>
    %dma_start3A_128 = arith.constant 0 : i32
    %dma_start3A_129 = arith.constant 0 : i32
    %dma_start3A_130 = tpu.memref_slice %arg7[%dma_start3A_128, %dma_start3A_129] : memref<10240x16xf32, #tpu.memory_space<vmem_shared>> -> memref<10240x16xf32, #tpu.memory_space<vmem_shared>>
    tpu.enqueue_indirect_dma source(%dma_start3A_130 : memref<10240x16xf32, #tpu.memory_space<vmem_shared>>) target(%dma_start3A_124 : memref<128x16xf32, #tpu.memory_space<vmem>>) offsets(%dma_start3A_127 : memref<128xi32, #tpu.memory_space<vmem>>) semaphore(%arg14 : memref<!tpu.dma_semaphore, #tpu.memory_space<semaphore_mem>>)
    %dma_start3A_131 = arith.constant 9 : i32
    %dma_start3A_132 = arith.constant 128 : i32
    %dma_start3A_133 = arith.constant 0 : i32
    %dma_start3A_134 = tpu.memref_slice %arg11[%dma_start3A_132, %dma_start3A_133] : memref<1024x16xf32, #tpu.memory_space<vmem>> -> memref<128x16xf32, #tpu.memory_space<vmem>>
    %dma_start3A_135 = arith.constant 0 : i32
    %dma_start3A_136 = tpu.memref_slice %arg8[%dma_start3A_131, %dma_start3A_135] : memref<96x128xi32, #tpu.memory_space<vmem>> -> memref<1x128xi32, #tpu.memory_space<vmem>>
    %dma_start3A_137 = tpu.memref_squeeze %dma_start3A_136 : memref<1x128xi32, #tpu.memory_space<vmem>> -> memref<128xi32, #tpu.memory_space<vmem>>
    %dma_start3A_138 = arith.constant 0 : i32
    %dma_start3A_139 = arith.constant 0 : i32
    %dma_start3A_140 = tpu.memref_slice %arg7[%dma_start3A_138, %dma_start3A_139] : memref<10240x16xf32, #tpu.memory_space<vmem_shared>> -> memref<10240x16xf32, #tpu.memory_space<vmem_shared>>
    tpu.enqueue_indirect_dma source(%dma_start3A_140 : memref<10240x16xf32, #tpu.memory_space<vmem_shared>>) target(%dma_start3A_134 : memref<128x16xf32, #tpu.memory_space<vmem>>) offsets(%dma_start3A_137 : memref<128xi32, #tpu.memory_space<vmem>>) semaphore(%arg14 : memref<!tpu.dma_semaphore, #tpu.memory_space<semaphore_mem>>)
    %dma_start3A_141 = arith.constant 10 : i32
    %dma_start3A_142 = arith.constant 256 : i32
    %dma_start3A_143 = arith.constant 0 : i32
    %dma_start3A_144 = tpu.memref_slice %arg11[%dma_start3A_142, %dma_start3A_143] : memref<1024x16xf32, #tpu.memory_space<vmem>> -> memref<128x16xf32, #tpu.memory_space<vmem>>
    %dma_start3A_145 = arith.constant 0 : i32
    %dma_start3A_146 = tpu.memref_slice %arg8[%dma_start3A_141, %dma_start3A_145] : memref<96x128xi32, #tpu.memory_space<vmem>> -> memref<1x128xi32, #tpu.memory_space<vmem>>
    %dma_start3A_147 = tpu.memref_squeeze %dma_start3A_146 : memref<1x128xi32, #tpu.memory_space<vmem>> -> memref<128xi32, #tpu.memory_space<vmem>>
    %dma_start3A_148 = arith.constant 0 : i32
    %dma_start3A_149 = arith.constant 0 : i32
    %dma_start3A_150 = tpu.memref_slice %arg7[%dma_start3A_148, %dma_start3A_149] : memref<10240x16xf32, #tpu.memory_space<vmem_shared>> -> memref<10240x16xf32, #tpu.memory_space<vmem_shared>>
    tpu.enqueue_indirect_dma source(%dma_start3A_150 : memref<10240x16xf32, #tpu.memory_space<vmem_shared>>) target(%dma_start3A_144 : memref<128x16xf32, #tpu.memory_space<vmem>>) offsets(%dma_start3A_147 : memref<128xi32, #tpu.memory_space<vmem>>) semaphore(%arg14 : memref<!tpu.dma_semaphore, #tpu.memory_space<semaphore_mem>>)
    %dma_start3A_151 = arith.constant 11 : i32
    %dma_start3A_152 = arith.constant 384 : i32
    %dma_start3A_153 = arith.constant 0 : i32
    %dma_start3A_154 = tpu.memref_slice %arg11[%dma_start3A_152, %dma_start3A_153] : memref<1024x16xf32, #tpu.memory_space<vmem>> -> memref<128x16xf32, #tpu.memory_space<vmem>>
    %dma_start3A_155 = arith.constant 0 : i32
    %dma_start3A_156 = tpu.memref_slice %arg8[%dma_start3A_151, %dma_start3A_155] : memref<96x128xi32, #tpu.memory_space<vmem>> -> memref<1x128xi32, #tpu.memory_space<vmem>>
    %dma_start3A_157 = tpu.memref_squeeze %dma_start3A_156 : memref<1x128xi32, #tpu.memory_space<vmem>> -> memref<128xi32, #tpu.memory_space<vmem>>
    %dma_start3A_158 = arith.constant 0 : i32
    %dma_start3A_159 = arith.constant 0 : i32
    %dma_start3A_160 = tpu.memref_slice %arg7[%dma_start3A_158, %dma_start3A_159] : memref<10240x16xf32, #tpu.memory_space<vmem_shared>> -> memref<10240x16xf32, #tpu.memory_space<vmem_shared>>
    tpu.enqueue_indirect_dma source(%dma_start3A_160 : memref<10240x16xf32, #tpu.memory_space<vmem_shared>>) target(%dma_start3A_154 : memref<128x16xf32, #tpu.memory_space<vmem>>) offsets(%dma_start3A_157 : memref<128xi32, #tpu.memory_space<vmem>>) semaphore(%arg14 : memref<!tpu.dma_semaphore, #tpu.memory_space<semaphore_mem>>)
    %dma_start3A_161 = arith.constant 12 : i32
    %dma_start3A_162 = arith.constant 512 : i32
    %dma_start3A_163 = arith.constant 0 : i32
    %dma_start3A_164 = tpu.memref_slice %arg11[%dma_start3A_162, %dma_start3A_163] : memref<1024x16xf32, #tpu.memory_space<vmem>> -> memref<128x16xf32, #tpu.memory_space<vmem>>
    %dma_start3A_165 = arith.constant 0 : i32
    %dma_start3A_166 = tpu.memref_slice %arg8[%dma_start3A_161, %dma_start3A_165] : memref<96x128xi32, #tpu.memory_space<vmem>> -> memref<1x128xi32, #tpu.memory_space<vmem>>
    %dma_start3A_167 = tpu.memref_squeeze %dma_start3A_166 : memref<1x128xi32, #tpu.memory_space<vmem>> -> memref<128xi32, #tpu.memory_space<vmem>>
    %dma_start3A_168 = arith.constant 0 : i32
    %dma_start3A_169 = arith.constant 0 : i32
    %dma_start3A_170 = tpu.memref_slice %arg7[%dma_start3A_168, %dma_start3A_169] : memref<10240x16xf32, #tpu.memory_space<vmem_shared>> -> memref<10240x16xf32, #tpu.memory_space<vmem_shared>>
    tpu.enqueue_indirect_dma source(%dma_start3A_170 : memref<10240x16xf32, #tpu.memory_space<vmem_shared>>) target(%dma_start3A_164 : memref<128x16xf32, #tpu.memory_space<vmem>>) offsets(%dma_start3A_167 : memref<128xi32, #tpu.memory_space<vmem>>) semaphore(%arg14 : memref<!tpu.dma_semaphore, #tpu.memory_space<semaphore_mem>>)
    %dma_start3A_171 = arith.constant 13 : i32
    %dma_start3A_172 = arith.constant 640 : i32
    %dma_start3A_173 = arith.constant 0 : i32
    %dma_start3A_174 = tpu.memref_slice %arg11[%dma_start3A_172, %dma_start3A_173] : memref<1024x16xf32, #tpu.memory_space<vmem>> -> memref<128x16xf32, #tpu.memory_space<vmem>>
    %dma_start3A_175 = arith.constant 0 : i32
    %dma_start3A_176 = tpu.memref_slice %arg8[%dma_start3A_171, %dma_start3A_175] : memref<96x128xi32, #tpu.memory_space<vmem>> -> memref<1x128xi32, #tpu.memory_space<vmem>>
    %dma_start3A_177 = tpu.memref_squeeze %dma_start3A_176 : memref<1x128xi32, #tpu.memory_space<vmem>> -> memref<128xi32, #tpu.memory_space<vmem>>
    %dma_start3A_178 = arith.constant 0 : i32
    %dma_start3A_179 = arith.constant 0 : i32
    %dma_start3A_180 = tpu.memref_slice %arg7[%dma_start3A_178, %dma_start3A_179] : memref<10240x16xf32, #tpu.memory_space<vmem_shared>> -> memref<10240x16xf32, #tpu.memory_space<vmem_shared>>
    tpu.enqueue_indirect_dma source(%dma_start3A_180 : memref<10240x16xf32, #tpu.memory_space<vmem_shared>>) target(%dma_start3A_174 : memref<128x16xf32, #tpu.memory_space<vmem>>) offsets(%dma_start3A_177 : memref<128xi32, #tpu.memory_space<vmem>>) semaphore(%arg14 : memref<!tpu.dma_semaphore, #tpu.memory_space<semaphore_mem>>)
    %dma_start3A_181 = arith.constant 14 : i32
    %dma_start3A_182 = arith.constant 768 : i32
    %dma_start3A_183 = arith.constant 0 : i32
    %dma_start3A_184 = tpu.memref_slice %arg11[%dma_start3A_182, %dma_start3A_183] : memref<1024x16xf32, #tpu.memory_space<vmem>> -> memref<128x16xf32, #tpu.memory_space<vmem>>
    %dma_start3A_185 = arith.constant 0 : i32
    %dma_start3A_186 = tpu.memref_slice %arg8[%dma_start3A_181, %dma_start3A_185] : memref<96x128xi32, #tpu.memory_space<vmem>> -> memref<1x128xi32, #tpu.memory_space<vmem>>
    %dma_start3A_187 = tpu.memref_squeeze %dma_start3A_186 : memref<1x128xi32, #tpu.memory_space<vmem>> -> memref<128xi32, #tpu.memory_space<vmem>>
    %dma_start3A_188 = arith.constant 0 : i32
    %dma_start3A_189 = arith.constant 0 : i32
    %dma_start3A_190 = tpu.memref_slice %arg7[%dma_start3A_188, %dma_start3A_189] : memref<10240x16xf32, #tpu.memory_space<vmem_shared>> -> memref<10240x16xf32, #tpu.memory_space<vmem_shared>>
    tpu.enqueue_indirect_dma source(%dma_start3A_190 : memref<10240x16xf32, #tpu.memory_space<vmem_shared>>) target(%dma_start3A_184 : memref<128x16xf32, #tpu.memory_space<vmem>>) offsets(%dma_start3A_187 : memref<128xi32, #tpu.memory_space<vmem>>) semaphore(%arg14 : memref<!tpu.dma_semaphore, #tpu.memory_space<semaphore_mem>>)
    %dma_start3A_191 = arith.constant 15 : i32
    %dma_start3A_192 = arith.constant 896 : i32
    %dma_start3A_193 = arith.constant 0 : i32
    %dma_start3A_194 = tpu.memref_slice %arg11[%dma_start3A_192, %dma_start3A_193] : memref<1024x16xf32, #tpu.memory_space<vmem>> -> memref<128x16xf32, #tpu.memory_space<vmem>>
    %dma_start3A_195 = arith.constant 0 : i32
    %dma_start3A_196 = tpu.memref_slice %arg8[%dma_start3A_191, %dma_start3A_195] : memref<96x128xi32, #tpu.memory_space<vmem>> -> memref<1x128xi32, #tpu.memory_space<vmem>>
    %dma_start3A_197 = tpu.memref_squeeze %dma_start3A_196 : memref<1x128xi32, #tpu.memory_space<vmem>> -> memref<128xi32, #tpu.memory_space<vmem>>
    %dma_start3A_198 = arith.constant 0 : i32
    %dma_start3A_199 = arith.constant 0 : i32
    %dma_start3A_200 = tpu.memref_slice %arg7[%dma_start3A_198, %dma_start3A_199] : memref<10240x16xf32, #tpu.memory_space<vmem_shared>> -> memref<10240x16xf32, #tpu.memory_space<vmem_shared>>
    tpu.enqueue_indirect_dma source(%dma_start3A_200 : memref<10240x16xf32, #tpu.memory_space<vmem_shared>>) target(%dma_start3A_194 : memref<128x16xf32, #tpu.memory_space<vmem>>) offsets(%dma_start3A_197 : memref<128xi32, #tpu.memory_space<vmem>>) semaphore(%arg14 : memref<!tpu.dma_semaphore, #tpu.memory_space<semaphore_mem>>)
    %dma_wait3A = arith.constant 0 : i32
    %dma_wait3A_201 = arith.constant 0 : i32
    %dma_wait3A_202 = tpu.memref_slice %arg6[%dma_wait3A, %dma_wait3A_201] : memref<10240x16xf32, #tpu.memory_space<vmem_shared>> -> memref<1024x16xf32, #tpu.memory_space<vmem_shared>>
    %dma_wait3A_203 = arith.constant 0 : i32
    %dma_wait3A_204 = arith.constant 0 : i32
    %dma_wait3A_205 = tpu.memref_slice %arg6[%dma_wait3A_203, %dma_wait3A_204] : memref<10240x16xf32, #tpu.memory_space<vmem_shared>> -> memref<1024x16xf32, #tpu.memory_space<vmem_shared>>
    tpu.wait_dma2 semaphore(%arg13 : memref<!tpu.dma_semaphore, #tpu.memory_space<semaphore_mem>>) src(%arg10 : memref<1024x16xf32, #tpu.memory_space<vmem>>) dst(%dma_wait3A_205 : memref<1024x16xf32, #tpu.memory_space<vmem_shared>>)
    %dma_start3A_206 = arith.constant 0 : i32
    %dma_start3A_207 = arith.constant 0 : i32
    %dma_start3A_208 = arith.constant 0 : i32
    %dma_start3A_209 = tpu.memref_slice %arg10[%dma_start3A_207, %dma_start3A_208] : memref<1024x16xf32, #tpu.memory_space<vmem>> -> memref<128x16xf32, #tpu.memory_space<vmem>>
    %dma_start3A_210 = arith.constant 0 : i32
    %dma_start3A_211 = tpu.memref_slice %arg9[%dma_start3A_206, %dma_start3A_210] : memref<96x128xi32, #tpu.memory_space<vmem>> -> memref<1x128xi32, #tpu.memory_space<vmem>>
    %dma_start3A_212 = tpu.memref_squeeze %dma_start3A_211 : memref<1x128xi32, #tpu.memory_space<vmem>> -> memref<128xi32, #tpu.memory_space<vmem>>
    %dma_start3A_213 = arith.constant 0 : i32
    %dma_start3A_214 = arith.constant 0 : i32
    %dma_start3A_215 = tpu.memref_slice %arg6[%dma_start3A_213, %dma_start3A_214] : memref<10240x16xf32, #tpu.memory_space<vmem_shared>> -> memref<10240x16xf32, #tpu.memory_space<vmem_shared>>
    tpu.enqueue_indirect_dma source(%dma_start3A_209 : memref<128x16xf32, #tpu.memory_space<vmem>>) target(%dma_start3A_215 : memref<10240x16xf32, #tpu.memory_space<vmem_shared>>) offsets(%dma_start3A_212 : memref<128xi32, #tpu.memory_space<vmem>>) semaphore(%arg15 : memref<!tpu.dma_semaphore, #tpu.memory_space<semaphore_mem>>) {add = true}
    %dma_start3A_216 = arith.constant 1 : i32
    %dma_start3A_217 = arith.constant 128 : i32
    %dma_start3A_218 = arith.constant 0 : i32
    %dma_start3A_219 = tpu.memref_slice %arg10[%dma_start3A_217, %dma_start3A_218] : memref<1024x16xf32, #tpu.memory_space<vmem>> -> memref<128x16xf32, #tpu.memory_space<vmem>>
    %dma_start3A_220 = arith.constant 0 : i32
    %dma_start3A_221 = tpu.memref_slice %arg9[%dma_start3A_216, %dma_start3A_220] : memref<96x128xi32, #tpu.memory_space<vmem>> -> memref<1x128xi32, #tpu.memory_space<vmem>>
    %dma_start3A_222 = tpu.memref_squeeze %dma_start3A_221 : memref<1x128xi32, #tpu.memory_space<vmem>> -> memref<128xi32, #tpu.memory_space<vmem>>
    %dma_start3A_223 = arith.constant 0 : i32
    %dma_start3A_224 = arith.constant 0 : i32
    %dma_start3A_225 = tpu.memref_slice %arg6[%dma_start3A_223, %dma_start3A_224] : memref<10240x16xf32, #tpu.memory_space<vmem_shared>> -> memref<10240x16xf32, #tpu.memory_space<vmem_shared>>
    tpu.enqueue_indirect_dma source(%dma_start3A_219 : memref<128x16xf32, #tpu.memory_space<vmem>>) target(%dma_start3A_225 : memref<10240x16xf32, #tpu.memory_space<vmem_shared>>) offsets(%dma_start3A_222 : memref<128xi32, #tpu.memory_space<vmem>>) semaphore(%arg15 : memref<!tpu.dma_semaphore, #tpu.memory_space<semaphore_mem>>) {add = true}
    %dma_start3A_226 = arith.constant 2 : i32
    %dma_start3A_227 = arith.constant 256 : i32
    %dma_start3A_228 = arith.constant 0 : i32
    %dma_start3A_229 = tpu.memref_slice %arg10[%dma_start3A_227, %dma_start3A_228] : memref<1024x16xf32, #tpu.memory_space<vmem>> -> memref<128x16xf32, #tpu.memory_space<vmem>>
    %dma_start3A_230 = arith.constant 0 : i32
    %dma_start3A_231 = tpu.memref_slice %arg9[%dma_start3A_226, %dma_start3A_230] : memref<96x128xi32, #tpu.memory_space<vmem>> -> memref<1x128xi32, #tpu.memory_space<vmem>>
    %dma_start3A_232 = tpu.memref_squeeze %dma_start3A_231 : memref<1x128xi32, #tpu.memory_space<vmem>> -> memref<128xi32, #tpu.memory_space<vmem>>
    %dma_start3A_233 = arith.constant 0 : i32
    %dma_start3A_234 = arith.constant 0 : i32
    %dma_start3A_235 = tpu.memref_slice %arg6[%dma_start3A_233, %dma_start3A_234] : memref<10240x16xf32, #tpu.memory_space<vmem_shared>> -> memref<10240x16xf32, #tpu.memory_space<vmem_shared>>
    tpu.enqueue_indirect_dma source(%dma_start3A_229 : memref<128x16xf32, #tpu.memory_space<vmem>>) target(%dma_start3A_235 : memref<10240x16xf32, #tpu.memory_space<vmem_shared>>) offsets(%dma_start3A_232 : memref<128xi32, #tpu.memory_space<vmem>>) semaphore(%arg15 : memref<!tpu.dma_semaphore, #tpu.memory_space<semaphore_mem>>) {add = true}
    %dma_start3A_236 = arith.constant 3 : i32
    %dma_start3A_237 = arith.constant 384 : i32
    %dma_start3A_238 = arith.constant 0 : i32
    %dma_start3A_239 = tpu.memref_slice %arg10[%dma_start3A_237, %dma_start3A_238] : memref<1024x16xf32, #tpu.memory_space<vmem>> -> memref<128x16xf32, #tpu.memory_space<vmem>>
    %dma_start3A_240 = arith.constant 0 : i32
    %dma_start3A_241 = tpu.memref_slice %arg9[%dma_start3A_236, %dma_start3A_240] : memref<96x128xi32, #tpu.memory_space<vmem>> -> memref<1x128xi32, #tpu.memory_space<vmem>>
    %dma_start3A_242 = tpu.memref_squeeze %dma_start3A_241 : memref<1x128xi32, #tpu.memory_space<vmem>> -> memref<128xi32, #tpu.memory_space<vmem>>
    %dma_start3A_243 = arith.constant 0 : i32
    %dma_start3A_244 = arith.constant 0 : i32
    %dma_start3A_245 = tpu.memref_slice %arg6[%dma_start3A_243, %dma_start3A_244] : memref<10240x16xf32, #tpu.memory_space<vmem_shared>> -> memref<10240x16xf32, #tpu.memory_space<vmem_shared>>
    tpu.enqueue_indirect_dma source(%dma_start3A_239 : memref<128x16xf32, #tpu.memory_space<vmem>>) target(%dma_start3A_245 : memref<10240x16xf32, #tpu.memory_space<vmem_shared>>) offsets(%dma_start3A_242 : memref<128xi32, #tpu.memory_space<vmem>>) semaphore(%arg15 : memref<!tpu.dma_semaphore, #tpu.memory_space<semaphore_mem>>) {add = true}
    %dma_start3A_246 = arith.constant 4 : i32
    %dma_start3A_247 = arith.constant 512 : i32
    %dma_start3A_248 = arith.constant 0 : i32
    %dma_start3A_249 = tpu.memref_slice %arg10[%dma_start3A_247, %dma_start3A_248] : memref<1024x16xf32, #tpu.memory_space<vmem>> -> memref<128x16xf32, #tpu.memory_space<vmem>>
    %dma_start3A_250 = arith.constant 0 : i32
    %dma_start3A_251 = tpu.memref_slice %arg9[%dma_start3A_246, %dma_start3A_250] : memref<96x128xi32, #tpu.memory_space<vmem>> -> memref<1x128xi32, #tpu.memory_space<vmem>>
    %dma_start3A_252 = tpu.memref_squeeze %dma_start3A_251 : memref<1x128xi32, #tpu.memory_space<vmem>> -> memref<128xi32, #tpu.memory_space<vmem>>
    %dma_start3A_253 = arith.constant 0 : i32
    %dma_start3A_254 = arith.constant 0 : i32
    %dma_start3A_255 = tpu.memref_slice %arg6[%dma_start3A_253, %dma_start3A_254] : memref<10240x16xf32, #tpu.memory_space<vmem_shared>> -> memref<10240x16xf32, #tpu.memory_space<vmem_shared>>
    tpu.enqueue_indirect_dma source(%dma_start3A_249 : memref<128x16xf32, #tpu.memory_space<vmem>>) target(%dma_start3A_255 : memref<10240x16xf32, #tpu.memory_space<vmem_shared>>) offsets(%dma_start3A_252 : memref<128xi32, #tpu.memory_space<vmem>>) semaphore(%arg15 : memref<!tpu.dma_semaphore, #tpu.memory_space<semaphore_mem>>) {add = true}
    %dma_start3A_256 = arith.constant 5 : i32
    %dma_start3A_257 = arith.constant 640 : i32
    %dma_start3A_258 = arith.constant 0 : i32
    %dma_start3A_259 = tpu.memref_slice %arg10[%dma_start3A_257, %dma_start3A_258] : memref<1024x16xf32, #tpu.memory_space<vmem>> -> memref<128x16xf32, #tpu.memory_space<vmem>>
    %dma_start3A_260 = arith.constant 0 : i32
    %dma_start3A_261 = tpu.memref_slice %arg9[%dma_start3A_256, %dma_start3A_260] : memref<96x128xi32, #tpu.memory_space<vmem>> -> memref<1x128xi32, #tpu.memory_space<vmem>>
    %dma_start3A_262 = tpu.memref_squeeze %dma_start3A_261 : memref<1x128xi32, #tpu.memory_space<vmem>> -> memref<128xi32, #tpu.memory_space<vmem>>
    %dma_start3A_263 = arith.constant 0 : i32
    %dma_start3A_264 = arith.constant 0 : i32
    %dma_start3A_265 = tpu.memref_slice %arg6[%dma_start3A_263, %dma_start3A_264] : memref<10240x16xf32, #tpu.memory_space<vmem_shared>> -> memref<10240x16xf32, #tpu.memory_space<vmem_shared>>
    tpu.enqueue_indirect_dma source(%dma_start3A_259 : memref<128x16xf32, #tpu.memory_space<vmem>>) target(%dma_start3A_265 : memref<10240x16xf32, #tpu.memory_space<vmem_shared>>) offsets(%dma_start3A_262 : memref<128xi32, #tpu.memory_space<vmem>>) semaphore(%arg15 : memref<!tpu.dma_semaphore, #tpu.memory_space<semaphore_mem>>) {add = true}
    %dma_start3A_266 = arith.constant 6 : i32
    %dma_start3A_267 = arith.constant 768 : i32
    %dma_start3A_268 = arith.constant 0 : i32
    %dma_start3A_269 = tpu.memref_slice %arg10[%dma_start3A_267, %dma_start3A_268] : memref<1024x16xf32, #tpu.memory_space<vmem>> -> memref<128x16xf32, #tpu.memory_space<vmem>>
    %dma_start3A_270 = arith.constant 0 : i32
    %dma_start3A_271 = tpu.memref_slice %arg9[%dma_start3A_266, %dma_start3A_270] : memref<96x128xi32, #tpu.memory_space<vmem>> -> memref<1x128xi32, #tpu.memory_space<vmem>>
    %dma_start3A_272 = tpu.memref_squeeze %dma_start3A_271 : memref<1x128xi32, #tpu.memory_space<vmem>> -> memref<128xi32, #tpu.memory_space<vmem>>
    %dma_start3A_273 = arith.constant 0 : i32
    %dma_start3A_274 = arith.constant 0 : i32
    %dma_start3A_275 = tpu.memref_slice %arg6[%dma_start3A_273, %dma_start3A_274] : memref<10240x16xf32, #tpu.memory_space<vmem_shared>> -> memref<10240x16xf32, #tpu.memory_space<vmem_shared>>
    tpu.enqueue_indirect_dma source(%dma_start3A_269 : memref<128x16xf32, #tpu.memory_space<vmem>>) target(%dma_start3A_275 : memref<10240x16xf32, #tpu.memory_space<vmem_shared>>) offsets(%dma_start3A_272 : memref<128xi32, #tpu.memory_space<vmem>>) semaphore(%arg15 : memref<!tpu.dma_semaphore, #tpu.memory_space<semaphore_mem>>) {add = true}
    %dma_start3A_276 = arith.constant 7 : i32
    %dma_start3A_277 = arith.constant 896 : i32
    %dma_start3A_278 = arith.constant 0 : i32
    %dma_start3A_279 = tpu.memref_slice %arg10[%dma_start3A_277, %dma_start3A_278] : memref<1024x16xf32, #tpu.memory_space<vmem>> -> memref<128x16xf32, #tpu.memory_space<vmem>>
    %dma_start3A_280 = arith.constant 0 : i32
    %dma_start3A_281 = tpu.memref_slice %arg9[%dma_start3A_276, %dma_start3A_280] : memref<96x128xi32, #tpu.memory_space<vmem>> -> memref<1x128xi32, #tpu.memory_space<vmem>>
    %dma_start3A_282 = tpu.memref_squeeze %dma_start3A_281 : memref<1x128xi32, #tpu.memory_space<vmem>> -> memref<128xi32, #tpu.memory_space<vmem>>
    %dma_start3A_283 = arith.constant 0 : i32
    %dma_start3A_284 = arith.constant 0 : i32
    %dma_start3A_285 = tpu.memref_slice %arg6[%dma_start3A_283, %dma_start3A_284] : memref<10240x16xf32, #tpu.memory_space<vmem_shared>> -> memref<10240x16xf32, #tpu.memory_space<vmem_shared>>
    tpu.enqueue_indirect_dma source(%dma_start3A_279 : memref<128x16xf32, #tpu.memory_space<vmem>>) target(%dma_start3A_285 : memref<10240x16xf32, #tpu.memory_space<vmem_shared>>) offsets(%dma_start3A_282 : memref<128xi32, #tpu.memory_space<vmem>>) semaphore(%arg15 : memref<!tpu.dma_semaphore, #tpu.memory_space<semaphore_mem>>) {add = true}
    %jit3A_286 = arith.constant 2 : i32
    %div3A = arith.divsi %select_n3A, %jit3A_286 : i32
    %sign3A = arith.constant 0 : i32
    %sign3A_287 = arith.cmpi sgt, %select_n3A, %sign3A : i32
    %sign3A_288 = arith.extui %sign3A_287 : i1 to i32
    %sign3A_289 = arith.constant 0 : i32
    %sign3A_290 = arith.cmpi slt, %select_n3A, %sign3A_289 : i32
    %sign3A_291 = arith.extui %sign3A_290 : i1 to i32
    %sign3A_292 = arith.subi %sign3A_288, %sign3A_291 : i32
    %sign3A_293 = arith.constant 0 : i32
    %sign3A_294 = arith.cmpi sgt, %jit3A_286, %sign3A_293 : i32
    %sign3A_295 = arith.extui %sign3A_294 : i1 to i32
    %sign3A_296 = arith.constant 0 : i32
    %sign3A_297 = arith.cmpi slt, %jit3A_286, %sign3A_296 : i32
    %sign3A_298 = arith.extui %sign3A_297 : i1 to i32
    %sign3A_299 = arith.subi %sign3A_295, %sign3A_298 : i32
    %ne3A_300 = arith.cmpi ne, %sign3A_292, %sign3A_299 : i32
    %rem3A = arith.remsi %select_n3A, %jit3A_286 : i32
    %ne3A_301 = arith.constant 0 : i32
    %ne3A_302 = arith.cmpi ne, %rem3A, %ne3A_301 : i32
    %and3A = arith.andi %ne3A_300, %ne3A_302 : i1
    %sub3A = arith.constant 1 : i32
    %sub3A_303 = arith.subi %div3A, %sub3A : i32
    %select_n3A_304 = arith.select %and3A, %sub3A_303, %div3A : i32
    %sub3A_305 = arith.constant 1 : i32
    %sub3A_306 = arith.subi %select_n3A_304, %sub3A_305 : i32
    %while3A = arith.constant 0 : i32
    %while3A_307 = arith.constant 0 : i32
    %while3A_308 = arith.subi %sub3A_306, %while3A : i32
    %while3A_309 = arith.addi %while3A, %while3A_308 : i32
    %while3A_310 = arith.constant 1 : i32
    %while3A_311 = arith.divsi %while3A_308, %while3A_310 : i32
    %while3A_312 = arith.muli %while3A_311, %while3A_310 : i32
    %while3A_313 = arith.addi %while3A, %while3A_312 : i32
    %while3A_314 = arith.constant 1 : i32
    %while3A_315 = scf.for %while3A_446 = %while3A to %while3A_313 step %while3A_314 iter_args(%while3A_447 = %while3A_307) -> (i32)  : i32 {
      %mul3A_448 = arith.constant 2 : i32
      %mul3A_449 = arith.muli %mul3A_448, %while3A_446 : i32
      %add3A_450 = arith.constant 1 : i32
      %add3A_451 = arith.addi %mul3A_449, %add3A_450 : i32
      %dma_wait3A_452 = arith.constant 0 : i32
      %dma_wait3A_453 = arith.constant 0 : i32
      %dma_wait3A_454 = tpu.memref_slice %arg6[%dma_wait3A_452, %dma_wait3A_453] : memref<10240x16xf32, #tpu.memory_space<vmem_shared>> -> memref<1024x16xf32, #tpu.memory_space<vmem_shared>>
      %dma_wait3A_455 = arith.constant 0 : i32
      %dma_wait3A_456 = arith.constant 0 : i32
      %dma_wait3A_457 = tpu.memref_slice %arg6[%dma_wait3A_455, %dma_wait3A_456] : memref<10240x16xf32, #tpu.memory_space<vmem_shared>> -> memref<1024x16xf32, #tpu.memory_space<vmem_shared>>
      tpu.wait_dma2 semaphore(%arg15 : memref<!tpu.dma_semaphore, #tpu.memory_space<semaphore_mem>>) src(%arg10 : memref<1024x16xf32, #tpu.memory_space<vmem>>) dst(%dma_wait3A_457 : memref<1024x16xf32, #tpu.memory_space<vmem_shared>>)
      %add3A_458 = arith.constant 1 : i32
      %add3A_459 = arith.addi %add3A_451, %add3A_458 : i32
      %mul3A_460 = arith.constant 8 : i32
      %mul3A_461 = arith.muli %add3A_459, %mul3A_460 : i32
      %add3A_462 = arith.constant 0 : i32
      %add3A_463 = arith.addi %mul3A_461, %add3A_462 : i32
      %dma_start3A_464 = arith.constant 0 : i32
      %dma_start3A_465 = arith.constant 0 : i32
      %dma_start3A_466 = tpu.memref_slice %arg10[%dma_start3A_464, %dma_start3A_465] : memref<1024x16xf32, #tpu.memory_space<vmem>> -> memref<128x16xf32, #tpu.memory_space<vmem>>
      %dma_start3A_467 = arith.constant 0 : i32
      %dma_start3A_468 = tpu.memref_slice %arg8[%add3A_463, %dma_start3A_467] : memref<96x128xi32, #tpu.memory_space<vmem>> -> memref<1x128xi32, #tpu.memory_space<vmem>>
      %dma_start3A_469 = tpu.memref_squeeze %dma_start3A_468 : memref<1x128xi32, #tpu.memory_space<vmem>> -> memref<128xi32, #tpu.memory_space<vmem>>
      %dma_start3A_470 = arith.constant 0 : i32
      %dma_start3A_471 = arith.constant 0 : i32
      %dma_start3A_472 = tpu.memref_slice %arg7[%dma_start3A_470, %dma_start3A_471] : memref<10240x16xf32, #tpu.memory_space<vmem_shared>> -> memref<10240x16xf32, #tpu.memory_space<vmem_shared>>
      tpu.enqueue_indirect_dma source(%dma_start3A_472 : memref<10240x16xf32, #tpu.memory_space<vmem_shared>>) target(%dma_start3A_466 : memref<128x16xf32, #tpu.memory_space<vmem>>) offsets(%dma_start3A_469 : memref<128xi32, #tpu.memory_space<vmem>>) semaphore(%arg13 : memref<!tpu.dma_semaphore, #tpu.memory_space<semaphore_mem>>)
      %mul3A_473 = arith.constant 8 : i32
      %mul3A_474 = arith.muli %add3A_459, %mul3A_473 : i32
      %add3A_475 = arith.constant 1 : i32
      %add3A_476 = arith.addi %mul3A_474, %add3A_475 : i32
      %dma_start3A_477 = arith.constant 128 : i32
      %dma_start3A_478 = arith.constant 0 : i32
      %dma_start3A_479 = tpu.memref_slice %arg10[%dma_start3A_477, %dma_start3A_478] : memref<1024x16xf32, #tpu.memory_space<vmem>> -> memref<128x16xf32, #tpu.memory_space<vmem>>
      %dma_start3A_480 = arith.constant 0 : i32
      %dma_start3A_481 = tpu.memref_slice %arg8[%add3A_476, %dma_start3A_480] : memref<96x128xi32, #tpu.memory_space<vmem>> -> memref<1x128xi32, #tpu.memory_space<vmem>>
      %dma_start3A_482 = tpu.memref_squeeze %dma_start3A_481 : memref<1x128xi32, #tpu.memory_space<vmem>> -> memref<128xi32, #tpu.memory_space<vmem>>
      %dma_start3A_483 = arith.constant 0 : i32
      %dma_start3A_484 = arith.constant 0 : i32
      %dma_start3A_485 = tpu.memref_slice %arg7[%dma_start3A_483, %dma_start3A_484] : memref<10240x16xf32, #tpu.memory_space<vmem_shared>> -> memref<10240x16xf32, #tpu.memory_space<vmem_shared>>
      tpu.enqueue_indirect_dma source(%dma_start3A_485 : memref<10240x16xf32, #tpu.memory_space<vmem_shared>>) target(%dma_start3A_479 : memref<128x16xf32, #tpu.memory_space<vmem>>) offsets(%dma_start3A_482 : memref<128xi32, #tpu.memory_space<vmem>>) semaphore(%arg13 : memref<!tpu.dma_semaphore, #tpu.memory_space<semaphore_mem>>)
      %mul3A_486 = arith.constant 8 : i32
      %mul3A_487 = arith.muli %add3A_459, %mul3A_486 : i32
      %add3A_488 = arith.constant 2 : i32
      %add3A_489 = arith.addi %mul3A_487, %add3A_488 : i32
      %dma_start3A_490 = arith.constant 256 : i32
      %dma_start3A_491 = arith.constant 0 : i32
      %dma_start3A_492 = tpu.memref_slice %arg10[%dma_start3A_490, %dma_start3A_491] : memref<1024x16xf32, #tpu.memory_space<vmem>> -> memref<128x16xf32, #tpu.memory_space<vmem>>
      %dma_start3A_493 = arith.constant 0 : i32
      %dma_start3A_494 = tpu.memref_slice %arg8[%add3A_489, %dma_start3A_493] : memref<96x128xi32, #tpu.memory_space<vmem>> -> memref<1x128xi32, #tpu.memory_space<vmem>>
      %dma_start3A_495 = tpu.memref_squeeze %dma_start3A_494 : memref<1x128xi32, #tpu.memory_space<vmem>> -> memref<128xi32, #tpu.memory_space<vmem>>
      %dma_start3A_496 = arith.constant 0 : i32
      %dma_start3A_497 = arith.constant 0 : i32
      %dma_start3A_498 = tpu.memref_slice %arg7[%dma_start3A_496, %dma_start3A_497] : memref<10240x16xf32, #tpu.memory_space<vmem_shared>> -> memref<10240x16xf32, #tpu.memory_space<vmem_shared>>
      tpu.enqueue_indirect_dma source(%dma_start3A_498 : memref<10240x16xf32, #tpu.memory_space<vmem_shared>>) target(%dma_start3A_492 : memref<128x16xf32, #tpu.memory_space<vmem>>) offsets(%dma_start3A_495 : memref<128xi32, #tpu.memory_space<vmem>>) semaphore(%arg13 : memref<!tpu.dma_semaphore, #tpu.memory_space<semaphore_mem>>)
      %mul3A_499 = arith.constant 8 : i32
      %mul3A_500 = arith.muli %add3A_459, %mul3A_499 : i32
      %add3A_501 = arith.constant 3 : i32
      %add3A_502 = arith.addi %mul3A_500, %add3A_501 : i32
      %dma_start3A_503 = arith.constant 384 : i32
      %dma_start3A_504 = arith.constant 0 : i32
      %dma_start3A_505 = tpu.memref_slice %arg10[%dma_start3A_503, %dma_start3A_504] : memref<1024x16xf32, #tpu.memory_space<vmem>> -> memref<128x16xf32, #tpu.memory_space<vmem>>
      %dma_start3A_506 = arith.constant 0 : i32
      %dma_start3A_507 = tpu.memref_slice %arg8[%add3A_502, %dma_start3A_506] : memref<96x128xi32, #tpu.memory_space<vmem>> -> memref<1x128xi32, #tpu.memory_space<vmem>>
      %dma_start3A_508 = tpu.memref_squeeze %dma_start3A_507 : memref<1x128xi32, #tpu.memory_space<vmem>> -> memref<128xi32, #tpu.memory_space<vmem>>
      %dma_start3A_509 = arith.constant 0 : i32
      %dma_start3A_510 = arith.constant 0 : i32
      %dma_start3A_511 = tpu.memref_slice %arg7[%dma_start3A_509, %dma_start3A_510] : memref<10240x16xf32, #tpu.memory_space<vmem_shared>> -> memref<10240x16xf32, #tpu.memory_space<vmem_shared>>
      tpu.enqueue_indirect_dma source(%dma_start3A_511 : memref<10240x16xf32, #tpu.memory_space<vmem_shared>>) target(%dma_start3A_505 : memref<128x16xf32, #tpu.memory_space<vmem>>) offsets(%dma_start3A_508 : memref<128xi32, #tpu.memory_space<vmem>>) semaphore(%arg13 : memref<!tpu.dma_semaphore, #tpu.memory_space<semaphore_mem>>)
      %mul3A_512 = arith.constant 8 : i32
      %mul3A_513 = arith.muli %add3A_459, %mul3A_512 : i32
      %add3A_514 = arith.constant 4 : i32
      %add3A_515 = arith.addi %mul3A_513, %add3A_514 : i32
      %dma_start3A_516 = arith.constant 512 : i32
      %dma_start3A_517 = arith.constant 0 : i32
      %dma_start3A_518 = tpu.memref_slice %arg10[%dma_start3A_516, %dma_start3A_517] : memref<1024x16xf32, #tpu.memory_space<vmem>> -> memref<128x16xf32, #tpu.memory_space<vmem>>
      %dma_start3A_519 = arith.constant 0 : i32
      %dma_start3A_520 = tpu.memref_slice %arg8[%add3A_515, %dma_start3A_519] : memref<96x128xi32, #tpu.memory_space<vmem>> -> memref<1x128xi32, #tpu.memory_space<vmem>>
      %dma_start3A_521 = tpu.memref_squeeze %dma_start3A_520 : memref<1x128xi32, #tpu.memory_space<vmem>> -> memref<128xi32, #tpu.memory_space<vmem>>
      %dma_start3A_522 = arith.constant 0 : i32
      %dma_start3A_523 = arith.constant 0 : i32
      %dma_start3A_524 = tpu.memref_slice %arg7[%dma_start3A_522, %dma_start3A_523] : memref<10240x16xf32, #tpu.memory_space<vmem_shared>> -> memref<10240x16xf32, #tpu.memory_space<vmem_shared>>
      tpu.enqueue_indirect_dma source(%dma_start3A_524 : memref<10240x16xf32, #tpu.memory_space<vmem_shared>>) target(%dma_start3A_518 : memref<128x16xf32, #tpu.memory_space<vmem>>) offsets(%dma_start3A_521 : memref<128xi32, #tpu.memory_space<vmem>>) semaphore(%arg13 : memref<!tpu.dma_semaphore, #tpu.memory_space<semaphore_mem>>)
      %mul3A_525 = arith.constant 8 : i32
      %mul3A_526 = arith.muli %add3A_459, %mul3A_525 : i32
      %add3A_527 = arith.constant 5 : i32
      %add3A_528 = arith.addi %mul3A_526, %add3A_527 : i32
      %dma_start3A_529 = arith.constant 640 : i32
      %dma_start3A_530 = arith.constant 0 : i32
      %dma_start3A_531 = tpu.memref_slice %arg10[%dma_start3A_529, %dma_start3A_530] : memref<1024x16xf32, #tpu.memory_space<vmem>> -> memref<128x16xf32, #tpu.memory_space<vmem>>
      %dma_start3A_532 = arith.constant 0 : i32
      %dma_start3A_533 = tpu.memref_slice %arg8[%add3A_528, %dma_start3A_532] : memref<96x128xi32, #tpu.memory_space<vmem>> -> memref<1x128xi32, #tpu.memory_space<vmem>>
      %dma_start3A_534 = tpu.memref_squeeze %dma_start3A_533 : memref<1x128xi32, #tpu.memory_space<vmem>> -> memref<128xi32, #tpu.memory_space<vmem>>
      %dma_start3A_535 = arith.constant 0 : i32
      %dma_start3A_536 = arith.constant 0 : i32
      %dma_start3A_537 = tpu.memref_slice %arg7[%dma_start3A_535, %dma_start3A_536] : memref<10240x16xf32, #tpu.memory_space<vmem_shared>> -> memref<10240x16xf32, #tpu.memory_space<vmem_shared>>
      tpu.enqueue_indirect_dma source(%dma_start3A_537 : memref<10240x16xf32, #tpu.memory_space<vmem_shared>>) target(%dma_start3A_531 : memref<128x16xf32, #tpu.memory_space<vmem>>) offsets(%dma_start3A_534 : memref<128xi32, #tpu.memory_space<vmem>>) semaphore(%arg13 : memref<!tpu.dma_semaphore, #tpu.memory_space<semaphore_mem>>)
      %mul3A_538 = arith.constant 8 : i32
      %mul3A_539 = arith.muli %add3A_459, %mul3A_538 : i32
      %add3A_540 = arith.constant 6 : i32
      %add3A_541 = arith.addi %mul3A_539, %add3A_540 : i32
      %dma_start3A_542 = arith.constant 768 : i32
      %dma_start3A_543 = arith.constant 0 : i32
      %dma_start3A_544 = tpu.memref_slice %arg10[%dma_start3A_542, %dma_start3A_543] : memref<1024x16xf32, #tpu.memory_space<vmem>> -> memref<128x16xf32, #tpu.memory_space<vmem>>
      %dma_start3A_545 = arith.constant 0 : i32
      %dma_start3A_546 = tpu.memref_slice %arg8[%add3A_541, %dma_start3A_545] : memref<96x128xi32, #tpu.memory_space<vmem>> -> memref<1x128xi32, #tpu.memory_space<vmem>>
      %dma_start3A_547 = tpu.memref_squeeze %dma_start3A_546 : memref<1x128xi32, #tpu.memory_space<vmem>> -> memref<128xi32, #tpu.memory_space<vmem>>
      %dma_start3A_548 = arith.constant 0 : i32
      %dma_start3A_549 = arith.constant 0 : i32
      %dma_start3A_550 = tpu.memref_slice %arg7[%dma_start3A_548, %dma_start3A_549] : memref<10240x16xf32, #tpu.memory_space<vmem_shared>> -> memref<10240x16xf32, #tpu.memory_space<vmem_shared>>
      tpu.enqueue_indirect_dma source(%dma_start3A_550 : memref<10240x16xf32, #tpu.memory_space<vmem_shared>>) target(%dma_start3A_544 : memref<128x16xf32, #tpu.memory_space<vmem>>) offsets(%dma_start3A_547 : memref<128xi32, #tpu.memory_space<vmem>>) semaphore(%arg13 : memref<!tpu.dma_semaphore, #tpu.memory_space<semaphore_mem>>)
      %mul3A_551 = arith.constant 8 : i32
      %mul3A_552 = arith.muli %add3A_459, %mul3A_551 : i32
      %add3A_553 = arith.constant 7 : i32
      %add3A_554 = arith.addi %mul3A_552, %add3A_553 : i32
      %dma_start3A_555 = arith.constant 896 : i32
      %dma_start3A_556 = arith.constant 0 : i32
      %dma_start3A_557 = tpu.memref_slice %arg10[%dma_start3A_555, %dma_start3A_556] : memref<1024x16xf32, #tpu.memory_space<vmem>> -> memref<128x16xf32, #tpu.memory_space<vmem>>
      %dma_start3A_558 = arith.constant 0 : i32
      %dma_start3A_559 = tpu.memref_slice %arg8[%add3A_554, %dma_start3A_558] : memref<96x128xi32, #tpu.memory_space<vmem>> -> memref<1x128xi32, #tpu.memory_space<vmem>>
      %dma_start3A_560 = tpu.memref_squeeze %dma_start3A_559 : memref<1x128xi32, #tpu.memory_space<vmem>> -> memref<128xi32, #tpu.memory_space<vmem>>
      %dma_start3A_561 = arith.constant 0 : i32
      %dma_start3A_562 = arith.constant 0 : i32
      %dma_start3A_563 = tpu.memref_slice %arg7[%dma_start3A_561, %dma_start3A_562] : memref<10240x16xf32, #tpu.memory_space<vmem_shared>> -> memref<10240x16xf32, #tpu.memory_space<vmem_shared>>
      tpu.enqueue_indirect_dma source(%dma_start3A_563 : memref<10240x16xf32, #tpu.memory_space<vmem_shared>>) target(%dma_start3A_557 : memref<128x16xf32, #tpu.memory_space<vmem>>) offsets(%dma_start3A_560 : memref<128xi32, #tpu.memory_space<vmem>>) semaphore(%arg13 : memref<!tpu.dma_semaphore, #tpu.memory_space<semaphore_mem>>)
      %dma_wait3A_564 = arith.constant 0 : i32
      %dma_wait3A_565 = arith.constant 0 : i32
      %dma_wait3A_566 = tpu.memref_slice %arg6[%dma_wait3A_564, %dma_wait3A_565] : memref<10240x16xf32, #tpu.memory_space<vmem_shared>> -> memref<1024x16xf32, #tpu.memory_space<vmem_shared>>
      %dma_wait3A_567 = arith.constant 0 : i32
      %dma_wait3A_568 = arith.constant 0 : i32
      %dma_wait3A_569 = tpu.memref_slice %arg6[%dma_wait3A_567, %dma_wait3A_568] : memref<10240x16xf32, #tpu.memory_space<vmem_shared>> -> memref<1024x16xf32, #tpu.memory_space<vmem_shared>>
      tpu.wait_dma2 semaphore(%arg14 : memref<!tpu.dma_semaphore, #tpu.memory_space<semaphore_mem>>) src(%arg11 : memref<1024x16xf32, #tpu.memory_space<vmem>>) dst(%dma_wait3A_569 : memref<1024x16xf32, #tpu.memory_space<vmem_shared>>)
      %mul3A_570 = arith.constant 8 : i32
      %mul3A_571 = arith.muli %add3A_451, %mul3A_570 : i32
      %add3A_572 = arith.constant 0 : i32
      %add3A_573 = arith.addi %mul3A_571, %add3A_572 : i32
      %dma_start3A_574 = arith.constant 0 : i32
      %dma_start3A_575 = arith.constant 0 : i32
      %dma_start3A_576 = tpu.memref_slice %arg11[%dma_start3A_574, %dma_start3A_575] : memref<1024x16xf32, #tpu.memory_space<vmem>> -> memref<128x16xf32, #tpu.memory_space<vmem>>
      %dma_start3A_577 = arith.constant 0 : i32
      %dma_start3A_578 = tpu.memref_slice %arg9[%add3A_573, %dma_start3A_577] : memref<96x128xi32, #tpu.memory_space<vmem>> -> memref<1x128xi32, #tpu.memory_space<vmem>>
      %dma_start3A_579 = tpu.memref_squeeze %dma_start3A_578 : memref<1x128xi32, #tpu.memory_space<vmem>> -> memref<128xi32, #tpu.memory_space<vmem>>
      %dma_start3A_580 = arith.constant 0 : i32
      %dma_start3A_581 = arith.constant 0 : i32
      %dma_start3A_582 = tpu.memref_slice %arg6[%dma_start3A_580, %dma_start3A_581] : memref<10240x16xf32, #tpu.memory_space<vmem_shared>> -> memref<10240x16xf32, #tpu.memory_space<vmem_shared>>
      tpu.enqueue_indirect_dma source(%dma_start3A_576 : memref<128x16xf32, #tpu.memory_space<vmem>>) target(%dma_start3A_582 : memref<10240x16xf32, #tpu.memory_space<vmem_shared>>) offsets(%dma_start3A_579 : memref<128xi32, #tpu.memory_space<vmem>>) semaphore(%arg16 : memref<!tpu.dma_semaphore, #tpu.memory_space<semaphore_mem>>) {add = true}
      %mul3A_583 = arith.constant 8 : i32
      %mul3A_584 = arith.muli %add3A_451, %mul3A_583 : i32
      %add3A_585 = arith.constant 1 : i32
      %add3A_586 = arith.addi %mul3A_584, %add3A_585 : i32
      %dma_start3A_587 = arith.constant 128 : i32
      %dma_start3A_588 = arith.constant 0 : i32
      %dma_start3A_589 = tpu.memref_slice %arg11[%dma_start3A_587, %dma_start3A_588] : memref<1024x16xf32, #tpu.memory_space<vmem>> -> memref<128x16xf32, #tpu.memory_space<vmem>>
      %dma_start3A_590 = arith.constant 0 : i32
      %dma_start3A_591 = tpu.memref_slice %arg9[%add3A_586, %dma_start3A_590] : memref<96x128xi32, #tpu.memory_space<vmem>> -> memref<1x128xi32, #tpu.memory_space<vmem>>
      %dma_start3A_592 = tpu.memref_squeeze %dma_start3A_591 : memref<1x128xi32, #tpu.memory_space<vmem>> -> memref<128xi32, #tpu.memory_space<vmem>>
      %dma_start3A_593 = arith.constant 0 : i32
      %dma_start3A_594 = arith.constant 0 : i32
      %dma_start3A_595 = tpu.memref_slice %arg6[%dma_start3A_593, %dma_start3A_594] : memref<10240x16xf32, #tpu.memory_space<vmem_shared>> -> memref<10240x16xf32, #tpu.memory_space<vmem_shared>>
      tpu.enqueue_indirect_dma source(%dma_start3A_589 : memref<128x16xf32, #tpu.memory_space<vmem>>) target(%dma_start3A_595 : memref<10240x16xf32, #tpu.memory_space<vmem_shared>>) offsets(%dma_start3A_592 : memref<128xi32, #tpu.memory_space<vmem>>) semaphore(%arg16 : memref<!tpu.dma_semaphore, #tpu.memory_space<semaphore_mem>>) {add = true}
      %mul3A_596 = arith.constant 8 : i32
      %mul3A_597 = arith.muli %add3A_451, %mul3A_596 : i32
      %add3A_598 = arith.constant 2 : i32
      %add3A_599 = arith.addi %mul3A_597, %add3A_598 : i32
      %dma_start3A_600 = arith.constant 256 : i32
      %dma_start3A_601 = arith.constant 0 : i32
      %dma_start3A_602 = tpu.memref_slice %arg11[%dma_start3A_600, %dma_start3A_601] : memref<1024x16xf32, #tpu.memory_space<vmem>> -> memref<128x16xf32, #tpu.memory_space<vmem>>
      %dma_start3A_603 = arith.constant 0 : i32
      %dma_start3A_604 = tpu.memref_slice %arg9[%add3A_599, %dma_start3A_603] : memref<96x128xi32, #tpu.memory_space<vmem>> -> memref<1x128xi32, #tpu.memory_space<vmem>>
      %dma_start3A_605 = tpu.memref_squeeze %dma_start3A_604 : memref<1x128xi32, #tpu.memory_space<vmem>> -> memref<128xi32, #tpu.memory_space<vmem>>
      %dma_start3A_606 = arith.constant 0 : i32
      %dma_start3A_607 = arith.constant 0 : i32
      %dma_start3A_608 = tpu.memref_slice %arg6[%dma_start3A_606, %dma_start3A_607] : memref<10240x16xf32, #tpu.memory_space<vmem_shared>> -> memref<10240x16xf32, #tpu.memory_space<vmem_shared>>
      tpu.enqueue_indirect_dma source(%dma_start3A_602 : memref<128x16xf32, #tpu.memory_space<vmem>>) target(%dma_start3A_608 : memref<10240x16xf32, #tpu.memory_space<vmem_shared>>) offsets(%dma_start3A_605 : memref<128xi32, #tpu.memory_space<vmem>>) semaphore(%arg16 : memref<!tpu.dma_semaphore, #tpu.memory_space<semaphore_mem>>) {add = true}
      %mul3A_609 = arith.constant 8 : i32
      %mul3A_610 = arith.muli %add3A_451, %mul3A_609 : i32
      %add3A_611 = arith.constant 3 : i32
      %add3A_612 = arith.addi %mul3A_610, %add3A_611 : i32
      %dma_start3A_613 = arith.constant 384 : i32
      %dma_start3A_614 = arith.constant 0 : i32
      %dma_start3A_615 = tpu.memref_slice %arg11[%dma_start3A_613, %dma_start3A_614] : memref<1024x16xf32, #tpu.memory_space<vmem>> -> memref<128x16xf32, #tpu.memory_space<vmem>>
      %dma_start3A_616 = arith.constant 0 : i32
      %dma_start3A_617 = tpu.memref_slice %arg9[%add3A_612, %dma_start3A_616] : memref<96x128xi32, #tpu.memory_space<vmem>> -> memref<1x128xi32, #tpu.memory_space<vmem>>
      %dma_start3A_618 = tpu.memref_squeeze %dma_start3A_617 : memref<1x128xi32, #tpu.memory_space<vmem>> -> memref<128xi32, #tpu.memory_space<vmem>>
      %dma_start3A_619 = arith.constant 0 : i32
      %dma_start3A_620 = arith.constant 0 : i32
      %dma_start3A_621 = tpu.memref_slice %arg6[%dma_start3A_619, %dma_start3A_620] : memref<10240x16xf32, #tpu.memory_space<vmem_shared>> -> memref<10240x16xf32, #tpu.memory_space<vmem_shared>>
      tpu.enqueue_indirect_dma source(%dma_start3A_615 : memref<128x16xf32, #tpu.memory_space<vmem>>) target(%dma_start3A_621 : memref<10240x16xf32, #tpu.memory_space<vmem_shared>>) offsets(%dma_start3A_618 : memref<128xi32, #tpu.memory_space<vmem>>) semaphore(%arg16 : memref<!tpu.dma_semaphore, #tpu.memory_space<semaphore_mem>>) {add = true}
      %mul3A_622 = arith.constant 8 : i32
      %mul3A_623 = arith.muli %add3A_451, %mul3A_622 : i32
      %add3A_624 = arith.constant 4 : i32
      %add3A_625 = arith.addi %mul3A_623, %add3A_624 : i32
      %dma_start3A_626 = arith.constant 512 : i32
      %dma_start3A_627 = arith.constant 0 : i32
      %dma_start3A_628 = tpu.memref_slice %arg11[%dma_start3A_626, %dma_start3A_627] : memref<1024x16xf32, #tpu.memory_space<vmem>> -> memref<128x16xf32, #tpu.memory_space<vmem>>
      %dma_start3A_629 = arith.constant 0 : i32
      %dma_start3A_630 = tpu.memref_slice %arg9[%add3A_625, %dma_start3A_629] : memref<96x128xi32, #tpu.memory_space<vmem>> -> memref<1x128xi32, #tpu.memory_space<vmem>>
      %dma_start3A_631 = tpu.memref_squeeze %dma_start3A_630 : memref<1x128xi32, #tpu.memory_space<vmem>> -> memref<128xi32, #tpu.memory_space<vmem>>
      %dma_start3A_632 = arith.constant 0 : i32
      %dma_start3A_633 = arith.constant 0 : i32
      %dma_start3A_634 = tpu.memref_slice %arg6[%dma_start3A_632, %dma_start3A_633] : memref<10240x16xf32, #tpu.memory_space<vmem_shared>> -> memref<10240x16xf32, #tpu.memory_space<vmem_shared>>
      tpu.enqueue_indirect_dma source(%dma_start3A_628 : memref<128x16xf32, #tpu.memory_space<vmem>>) target(%dma_start3A_634 : memref<10240x16xf32, #tpu.memory_space<vmem_shared>>) offsets(%dma_start3A_631 : memref<128xi32, #tpu.memory_space<vmem>>) semaphore(%arg16 : memref<!tpu.dma_semaphore, #tpu.memory_space<semaphore_mem>>) {add = true}
      %mul3A_635 = arith.constant 8 : i32
      %mul3A_636 = arith.muli %add3A_451, %mul3A_635 : i32
      %add3A_637 = arith.constant 5 : i32
      %add3A_638 = arith.addi %mul3A_636, %add3A_637 : i32
      %dma_start3A_639 = arith.constant 640 : i32
      %dma_start3A_640 = arith.constant 0 : i32
      %dma_start3A_641 = tpu.memref_slice %arg11[%dma_start3A_639, %dma_start3A_640] : memref<1024x16xf32, #tpu.memory_space<vmem>> -> memref<128x16xf32, #tpu.memory_space<vmem>>
      %dma_start3A_642 = arith.constant 0 : i32
      %dma_start3A_643 = tpu.memref_slice %arg9[%add3A_638, %dma_start3A_642] : memref<96x128xi32, #tpu.memory_space<vmem>> -> memref<1x128xi32, #tpu.memory_space<vmem>>
      %dma_start3A_644 = tpu.memref_squeeze %dma_start3A_643 : memref<1x128xi32, #tpu.memory_space<vmem>> -> memref<128xi32, #tpu.memory_space<vmem>>
      %dma_start3A_645 = arith.constant 0 : i32
      %dma_start3A_646 = arith.constant 0 : i32
      %dma_start3A_647 = tpu.memref_slice %arg6[%dma_start3A_645, %dma_start3A_646] : memref<10240x16xf32, #tpu.memory_space<vmem_shared>> -> memref<10240x16xf32, #tpu.memory_space<vmem_shared>>
      tpu.enqueue_indirect_dma source(%dma_start3A_641 : memref<128x16xf32, #tpu.memory_space<vmem>>) target(%dma_start3A_647 : memref<10240x16xf32, #tpu.memory_space<vmem_shared>>) offsets(%dma_start3A_644 : memref<128xi32, #tpu.memory_space<vmem>>) semaphore(%arg16 : memref<!tpu.dma_semaphore, #tpu.memory_space<semaphore_mem>>) {add = true}
      %mul3A_648 = arith.constant 8 : i32
      %mul3A_649 = arith.muli %add3A_451, %mul3A_648 : i32
      %add3A_650 = arith.constant 6 : i32
      %add3A_651 = arith.addi %mul3A_649, %add3A_650 : i32
      %dma_start3A_652 = arith.constant 768 : i32
      %dma_start3A_653 = arith.constant 0 : i32
      %dma_start3A_654 = tpu.memref_slice %arg11[%dma_start3A_652, %dma_start3A_653] : memref<1024x16xf32, #tpu.memory_space<vmem>> -> memref<128x16xf32, #tpu.memory_space<vmem>>
      %dma_start3A_655 = arith.constant 0 : i32
      %dma_start3A_656 = tpu.memref_slice %arg9[%add3A_651, %dma_start3A_655] : memref<96x128xi32, #tpu.memory_space<vmem>> -> memref<1x128xi32, #tpu.memory_space<vmem>>
      %dma_start3A_657 = tpu.memref_squeeze %dma_start3A_656 : memref<1x128xi32, #tpu.memory_space<vmem>> -> memref<128xi32, #tpu.memory_space<vmem>>
      %dma_start3A_658 = arith.constant 0 : i32
      %dma_start3A_659 = arith.constant 0 : i32
      %dma_start3A_660 = tpu.memref_slice %arg6[%dma_start3A_658, %dma_start3A_659] : memref<10240x16xf32, #tpu.memory_space<vmem_shared>> -> memref<10240x16xf32, #tpu.memory_space<vmem_shared>>
      tpu.enqueue_indirect_dma source(%dma_start3A_654 : memref<128x16xf32, #tpu.memory_space<vmem>>) target(%dma_start3A_660 : memref<10240x16xf32, #tpu.memory_space<vmem_shared>>) offsets(%dma_start3A_657 : memref<128xi32, #tpu.memory_space<vmem>>) semaphore(%arg16 : memref<!tpu.dma_semaphore, #tpu.memory_space<semaphore_mem>>) {add = true}
      %mul3A_661 = arith.constant 8 : i32
      %mul3A_662 = arith.muli %add3A_451, %mul3A_661 : i32
      %add3A_663 = arith.constant 7 : i32
      %add3A_664 = arith.addi %mul3A_662, %add3A_663 : i32
      %dma_start3A_665 = arith.constant 896 : i32
      %dma_start3A_666 = arith.constant 0 : i32
      %dma_start3A_667 = tpu.memref_slice %arg11[%dma_start3A_665, %dma_start3A_666] : memref<1024x16xf32, #tpu.memory_space<vmem>> -> memref<128x16xf32, #tpu.memory_space<vmem>>
      %dma_start3A_668 = arith.constant 0 : i32
      %dma_start3A_669 = tpu.memref_slice %arg9[%add3A_664, %dma_start3A_668] : memref<96x128xi32, #tpu.memory_space<vmem>> -> memref<1x128xi32, #tpu.memory_space<vmem>>
      %dma_start3A_670 = tpu.memref_squeeze %dma_start3A_669 : memref<1x128xi32, #tpu.memory_space<vmem>> -> memref<128xi32, #tpu.memory_space<vmem>>
      %dma_start3A_671 = arith.constant 0 : i32
      %dma_start3A_672 = arith.constant 0 : i32
      %dma_start3A_673 = tpu.memref_slice %arg6[%dma_start3A_671, %dma_start3A_672] : memref<10240x16xf32, #tpu.memory_space<vmem_shared>> -> memref<10240x16xf32, #tpu.memory_space<vmem_shared>>
      tpu.enqueue_indirect_dma source(%dma_start3A_667 : memref<128x16xf32, #tpu.memory_space<vmem>>) target(%dma_start3A_673 : memref<10240x16xf32, #tpu.memory_space<vmem_shared>>) offsets(%dma_start3A_670 : memref<128xi32, #tpu.memory_space<vmem>>) semaphore(%arg16 : memref<!tpu.dma_semaphore, #tpu.memory_space<semaphore_mem>>) {add = true}
      %dma_wait3A_674 = arith.constant 0 : i32
      %dma_wait3A_675 = arith.constant 0 : i32
      %dma_wait3A_676 = tpu.memref_slice %arg6[%dma_wait3A_674, %dma_wait3A_675] : memref<10240x16xf32, #tpu.memory_space<vmem_shared>> -> memref<1024x16xf32, #tpu.memory_space<vmem_shared>>
      %dma_wait3A_677 = arith.constant 0 : i32
      %dma_wait3A_678 = arith.constant 0 : i32
      %dma_wait3A_679 = tpu.memref_slice %arg6[%dma_wait3A_677, %dma_wait3A_678] : memref<10240x16xf32, #tpu.memory_space<vmem_shared>> -> memref<1024x16xf32, #tpu.memory_space<vmem_shared>>
      tpu.wait_dma2 semaphore(%arg16 : memref<!tpu.dma_semaphore, #tpu.memory_space<semaphore_mem>>) src(%arg11 : memref<1024x16xf32, #tpu.memory_space<vmem>>) dst(%dma_wait3A_679 : memref<1024x16xf32, #tpu.memory_space<vmem_shared>>)
      %add3A_680 = arith.constant 2 : i32
      %add3A_681 = arith.addi %add3A_451, %add3A_680 : i32
      %mul3A_682 = arith.constant 8 : i32
      %mul3A_683 = arith.muli %add3A_681, %mul3A_682 : i32
      %add3A_684 = arith.constant 0 : i32
      %add3A_685 = arith.addi %mul3A_683, %add3A_684 : i32
      %dma_start3A_686 = arith.constant 0 : i32
      %dma_start3A_687 = arith.constant 0 : i32
      %dma_start3A_688 = tpu.memref_slice %arg11[%dma_start3A_686, %dma_start3A_687] : memref<1024x16xf32, #tpu.memory_space<vmem>> -> memref<128x16xf32, #tpu.memory_space<vmem>>
      %dma_start3A_689 = arith.constant 0 : i32
      %dma_start3A_690 = tpu.memref_slice %arg8[%add3A_685, %dma_start3A_689] : memref<96x128xi32, #tpu.memory_space<vmem>> -> memref<1x128xi32, #tpu.memory_space<vmem>>
      %dma_start3A_691 = tpu.memref_squeeze %dma_start3A_690 : memref<1x128xi32, #tpu.memory_space<vmem>> -> memref<128xi32, #tpu.memory_space<vmem>>
      %dma_start3A_692 = arith.constant 0 : i32
      %dma_start3A_693 = arith.constant 0 : i32
      %dma_start3A_694 = tpu.memref_slice %arg7[%dma_start3A_692, %dma_start3A_693] : memref<10240x16xf32, #tpu.memory_space<vmem_shared>> -> memref<10240x16xf32, #tpu.memory_space<vmem_shared>>
      tpu.enqueue_indirect_dma source(%dma_start3A_694 : memref<10240x16xf32, #tpu.memory_space<vmem_shared>>) target(%dma_start3A_688 : memref<128x16xf32, #tpu.memory_space<vmem>>) offsets(%dma_start3A_691 : memref<128xi32, #tpu.memory_space<vmem>>) semaphore(%arg14 : memref<!tpu.dma_semaphore, #tpu.memory_space<semaphore_mem>>)
      %mul3A_695 = arith.constant 8 : i32
      %mul3A_696 = arith.muli %add3A_681, %mul3A_695 : i32
      %add3A_697 = arith.constant 1 : i32
      %add3A_698 = arith.addi %mul3A_696, %add3A_697 : i32
      %dma_start3A_699 = arith.constant 128 : i32
      %dma_start3A_700 = arith.constant 0 : i32
      %dma_start3A_701 = tpu.memref_slice %arg11[%dma_start3A_699, %dma_start3A_700] : memref<1024x16xf32, #tpu.memory_space<vmem>> -> memref<128x16xf32, #tpu.memory_space<vmem>>
      %dma_start3A_702 = arith.constant 0 : i32
      %dma_start3A_703 = tpu.memref_slice %arg8[%add3A_698, %dma_start3A_702] : memref<96x128xi32, #tpu.memory_space<vmem>> -> memref<1x128xi32, #tpu.memory_space<vmem>>
      %dma_start3A_704 = tpu.memref_squeeze %dma_start3A_703 : memref<1x128xi32, #tpu.memory_space<vmem>> -> memref<128xi32, #tpu.memory_space<vmem>>
      %dma_start3A_705 = arith.constant 0 : i32
      %dma_start3A_706 = arith.constant 0 : i32
      %dma_start3A_707 = tpu.memref_slice %arg7[%dma_start3A_705, %dma_start3A_706] : memref<10240x16xf32, #tpu.memory_space<vmem_shared>> -> memref<10240x16xf32, #tpu.memory_space<vmem_shared>>
      tpu.enqueue_indirect_dma source(%dma_start3A_707 : memref<10240x16xf32, #tpu.memory_space<vmem_shared>>) target(%dma_start3A_701 : memref<128x16xf32, #tpu.memory_space<vmem>>) offsets(%dma_start3A_704 : memref<128xi32, #tpu.memory_space<vmem>>) semaphore(%arg14 : memref<!tpu.dma_semaphore, #tpu.memory_space<semaphore_mem>>)
      %mul3A_708 = arith.constant 8 : i32
      %mul3A_709 = arith.muli %add3A_681, %mul3A_708 : i32
      %add3A_710 = arith.constant 2 : i32
      %add3A_711 = arith.addi %mul3A_709, %add3A_710 : i32
      %dma_start3A_712 = arith.constant 256 : i32
      %dma_start3A_713 = arith.constant 0 : i32
      %dma_start3A_714 = tpu.memref_slice %arg11[%dma_start3A_712, %dma_start3A_713] : memref<1024x16xf32, #tpu.memory_space<vmem>> -> memref<128x16xf32, #tpu.memory_space<vmem>>
      %dma_start3A_715 = arith.constant 0 : i32
      %dma_start3A_716 = tpu.memref_slice %arg8[%add3A_711, %dma_start3A_715] : memref<96x128xi32, #tpu.memory_space<vmem>> -> memref<1x128xi32, #tpu.memory_space<vmem>>
      %dma_start3A_717 = tpu.memref_squeeze %dma_start3A_716 : memref<1x128xi32, #tpu.memory_space<vmem>> -> memref<128xi32, #tpu.memory_space<vmem>>
      %dma_start3A_718 = arith.constant 0 : i32
      %dma_start3A_719 = arith.constant 0 : i32
      %dma_start3A_720 = tpu.memref_slice %arg7[%dma_start3A_718, %dma_start3A_719] : memref<10240x16xf32, #tpu.memory_space<vmem_shared>> -> memref<10240x16xf32, #tpu.memory_space<vmem_shared>>
      tpu.enqueue_indirect_dma source(%dma_start3A_720 : memref<10240x16xf32, #tpu.memory_space<vmem_shared>>) target(%dma_start3A_714 : memref<128x16xf32, #tpu.memory_space<vmem>>) offsets(%dma_start3A_717 : memref<128xi32, #tpu.memory_space<vmem>>) semaphore(%arg14 : memref<!tpu.dma_semaphore, #tpu.memory_space<semaphore_mem>>)
      %mul3A_721 = arith.constant 8 : i32
      %mul3A_722 = arith.muli %add3A_681, %mul3A_721 : i32
      %add3A_723 = arith.constant 3 : i32
      %add3A_724 = arith.addi %mul3A_722, %add3A_723 : i32
      %dma_start3A_725 = arith.constant 384 : i32
      %dma_start3A_726 = arith.constant 0 : i32
      %dma_start3A_727 = tpu.memref_slice %arg11[%dma_start3A_725, %dma_start3A_726] : memref<1024x16xf32, #tpu.memory_space<vmem>> -> memref<128x16xf32, #tpu.memory_space<vmem>>
      %dma_start3A_728 = arith.constant 0 : i32
      %dma_start3A_729 = tpu.memref_slice %arg8[%add3A_724, %dma_start3A_728] : memref<96x128xi32, #tpu.memory_space<vmem>> -> memref<1x128xi32, #tpu.memory_space<vmem>>
      %dma_start3A_730 = tpu.memref_squeeze %dma_start3A_729 : memref<1x128xi32, #tpu.memory_space<vmem>> -> memref<128xi32, #tpu.memory_space<vmem>>
      %dma_start3A_731 = arith.constant 0 : i32
      %dma_start3A_732 = arith.constant 0 : i32
      %dma_start3A_733 = tpu.memref_slice %arg7[%dma_start3A_731, %dma_start3A_732] : memref<10240x16xf32, #tpu.memory_space<vmem_shared>> -> memref<10240x16xf32, #tpu.memory_space<vmem_shared>>
      tpu.enqueue_indirect_dma source(%dma_start3A_733 : memref<10240x16xf32, #tpu.memory_space<vmem_shared>>) target(%dma_start3A_727 : memref<128x16xf32, #tpu.memory_space<vmem>>) offsets(%dma_start3A_730 : memref<128xi32, #tpu.memory_space<vmem>>) semaphore(%arg14 : memref<!tpu.dma_semaphore, #tpu.memory_space<semaphore_mem>>)
      %mul3A_734 = arith.constant 8 : i32
      %mul3A_735 = arith.muli %add3A_681, %mul3A_734 : i32
      %add3A_736 = arith.constant 4 : i32
      %add3A_737 = arith.addi %mul3A_735, %add3A_736 : i32
      %dma_start3A_738 = arith.constant 512 : i32
      %dma_start3A_739 = arith.constant 0 : i32
      %dma_start3A_740 = tpu.memref_slice %arg11[%dma_start3A_738, %dma_start3A_739] : memref<1024x16xf32, #tpu.memory_space<vmem>> -> memref<128x16xf32, #tpu.memory_space<vmem>>
      %dma_start3A_741 = arith.constant 0 : i32
      %dma_start3A_742 = tpu.memref_slice %arg8[%add3A_737, %dma_start3A_741] : memref<96x128xi32, #tpu.memory_space<vmem>> -> memref<1x128xi32, #tpu.memory_space<vmem>>
      %dma_start3A_743 = tpu.memref_squeeze %dma_start3A_742 : memref<1x128xi32, #tpu.memory_space<vmem>> -> memref<128xi32, #tpu.memory_space<vmem>>
      %dma_start3A_744 = arith.constant 0 : i32
      %dma_start3A_745 = arith.constant 0 : i32
      %dma_start3A_746 = tpu.memref_slice %arg7[%dma_start3A_744, %dma_start3A_745] : memref<10240x16xf32, #tpu.memory_space<vmem_shared>> -> memref<10240x16xf32, #tpu.memory_space<vmem_shared>>
      tpu.enqueue_indirect_dma source(%dma_start3A_746 : memref<10240x16xf32, #tpu.memory_space<vmem_shared>>) target(%dma_start3A_740 : memref<128x16xf32, #tpu.memory_space<vmem>>) offsets(%dma_start3A_743 : memref<128xi32, #tpu.memory_space<vmem>>) semaphore(%arg14 : memref<!tpu.dma_semaphore, #tpu.memory_space<semaphore_mem>>)
      %mul3A_747 = arith.constant 8 : i32
      %mul3A_748 = arith.muli %add3A_681, %mul3A_747 : i32
      %add3A_749 = arith.constant 5 : i32
      %add3A_750 = arith.addi %mul3A_748, %add3A_749 : i32
      %dma_start3A_751 = arith.constant 640 : i32
      %dma_start3A_752 = arith.constant 0 : i32
      %dma_start3A_753 = tpu.memref_slice %arg11[%dma_start3A_751, %dma_start3A_752] : memref<1024x16xf32, #tpu.memory_space<vmem>> -> memref<128x16xf32, #tpu.memory_space<vmem>>
      %dma_start3A_754 = arith.constant 0 : i32
      %dma_start3A_755 = tpu.memref_slice %arg8[%add3A_750, %dma_start3A_754] : memref<96x128xi32, #tpu.memory_space<vmem>> -> memref<1x128xi32, #tpu.memory_space<vmem>>
      %dma_start3A_756 = tpu.memref_squeeze %dma_start3A_755 : memref<1x128xi32, #tpu.memory_space<vmem>> -> memref<128xi32, #tpu.memory_space<vmem>>
      %dma_start3A_757 = arith.constant 0 : i32
      %dma_start3A_758 = arith.constant 0 : i32
      %dma_start3A_759 = tpu.memref_slice %arg7[%dma_start3A_757, %dma_start3A_758] : memref<10240x16xf32, #tpu.memory_space<vmem_shared>> -> memref<10240x16xf32, #tpu.memory_space<vmem_shared>>
      tpu.enqueue_indirect_dma source(%dma_start3A_759 : memref<10240x16xf32, #tpu.memory_space<vmem_shared>>) target(%dma_start3A_753 : memref<128x16xf32, #tpu.memory_space<vmem>>) offsets(%dma_start3A_756 : memref<128xi32, #tpu.memory_space<vmem>>) semaphore(%arg14 : memref<!tpu.dma_semaphore, #tpu.memory_space<semaphore_mem>>)
      %mul3A_760 = arith.constant 8 : i32
      %mul3A_761 = arith.muli %add3A_681, %mul3A_760 : i32
      %add3A_762 = arith.constant 6 : i32
      %add3A_763 = arith.addi %mul3A_761, %add3A_762 : i32
      %dma_start3A_764 = arith.constant 768 : i32
      %dma_start3A_765 = arith.constant 0 : i32
      %dma_start3A_766 = tpu.memref_slice %arg11[%dma_start3A_764, %dma_start3A_765] : memref<1024x16xf32, #tpu.memory_space<vmem>> -> memref<128x16xf32, #tpu.memory_space<vmem>>
      %dma_start3A_767 = arith.constant 0 : i32
      %dma_start3A_768 = tpu.memref_slice %arg8[%add3A_763, %dma_start3A_767] : memref<96x128xi32, #tpu.memory_space<vmem>> -> memref<1x128xi32, #tpu.memory_space<vmem>>
      %dma_start3A_769 = tpu.memref_squeeze %dma_start3A_768 : memref<1x128xi32, #tpu.memory_space<vmem>> -> memref<128xi32, #tpu.memory_space<vmem>>
      %dma_start3A_770 = arith.constant 0 : i32
      %dma_start3A_771 = arith.constant 0 : i32
      %dma_start3A_772 = tpu.memref_slice %arg7[%dma_start3A_770, %dma_start3A_771] : memref<10240x16xf32, #tpu.memory_space<vmem_shared>> -> memref<10240x16xf32, #tpu.memory_space<vmem_shared>>
      tpu.enqueue_indirect_dma source(%dma_start3A_772 : memref<10240x16xf32, #tpu.memory_space<vmem_shared>>) target(%dma_start3A_766 : memref<128x16xf32, #tpu.memory_space<vmem>>) offsets(%dma_start3A_769 : memref<128xi32, #tpu.memory_space<vmem>>) semaphore(%arg14 : memref<!tpu.dma_semaphore, #tpu.memory_space<semaphore_mem>>)
      %mul3A_773 = arith.constant 8 : i32
      %mul3A_774 = arith.muli %add3A_681, %mul3A_773 : i32
      %add3A_775 = arith.constant 7 : i32
      %add3A_776 = arith.addi %mul3A_774, %add3A_775 : i32
      %dma_start3A_777 = arith.constant 896 : i32
      %dma_start3A_778 = arith.constant 0 : i32
      %dma_start3A_779 = tpu.memref_slice %arg11[%dma_start3A_777, %dma_start3A_778] : memref<1024x16xf32, #tpu.memory_space<vmem>> -> memref<128x16xf32, #tpu.memory_space<vmem>>
      %dma_start3A_780 = arith.constant 0 : i32
      %dma_start3A_781 = tpu.memref_slice %arg8[%add3A_776, %dma_start3A_780] : memref<96x128xi32, #tpu.memory_space<vmem>> -> memref<1x128xi32, #tpu.memory_space<vmem>>
      %dma_start3A_782 = tpu.memref_squeeze %dma_start3A_781 : memref<1x128xi32, #tpu.memory_space<vmem>> -> memref<128xi32, #tpu.memory_space<vmem>>
      %dma_start3A_783 = arith.constant 0 : i32
      %dma_start3A_784 = arith.constant 0 : i32
      %dma_start3A_785 = tpu.memref_slice %arg7[%dma_start3A_783, %dma_start3A_784] : memref<10240x16xf32, #tpu.memory_space<vmem_shared>> -> memref<10240x16xf32, #tpu.memory_space<vmem_shared>>
      tpu.enqueue_indirect_dma source(%dma_start3A_785 : memref<10240x16xf32, #tpu.memory_space<vmem_shared>>) target(%dma_start3A_779 : memref<128x16xf32, #tpu.memory_space<vmem>>) offsets(%dma_start3A_782 : memref<128xi32, #tpu.memory_space<vmem>>) semaphore(%arg14 : memref<!tpu.dma_semaphore, #tpu.memory_space<semaphore_mem>>)
      %dma_wait3A_786 = arith.constant 0 : i32
      %dma_wait3A_787 = arith.constant 0 : i32
      %dma_wait3A_788 = tpu.memref_slice %arg6[%dma_wait3A_786, %dma_wait3A_787] : memref<10240x16xf32, #tpu.memory_space<vmem_shared>> -> memref<1024x16xf32, #tpu.memory_space<vmem_shared>>
      %dma_wait3A_789 = arith.constant 0 : i32
      %dma_wait3A_790 = arith.constant 0 : i32
      %dma_wait3A_791 = tpu.memref_slice %arg6[%dma_wait3A_789, %dma_wait3A_790] : memref<10240x16xf32, #tpu.memory_space<vmem_shared>> -> memref<1024x16xf32, #tpu.memory_space<vmem_shared>>
      tpu.wait_dma2 semaphore(%arg13 : memref<!tpu.dma_semaphore, #tpu.memory_space<semaphore_mem>>) src(%arg10 : memref<1024x16xf32, #tpu.memory_space<vmem>>) dst(%dma_wait3A_791 : memref<1024x16xf32, #tpu.memory_space<vmem_shared>>)
      %add3A_792 = arith.constant 1 : i32
      %add3A_793 = arith.addi %add3A_451, %add3A_792 : i32
      %mul3A_794 = arith.constant 8 : i32
      %mul3A_795 = arith.muli %add3A_793, %mul3A_794 : i32
      %add3A_796 = arith.constant 0 : i32
      %add3A_797 = arith.addi %mul3A_795, %add3A_796 : i32
      %dma_start3A_798 = arith.constant 0 : i32
      %dma_start3A_799 = arith.constant 0 : i32
      %dma_start3A_800 = tpu.memref_slice %arg10[%dma_start3A_798, %dma_start3A_799] : memref<1024x16xf32, #tpu.memory_space<vmem>> -> memref<128x16xf32, #tpu.memory_space<vmem>>
      %dma_start3A_801 = arith.constant 0 : i32
      %dma_start3A_802 = tpu.memref_slice %arg9[%add3A_797, %dma_start3A_801] : memref<96x128xi32, #tpu.memory_space<vmem>> -> memref<1x128xi32, #tpu.memory_space<vmem>>
      %dma_start3A_803 = tpu.memref_squeeze %dma_start3A_802 : memref<1x128xi32, #tpu.memory_space<vmem>> -> memref<128xi32, #tpu.memory_space<vmem>>
      %dma_start3A_804 = arith.constant 0 : i32
      %dma_start3A_805 = arith.constant 0 : i32
      %dma_start3A_806 = tpu.memref_slice %arg6[%dma_start3A_804, %dma_start3A_805] : memref<10240x16xf32, #tpu.memory_space<vmem_shared>> -> memref<10240x16xf32, #tpu.memory_space<vmem_shared>>
      tpu.enqueue_indirect_dma source(%dma_start3A_800 : memref<128x16xf32, #tpu.memory_space<vmem>>) target(%dma_start3A_806 : memref<10240x16xf32, #tpu.memory_space<vmem_shared>>) offsets(%dma_start3A_803 : memref<128xi32, #tpu.memory_space<vmem>>) semaphore(%arg15 : memref<!tpu.dma_semaphore, #tpu.memory_space<semaphore_mem>>) {add = true}
      %mul3A_807 = arith.constant 8 : i32
      %mul3A_808 = arith.muli %add3A_793, %mul3A_807 : i32
      %add3A_809 = arith.constant 1 : i32
      %add3A_810 = arith.addi %mul3A_808, %add3A_809 : i32
      %dma_start3A_811 = arith.constant 128 : i32
      %dma_start3A_812 = arith.constant 0 : i32
      %dma_start3A_813 = tpu.memref_slice %arg10[%dma_start3A_811, %dma_start3A_812] : memref<1024x16xf32, #tpu.memory_space<vmem>> -> memref<128x16xf32, #tpu.memory_space<vmem>>
      %dma_start3A_814 = arith.constant 0 : i32
      %dma_start3A_815 = tpu.memref_slice %arg9[%add3A_810, %dma_start3A_814] : memref<96x128xi32, #tpu.memory_space<vmem>> -> memref<1x128xi32, #tpu.memory_space<vmem>>
      %dma_start3A_816 = tpu.memref_squeeze %dma_start3A_815 : memref<1x128xi32, #tpu.memory_space<vmem>> -> memref<128xi32, #tpu.memory_space<vmem>>
      %dma_start3A_817 = arith.constant 0 : i32
      %dma_start3A_818 = arith.constant 0 : i32
      %dma_start3A_819 = tpu.memref_slice %arg6[%dma_start3A_817, %dma_start3A_818] : memref<10240x16xf32, #tpu.memory_space<vmem_shared>> -> memref<10240x16xf32, #tpu.memory_space<vmem_shared>>
      tpu.enqueue_indirect_dma source(%dma_start3A_813 : memref<128x16xf32, #tpu.memory_space<vmem>>) target(%dma_start3A_819 : memref<10240x16xf32, #tpu.memory_space<vmem_shared>>) offsets(%dma_start3A_816 : memref<128xi32, #tpu.memory_space<vmem>>) semaphore(%arg15 : memref<!tpu.dma_semaphore, #tpu.memory_space<semaphore_mem>>) {add = true}
      %mul3A_820 = arith.constant 8 : i32
      %mul3A_821 = arith.muli %add3A_793, %mul3A_820 : i32
      %add3A_822 = arith.constant 2 : i32
      %add3A_823 = arith.addi %mul3A_821, %add3A_822 : i32
      %dma_start3A_824 = arith.constant 256 : i32
      %dma_start3A_825 = arith.constant 0 : i32
      %dma_start3A_826 = tpu.memref_slice %arg10[%dma_start3A_824, %dma_start3A_825] : memref<1024x16xf32, #tpu.memory_space<vmem>> -> memref<128x16xf32, #tpu.memory_space<vmem>>
      %dma_start3A_827 = arith.constant 0 : i32
      %dma_start3A_828 = tpu.memref_slice %arg9[%add3A_823, %dma_start3A_827] : memref<96x128xi32, #tpu.memory_space<vmem>> -> memref<1x128xi32, #tpu.memory_space<vmem>>
      %dma_start3A_829 = tpu.memref_squeeze %dma_start3A_828 : memref<1x128xi32, #tpu.memory_space<vmem>> -> memref<128xi32, #tpu.memory_space<vmem>>
      %dma_start3A_830 = arith.constant 0 : i32
      %dma_start3A_831 = arith.constant 0 : i32
      %dma_start3A_832 = tpu.memref_slice %arg6[%dma_start3A_830, %dma_start3A_831] : memref<10240x16xf32, #tpu.memory_space<vmem_shared>> -> memref<10240x16xf32, #tpu.memory_space<vmem_shared>>
      tpu.enqueue_indirect_dma source(%dma_start3A_826 : memref<128x16xf32, #tpu.memory_space<vmem>>) target(%dma_start3A_832 : memref<10240x16xf32, #tpu.memory_space<vmem_shared>>) offsets(%dma_start3A_829 : memref<128xi32, #tpu.memory_space<vmem>>) semaphore(%arg15 : memref<!tpu.dma_semaphore, #tpu.memory_space<semaphore_mem>>) {add = true}
      %mul3A_833 = arith.constant 8 : i32
      %mul3A_834 = arith.muli %add3A_793, %mul3A_833 : i32
      %add3A_835 = arith.constant 3 : i32
      %add3A_836 = arith.addi %mul3A_834, %add3A_835 : i32
      %dma_start3A_837 = arith.constant 384 : i32
      %dma_start3A_838 = arith.constant 0 : i32
      %dma_start3A_839 = tpu.memref_slice %arg10[%dma_start3A_837, %dma_start3A_838] : memref<1024x16xf32, #tpu.memory_space<vmem>> -> memref<128x16xf32, #tpu.memory_space<vmem>>
      %dma_start3A_840 = arith.constant 0 : i32
      %dma_start3A_841 = tpu.memref_slice %arg9[%add3A_836, %dma_start3A_840] : memref<96x128xi32, #tpu.memory_space<vmem>> -> memref<1x128xi32, #tpu.memory_space<vmem>>
      %dma_start3A_842 = tpu.memref_squeeze %dma_start3A_841 : memref<1x128xi32, #tpu.memory_space<vmem>> -> memref<128xi32, #tpu.memory_space<vmem>>
      %dma_start3A_843 = arith.constant 0 : i32
      %dma_start3A_844 = arith.constant 0 : i32
      %dma_start3A_845 = tpu.memref_slice %arg6[%dma_start3A_843, %dma_start3A_844] : memref<10240x16xf32, #tpu.memory_space<vmem_shared>> -> memref<10240x16xf32, #tpu.memory_space<vmem_shared>>
      tpu.enqueue_indirect_dma source(%dma_start3A_839 : memref<128x16xf32, #tpu.memory_space<vmem>>) target(%dma_start3A_845 : memref<10240x16xf32, #tpu.memory_space<vmem_shared>>) offsets(%dma_start3A_842 : memref<128xi32, #tpu.memory_space<vmem>>) semaphore(%arg15 : memref<!tpu.dma_semaphore, #tpu.memory_space<semaphore_mem>>) {add = true}
      %mul3A_846 = arith.constant 8 : i32
      %mul3A_847 = arith.muli %add3A_793, %mul3A_846 : i32
      %add3A_848 = arith.constant 4 : i32
      %add3A_849 = arith.addi %mul3A_847, %add3A_848 : i32
      %dma_start3A_850 = arith.constant 512 : i32
      %dma_start3A_851 = arith.constant 0 : i32
      %dma_start3A_852 = tpu.memref_slice %arg10[%dma_start3A_850, %dma_start3A_851] : memref<1024x16xf32, #tpu.memory_space<vmem>> -> memref<128x16xf32, #tpu.memory_space<vmem>>
      %dma_start3A_853 = arith.constant 0 : i32
      %dma_start3A_854 = tpu.memref_slice %arg9[%add3A_849, %dma_start3A_853] : memref<96x128xi32, #tpu.memory_space<vmem>> -> memref<1x128xi32, #tpu.memory_space<vmem>>
      %dma_start3A_855 = tpu.memref_squeeze %dma_start3A_854 : memref<1x128xi32, #tpu.memory_space<vmem>> -> memref<128xi32, #tpu.memory_space<vmem>>
      %dma_start3A_856 = arith.constant 0 : i32
      %dma_start3A_857 = arith.constant 0 : i32
      %dma_start3A_858 = tpu.memref_slice %arg6[%dma_start3A_856, %dma_start3A_857] : memref<10240x16xf32, #tpu.memory_space<vmem_shared>> -> memref<10240x16xf32, #tpu.memory_space<vmem_shared>>
      tpu.enqueue_indirect_dma source(%dma_start3A_852 : memref<128x16xf32, #tpu.memory_space<vmem>>) target(%dma_start3A_858 : memref<10240x16xf32, #tpu.memory_space<vmem_shared>>) offsets(%dma_start3A_855 : memref<128xi32, #tpu.memory_space<vmem>>) semaphore(%arg15 : memref<!tpu.dma_semaphore, #tpu.memory_space<semaphore_mem>>) {add = true}
      %mul3A_859 = arith.constant 8 : i32
      %mul3A_860 = arith.muli %add3A_793, %mul3A_859 : i32
      %add3A_861 = arith.constant 5 : i32
      %add3A_862 = arith.addi %mul3A_860, %add3A_861 : i32
      %dma_start3A_863 = arith.constant 640 : i32
      %dma_start3A_864 = arith.constant 0 : i32
      %dma_start3A_865 = tpu.memref_slice %arg10[%dma_start3A_863, %dma_start3A_864] : memref<1024x16xf32, #tpu.memory_space<vmem>> -> memref<128x16xf32, #tpu.memory_space<vmem>>
      %dma_start3A_866 = arith.constant 0 : i32
      %dma_start3A_867 = tpu.memref_slice %arg9[%add3A_862, %dma_start3A_866] : memref<96x128xi32, #tpu.memory_space<vmem>> -> memref<1x128xi32, #tpu.memory_space<vmem>>
      %dma_start3A_868 = tpu.memref_squeeze %dma_start3A_867 : memref<1x128xi32, #tpu.memory_space<vmem>> -> memref<128xi32, #tpu.memory_space<vmem>>
      %dma_start3A_869 = arith.constant 0 : i32
      %dma_start3A_870 = arith.constant 0 : i32
      %dma_start3A_871 = tpu.memref_slice %arg6[%dma_start3A_869, %dma_start3A_870] : memref<10240x16xf32, #tpu.memory_space<vmem_shared>> -> memref<10240x16xf32, #tpu.memory_space<vmem_shared>>
      tpu.enqueue_indirect_dma source(%dma_start3A_865 : memref<128x16xf32, #tpu.memory_space<vmem>>) target(%dma_start3A_871 : memref<10240x16xf32, #tpu.memory_space<vmem_shared>>) offsets(%dma_start3A_868 : memref<128xi32, #tpu.memory_space<vmem>>) semaphore(%arg15 : memref<!tpu.dma_semaphore, #tpu.memory_space<semaphore_mem>>) {add = true}
      %mul3A_872 = arith.constant 8 : i32
      %mul3A_873 = arith.muli %add3A_793, %mul3A_872 : i32
      %add3A_874 = arith.constant 6 : i32
      %add3A_875 = arith.addi %mul3A_873, %add3A_874 : i32
      %dma_start3A_876 = arith.constant 768 : i32
      %dma_start3A_877 = arith.constant 0 : i32
      %dma_start3A_878 = tpu.memref_slice %arg10[%dma_start3A_876, %dma_start3A_877] : memref<1024x16xf32, #tpu.memory_space<vmem>> -> memref<128x16xf32, #tpu.memory_space<vmem>>
      %dma_start3A_879 = arith.constant 0 : i32
      %dma_start3A_880 = tpu.memref_slice %arg9[%add3A_875, %dma_start3A_879] : memref<96x128xi32, #tpu.memory_space<vmem>> -> memref<1x128xi32, #tpu.memory_space<vmem>>
      %dma_start3A_881 = tpu.memref_squeeze %dma_start3A_880 : memref<1x128xi32, #tpu.memory_space<vmem>> -> memref<128xi32, #tpu.memory_space<vmem>>
      %dma_start3A_882 = arith.constant 0 : i32
      %dma_start3A_883 = arith.constant 0 : i32
      %dma_start3A_884 = tpu.memref_slice %arg6[%dma_start3A_882, %dma_start3A_883] : memref<10240x16xf32, #tpu.memory_space<vmem_shared>> -> memref<10240x16xf32, #tpu.memory_space<vmem_shared>>
      tpu.enqueue_indirect_dma source(%dma_start3A_878 : memref<128x16xf32, #tpu.memory_space<vmem>>) target(%dma_start3A_884 : memref<10240x16xf32, #tpu.memory_space<vmem_shared>>) offsets(%dma_start3A_881 : memref<128xi32, #tpu.memory_space<vmem>>) semaphore(%arg15 : memref<!tpu.dma_semaphore, #tpu.memory_space<semaphore_mem>>) {add = true}
      %mul3A_885 = arith.constant 8 : i32
      %mul3A_886 = arith.muli %add3A_793, %mul3A_885 : i32
      %add3A_887 = arith.constant 7 : i32
      %add3A_888 = arith.addi %mul3A_886, %add3A_887 : i32
      %dma_start3A_889 = arith.constant 896 : i32
      %dma_start3A_890 = arith.constant 0 : i32
      %dma_start3A_891 = tpu.memref_slice %arg10[%dma_start3A_889, %dma_start3A_890] : memref<1024x16xf32, #tpu.memory_space<vmem>> -> memref<128x16xf32, #tpu.memory_space<vmem>>
      %dma_start3A_892 = arith.constant 0 : i32
      %dma_start3A_893 = tpu.memref_slice %arg9[%add3A_888, %dma_start3A_892] : memref<96x128xi32, #tpu.memory_space<vmem>> -> memref<1x128xi32, #tpu.memory_space<vmem>>
      %dma_start3A_894 = tpu.memref_squeeze %dma_start3A_893 : memref<1x128xi32, #tpu.memory_space<vmem>> -> memref<128xi32, #tpu.memory_space<vmem>>
      %dma_start3A_895 = arith.constant 0 : i32
      %dma_start3A_896 = arith.constant 0 : i32
      %dma_start3A_897 = tpu.memref_slice %arg6[%dma_start3A_895, %dma_start3A_896] : memref<10240x16xf32, #tpu.memory_space<vmem_shared>> -> memref<10240x16xf32, #tpu.memory_space<vmem_shared>>
      tpu.enqueue_indirect_dma source(%dma_start3A_891 : memref<128x16xf32, #tpu.memory_space<vmem>>) target(%dma_start3A_897 : memref<10240x16xf32, #tpu.memory_space<vmem_shared>>) offsets(%dma_start3A_894 : memref<128xi32, #tpu.memory_space<vmem>>) semaphore(%arg15 : memref<!tpu.dma_semaphore, #tpu.memory_space<semaphore_mem>>) {add = true}
      %while3A_898 = arith.constant 0 : i32
      scf.yield %while3A_898 : i32
    }
    %while3A_316 = arith.constant 1 : i32
    %while3A_317 = scf.for %while3A_446 = %while3A_313 to %while3A_309 step %while3A_316 iter_args(%while3A_447 = %while3A_315) -> (i32)  : i32 {
      %mul3A_448 = arith.constant 2 : i32
      %mul3A_449 = arith.muli %mul3A_448, %while3A_446 : i32
      %add3A_450 = arith.constant 1 : i32
      %add3A_451 = arith.addi %mul3A_449, %add3A_450 : i32
      %dma_wait3A_452 = arith.constant 0 : i32
      %dma_wait3A_453 = arith.constant 0 : i32
      %dma_wait3A_454 = tpu.memref_slice %arg6[%dma_wait3A_452, %dma_wait3A_453] : memref<10240x16xf32, #tpu.memory_space<vmem_shared>> -> memref<1024x16xf32, #tpu.memory_space<vmem_shared>>
      %dma_wait3A_455 = arith.constant 0 : i32
      %dma_wait3A_456 = arith.constant 0 : i32
      %dma_wait3A_457 = tpu.memref_slice %arg6[%dma_wait3A_455, %dma_wait3A_456] : memref<10240x16xf32, #tpu.memory_space<vmem_shared>> -> memref<1024x16xf32, #tpu.memory_space<vmem_shared>>
      tpu.wait_dma2 semaphore(%arg15 : memref<!tpu.dma_semaphore, #tpu.memory_space<semaphore_mem>>) src(%arg10 : memref<1024x16xf32, #tpu.memory_space<vmem>>) dst(%dma_wait3A_457 : memref<1024x16xf32, #tpu.memory_space<vmem_shared>>)
      %add3A_458 = arith.constant 1 : i32
      %add3A_459 = arith.addi %add3A_451, %add3A_458 : i32
      %mul3A_460 = arith.constant 8 : i32
      %mul3A_461 = arith.muli %add3A_459, %mul3A_460 : i32
      %add3A_462 = arith.constant 0 : i32
      %add3A_463 = arith.addi %mul3A_461, %add3A_462 : i32
      %dma_start3A_464 = arith.constant 0 : i32
      %dma_start3A_465 = arith.constant 0 : i32
      %dma_start3A_466 = tpu.memref_slice %arg10[%dma_start3A_464, %dma_start3A_465] : memref<1024x16xf32, #tpu.memory_space<vmem>> -> memref<128x16xf32, #tpu.memory_space<vmem>>
      %dma_start3A_467 = arith.constant 0 : i32
      %dma_start3A_468 = tpu.memref_slice %arg8[%add3A_463, %dma_start3A_467] : memref<96x128xi32, #tpu.memory_space<vmem>> -> memref<1x128xi32, #tpu.memory_space<vmem>>
      %dma_start3A_469 = tpu.memref_squeeze %dma_start3A_468 : memref<1x128xi32, #tpu.memory_space<vmem>> -> memref<128xi32, #tpu.memory_space<vmem>>
      %dma_start3A_470 = arith.constant 0 : i32
      %dma_start3A_471 = arith.constant 0 : i32
      %dma_start3A_472 = tpu.memref_slice %arg7[%dma_start3A_470, %dma_start3A_471] : memref<10240x16xf32, #tpu.memory_space<vmem_shared>> -> memref<10240x16xf32, #tpu.memory_space<vmem_shared>>
      tpu.enqueue_indirect_dma source(%dma_start3A_472 : memref<10240x16xf32, #tpu.memory_space<vmem_shared>>) target(%dma_start3A_466 : memref<128x16xf32, #tpu.memory_space<vmem>>) offsets(%dma_start3A_469 : memref<128xi32, #tpu.memory_space<vmem>>) semaphore(%arg13 : memref<!tpu.dma_semaphore, #tpu.memory_space<semaphore_mem>>)
      %mul3A_473 = arith.constant 8 : i32
      %mul3A_474 = arith.muli %add3A_459, %mul3A_473 : i32
      %add3A_475 = arith.constant 1 : i32
      %add3A_476 = arith.addi %mul3A_474, %add3A_475 : i32
      %dma_start3A_477 = arith.constant 128 : i32
      %dma_start3A_478 = arith.constant 0 : i32
      %dma_start3A_479 = tpu.memref_slice %arg10[%dma_start3A_477, %dma_start3A_478] : memref<1024x16xf32, #tpu.memory_space<vmem>> -> memref<128x16xf32, #tpu.memory_space<vmem>>
      %dma_start3A_480 = arith.constant 0 : i32
      %dma_start3A_481 = tpu.memref_slice %arg8[%add3A_476, %dma_start3A_480] : memref<96x128xi32, #tpu.memory_space<vmem>> -> memref<1x128xi32, #tpu.memory_space<vmem>>
      %dma_start3A_482 = tpu.memref_squeeze %dma_start3A_481 : memref<1x128xi32, #tpu.memory_space<vmem>> -> memref<128xi32, #tpu.memory_space<vmem>>
      %dma_start3A_483 = arith.constant 0 : i32
      %dma_start3A_484 = arith.constant 0 : i32
      %dma_start3A_485 = tpu.memref_slice %arg7[%dma_start3A_483, %dma_start3A_484] : memref<10240x16xf32, #tpu.memory_space<vmem_shared>> -> memref<10240x16xf32, #tpu.memory_space<vmem_shared>>
      tpu.enqueue_indirect_dma source(%dma_start3A_485 : memref<10240x16xf32, #tpu.memory_space<vmem_shared>>) target(%dma_start3A_479 : memref<128x16xf32, #tpu.memory_space<vmem>>) offsets(%dma_start3A_482 : memref<128xi32, #tpu.memory_space<vmem>>) semaphore(%arg13 : memref<!tpu.dma_semaphore, #tpu.memory_space<semaphore_mem>>)
      %mul3A_486 = arith.constant 8 : i32
      %mul3A_487 = arith.muli %add3A_459, %mul3A_486 : i32
      %add3A_488 = arith.constant 2 : i32
      %add3A_489 = arith.addi %mul3A_487, %add3A_488 : i32
      %dma_start3A_490 = arith.constant 256 : i32
      %dma_start3A_491 = arith.constant 0 : i32
      %dma_start3A_492 = tpu.memref_slice %arg10[%dma_start3A_490, %dma_start3A_491] : memref<1024x16xf32, #tpu.memory_space<vmem>> -> memref<128x16xf32, #tpu.memory_space<vmem>>
      %dma_start3A_493 = arith.constant 0 : i32
      %dma_start3A_494 = tpu.memref_slice %arg8[%add3A_489, %dma_start3A_493] : memref<96x128xi32, #tpu.memory_space<vmem>> -> memref<1x128xi32, #tpu.memory_space<vmem>>
      %dma_start3A_495 = tpu.memref_squeeze %dma_start3A_494 : memref<1x128xi32, #tpu.memory_space<vmem>> -> memref<128xi32, #tpu.memory_space<vmem>>
      %dma_start3A_496 = arith.constant 0 : i32
      %dma_start3A_497 = arith.constant 0 : i32
      %dma_start3A_498 = tpu.memref_slice %arg7[%dma_start3A_496, %dma_start3A_497] : memref<10240x16xf32, #tpu.memory_space<vmem_shared>> -> memref<10240x16xf32, #tpu.memory_space<vmem_shared>>
      tpu.enqueue_indirect_dma source(%dma_start3A_498 : memref<10240x16xf32, #tpu.memory_space<vmem_shared>>) target(%dma_start3A_492 : memref<128x16xf32, #tpu.memory_space<vmem>>) offsets(%dma_start3A_495 : memref<128xi32, #tpu.memory_space<vmem>>) semaphore(%arg13 : memref<!tpu.dma_semaphore, #tpu.memory_space<semaphore_mem>>)
      %mul3A_499 = arith.constant 8 : i32
      %mul3A_500 = arith.muli %add3A_459, %mul3A_499 : i32
      %add3A_501 = arith.constant 3 : i32
      %add3A_502 = arith.addi %mul3A_500, %add3A_501 : i32
      %dma_start3A_503 = arith.constant 384 : i32
      %dma_start3A_504 = arith.constant 0 : i32
      %dma_start3A_505 = tpu.memref_slice %arg10[%dma_start3A_503, %dma_start3A_504] : memref<1024x16xf32, #tpu.memory_space<vmem>> -> memref<128x16xf32, #tpu.memory_space<vmem>>
      %dma_start3A_506 = arith.constant 0 : i32
      %dma_start3A_507 = tpu.memref_slice %arg8[%add3A_502, %dma_start3A_506] : memref<96x128xi32, #tpu.memory_space<vmem>> -> memref<1x128xi32, #tpu.memory_space<vmem>>
      %dma_start3A_508 = tpu.memref_squeeze %dma_start3A_507 : memref<1x128xi32, #tpu.memory_space<vmem>> -> memref<128xi32, #tpu.memory_space<vmem>>
      %dma_start3A_509 = arith.constant 0 : i32
      %dma_start3A_510 = arith.constant 0 : i32
      %dma_start3A_511 = tpu.memref_slice %arg7[%dma_start3A_509, %dma_start3A_510] : memref<10240x16xf32, #tpu.memory_space<vmem_shared>> -> memref<10240x16xf32, #tpu.memory_space<vmem_shared>>
      tpu.enqueue_indirect_dma source(%dma_start3A_511 : memref<10240x16xf32, #tpu.memory_space<vmem_shared>>) target(%dma_start3A_505 : memref<128x16xf32, #tpu.memory_space<vmem>>) offsets(%dma_start3A_508 : memref<128xi32, #tpu.memory_space<vmem>>) semaphore(%arg13 : memref<!tpu.dma_semaphore, #tpu.memory_space<semaphore_mem>>)
      %mul3A_512 = arith.constant 8 : i32
      %mul3A_513 = arith.muli %add3A_459, %mul3A_512 : i32
      %add3A_514 = arith.constant 4 : i32
      %add3A_515 = arith.addi %mul3A_513, %add3A_514 : i32
      %dma_start3A_516 = arith.constant 512 : i32
      %dma_start3A_517 = arith.constant 0 : i32
      %dma_start3A_518 = tpu.memref_slice %arg10[%dma_start3A_516, %dma_start3A_517] : memref<1024x16xf32, #tpu.memory_space<vmem>> -> memref<128x16xf32, #tpu.memory_space<vmem>>
      %dma_start3A_519 = arith.constant 0 : i32
      %dma_start3A_520 = tpu.memref_slice %arg8[%add3A_515, %dma_start3A_519] : memref<96x128xi32, #tpu.memory_space<vmem>> -> memref<1x128xi32, #tpu.memory_space<vmem>>
      %dma_start3A_521 = tpu.memref_squeeze %dma_start3A_520 : memref<1x128xi32, #tpu.memory_space<vmem>> -> memref<128xi32, #tpu.memory_space<vmem>>
      %dma_start3A_522 = arith.constant 0 : i32
      %dma_start3A_523 = arith.constant 0 : i32
      %dma_start3A_524 = tpu.memref_slice %arg7[%dma_start3A_522, %dma_start3A_523] : memref<10240x16xf32, #tpu.memory_space<vmem_shared>> -> memref<10240x16xf32, #tpu.memory_space<vmem_shared>>
      tpu.enqueue_indirect_dma source(%dma_start3A_524 : memref<10240x16xf32, #tpu.memory_space<vmem_shared>>) target(%dma_start3A_518 : memref<128x16xf32, #tpu.memory_space<vmem>>) offsets(%dma_start3A_521 : memref<128xi32, #tpu.memory_space<vmem>>) semaphore(%arg13 : memref<!tpu.dma_semaphore, #tpu.memory_space<semaphore_mem>>)
      %mul3A_525 = arith.constant 8 : i32
      %mul3A_526 = arith.muli %add3A_459, %mul3A_525 : i32
      %add3A_527 = arith.constant 5 : i32
      %add3A_528 = arith.addi %mul3A_526, %add3A_527 : i32
      %dma_start3A_529 = arith.constant 640 : i32
      %dma_start3A_530 = arith.constant 0 : i32
      %dma_start3A_531 = tpu.memref_slice %arg10[%dma_start3A_529, %dma_start3A_530] : memref<1024x16xf32, #tpu.memory_space<vmem>> -> memref<128x16xf32, #tpu.memory_space<vmem>>
      %dma_start3A_532 = arith.constant 0 : i32
      %dma_start3A_533 = tpu.memref_slice %arg8[%add3A_528, %dma_start3A_532] : memref<96x128xi32, #tpu.memory_space<vmem>> -> memref<1x128xi32, #tpu.memory_space<vmem>>
      %dma_start3A_534 = tpu.memref_squeeze %dma_start3A_533 : memref<1x128xi32, #tpu.memory_space<vmem>> -> memref<128xi32, #tpu.memory_space<vmem>>
      %dma_start3A_535 = arith.constant 0 : i32
      %dma_start3A_536 = arith.constant 0 : i32
      %dma_start3A_537 = tpu.memref_slice %arg7[%dma_start3A_535, %dma_start3A_536] : memref<10240x16xf32, #tpu.memory_space<vmem_shared>> -> memref<10240x16xf32, #tpu.memory_space<vmem_shared>>
      tpu.enqueue_indirect_dma source(%dma_start3A_537 : memref<10240x16xf32, #tpu.memory_space<vmem_shared>>) target(%dma_start3A_531 : memref<128x16xf32, #tpu.memory_space<vmem>>) offsets(%dma_start3A_534 : memref<128xi32, #tpu.memory_space<vmem>>) semaphore(%arg13 : memref<!tpu.dma_semaphore, #tpu.memory_space<semaphore_mem>>)
      %mul3A_538 = arith.constant 8 : i32
      %mul3A_539 = arith.muli %add3A_459, %mul3A_538 : i32
      %add3A_540 = arith.constant 6 : i32
      %add3A_541 = arith.addi %mul3A_539, %add3A_540 : i32
      %dma_start3A_542 = arith.constant 768 : i32
      %dma_start3A_543 = arith.constant 0 : i32
      %dma_start3A_544 = tpu.memref_slice %arg10[%dma_start3A_542, %dma_start3A_543] : memref<1024x16xf32, #tpu.memory_space<vmem>> -> memref<128x16xf32, #tpu.memory_space<vmem>>
      %dma_start3A_545 = arith.constant 0 : i32
      %dma_start3A_546 = tpu.memref_slice %arg8[%add3A_541, %dma_start3A_545] : memref<96x128xi32, #tpu.memory_space<vmem>> -> memref<1x128xi32, #tpu.memory_space<vmem>>
      %dma_start3A_547 = tpu.memref_squeeze %dma_start3A_546 : memref<1x128xi32, #tpu.memory_space<vmem>> -> memref<128xi32, #tpu.memory_space<vmem>>
      %dma_start3A_548 = arith.constant 0 : i32
      %dma_start3A_549 = arith.constant 0 : i32
      %dma_start3A_550 = tpu.memref_slice %arg7[%dma_start3A_548, %dma_start3A_549] : memref<10240x16xf32, #tpu.memory_space<vmem_shared>> -> memref<10240x16xf32, #tpu.memory_space<vmem_shared>>
      tpu.enqueue_indirect_dma source(%dma_start3A_550 : memref<10240x16xf32, #tpu.memory_space<vmem_shared>>) target(%dma_start3A_544 : memref<128x16xf32, #tpu.memory_space<vmem>>) offsets(%dma_start3A_547 : memref<128xi32, #tpu.memory_space<vmem>>) semaphore(%arg13 : memref<!tpu.dma_semaphore, #tpu.memory_space<semaphore_mem>>)
      %mul3A_551 = arith.constant 8 : i32
      %mul3A_552 = arith.muli %add3A_459, %mul3A_551 : i32
      %add3A_553 = arith.constant 7 : i32
      %add3A_554 = arith.addi %mul3A_552, %add3A_553 : i32
      %dma_start3A_555 = arith.constant 896 : i32
      %dma_start3A_556 = arith.constant 0 : i32
      %dma_start3A_557 = tpu.memref_slice %arg10[%dma_start3A_555, %dma_start3A_556] : memref<1024x16xf32, #tpu.memory_space<vmem>> -> memref<128x16xf32, #tpu.memory_space<vmem>>
      %dma_start3A_558 = arith.constant 0 : i32
      %dma_start3A_559 = tpu.memref_slice %arg8[%add3A_554, %dma_start3A_558] : memref<96x128xi32, #tpu.memory_space<vmem>> -> memref<1x128xi32, #tpu.memory_space<vmem>>
      %dma_start3A_560 = tpu.memref_squeeze %dma_start3A_559 : memref<1x128xi32, #tpu.memory_space<vmem>> -> memref<128xi32, #tpu.memory_space<vmem>>
      %dma_start3A_561 = arith.constant 0 : i32
      %dma_start3A_562 = arith.constant 0 : i32
      %dma_start3A_563 = tpu.memref_slice %arg7[%dma_start3A_561, %dma_start3A_562] : memref<10240x16xf32, #tpu.memory_space<vmem_shared>> -> memref<10240x16xf32, #tpu.memory_space<vmem_shared>>
      tpu.enqueue_indirect_dma source(%dma_start3A_563 : memref<10240x16xf32, #tpu.memory_space<vmem_shared>>) target(%dma_start3A_557 : memref<128x16xf32, #tpu.memory_space<vmem>>) offsets(%dma_start3A_560 : memref<128xi32, #tpu.memory_space<vmem>>) semaphore(%arg13 : memref<!tpu.dma_semaphore, #tpu.memory_space<semaphore_mem>>)
      %dma_wait3A_564 = arith.constant 0 : i32
      %dma_wait3A_565 = arith.constant 0 : i32
      %dma_wait3A_566 = tpu.memref_slice %arg6[%dma_wait3A_564, %dma_wait3A_565] : memref<10240x16xf32, #tpu.memory_space<vmem_shared>> -> memref<1024x16xf32, #tpu.memory_space<vmem_shared>>
      %dma_wait3A_567 = arith.constant 0 : i32
      %dma_wait3A_568 = arith.constant 0 : i32
      %dma_wait3A_569 = tpu.memref_slice %arg6[%dma_wait3A_567, %dma_wait3A_568] : memref<10240x16xf32, #tpu.memory_space<vmem_shared>> -> memref<1024x16xf32, #tpu.memory_space<vmem_shared>>
      tpu.wait_dma2 semaphore(%arg14 : memref<!tpu.dma_semaphore, #tpu.memory_space<semaphore_mem>>) src(%arg11 : memref<1024x16xf32, #tpu.memory_space<vmem>>) dst(%dma_wait3A_569 : memref<1024x16xf32, #tpu.memory_space<vmem_shared>>)
      %mul3A_570 = arith.constant 8 : i32
      %mul3A_571 = arith.muli %add3A_451, %mul3A_570 : i32
      %add3A_572 = arith.constant 0 : i32
      %add3A_573 = arith.addi %mul3A_571, %add3A_572 : i32
      %dma_start3A_574 = arith.constant 0 : i32
      %dma_start3A_575 = arith.constant 0 : i32
      %dma_start3A_576 = tpu.memref_slice %arg11[%dma_start3A_574, %dma_start3A_575] : memref<1024x16xf32, #tpu.memory_space<vmem>> -> memref<128x16xf32, #tpu.memory_space<vmem>>
      %dma_start3A_577 = arith.constant 0 : i32
      %dma_start3A_578 = tpu.memref_slice %arg9[%add3A_573, %dma_start3A_577] : memref<96x128xi32, #tpu.memory_space<vmem>> -> memref<1x128xi32, #tpu.memory_space<vmem>>
      %dma_start3A_579 = tpu.memref_squeeze %dma_start3A_578 : memref<1x128xi32, #tpu.memory_space<vmem>> -> memref<128xi32, #tpu.memory_space<vmem>>
      %dma_start3A_580 = arith.constant 0 : i32
      %dma_start3A_581 = arith.constant 0 : i32
      %dma_start3A_582 = tpu.memref_slice %arg6[%dma_start3A_580, %dma_start3A_581] : memref<10240x16xf32, #tpu.memory_space<vmem_shared>> -> memref<10240x16xf32, #tpu.memory_space<vmem_shared>>
      tpu.enqueue_indirect_dma source(%dma_start3A_576 : memref<128x16xf32, #tpu.memory_space<vmem>>) target(%dma_start3A_582 : memref<10240x16xf32, #tpu.memory_space<vmem_shared>>) offsets(%dma_start3A_579 : memref<128xi32, #tpu.memory_space<vmem>>) semaphore(%arg16 : memref<!tpu.dma_semaphore, #tpu.memory_space<semaphore_mem>>) {add = true}
      %mul3A_583 = arith.constant 8 : i32
      %mul3A_584 = arith.muli %add3A_451, %mul3A_583 : i32
      %add3A_585 = arith.constant 1 : i32
      %add3A_586 = arith.addi %mul3A_584, %add3A_585 : i32
      %dma_start3A_587 = arith.constant 128 : i32
      %dma_start3A_588 = arith.constant 0 : i32
      %dma_start3A_589 = tpu.memref_slice %arg11[%dma_start3A_587, %dma_start3A_588] : memref<1024x16xf32, #tpu.memory_space<vmem>> -> memref<128x16xf32, #tpu.memory_space<vmem>>
      %dma_start3A_590 = arith.constant 0 : i32
      %dma_start3A_591 = tpu.memref_slice %arg9[%add3A_586, %dma_start3A_590] : memref<96x128xi32, #tpu.memory_space<vmem>> -> memref<1x128xi32, #tpu.memory_space<vmem>>
      %dma_start3A_592 = tpu.memref_squeeze %dma_start3A_591 : memref<1x128xi32, #tpu.memory_space<vmem>> -> memref<128xi32, #tpu.memory_space<vmem>>
      %dma_start3A_593 = arith.constant 0 : i32
      %dma_start3A_594 = arith.constant 0 : i32
      %dma_start3A_595 = tpu.memref_slice %arg6[%dma_start3A_593, %dma_start3A_594] : memref<10240x16xf32, #tpu.memory_space<vmem_shared>> -> memref<10240x16xf32, #tpu.memory_space<vmem_shared>>
      tpu.enqueue_indirect_dma source(%dma_start3A_589 : memref<128x16xf32, #tpu.memory_space<vmem>>) target(%dma_start3A_595 : memref<10240x16xf32, #tpu.memory_space<vmem_shared>>) offsets(%dma_start3A_592 : memref<128xi32, #tpu.memory_space<vmem>>) semaphore(%arg16 : memref<!tpu.dma_semaphore, #tpu.memory_space<semaphore_mem>>) {add = true}
      %mul3A_596 = arith.constant 8 : i32
      %mul3A_597 = arith.muli %add3A_451, %mul3A_596 : i32
      %add3A_598 = arith.constant 2 : i32
      %add3A_599 = arith.addi %mul3A_597, %add3A_598 : i32
      %dma_start3A_600 = arith.constant 256 : i32
      %dma_start3A_601 = arith.constant 0 : i32
      %dma_start3A_602 = tpu.memref_slice %arg11[%dma_start3A_600, %dma_start3A_601] : memref<1024x16xf32, #tpu.memory_space<vmem>> -> memref<128x16xf32, #tpu.memory_space<vmem>>
      %dma_start3A_603 = arith.constant 0 : i32
      %dma_start3A_604 = tpu.memref_slice %arg9[%add3A_599, %dma_start3A_603] : memref<96x128xi32, #tpu.memory_space<vmem>> -> memref<1x128xi32, #tpu.memory_space<vmem>>
      %dma_start3A_605 = tpu.memref_squeeze %dma_start3A_604 : memref<1x128xi32, #tpu.memory_space<vmem>> -> memref<128xi32, #tpu.memory_space<vmem>>
      %dma_start3A_606 = arith.constant 0 : i32
      %dma_start3A_607 = arith.constant 0 : i32
      %dma_start3A_608 = tpu.memref_slice %arg6[%dma_start3A_606, %dma_start3A_607] : memref<10240x16xf32, #tpu.memory_space<vmem_shared>> -> memref<10240x16xf32, #tpu.memory_space<vmem_shared>>
      tpu.enqueue_indirect_dma source(%dma_start3A_602 : memref<128x16xf32, #tpu.memory_space<vmem>>) target(%dma_start3A_608 : memref<10240x16xf32, #tpu.memory_space<vmem_shared>>) offsets(%dma_start3A_605 : memref<128xi32, #tpu.memory_space<vmem>>) semaphore(%arg16 : memref<!tpu.dma_semaphore, #tpu.memory_space<semaphore_mem>>) {add = true}
      %mul3A_609 = arith.constant 8 : i32
      %mul3A_610 = arith.muli %add3A_451, %mul3A_609 : i32
      %add3A_611 = arith.constant 3 : i32
      %add3A_612 = arith.addi %mul3A_610, %add3A_611 : i32
      %dma_start3A_613 = arith.constant 384 : i32
      %dma_start3A_614 = arith.constant 0 : i32
      %dma_start3A_615 = tpu.memref_slice %arg11[%dma_start3A_613, %dma_start3A_614] : memref<1024x16xf32, #tpu.memory_space<vmem>> -> memref<128x16xf32, #tpu.memory_space<vmem>>
      %dma_start3A_616 = arith.constant 0 : i32
      %dma_start3A_617 = tpu.memref_slice %arg9[%add3A_612, %dma_start3A_616] : memref<96x128xi32, #tpu.memory_space<vmem>> -> memref<1x128xi32, #tpu.memory_space<vmem>>
      %dma_start3A_618 = tpu.memref_squeeze %dma_start3A_617 : memref<1x128xi32, #tpu.memory_space<vmem>> -> memref<128xi32, #tpu.memory_space<vmem>>
      %dma_start3A_619 = arith.constant 0 : i32
      %dma_start3A_620 = arith.constant 0 : i32
      %dma_start3A_621 = tpu.memref_slice %arg6[%dma_start3A_619, %dma_start3A_620] : memref<10240x16xf32, #tpu.memory_space<vmem_shared>> -> memref<10240x16xf32, #tpu.memory_space<vmem_shared>>
      tpu.enqueue_indirect_dma source(%dma_start3A_615 : memref<128x16xf32, #tpu.memory_space<vmem>>) target(%dma_start3A_621 : memref<10240x16xf32, #tpu.memory_space<vmem_shared>>) offsets(%dma_start3A_618 : memref<128xi32, #tpu.memory_space<vmem>>) semaphore(%arg16 : memref<!tpu.dma_semaphore, #tpu.memory_space<semaphore_mem>>) {add = true}
      %mul3A_622 = arith.constant 8 : i32
      %mul3A_623 = arith.muli %add3A_451, %mul3A_622 : i32
      %add3A_624 = arith.constant 4 : i32
      %add3A_625 = arith.addi %mul3A_623, %add3A_624 : i32
      %dma_start3A_626 = arith.constant 512 : i32
      %dma_start3A_627 = arith.constant 0 : i32
      %dma_start3A_628 = tpu.memref_slice %arg11[%dma_start3A_626, %dma_start3A_627] : memref<1024x16xf32, #tpu.memory_space<vmem>> -> memref<128x16xf32, #tpu.memory_space<vmem>>
      %dma_start3A_629 = arith.constant 0 : i32
      %dma_start3A_630 = tpu.memref_slice %arg9[%add3A_625, %dma_start3A_629] : memref<96x128xi32, #tpu.memory_space<vmem>> -> memref<1x128xi32, #tpu.memory_space<vmem>>
      %dma_start3A_631 = tpu.memref_squeeze %dma_start3A_630 : memref<1x128xi32, #tpu.memory_space<vmem>> -> memref<128xi32, #tpu.memory_space<vmem>>
      %dma_start3A_632 = arith.constant 0 : i32
      %dma_start3A_633 = arith.constant 0 : i32
      %dma_start3A_634 = tpu.memref_slice %arg6[%dma_start3A_632, %dma_start3A_633] : memref<10240x16xf32, #tpu.memory_space<vmem_shared>> -> memref<10240x16xf32, #tpu.memory_space<vmem_shared>>
      tpu.enqueue_indirect_dma source(%dma_start3A_628 : memref<128x16xf32, #tpu.memory_space<vmem>>) target(%dma_start3A_634 : memref<10240x16xf32, #tpu.memory_space<vmem_shared>>) offsets(%dma_start3A_631 : memref<128xi32, #tpu.memory_space<vmem>>) semaphore(%arg16 : memref<!tpu.dma_semaphore, #tpu.memory_space<semaphore_mem>>) {add = true}
      %mul3A_635 = arith.constant 8 : i32
      %mul3A_636 = arith.muli %add3A_451, %mul3A_635 : i32
      %add3A_637 = arith.constant 5 : i32
      %add3A_638 = arith.addi %mul3A_636, %add3A_637 : i32
      %dma_start3A_639 = arith.constant 640 : i32
      %dma_start3A_640 = arith.constant 0 : i32
      %dma_start3A_641 = tpu.memref_slice %arg11[%dma_start3A_639, %dma_start3A_640] : memref<1024x16xf32, #tpu.memory_space<vmem>> -> memref<128x16xf32, #tpu.memory_space<vmem>>
      %dma_start3A_642 = arith.constant 0 : i32
      %dma_start3A_643 = tpu.memref_slice %arg9[%add3A_638, %dma_start3A_642] : memref<96x128xi32, #tpu.memory_space<vmem>> -> memref<1x128xi32, #tpu.memory_space<vmem>>
      %dma_start3A_644 = tpu.memref_squeeze %dma_start3A_643 : memref<1x128xi32, #tpu.memory_space<vmem>> -> memref<128xi32, #tpu.memory_space<vmem>>
      %dma_start3A_645 = arith.constant 0 : i32
      %dma_start3A_646 = arith.constant 0 : i32
      %dma_start3A_647 = tpu.memref_slice %arg6[%dma_start3A_645, %dma_start3A_646] : memref<10240x16xf32, #tpu.memory_space<vmem_shared>> -> memref<10240x16xf32, #tpu.memory_space<vmem_shared>>
      tpu.enqueue_indirect_dma source(%dma_start3A_641 : memref<128x16xf32, #tpu.memory_space<vmem>>) target(%dma_start3A_647 : memref<10240x16xf32, #tpu.memory_space<vmem_shared>>) offsets(%dma_start3A_644 : memref<128xi32, #tpu.memory_space<vmem>>) semaphore(%arg16 : memref<!tpu.dma_semaphore, #tpu.memory_space<semaphore_mem>>) {add = true}
      %mul3A_648 = arith.constant 8 : i32
      %mul3A_649 = arith.muli %add3A_451, %mul3A_648 : i32
      %add3A_650 = arith.constant 6 : i32
      %add3A_651 = arith.addi %mul3A_649, %add3A_650 : i32
      %dma_start3A_652 = arith.constant 768 : i32
      %dma_start3A_653 = arith.constant 0 : i32
      %dma_start3A_654 = tpu.memref_slice %arg11[%dma_start3A_652, %dma_start3A_653] : memref<1024x16xf32, #tpu.memory_space<vmem>> -> memref<128x16xf32, #tpu.memory_space<vmem>>
      %dma_start3A_655 = arith.constant 0 : i32
      %dma_start3A_656 = tpu.memref_slice %arg9[%add3A_651, %dma_start3A_655] : memref<96x128xi32, #tpu.memory_space<vmem>> -> memref<1x128xi32, #tpu.memory_space<vmem>>
      %dma_start3A_657 = tpu.memref_squeeze %dma_start3A_656 : memref<1x128xi32, #tpu.memory_space<vmem>> -> memref<128xi32, #tpu.memory_space<vmem>>
      %dma_start3A_658 = arith.constant 0 : i32
      %dma_start3A_659 = arith.constant 0 : i32
      %dma_start3A_660 = tpu.memref_slice %arg6[%dma_start3A_658, %dma_start3A_659] : memref<10240x16xf32, #tpu.memory_space<vmem_shared>> -> memref<10240x16xf32, #tpu.memory_space<vmem_shared>>
      tpu.enqueue_indirect_dma source(%dma_start3A_654 : memref<128x16xf32, #tpu.memory_space<vmem>>) target(%dma_start3A_660 : memref<10240x16xf32, #tpu.memory_space<vmem_shared>>) offsets(%dma_start3A_657 : memref<128xi32, #tpu.memory_space<vmem>>) semaphore(%arg16 : memref<!tpu.dma_semaphore, #tpu.memory_space<semaphore_mem>>) {add = true}
      %mul3A_661 = arith.constant 8 : i32
      %mul3A_662 = arith.muli %add3A_451, %mul3A_661 : i32
      %add3A_663 = arith.constant 7 : i32
      %add3A_664 = arith.addi %mul3A_662, %add3A_663 : i32
      %dma_start3A_665 = arith.constant 896 : i32
      %dma_start3A_666 = arith.constant 0 : i32
      %dma_start3A_667 = tpu.memref_slice %arg11[%dma_start3A_665, %dma_start3A_666] : memref<1024x16xf32, #tpu.memory_space<vmem>> -> memref<128x16xf32, #tpu.memory_space<vmem>>
      %dma_start3A_668 = arith.constant 0 : i32
      %dma_start3A_669 = tpu.memref_slice %arg9[%add3A_664, %dma_start3A_668] : memref<96x128xi32, #tpu.memory_space<vmem>> -> memref<1x128xi32, #tpu.memory_space<vmem>>
      %dma_start3A_670 = tpu.memref_squeeze %dma_start3A_669 : memref<1x128xi32, #tpu.memory_space<vmem>> -> memref<128xi32, #tpu.memory_space<vmem>>
      %dma_start3A_671 = arith.constant 0 : i32
      %dma_start3A_672 = arith.constant 0 : i32
      %dma_start3A_673 = tpu.memref_slice %arg6[%dma_start3A_671, %dma_start3A_672] : memref<10240x16xf32, #tpu.memory_space<vmem_shared>> -> memref<10240x16xf32, #tpu.memory_space<vmem_shared>>
      tpu.enqueue_indirect_dma source(%dma_start3A_667 : memref<128x16xf32, #tpu.memory_space<vmem>>) target(%dma_start3A_673 : memref<10240x16xf32, #tpu.memory_space<vmem_shared>>) offsets(%dma_start3A_670 : memref<128xi32, #tpu.memory_space<vmem>>) semaphore(%arg16 : memref<!tpu.dma_semaphore, #tpu.memory_space<semaphore_mem>>) {add = true}
      %dma_wait3A_674 = arith.constant 0 : i32
      %dma_wait3A_675 = arith.constant 0 : i32
      %dma_wait3A_676 = tpu.memref_slice %arg6[%dma_wait3A_674, %dma_wait3A_675] : memref<10240x16xf32, #tpu.memory_space<vmem_shared>> -> memref<1024x16xf32, #tpu.memory_space<vmem_shared>>
      %dma_wait3A_677 = arith.constant 0 : i32
      %dma_wait3A_678 = arith.constant 0 : i32
      %dma_wait3A_679 = tpu.memref_slice %arg6[%dma_wait3A_677, %dma_wait3A_678] : memref<10240x16xf32, #tpu.memory_space<vmem_shared>> -> memref<1024x16xf32, #tpu.memory_space<vmem_shared>>
      tpu.wait_dma2 semaphore(%arg16 : memref<!tpu.dma_semaphore, #tpu.memory_space<semaphore_mem>>) src(%arg11 : memref<1024x16xf32, #tpu.memory_space<vmem>>) dst(%dma_wait3A_679 : memref<1024x16xf32, #tpu.memory_space<vmem_shared>>)
      %add3A_680 = arith.constant 2 : i32
      %add3A_681 = arith.addi %add3A_451, %add3A_680 : i32
      %mul3A_682 = arith.constant 8 : i32
      %mul3A_683 = arith.muli %add3A_681, %mul3A_682 : i32
      %add3A_684 = arith.constant 0 : i32
      %add3A_685 = arith.addi %mul3A_683, %add3A_684 : i32
      %dma_start3A_686 = arith.constant 0 : i32
      %dma_start3A_687 = arith.constant 0 : i32
      %dma_start3A_688 = tpu.memref_slice %arg11[%dma_start3A_686, %dma_start3A_687] : memref<1024x16xf32, #tpu.memory_space<vmem>> -> memref<128x16xf32, #tpu.memory_space<vmem>>
      %dma_start3A_689 = arith.constant 0 : i32
      %dma_start3A_690 = tpu.memref_slice %arg8[%add3A_685, %dma_start3A_689] : memref<96x128xi32, #tpu.memory_space<vmem>> -> memref<1x128xi32, #tpu.memory_space<vmem>>
      %dma_start3A_691 = tpu.memref_squeeze %dma_start3A_690 : memref<1x128xi32, #tpu.memory_space<vmem>> -> memref<128xi32, #tpu.memory_space<vmem>>
      %dma_start3A_692 = arith.constant 0 : i32
      %dma_start3A_693 = arith.constant 0 : i32
      %dma_start3A_694 = tpu.memref_slice %arg7[%dma_start3A_692, %dma_start3A_693] : memref<10240x16xf32, #tpu.memory_space<vmem_shared>> -> memref<10240x16xf32, #tpu.memory_space<vmem_shared>>
      tpu.enqueue_indirect_dma source(%dma_start3A_694 : memref<10240x16xf32, #tpu.memory_space<vmem_shared>>) target(%dma_start3A_688 : memref<128x16xf32, #tpu.memory_space<vmem>>) offsets(%dma_start3A_691 : memref<128xi32, #tpu.memory_space<vmem>>) semaphore(%arg14 : memref<!tpu.dma_semaphore, #tpu.memory_space<semaphore_mem>>)
      %mul3A_695 = arith.constant 8 : i32
      %mul3A_696 = arith.muli %add3A_681, %mul3A_695 : i32
      %add3A_697 = arith.constant 1 : i32
      %add3A_698 = arith.addi %mul3A_696, %add3A_697 : i32
      %dma_start3A_699 = arith.constant 128 : i32
      %dma_start3A_700 = arith.constant 0 : i32
      %dma_start3A_701 = tpu.memref_slice %arg11[%dma_start3A_699, %dma_start3A_700] : memref<1024x16xf32, #tpu.memory_space<vmem>> -> memref<128x16xf32, #tpu.memory_space<vmem>>
      %dma_start3A_702 = arith.constant 0 : i32
      %dma_start3A_703 = tpu.memref_slice %arg8[%add3A_698, %dma_start3A_702] : memref<96x128xi32, #tpu.memory_space<vmem>> -> memref<1x128xi32, #tpu.memory_space<vmem>>
      %dma_start3A_704 = tpu.memref_squeeze %dma_start3A_703 : memref<1x128xi32, #tpu.memory_space<vmem>> -> memref<128xi32, #tpu.memory_space<vmem>>
      %dma_start3A_705 = arith.constant 0 : i32
      %dma_start3A_706 = arith.constant 0 : i32
      %dma_start3A_707 = tpu.memref_slice %arg7[%dma_start3A_705, %dma_start3A_706] : memref<10240x16xf32, #tpu.memory_space<vmem_shared>> -> memref<10240x16xf32, #tpu.memory_space<vmem_shared>>
      tpu.enqueue_indirect_dma source(%dma_start3A_707 : memref<10240x16xf32, #tpu.memory_space<vmem_shared>>) target(%dma_start3A_701 : memref<128x16xf32, #tpu.memory_space<vmem>>) offsets(%dma_start3A_704 : memref<128xi32, #tpu.memory_space<vmem>>) semaphore(%arg14 : memref<!tpu.dma_semaphore, #tpu.memory_space<semaphore_mem>>)
      %mul3A_708 = arith.constant 8 : i32
      %mul3A_709 = arith.muli %add3A_681, %mul3A_708 : i32
      %add3A_710 = arith.constant 2 : i32
      %add3A_711 = arith.addi %mul3A_709, %add3A_710 : i32
      %dma_start3A_712 = arith.constant 256 : i32
      %dma_start3A_713 = arith.constant 0 : i32
      %dma_start3A_714 = tpu.memref_slice %arg11[%dma_start3A_712, %dma_start3A_713] : memref<1024x16xf32, #tpu.memory_space<vmem>> -> memref<128x16xf32, #tpu.memory_space<vmem>>
      %dma_start3A_715 = arith.constant 0 : i32
      %dma_start3A_716 = tpu.memref_slice %arg8[%add3A_711, %dma_start3A_715] : memref<96x128xi32, #tpu.memory_space<vmem>> -> memref<1x128xi32, #tpu.memory_space<vmem>>
      %dma_start3A_717 = tpu.memref_squeeze %dma_start3A_716 : memref<1x128xi32, #tpu.memory_space<vmem>> -> memref<128xi32, #tpu.memory_space<vmem>>
      %dma_start3A_718 = arith.constant 0 : i32
      %dma_start3A_719 = arith.constant 0 : i32
      %dma_start3A_720 = tpu.memref_slice %arg7[%dma_start3A_718, %dma_start3A_719] : memref<10240x16xf32, #tpu.memory_space<vmem_shared>> -> memref<10240x16xf32, #tpu.memory_space<vmem_shared>>
      tpu.enqueue_indirect_dma source(%dma_start3A_720 : memref<10240x16xf32, #tpu.memory_space<vmem_shared>>) target(%dma_start3A_714 : memref<128x16xf32, #tpu.memory_space<vmem>>) offsets(%dma_start3A_717 : memref<128xi32, #tpu.memory_space<vmem>>) semaphore(%arg14 : memref<!tpu.dma_semaphore, #tpu.memory_space<semaphore_mem>>)
      %mul3A_721 = arith.constant 8 : i32
      %mul3A_722 = arith.muli %add3A_681, %mul3A_721 : i32
      %add3A_723 = arith.constant 3 : i32
      %add3A_724 = arith.addi %mul3A_722, %add3A_723 : i32
      %dma_start3A_725 = arith.constant 384 : i32
      %dma_start3A_726 = arith.constant 0 : i32
      %dma_start3A_727 = tpu.memref_slice %arg11[%dma_start3A_725, %dma_start3A_726] : memref<1024x16xf32, #tpu.memory_space<vmem>> -> memref<128x16xf32, #tpu.memory_space<vmem>>
      %dma_start3A_728 = arith.constant 0 : i32
      %dma_start3A_729 = tpu.memref_slice %arg8[%add3A_724, %dma_start3A_728] : memref<96x128xi32, #tpu.memory_space<vmem>> -> memref<1x128xi32, #tpu.memory_space<vmem>>
      %dma_start3A_730 = tpu.memref_squeeze %dma_start3A_729 : memref<1x128xi32, #tpu.memory_space<vmem>> -> memref<128xi32, #tpu.memory_space<vmem>>
      %dma_start3A_731 = arith.constant 0 : i32
      %dma_start3A_732 = arith.constant 0 : i32
      %dma_start3A_733 = tpu.memref_slice %arg7[%dma_start3A_731, %dma_start3A_732] : memref<10240x16xf32, #tpu.memory_space<vmem_shared>> -> memref<10240x16xf32, #tpu.memory_space<vmem_shared>>
      tpu.enqueue_indirect_dma source(%dma_start3A_733 : memref<10240x16xf32, #tpu.memory_space<vmem_shared>>) target(%dma_start3A_727 : memref<128x16xf32, #tpu.memory_space<vmem>>) offsets(%dma_start3A_730 : memref<128xi32, #tpu.memory_space<vmem>>) semaphore(%arg14 : memref<!tpu.dma_semaphore, #tpu.memory_space<semaphore_mem>>)
      %mul3A_734 = arith.constant 8 : i32
      %mul3A_735 = arith.muli %add3A_681, %mul3A_734 : i32
      %add3A_736 = arith.constant 4 : i32
      %add3A_737 = arith.addi %mul3A_735, %add3A_736 : i32
      %dma_start3A_738 = arith.constant 512 : i32
      %dma_start3A_739 = arith.constant 0 : i32
      %dma_start3A_740 = tpu.memref_slice %arg11[%dma_start3A_738, %dma_start3A_739] : memref<1024x16xf32, #tpu.memory_space<vmem>> -> memref<128x16xf32, #tpu.memory_space<vmem>>
      %dma_start3A_741 = arith.constant 0 : i32
      %dma_start3A_742 = tpu.memref_slice %arg8[%add3A_737, %dma_start3A_741] : memref<96x128xi32, #tpu.memory_space<vmem>> -> memref<1x128xi32, #tpu.memory_space<vmem>>
      %dma_start3A_743 = tpu.memref_squeeze %dma_start3A_742 : memref<1x128xi32, #tpu.memory_space<vmem>> -> memref<128xi32, #tpu.memory_space<vmem>>
      %dma_start3A_744 = arith.constant 0 : i32
      %dma_start3A_745 = arith.constant 0 : i32
      %dma_start3A_746 = tpu.memref_slice %arg7[%dma_start3A_744, %dma_start3A_745] : memref<10240x16xf32, #tpu.memory_space<vmem_shared>> -> memref<10240x16xf32, #tpu.memory_space<vmem_shared>>
      tpu.enqueue_indirect_dma source(%dma_start3A_746 : memref<10240x16xf32, #tpu.memory_space<vmem_shared>>) target(%dma_start3A_740 : memref<128x16xf32, #tpu.memory_space<vmem>>) offsets(%dma_start3A_743 : memref<128xi32, #tpu.memory_space<vmem>>) semaphore(%arg14 : memref<!tpu.dma_semaphore, #tpu.memory_space<semaphore_mem>>)
      %mul3A_747 = arith.constant 8 : i32
      %mul3A_748 = arith.muli %add3A_681, %mul3A_747 : i32
      %add3A_749 = arith.constant 5 : i32
      %add3A_750 = arith.addi %mul3A_748, %add3A_749 : i32
      %dma_start3A_751 = arith.constant 640 : i32
      %dma_start3A_752 = arith.constant 0 : i32
      %dma_start3A_753 = tpu.memref_slice %arg11[%dma_start3A_751, %dma_start3A_752] : memref<1024x16xf32, #tpu.memory_space<vmem>> -> memref<128x16xf32, #tpu.memory_space<vmem>>
      %dma_start3A_754 = arith.constant 0 : i32
      %dma_start3A_755 = tpu.memref_slice %arg8[%add3A_750, %dma_start3A_754] : memref<96x128xi32, #tpu.memory_space<vmem>> -> memref<1x128xi32, #tpu.memory_space<vmem>>
      %dma_start3A_756 = tpu.memref_squeeze %dma_start3A_755 : memref<1x128xi32, #tpu.memory_space<vmem>> -> memref<128xi32, #tpu.memory_space<vmem>>
      %dma_start3A_757 = arith.constant 0 : i32
      %dma_start3A_758 = arith.constant 0 : i32
      %dma_start3A_759 = tpu.memref_slice %arg7[%dma_start3A_757, %dma_start3A_758] : memref<10240x16xf32, #tpu.memory_space<vmem_shared>> -> memref<10240x16xf32, #tpu.memory_space<vmem_shared>>
      tpu.enqueue_indirect_dma source(%dma_start3A_759 : memref<10240x16xf32, #tpu.memory_space<vmem_shared>>) target(%dma_start3A_753 : memref<128x16xf32, #tpu.memory_space<vmem>>) offsets(%dma_start3A_756 : memref<128xi32, #tpu.memory_space<vmem>>) semaphore(%arg14 : memref<!tpu.dma_semaphore, #tpu.memory_space<semaphore_mem>>)
      %mul3A_760 = arith.constant 8 : i32
      %mul3A_761 = arith.muli %add3A_681, %mul3A_760 : i32
      %add3A_762 = arith.constant 6 : i32
      %add3A_763 = arith.addi %mul3A_761, %add3A_762 : i32
      %dma_start3A_764 = arith.constant 768 : i32
      %dma_start3A_765 = arith.constant 0 : i32
      %dma_start3A_766 = tpu.memref_slice %arg11[%dma_start3A_764, %dma_start3A_765] : memref<1024x16xf32, #tpu.memory_space<vmem>> -> memref<128x16xf32, #tpu.memory_space<vmem>>
      %dma_start3A_767 = arith.constant 0 : i32
      %dma_start3A_768 = tpu.memref_slice %arg8[%add3A_763, %dma_start3A_767] : memref<96x128xi32, #tpu.memory_space<vmem>> -> memref<1x128xi32, #tpu.memory_space<vmem>>
      %dma_start3A_769 = tpu.memref_squeeze %dma_start3A_768 : memref<1x128xi32, #tpu.memory_space<vmem>> -> memref<128xi32, #tpu.memory_space<vmem>>
      %dma_start3A_770 = arith.constant 0 : i32
      %dma_start3A_771 = arith.constant 0 : i32
      %dma_start3A_772 = tpu.memref_slice %arg7[%dma_start3A_770, %dma_start3A_771] : memref<10240x16xf32, #tpu.memory_space<vmem_shared>> -> memref<10240x16xf32, #tpu.memory_space<vmem_shared>>
      tpu.enqueue_indirect_dma source(%dma_start3A_772 : memref<10240x16xf32, #tpu.memory_space<vmem_shared>>) target(%dma_start3A_766 : memref<128x16xf32, #tpu.memory_space<vmem>>) offsets(%dma_start3A_769 : memref<128xi32, #tpu.memory_space<vmem>>) semaphore(%arg14 : memref<!tpu.dma_semaphore, #tpu.memory_space<semaphore_mem>>)
      %mul3A_773 = arith.constant 8 : i32
      %mul3A_774 = arith.muli %add3A_681, %mul3A_773 : i32
      %add3A_775 = arith.constant 7 : i32
      %add3A_776 = arith.addi %mul3A_774, %add3A_775 : i32
      %dma_start3A_777 = arith.constant 896 : i32
      %dma_start3A_778 = arith.constant 0 : i32
      %dma_start3A_779 = tpu.memref_slice %arg11[%dma_start3A_777, %dma_start3A_778] : memref<1024x16xf32, #tpu.memory_space<vmem>> -> memref<128x16xf32, #tpu.memory_space<vmem>>
      %dma_start3A_780 = arith.constant 0 : i32
      %dma_start3A_781 = tpu.memref_slice %arg8[%add3A_776, %dma_start3A_780] : memref<96x128xi32, #tpu.memory_space<vmem>> -> memref<1x128xi32, #tpu.memory_space<vmem>>
      %dma_start3A_782 = tpu.memref_squeeze %dma_start3A_781 : memref<1x128xi32, #tpu.memory_space<vmem>> -> memref<128xi32, #tpu.memory_space<vmem>>
      %dma_start3A_783 = arith.constant 0 : i32
      %dma_start3A_784 = arith.constant 0 : i32
      %dma_start3A_785 = tpu.memref_slice %arg7[%dma_start3A_783, %dma_start3A_784] : memref<10240x16xf32, #tpu.memory_space<vmem_shared>> -> memref<10240x16xf32, #tpu.memory_space<vmem_shared>>
      tpu.enqueue_indirect_dma source(%dma_start3A_785 : memref<10240x16xf32, #tpu.memory_space<vmem_shared>>) target(%dma_start3A_779 : memref<128x16xf32, #tpu.memory_space<vmem>>) offsets(%dma_start3A_782 : memref<128xi32, #tpu.memory_space<vmem>>) semaphore(%arg14 : memref<!tpu.dma_semaphore, #tpu.memory_space<semaphore_mem>>)
      %dma_wait3A_786 = arith.constant 0 : i32
      %dma_wait3A_787 = arith.constant 0 : i32
      %dma_wait3A_788 = tpu.memref_slice %arg6[%dma_wait3A_786, %dma_wait3A_787] : memref<10240x16xf32, #tpu.memory_space<vmem_shared>> -> memref<1024x16xf32, #tpu.memory_space<vmem_shared>>
      %dma_wait3A_789 = arith.constant 0 : i32
      %dma_wait3A_790 = arith.constant 0 : i32
      %dma_wait3A_791 = tpu.memref_slice %arg6[%dma_wait3A_789, %dma_wait3A_790] : memref<10240x16xf32, #tpu.memory_space<vmem_shared>> -> memref<1024x16xf32, #tpu.memory_space<vmem_shared>>
      tpu.wait_dma2 semaphore(%arg13 : memref<!tpu.dma_semaphore, #tpu.memory_space<semaphore_mem>>) src(%arg10 : memref<1024x16xf32, #tpu.memory_space<vmem>>) dst(%dma_wait3A_791 : memref<1024x16xf32, #tpu.memory_space<vmem_shared>>)
      %add3A_792 = arith.constant 1 : i32
      %add3A_793 = arith.addi %add3A_451, %add3A_792 : i32
      %mul3A_794 = arith.constant 8 : i32
      %mul3A_795 = arith.muli %add3A_793, %mul3A_794 : i32
      %add3A_796 = arith.constant 0 : i32
      %add3A_797 = arith.addi %mul3A_795, %add3A_796 : i32
      %dma_start3A_798 = arith.constant 0 : i32
      %dma_start3A_799 = arith.constant 0 : i32
      %dma_start3A_800 = tpu.memref_slice %arg10[%dma_start3A_798, %dma_start3A_799] : memref<1024x16xf32, #tpu.memory_space<vmem>> -> memref<128x16xf32, #tpu.memory_space<vmem>>
      %dma_start3A_801 = arith.constant 0 : i32
      %dma_start3A_802 = tpu.memref_slice %arg9[%add3A_797, %dma_start3A_801] : memref<96x128xi32, #tpu.memory_space<vmem>> -> memref<1x128xi32, #tpu.memory_space<vmem>>
      %dma_start3A_803 = tpu.memref_squeeze %dma_start3A_802 : memref<1x128xi32, #tpu.memory_space<vmem>> -> memref<128xi32, #tpu.memory_space<vmem>>
      %dma_start3A_804 = arith.constant 0 : i32
      %dma_start3A_805 = arith.constant 0 : i32
      %dma_start3A_806 = tpu.memref_slice %arg6[%dma_start3A_804, %dma_start3A_805] : memref<10240x16xf32, #tpu.memory_space<vmem_shared>> -> memref<10240x16xf32, #tpu.memory_space<vmem_shared>>
      tpu.enqueue_indirect_dma source(%dma_start3A_800 : memref<128x16xf32, #tpu.memory_space<vmem>>) target(%dma_start3A_806 : memref<10240x16xf32, #tpu.memory_space<vmem_shared>>) offsets(%dma_start3A_803 : memref<128xi32, #tpu.memory_space<vmem>>) semaphore(%arg15 : memref<!tpu.dma_semaphore, #tpu.memory_space<semaphore_mem>>) {add = true}
      %mul3A_807 = arith.constant 8 : i32
      %mul3A_808 = arith.muli %add3A_793, %mul3A_807 : i32
      %add3A_809 = arith.constant 1 : i32
      %add3A_810 = arith.addi %mul3A_808, %add3A_809 : i32
      %dma_start3A_811 = arith.constant 128 : i32
      %dma_start3A_812 = arith.constant 0 : i32
      %dma_start3A_813 = tpu.memref_slice %arg10[%dma_start3A_811, %dma_start3A_812] : memref<1024x16xf32, #tpu.memory_space<vmem>> -> memref<128x16xf32, #tpu.memory_space<vmem>>
      %dma_start3A_814 = arith.constant 0 : i32
      %dma_start3A_815 = tpu.memref_slice %arg9[%add3A_810, %dma_start3A_814] : memref<96x128xi32, #tpu.memory_space<vmem>> -> memref<1x128xi32, #tpu.memory_space<vmem>>
      %dma_start3A_816 = tpu.memref_squeeze %dma_start3A_815 : memref<1x128xi32, #tpu.memory_space<vmem>> -> memref<128xi32, #tpu.memory_space<vmem>>
      %dma_start3A_817 = arith.constant 0 : i32
      %dma_start3A_818 = arith.constant 0 : i32
      %dma_start3A_819 = tpu.memref_slice %arg6[%dma_start3A_817, %dma_start3A_818] : memref<10240x16xf32, #tpu.memory_space<vmem_shared>> -> memref<10240x16xf32, #tpu.memory_space<vmem_shared>>
      tpu.enqueue_indirect_dma source(%dma_start3A_813 : memref<128x16xf32, #tpu.memory_space<vmem>>) target(%dma_start3A_819 : memref<10240x16xf32, #tpu.memory_space<vmem_shared>>) offsets(%dma_start3A_816 : memref<128xi32, #tpu.memory_space<vmem>>) semaphore(%arg15 : memref<!tpu.dma_semaphore, #tpu.memory_space<semaphore_mem>>) {add = true}
      %mul3A_820 = arith.constant 8 : i32
      %mul3A_821 = arith.muli %add3A_793, %mul3A_820 : i32
      %add3A_822 = arith.constant 2 : i32
      %add3A_823 = arith.addi %mul3A_821, %add3A_822 : i32
      %dma_start3A_824 = arith.constant 256 : i32
      %dma_start3A_825 = arith.constant 0 : i32
      %dma_start3A_826 = tpu.memref_slice %arg10[%dma_start3A_824, %dma_start3A_825] : memref<1024x16xf32, #tpu.memory_space<vmem>> -> memref<128x16xf32, #tpu.memory_space<vmem>>
      %dma_start3A_827 = arith.constant 0 : i32
      %dma_start3A_828 = tpu.memref_slice %arg9[%add3A_823, %dma_start3A_827] : memref<96x128xi32, #tpu.memory_space<vmem>> -> memref<1x128xi32, #tpu.memory_space<vmem>>
      %dma_start3A_829 = tpu.memref_squeeze %dma_start3A_828 : memref<1x128xi32, #tpu.memory_space<vmem>> -> memref<128xi32, #tpu.memory_space<vmem>>
      %dma_start3A_830 = arith.constant 0 : i32
      %dma_start3A_831 = arith.constant 0 : i32
      %dma_start3A_832 = tpu.memref_slice %arg6[%dma_start3A_830, %dma_start3A_831] : memref<10240x16xf32, #tpu.memory_space<vmem_shared>> -> memref<10240x16xf32, #tpu.memory_space<vmem_shared>>
      tpu.enqueue_indirect_dma source(%dma_start3A_826 : memref<128x16xf32, #tpu.memory_space<vmem>>) target(%dma_start3A_832 : memref<10240x16xf32, #tpu.memory_space<vmem_shared>>) offsets(%dma_start3A_829 : memref<128xi32, #tpu.memory_space<vmem>>) semaphore(%arg15 : memref<!tpu.dma_semaphore, #tpu.memory_space<semaphore_mem>>) {add = true}
      %mul3A_833 = arith.constant 8 : i32
      %mul3A_834 = arith.muli %add3A_793, %mul3A_833 : i32
      %add3A_835 = arith.constant 3 : i32
      %add3A_836 = arith.addi %mul3A_834, %add3A_835 : i32
      %dma_start3A_837 = arith.constant 384 : i32
      %dma_start3A_838 = arith.constant 0 : i32
      %dma_start3A_839 = tpu.memref_slice %arg10[%dma_start3A_837, %dma_start3A_838] : memref<1024x16xf32, #tpu.memory_space<vmem>> -> memref<128x16xf32, #tpu.memory_space<vmem>>
      %dma_start3A_840 = arith.constant 0 : i32
      %dma_start3A_841 = tpu.memref_slice %arg9[%add3A_836, %dma_start3A_840] : memref<96x128xi32, #tpu.memory_space<vmem>> -> memref<1x128xi32, #tpu.memory_space<vmem>>
      %dma_start3A_842 = tpu.memref_squeeze %dma_start3A_841 : memref<1x128xi32, #tpu.memory_space<vmem>> -> memref<128xi32, #tpu.memory_space<vmem>>
      %dma_start3A_843 = arith.constant 0 : i32
      %dma_start3A_844 = arith.constant 0 : i32
      %dma_start3A_845 = tpu.memref_slice %arg6[%dma_start3A_843, %dma_start3A_844] : memref<10240x16xf32, #tpu.memory_space<vmem_shared>> -> memref<10240x16xf32, #tpu.memory_space<vmem_shared>>
      tpu.enqueue_indirect_dma source(%dma_start3A_839 : memref<128x16xf32, #tpu.memory_space<vmem>>) target(%dma_start3A_845 : memref<10240x16xf32, #tpu.memory_space<vmem_shared>>) offsets(%dma_start3A_842 : memref<128xi32, #tpu.memory_space<vmem>>) semaphore(%arg15 : memref<!tpu.dma_semaphore, #tpu.memory_space<semaphore_mem>>) {add = true}
      %mul3A_846 = arith.constant 8 : i32
      %mul3A_847 = arith.muli %add3A_793, %mul3A_846 : i32
      %add3A_848 = arith.constant 4 : i32
      %add3A_849 = arith.addi %mul3A_847, %add3A_848 : i32
      %dma_start3A_850 = arith.constant 512 : i32
      %dma_start3A_851 = arith.constant 0 : i32
      %dma_start3A_852 = tpu.memref_slice %arg10[%dma_start3A_850, %dma_start3A_851] : memref<1024x16xf32, #tpu.memory_space<vmem>> -> memref<128x16xf32, #tpu.memory_space<vmem>>
      %dma_start3A_853 = arith.constant 0 : i32
      %dma_start3A_854 = tpu.memref_slice %arg9[%add3A_849, %dma_start3A_853] : memref<96x128xi32, #tpu.memory_space<vmem>> -> memref<1x128xi32, #tpu.memory_space<vmem>>
      %dma_start3A_855 = tpu.memref_squeeze %dma_start3A_854 : memref<1x128xi32, #tpu.memory_space<vmem>> -> memref<128xi32, #tpu.memory_space<vmem>>
      %dma_start3A_856 = arith.constant 0 : i32
      %dma_start3A_857 = arith.constant 0 : i32
      %dma_start3A_858 = tpu.memref_slice %arg6[%dma_start3A_856, %dma_start3A_857] : memref<10240x16xf32, #tpu.memory_space<vmem_shared>> -> memref<10240x16xf32, #tpu.memory_space<vmem_shared>>
      tpu.enqueue_indirect_dma source(%dma_start3A_852 : memref<128x16xf32, #tpu.memory_space<vmem>>) target(%dma_start3A_858 : memref<10240x16xf32, #tpu.memory_space<vmem_shared>>) offsets(%dma_start3A_855 : memref<128xi32, #tpu.memory_space<vmem>>) semaphore(%arg15 : memref<!tpu.dma_semaphore, #tpu.memory_space<semaphore_mem>>) {add = true}
      %mul3A_859 = arith.constant 8 : i32
      %mul3A_860 = arith.muli %add3A_793, %mul3A_859 : i32
      %add3A_861 = arith.constant 5 : i32
      %add3A_862 = arith.addi %mul3A_860, %add3A_861 : i32
      %dma_start3A_863 = arith.constant 640 : i32
      %dma_start3A_864 = arith.constant 0 : i32
      %dma_start3A_865 = tpu.memref_slice %arg10[%dma_start3A_863, %dma_start3A_864] : memref<1024x16xf32, #tpu.memory_space<vmem>> -> memref<128x16xf32, #tpu.memory_space<vmem>>
      %dma_start3A_866 = arith.constant 0 : i32
      %dma_start3A_867 = tpu.memref_slice %arg9[%add3A_862, %dma_start3A_866] : memref<96x128xi32, #tpu.memory_space<vmem>> -> memref<1x128xi32, #tpu.memory_space<vmem>>
      %dma_start3A_868 = tpu.memref_squeeze %dma_start3A_867 : memref<1x128xi32, #tpu.memory_space<vmem>> -> memref<128xi32, #tpu.memory_space<vmem>>
      %dma_start3A_869 = arith.constant 0 : i32
      %dma_start3A_870 = arith.constant 0 : i32
      %dma_start3A_871 = tpu.memref_slice %arg6[%dma_start3A_869, %dma_start3A_870] : memref<10240x16xf32, #tpu.memory_space<vmem_shared>> -> memref<10240x16xf32, #tpu.memory_space<vmem_shared>>
      tpu.enqueue_indirect_dma source(%dma_start3A_865 : memref<128x16xf32, #tpu.memory_space<vmem>>) target(%dma_start3A_871 : memref<10240x16xf32, #tpu.memory_space<vmem_shared>>) offsets(%dma_start3A_868 : memref<128xi32, #tpu.memory_space<vmem>>) semaphore(%arg15 : memref<!tpu.dma_semaphore, #tpu.memory_space<semaphore_mem>>) {add = true}
      %mul3A_872 = arith.constant 8 : i32
      %mul3A_873 = arith.muli %add3A_793, %mul3A_872 : i32
      %add3A_874 = arith.constant 6 : i32
      %add3A_875 = arith.addi %mul3A_873, %add3A_874 : i32
      %dma_start3A_876 = arith.constant 768 : i32
      %dma_start3A_877 = arith.constant 0 : i32
      %dma_start3A_878 = tpu.memref_slice %arg10[%dma_start3A_876, %dma_start3A_877] : memref<1024x16xf32, #tpu.memory_space<vmem>> -> memref<128x16xf32, #tpu.memory_space<vmem>>
      %dma_start3A_879 = arith.constant 0 : i32
      %dma_start3A_880 = tpu.memref_slice %arg9[%add3A_875, %dma_start3A_879] : memref<96x128xi32, #tpu.memory_space<vmem>> -> memref<1x128xi32, #tpu.memory_space<vmem>>
      %dma_start3A_881 = tpu.memref_squeeze %dma_start3A_880 : memref<1x128xi32, #tpu.memory_space<vmem>> -> memref<128xi32, #tpu.memory_space<vmem>>
      %dma_start3A_882 = arith.constant 0 : i32
      %dma_start3A_883 = arith.constant 0 : i32
      %dma_start3A_884 = tpu.memref_slice %arg6[%dma_start3A_882, %dma_start3A_883] : memref<10240x16xf32, #tpu.memory_space<vmem_shared>> -> memref<10240x16xf32, #tpu.memory_space<vmem_shared>>
      tpu.enqueue_indirect_dma source(%dma_start3A_878 : memref<128x16xf32, #tpu.memory_space<vmem>>) target(%dma_start3A_884 : memref<10240x16xf32, #tpu.memory_space<vmem_shared>>) offsets(%dma_start3A_881 : memref<128xi32, #tpu.memory_space<vmem>>) semaphore(%arg15 : memref<!tpu.dma_semaphore, #tpu.memory_space<semaphore_mem>>) {add = true}
      %mul3A_885 = arith.constant 8 : i32
      %mul3A_886 = arith.muli %add3A_793, %mul3A_885 : i32
      %add3A_887 = arith.constant 7 : i32
      %add3A_888 = arith.addi %mul3A_886, %add3A_887 : i32
      %dma_start3A_889 = arith.constant 896 : i32
      %dma_start3A_890 = arith.constant 0 : i32
      %dma_start3A_891 = tpu.memref_slice %arg10[%dma_start3A_889, %dma_start3A_890] : memref<1024x16xf32, #tpu.memory_space<vmem>> -> memref<128x16xf32, #tpu.memory_space<vmem>>
      %dma_start3A_892 = arith.constant 0 : i32
      %dma_start3A_893 = tpu.memref_slice %arg9[%add3A_888, %dma_start3A_892] : memref<96x128xi32, #tpu.memory_space<vmem>> -> memref<1x128xi32, #tpu.memory_space<vmem>>
      %dma_start3A_894 = tpu.memref_squeeze %dma_start3A_893 : memref<1x128xi32, #tpu.memory_space<vmem>> -> memref<128xi32, #tpu.memory_space<vmem>>
      %dma_start3A_895 = arith.constant 0 : i32
      %dma_start3A_896 = arith.constant 0 : i32
      %dma_start3A_897 = tpu.memref_slice %arg6[%dma_start3A_895, %dma_start3A_896] : memref<10240x16xf32, #tpu.memory_space<vmem_shared>> -> memref<10240x16xf32, #tpu.memory_space<vmem_shared>>
      tpu.enqueue_indirect_dma source(%dma_start3A_891 : memref<128x16xf32, #tpu.memory_space<vmem>>) target(%dma_start3A_897 : memref<10240x16xf32, #tpu.memory_space<vmem_shared>>) offsets(%dma_start3A_894 : memref<128xi32, #tpu.memory_space<vmem>>) semaphore(%arg15 : memref<!tpu.dma_semaphore, #tpu.memory_space<semaphore_mem>>) {add = true}
      %while3A_898 = arith.constant 0 : i32
      scf.yield %while3A_898 : i32
    }
    %dma_wait3A_318 = arith.constant 0 : i32
    %dma_wait3A_319 = arith.constant 0 : i32
    %dma_wait3A_320 = tpu.memref_slice %arg6[%dma_wait3A_318, %dma_wait3A_319] : memref<10240x16xf32, #tpu.memory_space<vmem_shared>> -> memref<1024x16xf32, #tpu.memory_space<vmem_shared>>
    %dma_wait3A_321 = arith.constant 0 : i32
    %dma_wait3A_322 = arith.constant 0 : i32
    %dma_wait3A_323 = tpu.memref_slice %arg6[%dma_wait3A_321, %dma_wait3A_322] : memref<10240x16xf32, #tpu.memory_space<vmem_shared>> -> memref<1024x16xf32, #tpu.memory_space<vmem_shared>>
    tpu.wait_dma2 semaphore(%arg15 : memref<!tpu.dma_semaphore, #tpu.memory_space<semaphore_mem>>) src(%arg10 : memref<1024x16xf32, #tpu.memory_space<vmem>>) dst(%dma_wait3A_323 : memref<1024x16xf32, #tpu.memory_space<vmem_shared>>)
    %dma_wait3A_324 = arith.constant 0 : i32
    %dma_wait3A_325 = arith.constant 0 : i32
    %dma_wait3A_326 = tpu.memref_slice %arg6[%dma_wait3A_324, %dma_wait3A_325] : memref<10240x16xf32, #tpu.memory_space<vmem_shared>> -> memref<1024x16xf32, #tpu.memory_space<vmem_shared>>
    %dma_wait3A_327 = arith.constant 0 : i32
    %dma_wait3A_328 = arith.constant 0 : i32
    %dma_wait3A_329 = tpu.memref_slice %arg6[%dma_wait3A_327, %dma_wait3A_328] : memref<10240x16xf32, #tpu.memory_space<vmem_shared>> -> memref<1024x16xf32, #tpu.memory_space<vmem_shared>>
    tpu.wait_dma2 semaphore(%arg14 : memref<!tpu.dma_semaphore, #tpu.memory_space<semaphore_mem>>) src(%arg11 : memref<1024x16xf32, #tpu.memory_space<vmem>>) dst(%dma_wait3A_329 : memref<1024x16xf32, #tpu.memory_space<vmem_shared>>)
    %sub3A_330 = arith.constant 1 : i32
    %sub3A_331 = arith.subi %select_n3A, %sub3A_330 : i32
    %mul3A_332 = arith.constant 8 : i32
    %mul3A_333 = arith.muli %sub3A_331, %mul3A_332 : i32
    %add3A_334 = arith.constant 0 : i32
    %add3A_335 = arith.addi %mul3A_333, %add3A_334 : i32
    %dma_start3A_336 = arith.constant 0 : i32
    %dma_start3A_337 = arith.constant 0 : i32
    %dma_start3A_338 = tpu.memref_slice %arg11[%dma_start3A_336, %dma_start3A_337] : memref<1024x16xf32, #tpu.memory_space<vmem>> -> memref<128x16xf32, #tpu.memory_space<vmem>>
    %dma_start3A_339 = arith.constant 0 : i32
    %dma_start3A_340 = tpu.memref_slice %arg9[%add3A_335, %dma_start3A_339] : memref<96x128xi32, #tpu.memory_space<vmem>> -> memref<1x128xi32, #tpu.memory_space<vmem>>
    %dma_start3A_341 = tpu.memref_squeeze %dma_start3A_340 : memref<1x128xi32, #tpu.memory_space<vmem>> -> memref<128xi32, #tpu.memory_space<vmem>>
    %dma_start3A_342 = arith.constant 0 : i32
    %dma_start3A_343 = arith.constant 0 : i32
    %dma_start3A_344 = tpu.memref_slice %arg6[%dma_start3A_342, %dma_start3A_343] : memref<10240x16xf32, #tpu.memory_space<vmem_shared>> -> memref<10240x16xf32, #tpu.memory_space<vmem_shared>>
    tpu.enqueue_indirect_dma source(%dma_start3A_338 : memref<128x16xf32, #tpu.memory_space<vmem>>) target(%dma_start3A_344 : memref<10240x16xf32, #tpu.memory_space<vmem_shared>>) offsets(%dma_start3A_341 : memref<128xi32, #tpu.memory_space<vmem>>) semaphore(%arg16 : memref<!tpu.dma_semaphore, #tpu.memory_space<semaphore_mem>>) {add = true}
    %mul3A_345 = arith.constant 8 : i32
    %mul3A_346 = arith.muli %sub3A_331, %mul3A_345 : i32
    %add3A_347 = arith.constant 1 : i32
    %add3A_348 = arith.addi %mul3A_346, %add3A_347 : i32
    %dma_start3A_349 = arith.constant 128 : i32
    %dma_start3A_350 = arith.constant 0 : i32
    %dma_start3A_351 = tpu.memref_slice %arg11[%dma_start3A_349, %dma_start3A_350] : memref<1024x16xf32, #tpu.memory_space<vmem>> -> memref<128x16xf32, #tpu.memory_space<vmem>>
    %dma_start3A_352 = arith.constant 0 : i32
    %dma_start3A_353 = tpu.memref_slice %arg9[%add3A_348, %dma_start3A_352] : memref<96x128xi32, #tpu.memory_space<vmem>> -> memref<1x128xi32, #tpu.memory_space<vmem>>
    %dma_start3A_354 = tpu.memref_squeeze %dma_start3A_353 : memref<1x128xi32, #tpu.memory_space<vmem>> -> memref<128xi32, #tpu.memory_space<vmem>>
    %dma_start3A_355 = arith.constant 0 : i32
    %dma_start3A_356 = arith.constant 0 : i32
    %dma_start3A_357 = tpu.memref_slice %arg6[%dma_start3A_355, %dma_start3A_356] : memref<10240x16xf32, #tpu.memory_space<vmem_shared>> -> memref<10240x16xf32, #tpu.memory_space<vmem_shared>>
    tpu.enqueue_indirect_dma source(%dma_start3A_351 : memref<128x16xf32, #tpu.memory_space<vmem>>) target(%dma_start3A_357 : memref<10240x16xf32, #tpu.memory_space<vmem_shared>>) offsets(%dma_start3A_354 : memref<128xi32, #tpu.memory_space<vmem>>) semaphore(%arg16 : memref<!tpu.dma_semaphore, #tpu.memory_space<semaphore_mem>>) {add = true}
    %mul3A_358 = arith.constant 8 : i32
    %mul3A_359 = arith.muli %sub3A_331, %mul3A_358 : i32
    %add3A_360 = arith.constant 2 : i32
    %add3A_361 = arith.addi %mul3A_359, %add3A_360 : i32
    %dma_start3A_362 = arith.constant 256 : i32
    %dma_start3A_363 = arith.constant 0 : i32
    %dma_start3A_364 = tpu.memref_slice %arg11[%dma_start3A_362, %dma_start3A_363] : memref<1024x16xf32, #tpu.memory_space<vmem>> -> memref<128x16xf32, #tpu.memory_space<vmem>>
    %dma_start3A_365 = arith.constant 0 : i32
    %dma_start3A_366 = tpu.memref_slice %arg9[%add3A_361, %dma_start3A_365] : memref<96x128xi32, #tpu.memory_space<vmem>> -> memref<1x128xi32, #tpu.memory_space<vmem>>
    %dma_start3A_367 = tpu.memref_squeeze %dma_start3A_366 : memref<1x128xi32, #tpu.memory_space<vmem>> -> memref<128xi32, #tpu.memory_space<vmem>>
    %dma_start3A_368 = arith.constant 0 : i32
    %dma_start3A_369 = arith.constant 0 : i32
    %dma_start3A_370 = tpu.memref_slice %arg6[%dma_start3A_368, %dma_start3A_369] : memref<10240x16xf32, #tpu.memory_space<vmem_shared>> -> memref<10240x16xf32, #tpu.memory_space<vmem_shared>>
    tpu.enqueue_indirect_dma source(%dma_start3A_364 : memref<128x16xf32, #tpu.memory_space<vmem>>) target(%dma_start3A_370 : memref<10240x16xf32, #tpu.memory_space<vmem_shared>>) offsets(%dma_start3A_367 : memref<128xi32, #tpu.memory_space<vmem>>) semaphore(%arg16 : memref<!tpu.dma_semaphore, #tpu.memory_space<semaphore_mem>>) {add = true}
    %mul3A_371 = arith.constant 8 : i32
    %mul3A_372 = arith.muli %sub3A_331, %mul3A_371 : i32
    %add3A_373 = arith.constant 3 : i32
    %add3A_374 = arith.addi %mul3A_372, %add3A_373 : i32
    %dma_start3A_375 = arith.constant 384 : i32
    %dma_start3A_376 = arith.constant 0 : i32
    %dma_start3A_377 = tpu.memref_slice %arg11[%dma_start3A_375, %dma_start3A_376] : memref<1024x16xf32, #tpu.memory_space<vmem>> -> memref<128x16xf32, #tpu.memory_space<vmem>>
    %dma_start3A_378 = arith.constant 0 : i32
    %dma_start3A_379 = tpu.memref_slice %arg9[%add3A_374, %dma_start3A_378] : memref<96x128xi32, #tpu.memory_space<vmem>> -> memref<1x128xi32, #tpu.memory_space<vmem>>
    %dma_start3A_380 = tpu.memref_squeeze %dma_start3A_379 : memref<1x128xi32, #tpu.memory_space<vmem>> -> memref<128xi32, #tpu.memory_space<vmem>>
    %dma_start3A_381 = arith.constant 0 : i32
    %dma_start3A_382 = arith.constant 0 : i32
    %dma_start3A_383 = tpu.memref_slice %arg6[%dma_start3A_381, %dma_start3A_382] : memref<10240x16xf32, #tpu.memory_space<vmem_shared>> -> memref<10240x16xf32, #tpu.memory_space<vmem_shared>>
    tpu.enqueue_indirect_dma source(%dma_start3A_377 : memref<128x16xf32, #tpu.memory_space<vmem>>) target(%dma_start3A_383 : memref<10240x16xf32, #tpu.memory_space<vmem_shared>>) offsets(%dma_start3A_380 : memref<128xi32, #tpu.memory_space<vmem>>) semaphore(%arg16 : memref<!tpu.dma_semaphore, #tpu.memory_space<semaphore_mem>>) {add = true}
    %mul3A_384 = arith.constant 8 : i32
    %mul3A_385 = arith.muli %sub3A_331, %mul3A_384 : i32
    %add3A_386 = arith.constant 4 : i32
    %add3A_387 = arith.addi %mul3A_385, %add3A_386 : i32
    %dma_start3A_388 = arith.constant 512 : i32
    %dma_start3A_389 = arith.constant 0 : i32
    %dma_start3A_390 = tpu.memref_slice %arg11[%dma_start3A_388, %dma_start3A_389] : memref<1024x16xf32, #tpu.memory_space<vmem>> -> memref<128x16xf32, #tpu.memory_space<vmem>>
    %dma_start3A_391 = arith.constant 0 : i32
    %dma_start3A_392 = tpu.memref_slice %arg9[%add3A_387, %dma_start3A_391] : memref<96x128xi32, #tpu.memory_space<vmem>> -> memref<1x128xi32, #tpu.memory_space<vmem>>
    %dma_start3A_393 = tpu.memref_squeeze %dma_start3A_392 : memref<1x128xi32, #tpu.memory_space<vmem>> -> memref<128xi32, #tpu.memory_space<vmem>>
    %dma_start3A_394 = arith.constant 0 : i32
    %dma_start3A_395 = arith.constant 0 : i32
    %dma_start3A_396 = tpu.memref_slice %arg6[%dma_start3A_394, %dma_start3A_395] : memref<10240x16xf32, #tpu.memory_space<vmem_shared>> -> memref<10240x16xf32, #tpu.memory_space<vmem_shared>>
    tpu.enqueue_indirect_dma source(%dma_start3A_390 : memref<128x16xf32, #tpu.memory_space<vmem>>) target(%dma_start3A_396 : memref<10240x16xf32, #tpu.memory_space<vmem_shared>>) offsets(%dma_start3A_393 : memref<128xi32, #tpu.memory_space<vmem>>) semaphore(%arg16 : memref<!tpu.dma_semaphore, #tpu.memory_space<semaphore_mem>>) {add = true}
    %mul3A_397 = arith.constant 8 : i32
    %mul3A_398 = arith.muli %sub3A_331, %mul3A_397 : i32
    %add3A_399 = arith.constant 5 : i32
    %add3A_400 = arith.addi %mul3A_398, %add3A_399 : i32
    %dma_start3A_401 = arith.constant 640 : i32
    %dma_start3A_402 = arith.constant 0 : i32
    %dma_start3A_403 = tpu.memref_slice %arg11[%dma_start3A_401, %dma_start3A_402] : memref<1024x16xf32, #tpu.memory_space<vmem>> -> memref<128x16xf32, #tpu.memory_space<vmem>>
    %dma_start3A_404 = arith.constant 0 : i32
    %dma_start3A_405 = tpu.memref_slice %arg9[%add3A_400, %dma_start3A_404] : memref<96x128xi32, #tpu.memory_space<vmem>> -> memref<1x128xi32, #tpu.memory_space<vmem>>
    %dma_start3A_406 = tpu.memref_squeeze %dma_start3A_405 : memref<1x128xi32, #tpu.memory_space<vmem>> -> memref<128xi32, #tpu.memory_space<vmem>>
    %dma_start3A_407 = arith.constant 0 : i32
    %dma_start3A_408 = arith.constant 0 : i32
    %dma_start3A_409 = tpu.memref_slice %arg6[%dma_start3A_407, %dma_start3A_408] : memref<10240x16xf32, #tpu.memory_space<vmem_shared>> -> memref<10240x16xf32, #tpu.memory_space<vmem_shared>>
    tpu.enqueue_indirect_dma source(%dma_start3A_403 : memref<128x16xf32, #tpu.memory_space<vmem>>) target(%dma_start3A_409 : memref<10240x16xf32, #tpu.memory_space<vmem_shared>>) offsets(%dma_start3A_406 : memref<128xi32, #tpu.memory_space<vmem>>) semaphore(%arg16 : memref<!tpu.dma_semaphore, #tpu.memory_space<semaphore_mem>>) {add = true}
    %mul3A_410 = arith.constant 8 : i32
    %mul3A_411 = arith.muli %sub3A_331, %mul3A_410 : i32
    %add3A_412 = arith.constant 6 : i32
    %add3A_413 = arith.addi %mul3A_411, %add3A_412 : i32
    %dma_start3A_414 = arith.constant 768 : i32
    %dma_start3A_415 = arith.constant 0 : i32
    %dma_start3A_416 = tpu.memref_slice %arg11[%dma_start3A_414, %dma_start3A_415] : memref<1024x16xf32, #tpu.memory_space<vmem>> -> memref<128x16xf32, #tpu.memory_space<vmem>>
    %dma_start3A_417 = arith.constant 0 : i32
    %dma_start3A_418 = tpu.memref_slice %arg9[%add3A_413, %dma_start3A_417] : memref<96x128xi32, #tpu.memory_space<vmem>> -> memref<1x128xi32, #tpu.memory_space<vmem>>
    %dma_start3A_419 = tpu.memref_squeeze %dma_start3A_418 : memref<1x128xi32, #tpu.memory_space<vmem>> -> memref<128xi32, #tpu.memory_space<vmem>>
    %dma_start3A_420 = arith.constant 0 : i32
    %dma_start3A_421 = arith.constant 0 : i32
    %dma_start3A_422 = tpu.memref_slice %arg6[%dma_start3A_420, %dma_start3A_421] : memref<10240x16xf32, #tpu.memory_space<vmem_shared>> -> memref<10240x16xf32, #tpu.memory_space<vmem_shared>>
    tpu.enqueue_indirect_dma source(%dma_start3A_416 : memref<128x16xf32, #tpu.memory_space<vmem>>) target(%dma_start3A_422 : memref<10240x16xf32, #tpu.memory_space<vmem_shared>>) offsets(%dma_start3A_419 : memref<128xi32, #tpu.memory_space<vmem>>) semaphore(%arg16 : memref<!tpu.dma_semaphore, #tpu.memory_space<semaphore_mem>>) {add = true}
    %mul3A_423 = arith.constant 8 : i32
    %mul3A_424 = arith.muli %sub3A_331, %mul3A_423 : i32
    %add3A_425 = arith.constant 7 : i32
    %add3A_426 = arith.addi %mul3A_424, %add3A_425 : i32
    %dma_start3A_427 = arith.constant 896 : i32
    %dma_start3A_428 = arith.constant 0 : i32
    %dma_start3A_429 = tpu.memref_slice %arg11[%dma_start3A_427, %dma_start3A_428] : memref<1024x16xf32, #tpu.memory_space<vmem>> -> memref<128x16xf32, #tpu.memory_space<vmem>>
    %dma_start3A_430 = arith.constant 0 : i32
    %dma_start3A_431 = tpu.memref_slice %arg9[%add3A_426, %dma_start3A_430] : memref<96x128xi32, #tpu.memory_space<vmem>> -> memref<1x128xi32, #tpu.memory_space<vmem>>
    %dma_start3A_432 = tpu.memref_squeeze %dma_start3A_431 : memref<1x128xi32, #tpu.memory_space<vmem>> -> memref<128xi32, #tpu.memory_space<vmem>>
    %dma_start3A_433 = arith.constant 0 : i32
    %dma_start3A_434 = arith.constant 0 : i32
    %dma_start3A_435 = tpu.memref_slice %arg6[%dma_start3A_433, %dma_start3A_434] : memref<10240x16xf32, #tpu.memory_space<vmem_shared>> -> memref<10240x16xf32, #tpu.memory_space<vmem_shared>>
    tpu.enqueue_indirect_dma source(%dma_start3A_429 : memref<128x16xf32, #tpu.memory_space<vmem>>) target(%dma_start3A_435 : memref<10240x16xf32, #tpu.memory_space<vmem_shared>>) offsets(%dma_start3A_432 : memref<128xi32, #tpu.memory_space<vmem>>) semaphore(%arg16 : memref<!tpu.dma_semaphore, #tpu.memory_space<semaphore_mem>>) {add = true}
    %dma_wait3A_436 = arith.constant 0 : i32
    %dma_wait3A_437 = arith.constant 0 : i32
    %dma_wait3A_438 = tpu.memref_slice %arg6[%dma_wait3A_436, %dma_wait3A_437] : memref<10240x16xf32, #tpu.memory_space<vmem_shared>> -> memref<1024x16xf32, #tpu.memory_space<vmem_shared>>
    %dma_wait3A_439 = arith.constant 0 : i32
    %dma_wait3A_440 = arith.constant 0 : i32
    %dma_wait3A_441 = tpu.memref_slice %arg6[%dma_wait3A_439, %dma_wait3A_440] : memref<10240x16xf32, #tpu.memory_space<vmem_shared>> -> memref<1024x16xf32, #tpu.memory_space<vmem_shared>>
    tpu.wait_dma2 semaphore(%arg16 : memref<!tpu.dma_semaphore, #tpu.memory_space<semaphore_mem>>) src(%arg11 : memref<1024x16xf32, #tpu.memory_space<vmem>>) dst(%dma_wait3A_441 : memref<1024x16xf32, #tpu.memory_space<vmem_shared>>)
    %barrier3A_442 = arith.constant 0 : index
    tpu.barrier barrier_id(%barrier3A_442)
    "tpu.region"() ({
      %run_scoped3A = tpu.sem_alloc : memref<!tpu.dma_semaphore, #tpu.memory_space<semaphore_mem>>
      %dma_start3A_446 = arith.constant 0 : i32
      %dma_start3A_447 = tpu.memref_slice %arg6[%mul3A_27, %dma_start3A_446] : memref<10240x16xf32, #tpu.memory_space<vmem_shared>> -> memref<640x16xf32, #tpu.memory_space<vmem_shared>>
      %dma_start3A_448 = arith.constant 0 : i32
      %dma_start3A_449 = tpu.memref_slice %arg6[%mul3A_27, %dma_start3A_448] : memref<10240x16xf32, #tpu.memory_space<vmem_shared>> -> memref<640x16xf32, #tpu.memory_space<vmem_shared>>
      tpu.enqueue_dma source(%dma_start3A_449 : memref<640x16xf32, #tpu.memory_space<vmem_shared>>) target(%arg12 : memref<640x16xf32, #tpu.memory_space<vmem>>) target_semaphore(%run_scoped3A : memref<!tpu.dma_semaphore, #tpu.memory_space<semaphore_mem>>)
      %dma_wait3A_450 = arith.constant 0 : i32
      %dma_wait3A_451 = tpu.memref_slice %arg6[%mul3A_27, %dma_wait3A_450] : memref<10240x16xf32, #tpu.memory_space<vmem_shared>> -> memref<640x16xf32, #tpu.memory_space<vmem_shared>>
      %dma_wait3A_452 = arith.constant 0 : i32
      %dma_wait3A_453 = tpu.memref_slice %arg6[%mul3A_27, %dma_wait3A_452] : memref<10240x16xf32, #tpu.memory_space<vmem_shared>> -> memref<640x16xf32, #tpu.memory_space<vmem_shared>>
      tpu.wait_dma2 semaphore(%run_scoped3A : memref<!tpu.dma_semaphore, #tpu.memory_space<semaphore_mem>>) src(%dma_wait3A_453 : memref<640x16xf32, #tpu.memory_space<vmem_shared>>) dst(%arg12 : memref<640x16xf32, #tpu.memory_space<vmem>>)
      tpu.yield
    }) : () -> ()
    %mul3A_443 = arith.constant 10240 : i32
    %mul3A_444 = arith.muli %arg0, %mul3A_443 : i32
    %add3A_445 = arith.addi %mul3A_444, %mul3A_27 : i32
    "tpu.region"() ({
      %run_scoped3A = tpu.sem_alloc : memref<!tpu.dma_semaphore, #tpu.memory_space<semaphore_mem>>
      %dma_start3A_446 = arith.constant 0 : i32
      %dma_start3A_447 = tpu.memref_slice %arg5[%add3A_445, %dma_start3A_446] : memref<20480x16xf32, #tpu.memory_space<hbm>> -> memref<640x16xf32, #tpu.memory_space<hbm>>
      %dma_start3A_448 = arith.constant 0 : i32
      %dma_start3A_449 = tpu.memref_slice %arg5[%add3A_445, %dma_start3A_448] : memref<20480x16xf32, #tpu.memory_space<hbm>> -> memref<640x16xf32, #tpu.memory_space<hbm>>
      tpu.enqueue_dma source(%arg12 : memref<640x16xf32, #tpu.memory_space<vmem>>) target(%dma_start3A_449 : memref<640x16xf32, #tpu.memory_space<hbm>>) target_semaphore(%run_scoped3A : memref<!tpu.dma_semaphore, #tpu.memory_space<semaphore_mem>>)
      %dma_wait3A_450 = arith.constant 0 : i32
      %dma_wait3A_451 = tpu.memref_slice %arg5[%add3A_445, %dma_wait3A_450] : memref<20480x16xf32, #tpu.memory_space<hbm>> -> memref<640x16xf32, #tpu.memory_space<hbm>>
      %dma_wait3A_452 = arith.constant 0 : i32
      %dma_wait3A_453 = tpu.memref_slice %arg5[%add3A_445, %dma_wait3A_452] : memref<20480x16xf32, #tpu.memory_space<hbm>> -> memref<640x16xf32, #tpu.memory_space<hbm>>
      tpu.wait_dma2 semaphore(%run_scoped3A : memref<!tpu.dma_semaphore, #tpu.memory_space<semaphore_mem>>) src(%arg12 : memref<640x16xf32, #tpu.memory_space<vmem>>) dst(%dma_wait3A_453 : memref<640x16xf32, #tpu.memory_space<hbm>>)
      tpu.yield
    }) : () -> ()
    return
  }
}

module attributes {stable_mosaic.version = 14 : i64} {
  func.func @_tc1_body(%arg0: i32, %arg1: memref<1024x128xf32, #tpu.memory_space<vmem>>, %arg2: memref<128x16xf32, #tpu.memory_space<vmem>>, %arg3: memref<2x1024xf32, #tpu.memory_space<vmem>>, %arg4: memref<1024x16xf32, #tpu.memory_space<vmem>>) attributes {dimension_semantics = [#tpu.dimension_semantics<arbitrary>], iteration_bounds = array<i64: 10>, scalar_prefetch = 0 : i64, scratch_operands = 0 : i64, tpu.core_type = #tpu.core_type<tc>, window_params = [{transform_indices = @transform_0, window_bounds = array<i64: 1024, 128>}, {pipeline_mode = #tpu.pipeline_mode<synchronous>, transform_indices = @transform_1, window_bounds = array<i64: 128, 16>}, {transform_indices = @transform_2, window_bounds = array<i64: 2, 1024>}, {transform_indices = @transform_3, window_bounds = array<i64: 1024, 16>}]} {
    %get3A = arith.constant 0 : index
    %get3A_0 = arith.constant 0 : index
    %get3A_1 = vector.load %arg3[%get3A, %get3A_0] : memref<2x1024xf32, #tpu.memory_space<vmem>>, vector<1x1024xf32>
    %get3A_2 = vector.shape_cast %get3A_1 : vector<1x1024xf32> to vector<1024xf32>
    %add3A = arith.constant 1.000000e+00 : f32
    %add3A_3 = vector.broadcast %add3A : f32 to vector<1024xf32>
    %add3A_4 = arith.addf %get3A_2, %add3A_3 : vector<1024xf32>
    %get3A_5 = arith.constant 1 : index
    %get3A_6 = arith.constant 0 : index
    %get3A_7 = vector.load %arg3[%get3A_5, %get3A_6] : memref<2x1024xf32, #tpu.memory_space<vmem>>, vector<1x1024xf32>
    %get3A_8 = vector.shape_cast %get3A_7 : vector<1x1024xf32> to vector<1024xf32>
    %add3A_9 = arith.addf %add3A_4, %get3A_8 : vector<1024xf32>
    %rsqrt3A = math.rsqrt %add3A_9 : vector<1024xf32>
    %get3A_10 = arith.constant 0 : index
    %get3A_11 = arith.constant 0 : index
    %get3A_12 = vector.load %arg1[%get3A_10, %get3A_11] : memref<1024x128xf32, #tpu.memory_space<vmem>>, vector<1024x128xf32>
    %get3A_13 = arith.constant 0 : index
    %get3A_14 = arith.constant 0 : index
    %get3A_15 = vector.load %arg2[%get3A_13, %get3A_14] : memref<128x16xf32, #tpu.memory_space<vmem>>, vector<128x16xf32>
    %dot_general3A = arith.constant dense<0.000000e+00> : vector<1024x16xf32>
    %dot_general3A_16 = tpu.matmul %get3A_12, %get3A_15, %dot_general3A {dimension_numbers = #tpu.dot_dimension_numbers<[1], [0], [0], [1], [0, 0, 1, 1], [], []>, transpose_lhs_hint = false} : vector<1024x128xf32>, vector<128x16xf32>, vector<1024x16xf32> -> vector<1024x16xf32>
    %broadcast_in_dim3A = vector.shape_cast %rsqrt3A : vector<1024xf32> to vector<1024x1xf32>
    %mul3A = vector.broadcast %broadcast_in_dim3A : vector<1024x1xf32> to vector<1024x16xf32>
    %mul3A_17 = arith.mulf %dot_general3A_16, %mul3A : vector<1024x16xf32>
    %swap3A = arith.constant 0 : index
    %swap3A_18 = arith.constant 0 : index
    %swap3A_19 = vector.load %arg4[%swap3A, %swap3A_18] : memref<1024x16xf32, #tpu.memory_space<vmem>>, vector<1024x16xf32>
    tpu.vector_store %arg4[%swap3A, %swap3A_18], %mul3A_17 {strides = array<i32>} : memref<1024x16xf32, #tpu.memory_space<vmem>>, vector<1024x16xf32>,
    return
  }
  func.func @transform_0(%arg0: i32) -> (i32, i32) {
    %c0_i32 = arith.constant 0 : i32
    %c0_i32_0 = arith.constant 0 : i32
    return %arg0, %c0_i32 : i32, i32
  }
  func.func @transform_1(%arg0: i32) -> (i32, i32) {
    %c0_i32 = arith.constant 0 : i32
    %c0_i32_0 = arith.constant 0 : i32
    %c0_i32_1 = arith.constant 0 : i32
    return %c0_i32, %c0_i32_0 : i32, i32
  }
  func.func @transform_2(%arg0: i32) -> (i32, i32) {
    %c0_i32 = arith.constant 0 : i32
    %c0_i32_0 = arith.constant 0 : i32
    return %c0_i32, %arg0 : i32, i32
  }
  func.func @transform_3(%arg0: i32) -> (i32, i32) {
    %c0_i32 = arith.constant 0 : i32
    %c0_i32_0 = arith.constant 0 : i32
    return %arg0, %c0_i32 : i32, i32
  }
}

module attributes {stable_mosaic.version = 14 : i64} {
  func.func @_tc2_body(%arg0: i32, %arg1: memref<1024x16xf32, #tpu.memory_space<vmem>>, %arg2: memref<1024x16xf32, #tpu.memory_space<vmem>>, %arg3: memref<1024x16xf32, #tpu.memory_space<vmem>>, %arg4: memref<2x1024xf32, #tpu.memory_space<vmem>>, %arg5: memref<1x16xf32, #tpu.memory_space<vmem>>, %arg6: memref<16x16xf32, #tpu.memory_space<vmem>>, %arg7: memref<1024x16xf32, #tpu.memory_space<vmem>>) attributes {dimension_semantics = [#tpu.dimension_semantics<arbitrary>], iteration_bounds = array<i64: 10>, scalar_prefetch = 0 : i64, scratch_operands = 0 : i64, tpu.core_type = #tpu.core_type<tc>, window_params = [{transform_indices = @transform_0, window_bounds = array<i64: 1024, 16>}, {transform_indices = @transform_1, window_bounds = array<i64: 1024, 16>}, {transform_indices = @transform_2, window_bounds = array<i64: 1024, 16>}, {transform_indices = @transform_3, window_bounds = array<i64: 2, 1024>}, {pipeline_mode = #tpu.pipeline_mode<synchronous>, transform_indices = @transform_4, window_bounds = array<i64: 1, 16>}, {pipeline_mode = #tpu.pipeline_mode<synchronous>, transform_indices = @transform_5, window_bounds = array<i64: 16, 16>}, {transform_indices = @transform_6, window_bounds = array<i64: 1024, 16>}]} {
    %get3A = arith.constant 0 : index
    %get3A_0 = arith.constant 0 : index
    %get3A_1 = vector.load %arg4[%get3A, %get3A_0] : memref<2x1024xf32, #tpu.memory_space<vmem>>, vector<1x1024xf32>
    %get3A_2 = vector.shape_cast %get3A_1 : vector<1x1024xf32> to vector<1024xf32>
    %add3A = arith.constant 1.000000e+00 : f32
    %add3A_3 = vector.broadcast %add3A : f32 to vector<1024xf32>
    %add3A_4 = arith.addf %get3A_2, %add3A_3 : vector<1024xf32>
    %get3A_5 = arith.constant 1 : index
    %get3A_6 = arith.constant 0 : index
    %get3A_7 = vector.load %arg4[%get3A_5, %get3A_6] : memref<2x1024xf32, #tpu.memory_space<vmem>>, vector<1x1024xf32>
    %get3A_8 = vector.shape_cast %get3A_7 : vector<1x1024xf32> to vector<1024xf32>
    %add3A_9 = arith.addf %add3A_4, %get3A_8 : vector<1024xf32>
    %rsqrt3A = math.rsqrt %add3A_9 : vector<1024xf32>
    %get3A_10 = arith.constant 0 : index
    %get3A_11 = arith.constant 0 : index
    %get3A_12 = vector.load %arg1[%get3A_10, %get3A_11] : memref<1024x16xf32, #tpu.memory_space<vmem>>, vector<1024x16xf32>
    %add3A_13 = arith.constant 0.000000e+00 : f32
    %add3A_14 = vector.broadcast %add3A_13 : f32 to vector<1024x16xf32>
    %add3A_15 = arith.addf %add3A_14, %get3A_12 : vector<1024x16xf32>
    %get3A_16 = arith.constant 0 : index
    %get3A_17 = arith.constant 0 : index
    %get3A_18 = vector.load %arg2[%get3A_16, %get3A_17] : memref<1024x16xf32, #tpu.memory_space<vmem>>, vector<1024x16xf32>
    %add3A_19 = arith.addf %add3A_15, %get3A_18 : vector<1024x16xf32>
    %get3A_20 = arith.constant 0 : index
    %get3A_21 = arith.constant 0 : index
    %get3A_22 = vector.load %arg3[%get3A_20, %get3A_21] : memref<1024x16xf32, #tpu.memory_space<vmem>>, vector<1024x16xf32>
    %add3A_23 = arith.addf %add3A_19, %get3A_22 : vector<1024x16xf32>
    %broadcast_in_dim3A = vector.shape_cast %rsqrt3A : vector<1024xf32> to vector<1024x1xf32>
    %mul3A = vector.broadcast %broadcast_in_dim3A : vector<1024x1xf32> to vector<1024x16xf32>
    %mul3A_24 = arith.mulf %add3A_23, %mul3A : vector<1024x16xf32>
    %get3A_25 = arith.constant 0 : index
    %get3A_26 = arith.constant 0 : index
    %get3A_27 = vector.load %arg5[%get3A_25, %get3A_26] : memref<1x16xf32, #tpu.memory_space<vmem>>, vector<1x16xf32>
    %add3A_28 = vector.broadcast %get3A_27 : vector<1x16xf32> to vector<1024x16xf32>
    %add3A_29 = arith.addf %mul3A_24, %add3A_28 : vector<1024x16xf32>
    %max3A = arith.constant 0.000000e+00 : f32
    %max3A_30 = vector.broadcast %max3A : f32 to vector<1024x16xf32>
    %max3A_31 = arith.maximumf %add3A_29, %max3A_30 : vector<1024x16xf32>
    %get3A_32 = arith.constant 0 : index
    %get3A_33 = arith.constant 0 : index
    %get3A_34 = vector.load %arg6[%get3A_32, %get3A_33] : memref<16x16xf32, #tpu.memory_space<vmem>>, vector<16x16xf32>
    %dot_general3A = arith.constant dense<0.000000e+00> : vector<1024x16xf32>
    %dot_general3A_35 = tpu.matmul %max3A_31, %get3A_34, %dot_general3A {dimension_numbers = #tpu.dot_dimension_numbers<[1], [0], [0], [1], [0, 0, 1, 1], [], []>, transpose_lhs_hint = false} : vector<1024x16xf32>, vector<16x16xf32>, vector<1024x16xf32> -> vector<1024x16xf32>
    %broadcast_in_dim3A_36 = vector.shape_cast %rsqrt3A : vector<1024xf32> to vector<1024x1xf32>
    %mul3A_37 = vector.broadcast %broadcast_in_dim3A_36 : vector<1024x1xf32> to vector<1024x16xf32>
    %mul3A_38 = arith.mulf %dot_general3A_35, %mul3A_37 : vector<1024x16xf32>
    %swap3A = arith.constant 0 : index
    %swap3A_39 = arith.constant 0 : index
    %swap3A_40 = vector.load %arg7[%swap3A, %swap3A_39] : memref<1024x16xf32, #tpu.memory_space<vmem>>, vector<1024x16xf32>
    tpu.vector_store %arg7[%swap3A, %swap3A_39], %mul3A_38 {strides = array<i32>} : memref<1024x16xf32, #tpu.memory_space<vmem>>, vector<1024x16xf32>,
    return
  }
  func.func @transform_0(%arg0: i32) -> (i32, i32) {
    %add3A = arith.constant 0 : i32
    %add3A_0 = arith.addi %arg0, %add3A : i32
    %c0_i32 = arith.constant 0 : i32
    %c0_i32_1 = arith.constant 0 : i32
    return %add3A_0, %c0_i32 : i32, i32
  }
  func.func @transform_1(%arg0: i32) -> (i32, i32) {
    %add3A = arith.constant 10 : i32
    %add3A_0 = arith.addi %arg0, %add3A : i32
    %c0_i32 = arith.constant 0 : i32
    %c0_i32_1 = arith.constant 0 : i32
    return %add3A_0, %c0_i32 : i32, i32
  }
  func.func @transform_2(%arg0: i32) -> (i32, i32) {
    %c0_i32 = arith.constant 0 : i32
    %c0_i32_0 = arith.constant 0 : i32
    return %arg0, %c0_i32 : i32, i32
  }
  func.func @transform_3(%arg0: i32) -> (i32, i32) {
    %c0_i32 = arith.constant 0 : i32
    %c0_i32_0 = arith.constant 0 : i32
    return %c0_i32, %arg0 : i32, i32
  }
  func.func @transform_4(%arg0: i32) -> (i32, i32) {
    %c0_i32 = arith.constant 0 : i32
    %c0_i32_0 = arith.constant 0 : i32
    %c0_i32_1 = arith.constant 0 : i32
    return %c0_i32, %c0_i32_0 : i32, i32
  }
  func.func @transform_5(%arg0: i32) -> (i32, i32) {
    %c0_i32 = arith.constant 0 : i32
    %c0_i32_0 = arith.constant 0 : i32
    %c0_i32_1 = arith.constant 0 : i32
    return %c0_i32, %c0_i32_0 : i32, i32
  }
  func.func @transform_6(%arg0: i32) -> (i32, i32) {
    %c0_i32 = arith.constant 0 : i32
    %c0_i32_0 = arith.constant 0 : i32
    return %arg0, %c0_i32 : i32, i32
  }
}

module attributes {stable_mosaic.version = 14 : i64} {
  func.func @_tc3_body(%arg0: i32, %arg1: memref<1024x16xf32, #tpu.memory_space<vmem>>, %arg2: memref<1024x16xf32, #tpu.memory_space<vmem>>, %arg3: memref<1024x16xf32, #tpu.memory_space<vmem>>, %arg4: memref<2x1024xf32, #tpu.memory_space<vmem>>, %arg5: memref<1x16xf32, #tpu.memory_space<vmem>>, %arg6: memref<1024x16xf32, #tpu.memory_space<vmem>>) attributes {dimension_semantics = [#tpu.dimension_semantics<arbitrary>], iteration_bounds = array<i64: 10>, scalar_prefetch = 0 : i64, scratch_operands = 0 : i64, tpu.core_type = #tpu.core_type<tc>, window_params = [{transform_indices = @transform_0, window_bounds = array<i64: 1024, 16>}, {transform_indices = @transform_1, window_bounds = array<i64: 1024, 16>}, {transform_indices = @transform_2, window_bounds = array<i64: 1024, 16>}, {transform_indices = @transform_3, window_bounds = array<i64: 2, 1024>}, {pipeline_mode = #tpu.pipeline_mode<synchronous>, transform_indices = @transform_4, window_bounds = array<i64: 1, 16>}, {transform_indices = @transform_5, window_bounds = array<i64: 1024, 16>}]} {
    %get3A = arith.constant 0 : index
    %get3A_0 = arith.constant 0 : index
    %get3A_1 = vector.load %arg4[%get3A, %get3A_0] : memref<2x1024xf32, #tpu.memory_space<vmem>>, vector<1x1024xf32>
    %get3A_2 = vector.shape_cast %get3A_1 : vector<1x1024xf32> to vector<1024xf32>
    %add3A = arith.constant 1.000000e+00 : f32
    %add3A_3 = vector.broadcast %add3A : f32 to vector<1024xf32>
    %add3A_4 = arith.addf %get3A_2, %add3A_3 : vector<1024xf32>
    %get3A_5 = arith.constant 1 : index
    %get3A_6 = arith.constant 0 : index
    %get3A_7 = vector.load %arg4[%get3A_5, %get3A_6] : memref<2x1024xf32, #tpu.memory_space<vmem>>, vector<1x1024xf32>
    %get3A_8 = vector.shape_cast %get3A_7 : vector<1x1024xf32> to vector<1024xf32>
    %add3A_9 = arith.addf %add3A_4, %get3A_8 : vector<1024xf32>
    %rsqrt3A = math.rsqrt %add3A_9 : vector<1024xf32>
    %get3A_10 = arith.constant 0 : index
    %get3A_11 = arith.constant 0 : index
    %get3A_12 = vector.load %arg1[%get3A_10, %get3A_11] : memref<1024x16xf32, #tpu.memory_space<vmem>>, vector<1024x16xf32>
    %add3A_13 = arith.constant 0.000000e+00 : f32
    %add3A_14 = vector.broadcast %add3A_13 : f32 to vector<1024x16xf32>
    %add3A_15 = arith.addf %add3A_14, %get3A_12 : vector<1024x16xf32>
    %get3A_16 = arith.constant 0 : index
    %get3A_17 = arith.constant 0 : index
    %get3A_18 = vector.load %arg2[%get3A_16, %get3A_17] : memref<1024x16xf32, #tpu.memory_space<vmem>>, vector<1024x16xf32>
    %add3A_19 = arith.addf %add3A_15, %get3A_18 : vector<1024x16xf32>
    %get3A_20 = arith.constant 0 : index
    %get3A_21 = arith.constant 0 : index
    %get3A_22 = vector.load %arg3[%get3A_20, %get3A_21] : memref<1024x16xf32, #tpu.memory_space<vmem>>, vector<1024x16xf32>
    %add3A_23 = arith.addf %add3A_19, %get3A_22 : vector<1024x16xf32>
    %broadcast_in_dim3A = vector.shape_cast %rsqrt3A : vector<1024xf32> to vector<1024x1xf32>
    %mul3A = vector.broadcast %broadcast_in_dim3A : vector<1024x1xf32> to vector<1024x16xf32>
    %mul3A_24 = arith.mulf %add3A_23, %mul3A : vector<1024x16xf32>
    %get3A_25 = arith.constant 0 : index
    %get3A_26 = arith.constant 0 : index
    %get3A_27 = vector.load %arg5[%get3A_25, %get3A_26] : memref<1x16xf32, #tpu.memory_space<vmem>>, vector<1x16xf32>
    %add3A_28 = vector.broadcast %get3A_27 : vector<1x16xf32> to vector<1024x16xf32>
    %add3A_29 = arith.addf %mul3A_24, %add3A_28 : vector<1024x16xf32>
    %max3A = arith.constant 0.000000e+00 : f32
    %max3A_30 = vector.broadcast %max3A : f32 to vector<1024x16xf32>
    %max3A_31 = arith.maximumf %add3A_29, %max3A_30 : vector<1024x16xf32>
    %swap3A = arith.constant 0 : index
    %swap3A_32 = arith.constant 0 : index
    %swap3A_33 = vector.load %arg6[%swap3A, %swap3A_32] : memref<1024x16xf32, #tpu.memory_space<vmem>>, vector<1024x16xf32>
    tpu.vector_store %arg6[%swap3A, %swap3A_32], %max3A_31 {strides = array<i32>} : memref<1024x16xf32, #tpu.memory_space<vmem>>, vector<1024x16xf32>,
    return
  }
  func.func @transform_0(%arg0: i32) -> (i32, i32) {
    %add3A = arith.constant 0 : i32
    %add3A_0 = arith.addi %arg0, %add3A : i32
    %c0_i32 = arith.constant 0 : i32
    %c0_i32_1 = arith.constant 0 : i32
    return %add3A_0, %c0_i32 : i32, i32
  }
  func.func @transform_1(%arg0: i32) -> (i32, i32) {
    %add3A = arith.constant 10 : i32
    %add3A_0 = arith.addi %arg0, %add3A : i32
    %c0_i32 = arith.constant 0 : i32
    %c0_i32_1 = arith.constant 0 : i32
    return %add3A_0, %c0_i32 : i32, i32
  }
  func.func @transform_2(%arg0: i32) -> (i32, i32) {
    %c0_i32 = arith.constant 0 : i32
    %c0_i32_0 = arith.constant 0 : i32
    return %arg0, %c0_i32 : i32, i32
  }
  func.func @transform_3(%arg0: i32) -> (i32, i32) {
    %c0_i32 = arith.constant 0 : i32
    %c0_i32_0 = arith.constant 0 : i32
    return %c0_i32, %arg0 : i32, i32
  }
  func.func @transform_4(%arg0: i32) -> (i32, i32) {
    %c0_i32 = arith.constant 0 : i32
    %c0_i32_0 = arith.constant 0 : i32
    %c0_i32_1 = arith.constant 0 : i32
    return %c0_i32, %c0_i32_0 : i32, i32
  }
  func.func @transform_5(%arg0: i32) -> (i32, i32) {
    %c0_i32 = arith.constant 0 : i32
    %c0_i32_0 = arith.constant 0 : i32
    return %arg0, %c0_i32 : i32, i32
  }
}

</mosaic_0001>

<sc_bundles>
// kernel: kernel.11.cloned.1.call-start
scs
__scs_entry_jumppad:
0x0: {  	(pc) =	sbr.rel $0x88, $3  }
0x1: {  	(tag) =	ssettag $0x0;
	lr =	simm.s32 $0x1  }
0x2: {  	[smem:$0x3F9B] =	sst lr;
	_ =	strace $0xD0000000  }
0x3: {  	_ = 	snop  }
0x4: {  	_ = 	snop  }
0x5: {  	_ = 	snop  }
0x6: {  	_ = 	snop  }
0x7: {  	_ = 	snop  }
__scs_overlays_trampoline_lowered:
0x8: {  	[smem:$0x3FAA] =	sst s0  }
0x9: {  	[smem:$0x3FAB] =	sst s1  }
0xa: {  	[smem:$0x3FAC] =	sst s2  }
0xb: {  	[smem:$0x3FAD] =	sst s3  }
0xc: {  	[smem:$0x3FAE] =	sst s4  }
0xd: {  	[smem:$0x3FAF] =	sst s5  }
0xe: {  	[smem:$0x3FB0] =	sst s6  }
0xf: {  	[smem:$0x3FB1] =	sst s7  }
0x10: {  	[smem:$0x3FB2] =	sst s8  }
0x11: {  	[smem:$0x3FB3] =	sst s9;
	s0 =	simm.s32 @!p0 $0x0  }
0x12: {  	s1 =	sld [smem:$0x3F99];
	s0 =	simm.s32 @p0 $0x1  }
0x13: {  	[smem:$0x3FB4] =	sst s0;
	s0 =	simm.s32 @!p1 $0x0  }
0x14: {  	s2 =	sld [smem:$0x3F98];
	s0 =	simm.s32 @p1 $0x1  }
0x15: {  	[smem:$0x3FB5] =	sst s0;
	s0 =	simm.s32 @!p2 $0x0  }
0x16: {  	s3 =	sld [smem:$0x3FDB];
	s0 =	simm.s32 @p2 $0x1  }
0x17: {  	s4 =	simm.s32 $0x1BF5;
	[smem:$0x3FB7] =	sst s0  }
0x18: {  	s0 =	sld [smem:$0x3F9A];
	_ =	swait.ge [sflag:s4], $0x0  }
0x19: {  	s7 =	sld [smem:$0x3F9B]  }
0x1a: {  	s8 =	sadd.s32 $0xFFFFE003, lr  }
0x1b: {  	s9 =	sadd.s32 $0xFFFFFEF7, lr;
	s5 =	simm.s32 $0xFFFFFFFF;
	p2 =	slt.u32 s8, $0xFFFFF086  }
0x1c: {  	p1 =	slt.u32 s9, $0xF7A;
	s5 =	simm.s32 @!p2 $0x0  }
0x1d: {  	s5 =	simm.s32 @p1 $0x1;
	p0 =	seq.s32 s7, s2  }
0x1e: {  	s7 =	smul.u32 @!p0 $0xF7A, s2;
	p2 =	seq.s32 @!p0 s5, $0x0  }
0x1f: {  	s9 =	smul.u32 $0xF7A, s1;
	s8 =	simm.s32 @!p0 $0x1BF5;
	p2 =	por !p2, p0  }
0x20: {  	[sflag:s8] =	ssyncset.s32 @!p0 $0xFFFFF086;
	s6 =	sadd.s32 @!p0 s3, s7;
	s7 =	simm.s32 @!p0 $0x108  }
0x21: {  	s3 =	sadd.s32 s3, s9;
	s6 =	sadd.s32 @!p0 $0x88, s6;
	s7 =	simm.s32 @p2 $0x1082  }
0x22: {  	[simem:s7], [sflag:s8] =	dma.local @!p0 [hbm:s6], $0xF7A  }
0x23: {  	s9 =	sor.u32 $0xD0000000, s2;
	s6 =	simm.s32 $0x108;
	_ =	swait.ge @!p0 [sflag:s8], $0x0  }
0x24: {  	s3 =	sadd.s32 $0x88, s3;
	s6 =	simm.s32 @!p1 $0x1082;
	[sflag:s4] =	ssyncset.s32 $0xFFFFF086  }
0x25: {  	[simem:s6], [sflag:s4] =	dma.local [hbm:s3], $0xF7A  }
0x26: {  	[smem:$0x3F9B] =	sst s1;
	(tag) =	ssettag s2;
	_ =	strace s9  }
0x27: {  	s1 =	sld [smem:$0x3FAB]  }
0x28: {  	s2 =	sld [smem:$0x3FAC]  }
0x29: {  	s4 =	sld [smem:$0x3FAE]  }
0x2a: {  	p0 =	seq.s32 s5, $0x0;
	s5 =	sld [smem:$0x3FAF]  }
0x2b: {  	s6 =	sld [smem:$0x3FB0]  }
0x2c: {  	s7 =	sld [smem:$0x3FB1]  }
0x2d: {  	s3 =	simm.s32 $0x108;
	s8 =	sld [smem:$0x3FB2]  }
0x2e: {  	s3 =	simm.s32 @!p0 $0x1082;
	s9 =	sld [smem:$0x3FB3]  }
0x2f: {  	lr =	sadd.s32 s0, s3;
	s0 =	sld [smem:$0x3FAA]  }
0x30: {  	s3 =	sld [smem:$0x3FAD]  }
0x31: {  	[smem:$0x3FB6] =	sst s10  }
0x32: {  	s10 =	sld [smem:$0x3FB4];
	_ =	sdelay $0x3  }
0x33: {  	p0 =	seq.s32 s10, $0x1;
	s10 =	sld [smem:$0x3FB6];
	_ =	sdelay $0x3  }
0x34: {  	[smem:$0x3FB6] =	sst s10  }
0x35: {  	s10 =	sld [smem:$0x3FB5];
	_ =	sdelay $0x3  }
0x36: {  	p1 =	seq.s32 s10, $0x1;
	s10 =	sld [smem:$0x3FB6];
	_ =	sdelay $0x3  }
0x37: {  	[smem:$0x3FB6] =	sst s10  }
0x38: {  	s10 =	sld [smem:$0x3FB7]  }
0x39: {  	_ = 	snop;
	(pc) =	sbr.ind lr, $3  }
0x3a: {  	_ = 	snop  }
0x3b: {  	_ = 	snop  }
0x3c: {  	p2 =	seq.s32 s10, $0x1;
	s10 =	sld [smem:$0x3FB6]  }
0x3d: {  	_ =	shalt  }
0x3e: {  	_ =	shalt  }
0x3f: {  	_ =	shalt  }
0x40: {  	_ =	shalt  }
0x41: {  	_ =	shalt  }
0x42: {  	_ =	shalt  }
0x43: {  	_ =	shalt  }
0x44: {  	_ =	shalt  }
0x45: {  	_ =	shalt  }
0x46: {  	_ =	shalt  }
0x47: {  	_ =	shalt  }
0x48: {  	_ =	shalt  }
0x49: {  	_ =	shalt  }
0x4a: {  	_ =	shalt  }
0x4b: {  	_ =	shalt  }
0x4c: {  	_ =	shalt  }
0x4d: {  	_ =	shalt  }
0x4e: {  	_ =	shalt  }
0x4f: {  	_ =	shalt  }
0x50: {  	_ =	shalt  }
0x51: {  	_ =	shalt  }
0x52: {  	_ =	shalt  }
0x53: {  	_ =	shalt  }
0x54: {  	_ =	shalt  }
0x55: {  	_ =	shalt  }
0x56: {  	_ =	shalt  }
0x57: {  	_ =	shalt  }
0x58: {  	_ =	shalt  }
0x59: {  	_ =	shalt  }
0x5a: {  	_ =	shalt  }
0x5b: {  	_ =	shalt  }
0x5c: {  	_ =	shalt  }
0x5d: {  	_ =	shalt  }
0x5e: {  	_ =	shalt  }
0x5f: {  	_ =	shalt  }
0x60: {  	_ =	shalt  }
0x61: {  	_ =	shalt  }
0x62: {  	_ =	shalt  }
0x63: {  	_ =	shalt  }
0x64: {  	_ =	shalt  }
0x65: {  	_ =	shalt  }
0x66: {  	_ =	shalt  }
0x67: {  	_ =	shalt  }
0x68: {  	_ =	shalt  }
0x69: {  	_ =	shalt  }
0x6a: {  	_ =	shalt  }
0x6b: {  	_ =	shalt  }
0x6c: {  	_ =	shalt  }
0x6d: {  	_ =	shalt  }
0x6e: {  	_ =	shalt  }
0x6f: {  	_ =	shalt  }
0x70: {  	_ =	shalt  }
0x71: {  	_ =	shalt  }
0x72: {  	_ =	shalt  }
0x73: {  	_ =	shalt  }
0x74: {  	_ =	shalt  }
0x75: {  	_ =	shalt  }
0x76: {  	_ =	shalt  }
0x77: {  	_ =	shalt  }
0x78: {  	_ =	shalt  }
0x79: {  	_ =	shalt  }
0x7a: {  	_ =	shalt  }
0x7b: {  	_ =	shalt  }
0x7c: {  	_ =	shalt  }
0x7d: {  	_ =	shalt  }
0x7e: {  	_ =	shalt  }
0x7f: {  	_ =	shalt  }
0x80: {  	_ =	shalt  }
0x81: {  	_ =	shalt  }
0x82: {  	_ =	shalt  }
0x83: {  	_ =	shalt  }
0x84: {  	_ =	shalt  }
0x85: {  	_ =	shalt  }
0x86: {  	_ =	shalt  }
0x87: {  	_ =	shalt  }
.Lfunc_end0:
.L_simem_size_0:
called_computation.1_lowered:
.L_overlay_start_0:
0x88: {  	s2 =	sld [smem:$0x3FD9]  }
0x89: {  	s3 =	sld [smem:$0x3FFE];
	_ =	sdelay $0x1  }
0x8a: {  	s1 =	srdreg.scid  }
0x8b: {  	s0 =	sand.u32 $0x1, s1  }
0x8c: {  	s16 =	sshll.u32 s0, $0xA;
	s2 =	sadd.s32 s3, s2  }
0x8d: {  	s2 =	sadd.s32 s2, s16  }
0x8e: {  	[smem:$0x3FC2] =	sst s2  }
0x8f: {  	_ = 	snop  }
0x90: {  	(tm) =	ssettm $0x1  }
0x91: {  	s17 =	sld [smem:$0x3FFB];
	_ =	sdelay $0x3  }
0x92: {  	_ =	strace s17  }
0x93: {  	s2 =	sld [smem:$0x3FFC];
	_ =	sdelay $0x3  }
0x94: {  	_ =	strace s2  }
0x95: {  	s2 =	sld [smem:$0x3FFD];
	_ =	sdelay $0x3  }
0x96: {  	_ =	strace s2  }
0x97: {  	_ =	strace $0x8FFFFFFF  }
0x98: {  	s18 =	sld [smem:$0x3FDB];
	_ =	sdelay $0x1  }
0x99: {  	s19 =	simm.s32 $_scs_section_size  }
0x9a: {  	s4 =	simm.s32 $_size__tile_overlayer_lowered;
	s5 =	simm.s32 $_tile_overlayer_lowered  }
0x9b: {  	s22 =	simm.s32 $0x1BFF;
	s21 =	sshll.u32 s5, $0x1;
	s2 =	sadd.s32 s19, s18  }
0x9c: {  	s6 =	simm.s32 $0x0;
	s20 =	sshll.u32 s4, $0x1;
	s4 =	sadd.s32 s21, s2  }
0x9d: {  	[timem:s6], [sflag:s22] =	dma.local [hbm:s4], s20  }
0x9e: {  	_ =	swait.ge [sflag:s22], s20  }
0x9f: {  	s3 =	ssub.s32 $0x0, s20;
	[sflag:s22] =	ssyncset.done $0x0  }
0xa0: {  	[sflag:s22] =	ssyncadd.s32 s3;
	_ =	sdelay $0x1  }
0xa1: {  	s23 =	simm.s32 $0x1B8B  }
0xa2: {  	_ =	swait.ge [sflag:s23], $0x1  }
0xa3: {  	[sflag:s23] =	ssyncset.done $0x0  }
0xa4: {  	s25 =	simm.s32 $0x1B8E;
	s24 =	sld [smem:$0x3FFE];
	[sflag:s23] =	ssyncadd.s32 $0xFFFFFFFF  }
0xa5: {  	s26 =	simm.s32 $execute0_lowered;
	[smem:$0x3FD2] =	sst s25  }
0xa6: {  	s4 =	sshll.u32 s26, $0x1;
	_ =	strace $0x80000049;
	[dreg:$0x1] =	wrdreg $0xFFFFFFFF  }
0xa7: {  	s28 =	simm.s32 $_size_execute0_lowered;
	s2 =	sadd.s32 s2, s4;
	[dreg:$0x0] =	wrdreg $0x0  }
0xa8: {  	s4 =	sshll.u32 s28, $0x1;
	[dreg:$0x2] =	wrdreg s2  }
0xa9: {  	[dreg:$0x3] =	wrdreg s4  }
0xaa: {  	[dreg:$0x4] =	wrdreg $0xC0  }
0xab: {  	_ =	task [dreg:s6], $0x5FFFF  }
0xac: {  	[dreg:$0x1] =	wrdreg $0xFFFFFFFF  }
0xad: {  	[dreg:$0x0] =	wrdreg $0x60  }
0xae: {  	[dreg:$0x2] =	wrdreg s24  }
0xaf: {  	[dreg:$0x3] =	wrdreg $0x28000  }
0xb0: {  	[dreg:$0x4] =	wrdreg $0x0  }
0xb1: {  	[dreg:$0x5] =	wrdreg $0x9  }
0xb2: {  	_ =	task.clear_ibuf [dreg:s6], $0x6FFFF;
	_ =	strace $0x90000049  }
0xb3: {  	s29 =	simm.s32 $0x9;
	_ =	strace $0x8000004B  }
0xb4: {  	_ =	swait.ge [sflag:s29], $0x1  }
0xb5: {  	[sflag:s29] =	ssyncadd.s32 $0xFFFFFFFF  }
0xb6: {  	_ =	strace $0x9000004B  }
0xb7: {  	_ =	sfence  }
0xb8: {  	s30 =	sld [smem:$0x0];
	_ =	sdelay $0x2  }
0xb9: {  	s31 =	sshll.u32 s1, $0xD;
	s1 =	sshrl.u32 s1, $0x2  }
0xba: {  	s3 =	sand.u32 $0x4000, s31;
	s1 =	sadd.s32 s1, s30  }
0xbb: {  	s0 =	sor.u32 s3, s0;
	s1 =	sshll.u32 s1, $0x11  }
0xbc: {  	s0 =	sor.u32 s1, s0  }
0xbd: {  	s0 =	sadd.s32 $0x8F2B, s0  }
0xbe: {  	[sflag:s0] =	ssyncadd.remote.s32 $0x1  }
0xbf: {  	_ =	sfence.sel $0xFFFF  }
0xc0: {  	[dreg:$0x0] =	wrdreg $0xFFFFFFFF;
	(pc) =	sbr.abs _section_cstart, $3  }
0xc1: {  	[dreg:$0x1] =	wrdreg $0xFFFFFFFF  }
0xc2: {  	_ =	task.clear_ibuf [dreg:s6], $0x2FFFF;
	_ =	strace $0x9FFFFFFF  }
0xc3: {  	(tm) =	ssettm $0x7FFFFFFF  }
tec
execute0_lowered:
.L_overlay_start_1:
0x0: {  	(tag) =	ssettag $0x1  }
0x1: {  	s0 =	rddreg [dreg:$0x0]  }
0x2: {  	s2 =	rddreg [dreg:$0x1]  }
0x3: {  	s3 =	rddreg [dreg:$0x2]  }
0x4: {  	s13 =	stileid.u32;
	s25 =	simm.s32 $0x0;
	s4 =	srdreg.scid  }
0x5: {  	s11 =	simm.s32 $0xC000;
	s28 =	simm.s32 $0x5;
	s1 =	smul.u32 $0x2800, s13  }
0x6: {  	s29 =	simm.s32 $0x80;
	s31 =	simm.s32 $0xB000;
	s5 =	smul.u32 $0x500, s13  }
0x7: {  	[smem:$0x7FF] =	sst s25;
	s4 =	sand.u32 $0x1, s4;
	s24 =	smul.u32 $0x600, s13  }
0x8: {  	s7 =	sadd.s32 $0xB400, s0;
	s23 =	sshll.u32 s13, $0xA;
	s13 =	smul.u32 $0xA000, s13  }
0x9: {  	s8 =	sadd.s32 $0xE00, s0;
	_ =	strace $0x8000004A;
	s6 =	smul.u32 $0x5000, s4  }
0xa: {  	s9 =	ssub.s32 $0x2, s4;
	p0 =	seq.s32 s4, $0x0;
	s12 =	sadd.s32 $0x6000, s23  }
0xb: {  	s10 =	sshrl.u32 s1, $0x3;
	s22 =	sshrl.u32 s9, $0x1;
	s14 =	sadd.s32 s7, s12  }
0xc: {  	s11 =	simm.s32 @!p0 $0x8000;
	s12 =	sadd.s32 s8, s12;
	[dreg:$0x5] =	wrdreg s14  }
0xd: {  	s7 =	sadd.s32 s7, s24;
	s26 =	sshrl.u32 s13, $0x2;
	[dreg:$0x6] =	wrdreg s12  }
0xe: {  	s8 =	sadd.s32 s8, s24;
	s5 =	sadd.s32 s5, s6;
	[dreg:$0x7] =	wrdreg s7  }
0xf: {  	s10 =	sadd.s32 s10, s0;
	[dreg:$0x8] =	wrdreg s8;
	s21 =	sadd.s32 $0xFFFFE000, s11  }
0x10: {  	s6 =	ssub.s32 s9, s22;
	s9 =	sadd.s32 $0x15A00, s10;
	[dreg:$0x4] =	wrdreg s21  }
0x11: {  	s7 =	sadd.s32 s26, s3;
	s10 =	sadd.s32 s1, s2;
	[dreg:$0x9] =	wrdreg s9  }
0x12: {  	s30 =	simm.s32 $0xC800;
	s12 =	sadd.s32 $0xA00, s7;
	[dreg:$0xa] =	wrdreg s10  }
0x13: {  	p0 =	sne.s32 s4, $0x0;
	s13 =	sadd.s32 $0x1400, s7;
	[dreg:$0xb] =	wrdreg s12  }
0x14: {  	s15 =	sshrl.u32 s11, $0x2;
	s14 =	sadd.s32 $0x1E00, s7;
	[dreg:$0xc] =	wrdreg s13  }
0x15: {  	s4 =	simm.s32 $0xD800;
	s16 =	sadd.s32 $0x7C00, s15;
	[dreg:$0xd] =	wrdreg s14  }
0x16: {  	s26 =	sadd.s32 s1, s3;
	s17 =	sadd.s32 $0x7C80, s15;
	[dreg:$0xe] =	wrdreg s16  }
0x17: {  	s8 =	simm.s32 $0xF000;
	s18 =	sadd.s32 $0x7D00, s15;
	[dreg:$0xf] =	wrdreg s17  }
0x18: {  	s11 =	simm.s32 $0x10800;
	s19 =	sadd.s32 $0x7D80, s15;
	[dreg:$0x10] =	wrdreg s18  }
0x19: {  	s0 =	sadd.s32 s5, s0;
	s20 =	sadd.s32 $0x7E00, s15;
	[dreg:$0x11] =	wrdreg s19  }
0x1a: {  	s5 =	simm.s32 $0xC000;
	s22 =	sadd.s32 $0x7E80, s15;
	[dreg:$0x12] =	wrdreg s20  }
0x1b: {  	s23 =	sadd.s32 $0x7F00, s15;
	s1 =	sadd.s32 $0x7F80, s15;
	[dreg:$0x13] =	wrdreg s22  }
0x1c: {  	s24 =	smax.u32 s6, $0x1;
	s6 =	simm.s32 $0xE000;
	[dreg:$0x14] =	wrdreg s23  }
0x1d: {  	s7 =	simm.s32 $0xE800;
	s15 =	simm.s32 $0x12000;
	[dreg:$0x15] =	wrdreg s1  }
0x1e: {  	s21 =	simm.s32 $0x0;
	s0 =	sadd.s32 $0x1AA00, s0;
	[dreg:$0x17] =	wrdreg s24  }
0x1f: {  	s1 =	simm.s32 $0xB800;
	s9 =	simm.s32 $0xF800;
	s10 =	simm.s32 $0x10000  }
0x20: {  	s13 =	simm.s32 $0x11000;
	s14 =	simm.s32 $0x11800;
	s16 =	simm.s32 $0x12800  }
0x21: {  	s17 =	simm.s32 $0x1;
	s18 =	simm.s32 $0x3;
	s19 =	simm.s32 $0x2  }
0x22: {  	v0 =	vimm.f32 $0.0e+00;
	s20 =	simm.s32 $0x4;
	[dreg:$0x16] =	wrdreg s0;
	s0 =	simm.s32 $0xD000  }
.LBB2_1:
0x23: {  	s22 =	simm.s32 @p0 $0x0;
	s23 =	simm.s32 @p0 $0x5000;
	s24 =	rddreg [dreg:$0x5]  }
0x24: {  	[tilespmem:s23], [sflag:$0x5] =	stream.linear.gather @p0 [hbm4b:s24+s22], $0x2000, $0x38;
	[tilespmem:$0x15800] =	vst v63  }
0x25: {  	s23 =	simm.s32 @p0 $0x5  }
0x26: {  	_ =	swait.ge @p0 [sflag:s23], $0x2000  }
0x27: {  	[sflag:s23] =	ssyncset.done @p0 $0x0  }
0x28: {  	s24 =	simm.s32 @p0 $0x8000;
	s12 =	rddreg [dreg:$0x6];
	[sflag:s23] =	ssyncadd.s32 @p0 $0xFFFFE000  }
0x29: {  	[tilespmem:s24], [sflag:$0x5] =	stream.linear.gather @p0 [hbm4b:s12+s22], $0x2000, $0x38;
	[tilespmem:$0x15800] =	vst v63  }
0x2a: {  	_ =	swait.ge @p0 [sflag:s23], $0x2000  }
0x2b: {  	s22 =	simm.s32 @!p0 $0x0;
	[sflag:s23] =	ssyncset.done @p0 $0x0  }
0x2c: {  	s12 =	rddreg [dreg:$0x7];
	[sflag:s23] =	ssyncadd.s32 @p0 $0xFFFFE000;
	s23 =	simm.s32 @!p0 $0x5000  }
0x2d: {  	[tilespmem:s23], [sflag:$0x5] =	stream.linear.gather @!p0 [hbm4b:s12+s22], $0x3000, $0x38;
	[tilespmem:$0x15800] =	vst v63  }
0x2e: {  	s23 =	simm.s32 @!p0 $0x5  }
0x2f: {  	_ =	swait.ge @!p0 [sflag:s23], $0x3000  }
0x30: {  	[sflag:s23] =	ssyncset.done @!p0 $0x0  }
0x31: {  	s24 =	simm.s32 @!p0 $0x8000;
	s12 =	rddreg [dreg:$0x8];
	[sflag:s23] =	ssyncadd.s32 @!p0 $0xFFFFD000  }
0x32: {  	[tilespmem:s24], [sflag:$0x5] =	stream.linear.gather @!p0 [hbm4b:s12+s22], $0x3000, $0x38;
	[tilespmem:$0x15800] =	vst v63  }
0x33: {  	_ =	swait.ge @!p0 [sflag:s23], $0x3000  }
0x34: {  	[sflag:s23] =	ssyncset.done @!p0 $0x0  }
0x35: {  	s24 =	simm.s32 $0x13000;
	[sflag:s23] =	ssyncadd.s32 @!p0 $0xFFFFD000;
	s23 =	rddreg [dreg:$0x9]  }
0x36: {  	[tilespmem:s24], [sflag:$0x5] =	stream.linear.gather [hbm4b:s23+s25], $0x2800, $0x38;
	[tilespmem:$0x15800] =	vst v63  }
0x37: {  	_ =	swait.ge [sflag:s28], $0x2800  }
0x38: {  	[sflag:s28] =	ssyncset.done $0x0  }
0x39: {  	s25 =	rddreg [dreg:$0xa];
	[sflag:s28] =	ssyncadd.s32 $0xFFFFD800  }
0x3a: {  	[spmem:s25] =	stream.linear.scatter [tilespmem:s24], [sflag:$0x5], $0x2800, $0x38;
	[tilespmem:$0x15800] =	vst v63  }
0x3b: {  	_ =	swait.ge [sflag:s28], $0x2800  }
0x3c: {  	[sflag:s28] =	ssyncset.done $0x0  }
0x3d: {  	s22 =	simm.s32 $0x40;
	s23 =	simm.s32 $0x0;
	[sflag:s28] =	ssyncadd.s32 $0xFFFFD800  }
.LBB2_2:
0x3e: {  	p1 =	sne.s32 s22, $0x27C0;
	[tilespmem:s23+$0x13000] =	vst v0;
	s23 =	smov.u32 s22;
	s22 =	sadd.s32 $0x40, s22  }
.Ltmp0:
0x3f: {  	(pc) =	sbr.rel @p1 .LBB2_2-.Ltmp0, $2  }
0x40: {  	_ =	sdelay $0x2  }
0x41: {  	s23 =	sshra.s32 s23, $0x2  }
0x42: {  	[tilespmem:s23+$0x13000] =	vst v0  }
0x43: {  	[spmem:s26] =	stream.linear.scatter [tilespmem:s24], [sflag:$0x5], $0xA00, $0x38;
	[tilespmem:$0x15800] =	vst v63  }
0x44: {  	_ =	swait.ge [sflag:s28], $0xA00  }
0x45: {  	[sflag:s28] =	ssyncset.done $0x0  }
0x46: {  	s22 =	rddreg [dreg:$0xb];
	[sflag:s28] =	ssyncadd.s32 $0xFFFFF600  }
0x47: {  	[spmem:s22] =	stream.linear.scatter [tilespmem:s24], [sflag:$0x5], $0xA00, $0x38;
	[tilespmem:$0x15800] =	vst v63  }
0x48: {  	_ =	swait.ge [sflag:s28], $0xA00  }
0x49: {  	[sflag:s28] =	ssyncset.done $0x0  }
0x4a: {  	s12 =	rddreg [dreg:$0xc];
	[sflag:s28] =	ssyncadd.s32 $0xFFFFF600  }
0x4b: {  	[spmem:s12] =	stream.linear.scatter [tilespmem:s24], [sflag:$0x5], $0xA00, $0x38;
	[tilespmem:$0x15800] =	vst v63  }
0x4c: {  	_ =	swait.ge [sflag:s28], $0xA00  }
0x4d: {  	[sflag:s28] =	ssyncset.done $0x0  }
0x4e: {  	s23 =	rddreg [dreg:$0xd];
	[sflag:s28] =	ssyncadd.s32 $0xFFFFF600  }
0x4f: {  	[spmem:s23] =	stream.linear.scatter [tilespmem:s24], [sflag:$0x5], $0xA00, $0x38;
	[tilespmem:$0x15800] =	vst v63  }
0x50: {  	_ =	swait.ge [sflag:s28], $0xA00  }
0x51: {  	[sflag:s28] =	ssyncset.done $0x0  }
0x52: {  	[sflag:s28] =	ssyncadd.s32 $0xFFFFF600  }
0x53: {  	s25 =	simm.s32 $0x5000;
	[bflag:$0x0] =	sbarrier.arrive $0xFFFF  }
0x54: {  	[tilespmem:s31], [sflag:$0x1] =	stream.indirect.gather [spmem:s2], $0x10, s25, s29, $0xb8;
	[tilespmem:$0x15800] =	vst v63  }
0x55: {  	s12 =	simm.s32 $0x5080  }
0x56: {  	[tilespmem:s1], [sflag:$0x1] =	stream.indirect.gather [spmem:s2], $0x10, s12, s29, $0xb8;
	[tilespmem:$0x15800] =	vst v63  }
0x57: {  	s23 =	simm.s32 $0x5100  }
0x58: {  	[tilespmem:s5], [sflag:$0x1] =	stream.indirect.gather [spmem:s2], $0x10, s23, s29, $0xb8;
	[tilespmem:$0x15800] =	vst v63  }
0x59: {  	s24 =	simm.s32 $0x5180  }
0x5a: {  	[tilespmem:s30], [sflag:$0x1] =	stream.indirect.gather [spmem:s2], $0x10, s24, s29, $0xb8;
	[tilespmem:$0x15800] =	vst v63  }
0x5b: {  	s25 =	simm.s32 $0x5200  }
0x5c: {  	[tilespmem:s0], [sflag:$0x1] =	stream.indirect.gather [spmem:s2], $0x10, s25, s29, $0xb8;
	[tilespmem:$0x15800] =	vst v63  }
0x5d: {  	s12 =	simm.s32 $0x5280  }
0x5e: {  	[tilespmem:s4], [sflag:$0x1] =	stream.indirect.gather [spmem:s2], $0x10, s12, s29, $0xb8;
	[tilespmem:$0x15800] =	vst v63  }
0x5f: {  	s23 =	simm.s32 $0x5300  }
0x60: {  	[tilespmem:s6], [sflag:$0x1] =	stream.indirect.gather [spmem:s2], $0x10, s23, s29, $0xb8;
	[tilespmem:$0x15800] =	vst v63  }
0x61: {  	s24 =	simm.s32 $0x5380  }
0x62: {  	[tilespmem:s7], [sflag:$0x1] =	stream.indirect.gather [spmem:s2], $0x10, s24, s29, $0xb8;
	[tilespmem:$0x15800] =	vst v63  }
0x63: {  	s25 =	simm.s32 $0x5400  }
0x64: {  	[tilespmem:s8], [sflag:$0x2] =	stream.indirect.gather [spmem:s2], $0x10, s25, s29, $0xb8;
	[tilespmem:$0x15800] =	vst v63  }
0x65: {  	s12 =	simm.s32 $0x5480  }
0x66: {  	[tilespmem:s9], [sflag:$0x2] =	stream.indirect.gather [spmem:s2], $0x10, s12, s29, $0xb8;
	[tilespmem:$0x15800] =	vst v63  }
0x67: {  	s23 =	simm.s32 $0x5500  }
0x68: {  	[tilespmem:s10], [sflag:$0x2] =	stream.indirect.gather [spmem:s2], $0x10, s23, s29, $0xb8;
	[tilespmem:$0x15800] =	vst v63  }
0x69: {  	s24 =	simm.s32 $0x5580  }
0x6a: {  	[tilespmem:s11], [sflag:$0x2] =	stream.indirect.gather [spmem:s2], $0x10, s24, s29, $0xb8;
	[tilespmem:$0x15800] =	vst v63  }
0x6b: {  	s25 =	simm.s32 $0x5600  }
0x6c: {  	[tilespmem:s13], [sflag:$0x2] =	stream.indirect.gather [spmem:s2], $0x10, s25, s29, $0xb8;
	[tilespmem:$0x15800] =	vst v63  }
0x6d: {  	s12 =	simm.s32 $0x5680  }
0x6e: {  	[tilespmem:s14], [sflag:$0x2] =	stream.indirect.gather [spmem:s2], $0x10, s12, s29, $0xb8;
	[tilespmem:$0x15800] =	vst v63  }
0x6f: {  	s23 =	simm.s32 $0x5700  }
0x70: {  	[tilespmem:s15], [sflag:$0x2] =	stream.indirect.gather [spmem:s2], $0x10, s23, s29, $0xb8;
	[tilespmem:$0x15800] =	vst v63  }
0x71: {  	s24 =	simm.s32 $0x5780  }
0x72: {  	[tilespmem:s16], [sflag:$0x2] =	stream.indirect.gather [spmem:s2], $0x10, s24, s29, $0xb8;
	[tilespmem:$0x15800] =	vst v63  }
0x73: {  	_ =	swait.ge [sflag:s17], $0x4000  }
0x74: {  	[sflag:s17] =	ssyncset.done $0x0  }
0x75: {  	s25 =	simm.s32 $0x8000;
	[sflag:s17] =	ssyncadd.s32 $0xFFFFC000  }
0x76: {  	[spmem:s3] =	stream.indirect.scatter.add.f32 [tilespmem:s31], [sflag:$0x3], $0x10, s25, s29, $0xb8;
	[tilespmem:$0x15800] =	vst v63  }
0x77: {  	s12 =	simm.s32 $0x8080  }
0x78: {  	[spmem:s3] =	stream.indirect.scatter.add.f32 [tilespmem:s1], [sflag:$0x3], $0x10, s12, s29, $0xb8;
	[tilespmem:$0x15800] =	vst v63  }
0x79: {  	s23 =	simm.s32 $0x8100  }
0x7a: {  	[spmem:s3] =	stream.indirect.scatter.add.f32 [tilespmem:s5], [sflag:$0x3], $0x10, s23, s29, $0xb8;
	[tilespmem:$0x15800] =	vst v63  }
0x7b: {  	s24 =	simm.s32 $0x8180  }
0x7c: {  	[spmem:s3] =	stream.indirect.scatter.add.f32 [tilespmem:s30], [sflag:$0x3], $0x10, s24, s29, $0xb8;
	[tilespmem:$0x15800] =	vst v63  }
0x7d: {  	s25 =	simm.s32 $0x8200  }
0x7e: {  	[spmem:s3] =	stream.indirect.scatter.add.f32 [tilespmem:s0], [sflag:$0x3], $0x10, s25, s29, $0xb8;
	[tilespmem:$0x15800] =	vst v63  }
0x7f: {  	s12 =	simm.s32 $0x8280  }
0x80: {  	[spmem:s3] =	stream.indirect.scatter.add.f32 [tilespmem:s4], [sflag:$0x3], $0x10, s12, s29, $0xb8;
	[tilespmem:$0x15800] =	vst v63  }
0x81: {  	s23 =	simm.s32 $0x8300  }
0x82: {  	[spmem:s3] =	stream.indirect.scatter.add.f32 [tilespmem:s6], [sflag:$0x3], $0x10, s23, s29, $0xb8;
	[tilespmem:$0x15800] =	vst v63  }
0x83: {  	s24 =	simm.s32 $0x8380  }
0x84: {  	[spmem:s3] =	stream.indirect.scatter.add.f32 [tilespmem:s7], [sflag:$0x3], $0x10, s24, s29, $0xb8;
	[tilespmem:$0x15800] =	vst v63  }
0x85: {  	_ =	swait.ge [sflag:s18], $0x4000  }
0x86: {  	[sflag:s18] =	ssyncset.done $0x0  }
0x87: {  	s25 =	simm.s32 $0x5800;
	[sflag:s18] =	ssyncadd.s32 $0xFFFFC000  }
0x88: {  	[tilespmem:s31], [sflag:$0x1] =	stream.indirect.gather [spmem:s2], $0x10, s25, s29, $0xb8;
	[tilespmem:$0x15800] =	vst v63  }
0x89: {  	s12 =	simm.s32 $0x5880  }
0x8a: {  	[tilespmem:s1], [sflag:$0x1] =	stream.indirect.gather [spmem:s2], $0x10, s12, s29, $0xb8;
	[tilespmem:$0x15800] =	vst v63  }
0x8b: {  	s23 =	simm.s32 $0x5900  }
0x8c: {  	[tilespmem:s5], [sflag:$0x1] =	stream.indirect.gather [spmem:s2], $0x10, s23, s29, $0xb8;
	[tilespmem:$0x15800] =	vst v63  }
0x8d: {  	s24 =	simm.s32 $0x5980  }
0x8e: {  	[tilespmem:s30], [sflag:$0x1] =	stream.indirect.gather [spmem:s2], $0x10, s24, s29, $0xb8;
	[tilespmem:$0x15800] =	vst v63  }
0x8f: {  	s25 =	simm.s32 $0x5A00  }
0x90: {  	[tilespmem:s0], [sflag:$0x1] =	stream.indirect.gather [spmem:s2], $0x10, s25, s29, $0xb8;
	[tilespmem:$0x15800] =	vst v63  }
0x91: {  	s12 =	simm.s32 $0x5A80  }
0x92: {  	[tilespmem:s4], [sflag:$0x1] =	stream.indirect.gather [spmem:s2], $0x10, s12, s29, $0xb8;
	[tilespmem:$0x15800] =	vst v63  }
0x93: {  	s23 =	simm.s32 $0x5B00  }
0x94: {  	[tilespmem:s6], [sflag:$0x1] =	stream.indirect.gather [spmem:s2], $0x10, s23, s29, $0xb8;
	[tilespmem:$0x15800] =	vst v63  }
0x95: {  	s24 =	simm.s32 $0x5B80  }
0x96: {  	[tilespmem:s7], [sflag:$0x1] =	stream.indirect.gather [spmem:s2], $0x10, s24, s29, $0xb8;
	[tilespmem:$0x15800] =	vst v63  }
0x97: {  	_ =	swait.ge [sflag:s19], $0x4000  }
0x98: {  	[sflag:s19] =	ssyncset.done $0x0  }
0x99: {  	s25 =	simm.s32 $0x8400;
	[sflag:s19] =	ssyncadd.s32 $0xFFFFC000  }
0x9a: {  	[spmem:s3] =	stream.indirect.scatter.add.f32 [tilespmem:s8], [sflag:$0x4], $0x10, s25, s29, $0xb8;
	[tilespmem:$0x15800] =	vst v63  }
0x9b: {  	s12 =	simm.s32 $0x8480  }
0x9c: {  	[spmem:s3] =	stream.indirect.scatter.add.f32 [tilespmem:s9], [sflag:$0x4], $0x10, s12, s29, $0xb8;
	[tilespmem:$0x15800] =	vst v63  }
0x9d: {  	s23 =	simm.s32 $0x8500  }
0x9e: {  	[spmem:s3] =	stream.indirect.scatter.add.f32 [tilespmem:s10], [sflag:$0x4], $0x10, s23, s29, $0xb8;
	[tilespmem:$0x15800] =	vst v63  }
0x9f: {  	s24 =	simm.s32 $0x8580  }
0xa0: {  	[spmem:s3] =	stream.indirect.scatter.add.f32 [tilespmem:s11], [sflag:$0x4], $0x10, s24, s29, $0xb8;
	[tilespmem:$0x15800] =	vst v63  }
0xa1: {  	s25 =	simm.s32 $0x8600  }
0xa2: {  	[spmem:s3] =	stream.indirect.scatter.add.f32 [tilespmem:s13], [sflag:$0x4], $0x10, s25, s29, $0xb8;
	[tilespmem:$0x15800] =	vst v63  }
0xa3: {  	s12 =	simm.s32 $0x8680  }
0xa4: {  	[spmem:s3] =	stream.indirect.scatter.add.f32 [tilespmem:s14], [sflag:$0x4], $0x10, s12, s29, $0xb8;
	[tilespmem:$0x15800] =	vst v63  }
0xa5: {  	s23 =	simm.s32 $0x8700  }
0xa6: {  	[spmem:s3] =	stream.indirect.scatter.add.f32 [tilespmem:s15], [sflag:$0x4], $0x10, s23, s29, $0xb8;
	[tilespmem:$0x15800] =	vst v63  }
0xa7: {  	s24 =	simm.s32 $0x8780  }
0xa8: {  	[spmem:s3] =	stream.indirect.scatter.add.f32 [tilespmem:s16], [sflag:$0x4], $0x10, s24, s29, $0xb8;
	[tilespmem:$0x15800] =	vst v63  }
0xa9: {  	_ =	swait.ge [sflag:s20], $0x4000  }
0xaa: {  	[sflag:s20] =	ssyncset.done $0x0  }
0xab: {  	s25 =	simm.s32 $0x5C00;
	[sflag:s20] =	ssyncadd.s32 $0xFFFFC000  }
0xac: {  	[tilespmem:s8], [sflag:$0x2] =	stream.indirect.gather [spmem:s2], $0x10, s25, s29, $0xb8;
	[tilespmem:$0x15800] =	vst v63  }
0xad: {  	s12 =	simm.s32 $0x5C80  }
0xae: {  	[tilespmem:s9], [sflag:$0x2] =	stream.indirect.gather [spmem:s2], $0x10, s12, s29, $0xb8;
	[tilespmem:$0x15800] =	vst v63  }
0xaf: {  	s23 =	simm.s32 $0x5D00  }
0xb0: {  	[tilespmem:s10], [sflag:$0x2] =	stream.indirect.gather [spmem:s2], $0x10, s23, s29, $0xb8;
	[tilespmem:$0x15800] =	vst v63  }
0xb1: {  	s24 =	simm.s32 $0x5D80  }
0xb2: {  	[tilespmem:s11], [sflag:$0x2] =	stream.indirect.gather [spmem:s2], $0x10, s24, s29, $0xb8;
	[tilespmem:$0x15800] =	vst v63  }
0xb3: {  	s25 =	simm.s32 $0x5E00  }
0xb4: {  	[tilespmem:s13], [sflag:$0x2] =	stream.indirect.gather [spmem:s2], $0x10, s25, s29, $0xb8;
	[tilespmem:$0x15800] =	vst v63  }
0xb5: {  	s12 =	simm.s32 $0x5E80  }
0xb6: {  	[tilespmem:s14], [sflag:$0x2] =	stream.indirect.gather [spmem:s2], $0x10, s12, s29, $0xb8;
	[tilespmem:$0x15800] =	vst v63  }
0xb7: {  	s23 =	simm.s32 $0x5F00  }
0xb8: {  	[tilespmem:s15], [sflag:$0x2] =	stream.indirect.gather [spmem:s2], $0x10, s23, s29, $0xb8;
	[tilespmem:$0x15800] =	vst v63  }
0xb9: {  	s24 =	simm.s32 $0x5F80  }
0xba: {  	[tilespmem:s16], [sflag:$0x2] =	stream.indirect.gather [spmem:s2], $0x10, s24, s29, $0xb8;
	[tilespmem:$0x15800] =	vst v63  }
0xbb: {  	_ =	swait.ge [sflag:s17], $0x4000  }
0xbc: {  	[sflag:s17] =	ssyncset.done $0x0  }
0xbd: {  	s25 =	simm.s32 $0x8800;
	[sflag:s17] =	ssyncadd.s32 $0xFFFFC000  }
0xbe: {  	[spmem:s3] =	stream.indirect.scatter.add.f32 [tilespmem:s31], [sflag:$0x3], $0x10, s25, s29, $0xb8;
	[tilespmem:$0x15800] =	vst v63  }
0xbf: {  	s12 =	simm.s32 $0x8880  }
0xc0: {  	[spmem:s3] =	stream.indirect.scatter.add.f32 [tilespmem:s1], [sflag:$0x3], $0x10, s12, s29, $0xb8;
	[tilespmem:$0x15800] =	vst v63  }
0xc1: {  	s23 =	simm.s32 $0x8900  }
0xc2: {  	[spmem:s3] =	stream.indirect.scatter.add.f32 [tilespmem:s5], [sflag:$0x3], $0x10, s23, s29, $0xb8;
	[tilespmem:$0x15800] =	vst v63  }
0xc3: {  	s24 =	simm.s32 $0x8980;
	s12 =	rddreg [dreg:$0x4]  }
0xc4: {  	[spmem:s3] =	stream.indirect.scatter.add.f32 [tilespmem:s30], [sflag:$0x3], $0x10, s24, s29, $0xb8;
	[tilespmem:$0x15800] =	vst v63  }
0xc5: {  	s25 =	simm.s32 $0x8A00;
	p1 =	sne.s32 s12, $0x2000  }
0xc6: {  	[spmem:s3] =	stream.indirect.scatter.add.f32 [tilespmem:s0], [sflag:$0x3], $0x10, s25, s29, $0xb8;
	[tilespmem:$0x15800] =	vst v63  }
.Ltmp1:
0xc7: {  	_ = 	snop;
	(pc) =	sbr.rel @!p1 .LBB2_5-.Ltmp1, $4  }
0xc8: {  	s24 =	simm.s32 $0x8A80  }
0xc9: {  	[spmem:s3] =	stream.indirect.scatter.add.f32 [tilespmem:s4], [sflag:$0x3], $0x10, s24, s29, $0xb8;
	[tilespmem:$0x15800] =	vst v63  }
0xca: {  	s22 =	simm.s32 $0x2000;
	s23 =	simm.s32 $0x8B80;
	s25 =	simm.s32 $0x8B00  }
0xcb: {  	[spmem:s3] =	stream.indirect.scatter.add.f32 [tilespmem:s6], [sflag:$0x3], $0x10, s25, s29, $0xb8;
	[tilespmem:$0x15800] =	vst v63  }
.LBB2_4:
0xcc: {  	[spmem:s3] =	stream.indirect.scatter.add.f32 [tilespmem:s7], [sflag:$0x3], $0x10, s23, s29, $0xb8;
	[tilespmem:$0x15800] =	vst v63  }
0xcd: {  	s24 =	smov.u32 s22;
	_ =	swait.ge [sflag:s18], $0x4000  }
0xce: {  	s23 =	sshra.s32 s24, $0x2;
	[sflag:s18] =	ssyncset.done $0x0  }
0xcf: {  	s24 =	sadd.s32 $0x5800, s23;
	[sflag:s18] =	ssyncadd.s32 $0xFFFFC000  }
0xd0: {  	[tilespmem:s31], [sflag:$0x1] =	stream.indirect.gather [spmem:s2], $0x10, s24, s29, $0xb8;
	[tilespmem:$0x15800] =	vst v63  }
0xd1: {  	s25 =	sadd.s32 $0x5880, s23  }
0xd2: {  	[tilespmem:s1], [sflag:$0x1] =	stream.indirect.gather [spmem:s2], $0x10, s25, s29, $0xb8;
	[tilespmem:$0x15800] =	vst v63  }
0xd3: {  	s12 =	sadd.s32 $0x5900, s23  }
0xd4: {  	[tilespmem:s5], [sflag:$0x1] =	stream.indirect.gather [spmem:s2], $0x10, s12, s29, $0xb8;
	[tilespmem:$0x15800] =	vst v63  }
0xd5: {  	s25 =	sadd.s32 $0x5980, s23  }
0xd6: {  	[tilespmem:s30], [sflag:$0x1] =	stream.indirect.gather [spmem:s2], $0x10, s25, s29, $0xb8;
	[tilespmem:$0x15800] =	vst v63  }
0xd7: {  	s12 =	sadd.s32 $0x5A00, s23  }
0xd8: {  	[tilespmem:s0], [sflag:$0x1] =	stream.indirect.gather [spmem:s2], $0x10, s12, s29, $0xb8;
	[tilespmem:$0x15800] =	vst v63  }
0xd9: {  	s25 =	sadd.s32 $0x5A80, s23  }
0xda: {  	[tilespmem:s4], [sflag:$0x1] =	stream.indirect.gather [spmem:s2], $0x10, s25, s29, $0xb8;
	[tilespmem:$0x15800] =	vst v63  }
0xdb: {  	s12 =	sadd.s32 $0x5B00, s23  }
0xdc: {  	[tilespmem:s6], [sflag:$0x1] =	stream.indirect.gather [spmem:s2], $0x10, s12, s29, $0xb8;
	[tilespmem:$0x15800] =	vst v63  }
0xdd: {  	s25 =	sadd.s32 $0x5B80, s23  }
0xde: {  	[tilespmem:s7], [sflag:$0x1] =	stream.indirect.gather [spmem:s2], $0x10, s25, s29, $0xb8;
	[tilespmem:$0x15800] =	vst v63  }
0xdf: {  	_ =	swait.ge [sflag:s19], $0x4000  }
0xe0: {  	[sflag:s19] =	ssyncset.done $0x0  }
0xe1: {  	s12 =	sadd.s32 $0x8400, s23;
	[sflag:s19] =	ssyncadd.s32 $0xFFFFC000  }
0xe2: {  	[spmem:s3] =	stream.indirect.scatter.add.f32 [tilespmem:s8], [sflag:$0x4], $0x10, s12, s29, $0xb8;
	[tilespmem:$0x15800] =	vst v63  }
0xe3: {  	s25 =	sadd.s32 $0x8480, s23  }
0xe4: {  	[spmem:s3] =	stream.indirect.scatter.add.f32 [tilespmem:s9], [sflag:$0x4], $0x10, s25, s29, $0xb8;
	[tilespmem:$0x15800] =	vst v63  }
0xe5: {  	s12 =	sadd.s32 $0x8500, s23  }
0xe6: {  	[spmem:s3] =	stream.indirect.scatter.add.f32 [tilespmem:s10], [sflag:$0x4], $0x10, s12, s29, $0xb8;
	[tilespmem:$0x15800] =	vst v63  }
0xe7: {  	s25 =	sadd.s32 $0x8580, s23  }
0xe8: {  	[spmem:s3] =	stream.indirect.scatter.add.f32 [tilespmem:s11], [sflag:$0x4], $0x10, s25, s29, $0xb8;
	[tilespmem:$0x15800] =	vst v63  }
0xe9: {  	s12 =	sadd.s32 $0x8600, s23  }
0xea: {  	[spmem:s3] =	stream.indirect.scatter.add.f32 [tilespmem:s13], [sflag:$0x4], $0x10, s12, s29, $0xb8;
	[tilespmem:$0x15800] =	vst v63  }
0xeb: {  	s25 =	sadd.s32 $0x8680, s23  }
0xec: {  	[spmem:s3] =	stream.indirect.scatter.add.f32 [tilespmem:s14], [sflag:$0x4], $0x10, s25, s29, $0xb8;
	[tilespmem:$0x15800] =	vst v63  }
0xed: {  	s12 =	sadd.s32 $0x8700, s23  }
0xee: {  	[spmem:s3] =	stream.indirect.scatter.add.f32 [tilespmem:s15], [sflag:$0x4], $0x10, s12, s29, $0xb8;
	[tilespmem:$0x15800] =	vst v63  }
0xef: {  	s25 =	sadd.s32 $0x8780, s23  }
0xf0: {  	[spmem:s3] =	stream.indirect.scatter.add.f32 [tilespmem:s16], [sflag:$0x4], $0x10, s25, s29, $0xb8;
	[tilespmem:$0x15800] =	vst v63  }
0xf1: {  	_ =	swait.ge [sflag:s20], $0x4000  }
0xf2: {  	[sflag:s20] =	ssyncset.done $0x0  }
0xf3: {  	s12 =	sadd.s32 $0x5C00, s23;
	[sflag:s20] =	ssyncadd.s32 $0xFFFFC000  }
0xf4: {  	[tilespmem:s8], [sflag:$0x2] =	stream.indirect.gather [spmem:s2], $0x10, s12, s29, $0xb8;
	[tilespmem:$0x15800] =	vst v63  }
0xf5: {  	s25 =	sadd.s32 $0x5C80, s23  }
0xf6: {  	[tilespmem:s9], [sflag:$0x2] =	stream.indirect.gather [spmem:s2], $0x10, s25, s29, $0xb8;
	[tilespmem:$0x15800] =	vst v63  }
0xf7: {  	s12 =	sadd.s32 $0x5D00, s23  }
0xf8: {  	[tilespmem:s10], [sflag:$0x2] =	stream.indirect.gather [spmem:s2], $0x10, s12, s29, $0xb8;
	[tilespmem:$0x15800] =	vst v63  }
0xf9: {  	s25 =	sadd.s32 $0x5D80, s23  }
0xfa: {  	[tilespmem:s11], [sflag:$0x2] =	stream.indirect.gather [spmem:s2], $0x10, s25, s29, $0xb8;
	[tilespmem:$0x15800] =	vst v63  }
0xfb: {  	s12 =	sadd.s32 $0x5E00, s23  }
0xfc: {  	[tilespmem:s13], [sflag:$0x2] =	stream.indirect.gather [spmem:s2], $0x10, s12, s29, $0xb8;
	[tilespmem:$0x15800] =	vst v63  }
0xfd: {  	s25 =	sadd.s32 $0x5E80, s23  }
0xfe: {  	[tilespmem:s14], [sflag:$0x2] =	stream.indirect.gather [spmem:s2], $0x10, s25, s29, $0xb8;
	[tilespmem:$0x15800] =	vst v63  }
0xff: {  	s12 =	sadd.s32 $0x5F00, s23  }
0x100: {  	[tilespmem:s15], [sflag:$0x2] =	stream.indirect.gather [spmem:s2], $0x10, s12, s29, $0xb8;
	[tilespmem:$0x15800] =	vst v63  }
0x101: {  	s25 =	sadd.s32 $0x5F80, s23  }
0x102: {  	[tilespmem:s16], [sflag:$0x2] =	stream.indirect.gather [spmem:s2], $0x10, s25, s29, $0xb8;
	[tilespmem:$0x15800] =	vst v63  }
0x103: {  	_ =	swait.ge [sflag:s17], $0x4000  }
0x104: {  	[sflag:s17] =	ssyncset.done $0x0  }
0x105: {  	s25 =	sadd.s32 $0x8800, s23;
	[sflag:s17] =	ssyncadd.s32 $0xFFFFC000  }
0x106: {  	[spmem:s3] =	stream.indirect.scatter.add.f32 [tilespmem:s31], [sflag:$0x3], $0x10, s25, s29, $0xb8;
	[tilespmem:$0x15800] =	vst v63  }
0x107: {  	s12 =	sadd.s32 $0x8880, s23  }
0x108: {  	[spmem:s3] =	stream.indirect.scatter.add.f32 [tilespmem:s1], [sflag:$0x3], $0x10, s12, s29, $0xb8;
	[tilespmem:$0x15800] =	vst v63  }
0x109: {  	s25 =	sadd.s32 $0x8900, s23  }
0x10a: {  	[spmem:s3] =	stream.indirect.scatter.add.f32 [tilespmem:s5], [sflag:$0x3], $0x10, s25, s29, $0xb8;
	[tilespmem:$0x15800] =	vst v63  }
0x10b: {  	s22 =	sadd.s32 $0x2000, s22;
	s24 =	rddreg [dreg:$0x4];
	s12 =	sadd.s32 $0x8980, s23  }
0x10c: {  	[spmem:s3] =	stream.indirect.scatter.add.f32 [tilespmem:s30], [sflag:$0x3], $0x10, s12, s29, $0xb8;
	[tilespmem:$0x15800] =	vst v63  }
0x10d: {  	p1 =	sne.s32 s24, s22;
	s25 =	sadd.s32 $0x8A00, s23  }
0x10e: {  	[spmem:s3] =	stream.indirect.scatter.add.f32 [tilespmem:s0], [sflag:$0x3], $0x10, s25, s29, $0xb8;
	[tilespmem:$0x15800] =	vst v63  }
.Ltmp2:
0x10f: {  	_ = 	snop;
	(pc) =	sbr.rel @p1 .LBB2_4-.Ltmp2, $4  }
0x110: {  	s12 =	sadd.s32 $0x8A80, s23  }
0x111: {  	[spmem:s3] =	stream.indirect.scatter.add.f32 [tilespmem:s4], [sflag:$0x3], $0x10, s12, s29, $0xb8;
	[tilespmem:$0x15800] =	vst v63  }
0x112: {  	s25 =	sadd.s32 $0x8B00, s23;
	s23 =	sadd.s32 $0x8B80, s23  }
0x113: {  	[spmem:s3] =	stream.indirect.scatter.add.f32 [tilespmem:s6], [sflag:$0x3], $0x10, s25, s29, $0xb8;
	[tilespmem:$0x15800] =	vst v63  }
.LBB2_5:
0x114: {  	[spmem:s3] =	stream.indirect.scatter.add.f32 [tilespmem:s7], [sflag:$0x3], $0x10, s23, s29, $0xb8;
	[tilespmem:$0x15800] =	vst v63  }
0x115: {  	_ =	swait.ge [sflag:s18], $0x4000  }
0x116: {  	[sflag:s18] =	ssyncset.done $0x0  }
0x117: {  	[sflag:s18] =	ssyncadd.s32 $0xFFFFC000  }
0x118: {  	_ =	swait.ge [sflag:s19], $0x4000  }
0x119: {  	[sflag:s19] =	ssyncset.done $0x0  }
0x11a: {  	s22 =	rddreg [dreg:$0xe];
	[sflag:s19] =	ssyncadd.s32 $0xFFFFC000  }
0x11b: {  	[spmem:s3] =	stream.indirect.scatter.add.f32 [tilespmem:s8], [sflag:$0x4], $0x10, s22, s29, $0xb8;
	[tilespmem:$0x15800] =	vst v63  }
0x11c: {  	s25 =	rddreg [dreg:$0xf]  }
0x11d: {  	[spmem:s3] =	stream.indirect.scatter.add.f32 [tilespmem:s9], [sflag:$0x4], $0x10, s25, s29, $0xb8;
	[tilespmem:$0x15800] =	vst v63  }
0x11e: {  	s12 =	rddreg [dreg:$0x10]  }
0x11f: {  	[spmem:s3] =	stream.indirect.scatter.add.f32 [tilespmem:s10], [sflag:$0x4], $0x10, s12, s29, $0xb8;
	[tilespmem:$0x15800] =	vst v63  }
0x120: {  	s23 =	rddreg [dreg:$0x11]  }
0x121: {  	[spmem:s3] =	stream.indirect.scatter.add.f32 [tilespmem:s11], [sflag:$0x4], $0x10, s23, s29, $0xb8;
	[tilespmem:$0x15800] =	vst v63  }
0x122: {  	s24 =	rddreg [dreg:$0x12]  }
0x123: {  	[spmem:s3] =	stream.indirect.scatter.add.f32 [tilespmem:s13], [sflag:$0x4], $0x10, s24, s29, $0xb8;
	[tilespmem:$0x15800] =	vst v63  }
0x124: {  	s25 =	rddreg [dreg:$0x13]  }
0x125: {  	[spmem:s3] =	stream.indirect.scatter.add.f32 [tilespmem:s14], [sflag:$0x4], $0x10, s25, s29, $0xb8;
	[tilespmem:$0x15800] =	vst v63  }
0x126: {  	s12 =	rddreg [dreg:$0x14]  }
0x127: {  	[spmem:s3] =	stream.indirect.scatter.add.f32 [tilespmem:s15], [sflag:$0x4], $0x10, s12, s29, $0xb8;
	[tilespmem:$0x15800] =	vst v63  }
0x128: {  	s23 =	rddreg [dreg:$0x15]  }
0x129: {  	[spmem:s3] =	stream.indirect.scatter.add.f32 [tilespmem:s16], [sflag:$0x4], $0x10, s23, s29, $0xb8;
	[tilespmem:$0x15800] =	vst v63  }
0x12a: {  	_ =	swait.ge [sflag:s20], $0x4000  }
0x12b: {  	[sflag:s20] =	ssyncset.done $0x0  }
0x12c: {  	[sflag:s20] =	ssyncadd.s32 $0xFFFFC000  }
0x12d: {  	s24 =	simm.s32 $0x13000;
	[bflag:$0x0] =	sbarrier.arrive $0xFFFF  }
0x12e: {  	[tilespmem:s24], [sflag:$0x5] =	stream.linear.gather [spmem:s26], $0x2800, $0x38;
	[tilespmem:$0x15800] =	vst v63  }
0x12f: {  	_ =	swait.ge [sflag:s28], $0x2800  }
0x130: {  	[sflag:s28] =	ssyncset.done $0x0  }
0x131: {  	s25 =	simm.s32 $0x0;
	s12 =	rddreg [dreg:$0x16];
	[sflag:s28] =	ssyncadd.s32 $0xFFFFD800  }
0x132: {  	[hbm4b:s12+s25] =	stream.linear.scatter [tilespmem:s24], [sflag:$0x5], $0x2800, $0x38;
	[tilespmem:$0x15800] =	vst v63  }
0x133: {  	_ =	swait.ge [sflag:s28], $0x2800  }
0x134: {  	s21 =	sadd.s32 $0x1, s21;
	s24 =	rddreg [dreg:$0x17]  }
0x135: {  	p1 =	sne.s32 s21, s24  }
.Ltmp3:
0x136: {  	_ = 	snop;
	(pc) =	sbr.rel @p1 .LBB2_1-.Ltmp3, $3  }
0x137: {  	_ =	sdelay $0x1  }
0x138: {  	[sflag:s28] =	ssyncset.done $0x0  }
0x139: {  	[sflag:s28] =	ssyncadd.s32 $0xFFFFD800  }
0x13a: {  	_ =	sfence.sel $0x180000  }
0x13b: {  	[bflag:$0x0] =	sbarrier.arrive $0xFFFF  }
0x13c: {  	_ =	strace $0x9000004A  }
0x13d: {  	s0 =	stileid.u32;
	[bflag:$0x2] =	sbarrier.arrive $0xFFFF  }
0x13e: {  	p0 =	sne.s32 s0, $0x0;
	s0 =	rddreg [dreg:$0x3]  }
0x13f: {  	s0 =	sadd.s32 @!p0 $0x100000, s0  }
0x140: {  	[sflag:s0] =	ssyncadd.tile.s32 @!p0 $0x1;
	_ =	shalt  }
.Lfunc_end2:
_tile_overlayer_lowered:
.L_overlay_start_2:
0x141: {  	(tag) =	ssettag $0x2  }
0x142: {  	s0 =	rddreg [dreg:$0x0];
	s2 =	stileid.u32  }
0x143: {  	s1 =	rddreg [dreg:$0x1];
	p0 =	sne.s32 s2, $0x0  }
0x144: {  	s3 =	rddreg [dreg:$0x2];
	[bflag:$0x3] =	sbarrier.arrive $0xFFFF;
	s2 =	simm.s32 @!p0 $0x1C05  }
0x145: {  	[timem:s3], [sflag:s2] =	dma.local @!p0 [hbm:s0], s1  }
0x146: {  	s0 =	simm.s32 @!p0 $0x5  }
0x147: {  	_ =	swait.ge @!p0 [sflag:s0], s1  }
0x148: {  	s1 =	ssub.s32 @!p0 $0x0, s1;
	[sflag:s0] =	ssyncset.done @!p0 $0x0  }
0x149: {  	[sflag:s0] =	ssyncadd.s32 @!p0 s1  }
0x14a: {  	[bflag:$0x3] =	sbarrier.arrive $0xFFFF  }
0x14b: {  	_ =	shalt  }

// kernel: kernel.14.cloned.1.call-start
scs
__scs_entry_jumppad:
0x0: {  	(pc) =	sbr.rel $0x88, $3  }
0x1: {  	(tag) =	ssettag $0x0;
	lr =	simm.s32 $0x1  }
0x2: {  	[smem:$0x3F9B] =	sst lr;
	_ =	strace $0xD0000000  }
0x3: {  	_ = 	snop  }
0x4: {  	_ = 	snop  }
0x5: {  	_ = 	snop  }
0x6: {  	_ = 	snop  }
0x7: {  	_ = 	snop  }
__scs_overlays_trampoline_lowered:
0x8: {  	[smem:$0x3FAA] =	sst s0  }
0x9: {  	[smem:$0x3FAB] =	sst s1  }
0xa: {  	[smem:$0x3FAC] =	sst s2  }
0xb: {  	[smem:$0x3FAD] =	sst s3  }
0xc: {  	[smem:$0x3FAE] =	sst s4  }
0xd: {  	[smem:$0x3FAF] =	sst s5  }
0xe: {  	[smem:$0x3FB0] =	sst s6  }
0xf: {  	[smem:$0x3FB1] =	sst s7  }
0x10: {  	[smem:$0x3FB2] =	sst s8  }
0x11: {  	[smem:$0x3FB3] =	sst s9;
	s0 =	simm.s32 @!p0 $0x0  }
0x12: {  	s1 =	sld [smem:$0x3F99];
	s0 =	simm.s32 @p0 $0x1  }
0x13: {  	[smem:$0x3FB4] =	sst s0;
	s0 =	simm.s32 @!p1 $0x0  }
0x14: {  	s2 =	sld [smem:$0x3F98];
	s0 =	simm.s32 @p1 $0x1  }
0x15: {  	[smem:$0x3FB5] =	sst s0;
	s0 =	simm.s32 @!p2 $0x0  }
0x16: {  	s3 =	sld [smem:$0x3FDB];
	s0 =	simm.s32 @p2 $0x1  }
0x17: {  	s4 =	simm.s32 $0x1BF5;
	[smem:$0x3FB7] =	sst s0  }
0x18: {  	s0 =	sld [smem:$0x3F9A];
	_ =	swait.ge [sflag:s4], $0x0  }
0x19: {  	s7 =	sld [smem:$0x3F9B]  }
0x1a: {  	s8 =	sadd.s32 $0xFFFFE003, lr  }
0x1b: {  	s9 =	sadd.s32 $0xFFFFFEF7, lr;
	s5 =	simm.s32 $0xFFFFFFFF;
	p2 =	slt.u32 s8, $0xFFFFF086  }
0x1c: {  	p1 =	slt.u32 s9, $0xF7A;
	s5 =	simm.s32 @!p2 $0x0  }
0x1d: {  	s5 =	simm.s32 @p1 $0x1;
	p0 =	seq.s32 s7, s2  }
0x1e: {  	s7 =	smul.u32 @!p0 $0xF7A, s2;
	p2 =	seq.s32 @!p0 s5, $0x0  }
0x1f: {  	s9 =	smul.u32 $0xF7A, s1;
	s8 =	simm.s32 @!p0 $0x1BF5;
	p2 =	por !p2, p0  }
0x20: {  	[sflag:s8] =	ssyncset.s32 @!p0 $0xFFFFF086;
	s6 =	sadd.s32 @!p0 s3, s7;
	s7 =	simm.s32 @!p0 $0x108  }
0x21: {  	s3 =	sadd.s32 s3, s9;
	s6 =	sadd.s32 @!p0 $0x88, s6;
	s7 =	simm.s32 @p2 $0x1082  }
0x22: {  	[simem:s7], [sflag:s8] =	dma.local @!p0 [hbm:s6], $0xF7A  }
0x23: {  	s9 =	sor.u32 $0xD0000000, s2;
	s6 =	simm.s32 $0x108;
	_ =	swait.ge @!p0 [sflag:s8], $0x0  }
0x24: {  	s3 =	sadd.s32 $0x88, s3;
	s6 =	simm.s32 @!p1 $0x1082;
	[sflag:s4] =	ssyncset.s32 $0xFFFFF086  }
0x25: {  	[simem:s6], [sflag:s4] =	dma.local [hbm:s3], $0xF7A  }
0x26: {  	[smem:$0x3F9B] =	sst s1;
	(tag) =	ssettag s2;
	_ =	strace s9  }
0x27: {  	s1 =	sld [smem:$0x3FAB]  }
0x28: {  	s2 =	sld [smem:$0x3FAC]  }
0x29: {  	s4 =	sld [smem:$0x3FAE]  }
0x2a: {  	p0 =	seq.s32 s5, $0x0;
	s5 =	sld [smem:$0x3FAF]  }
0x2b: {  	s6 =	sld [smem:$0x3FB0]  }
0x2c: {  	s7 =	sld [smem:$0x3FB1]  }
0x2d: {  	s3 =	simm.s32 $0x108;
	s8 =	sld [smem:$0x3FB2]  }
0x2e: {  	s3 =	simm.s32 @!p0 $0x1082;
	s9 =	sld [smem:$0x3FB3]  }
0x2f: {  	lr =	sadd.s32 s0, s3;
	s0 =	sld [smem:$0x3FAA]  }
0x30: {  	s3 =	sld [smem:$0x3FAD]  }
0x31: {  	[smem:$0x3FB6] =	sst s10  }
0x32: {  	s10 =	sld [smem:$0x3FB4];
	_ =	sdelay $0x3  }
0x33: {  	p0 =	seq.s32 s10, $0x1;
	s10 =	sld [smem:$0x3FB6];
	_ =	sdelay $0x3  }
0x34: {  	[smem:$0x3FB6] =	sst s10  }
0x35: {  	s10 =	sld [smem:$0x3FB5];
	_ =	sdelay $0x3  }
0x36: {  	p1 =	seq.s32 s10, $0x1;
	s10 =	sld [smem:$0x3FB6];
	_ =	sdelay $0x3  }
0x37: {  	[smem:$0x3FB6] =	sst s10  }
0x38: {  	s10 =	sld [smem:$0x3FB7]  }
0x39: {  	_ = 	snop;
	(pc) =	sbr.ind lr, $3  }
0x3a: {  	_ = 	snop  }
0x3b: {  	_ = 	snop  }
0x3c: {  	p2 =	seq.s32 s10, $0x1;
	s10 =	sld [smem:$0x3FB6]  }
0x3d: {  	_ =	shalt  }
0x3e: {  	_ =	shalt  }
0x3f: {  	_ =	shalt  }
0x40: {  	_ =	shalt  }
0x41: {  	_ =	shalt  }
0x42: {  	_ =	shalt  }
0x43: {  	_ =	shalt  }
0x44: {  	_ =	shalt  }
0x45: {  	_ =	shalt  }
0x46: {  	_ =	shalt  }
0x47: {  	_ =	shalt  }
0x48: {  	_ =	shalt  }
0x49: {  	_ =	shalt  }
0x4a: {  	_ =	shalt  }
0x4b: {  	_ =	shalt  }
0x4c: {  	_ =	shalt  }
0x4d: {  	_ =	shalt  }
0x4e: {  	_ =	shalt  }
0x4f: {  	_ =	shalt  }
0x50: {  	_ =	shalt  }
0x51: {  	_ =	shalt  }
0x52: {  	_ =	shalt  }
0x53: {  	_ =	shalt  }
0x54: {  	_ =	shalt  }
0x55: {  	_ =	shalt  }
0x56: {  	_ =	shalt  }
0x57: {  	_ =	shalt  }
0x58: {  	_ =	shalt  }
0x59: {  	_ =	shalt  }
0x5a: {  	_ =	shalt  }
0x5b: {  	_ =	shalt  }
0x5c: {  	_ =	shalt  }
0x5d: {  	_ =	shalt  }
0x5e: {  	_ =	shalt  }
0x5f: {  	_ =	shalt  }
0x60: {  	_ =	shalt  }
0x61: {  	_ =	shalt  }
0x62: {  	_ =	shalt  }
0x63: {  	_ =	shalt  }
0x64: {  	_ =	shalt  }
0x65: {  	_ =	shalt  }
0x66: {  	_ =	shalt  }
0x67: {  	_ =	shalt  }
0x68: {  	_ =	shalt  }
0x69: {  	_ =	shalt  }
0x6a: {  	_ =	shalt  }
0x6b: {  	_ =	shalt  }
0x6c: {  	_ =	shalt  }
0x6d: {  	_ =	shalt  }
0x6e: {  	_ =	shalt  }
0x6f: {  	_ =	shalt  }
0x70: {  	_ =	shalt  }
0x71: {  	_ =	shalt  }
0x72: {  	_ =	shalt  }
0x73: {  	_ =	shalt  }
0x74: {  	_ =	shalt  }
0x75: {  	_ =	shalt  }
0x76: {  	_ =	shalt  }
0x77: {  	_ =	shalt  }
0x78: {  	_ =	shalt  }
0x79: {  	_ =	shalt  }
0x7a: {  	_ =	shalt  }
0x7b: {  	_ =	shalt  }
0x7c: {  	_ =	shalt  }
0x7d: {  	_ =	shalt  }
0x7e: {  	_ =	shalt  }
0x7f: {  	_ =	shalt  }
0x80: {  	_ =	shalt  }
0x81: {  	_ =	shalt  }
0x82: {  	_ =	shalt  }
0x83: {  	_ =	shalt  }
0x84: {  	_ =	shalt  }
0x85: {  	_ =	shalt  }
0x86: {  	_ =	shalt  }
0x87: {  	_ =	shalt  }
.Lfunc_end0:
.L_simem_size_0:
called_computation.2_lowered:
.L_overlay_start_0:
0x88: {  	s2 =	sld [smem:$0x3FD9]  }
0x89: {  	s3 =	sld [smem:$0x3FFE];
	_ =	sdelay $0x1  }
0x8a: {  	s1 =	srdreg.scid  }
0x8b: {  	s0 =	sand.u32 $0x1, s1  }
0x8c: {  	s16 =	sshll.u32 s0, $0xA;
	s2 =	sadd.s32 s3, s2  }
0x8d: {  	s2 =	sadd.s32 s2, s16  }
0x8e: {  	[smem:$0x3FC2] =	sst s2  }
0x8f: {  	_ = 	snop  }
0x90: {  	(tm) =	ssettm $0x1  }
0x91: {  	s17 =	sld [smem:$0x3FFB];
	_ =	sdelay $0x3  }
0x92: {  	_ =	strace s17  }
0x93: {  	s2 =	sld [smem:$0x3FFC];
	_ =	sdelay $0x3  }
0x94: {  	_ =	strace s2  }
0x95: {  	s2 =	sld [smem:$0x3FFD];
	_ =	sdelay $0x3  }
0x96: {  	_ =	strace s2  }
0x97: {  	_ =	strace $0x8FFFFFFF  }
0x98: {  	s18 =	sld [smem:$0x3FDB];
	_ =	sdelay $0x1  }
0x99: {  	s19 =	simm.s32 $_scs_section_size  }
0x9a: {  	s4 =	simm.s32 $_size__tile_overlayer_lowered;
	s5 =	simm.s32 $_tile_overlayer_lowered  }
0x9b: {  	s22 =	simm.s32 $0x1BFF;
	s21 =	sshll.u32 s5, $0x1;
	s2 =	sadd.s32 s19, s18  }
0x9c: {  	s6 =	simm.s32 $0x0;
	s20 =	sshll.u32 s4, $0x1;
	s4 =	sadd.s32 s21, s2  }
0x9d: {  	[timem:s6], [sflag:s22] =	dma.local [hbm:s4], s20  }
0x9e: {  	_ =	swait.ge [sflag:s22], s20  }
0x9f: {  	s3 =	ssub.s32 $0x0, s20;
	[sflag:s22] =	ssyncset.done $0x0  }
0xa0: {  	[sflag:s22] =	ssyncadd.s32 s3;
	_ =	sdelay $0x1  }
0xa1: {  	s23 =	simm.s32 $0x1B8B  }
0xa2: {  	_ =	swait.ge [sflag:s23], $0x1  }
0xa3: {  	[sflag:s23] =	ssyncset.done $0x0  }
0xa4: {  	s25 =	simm.s32 $0x1B8E;
	s24 =	sld [smem:$0x3FFE];
	[sflag:s23] =	ssyncadd.s32 $0xFFFFFFFF  }
0xa5: {  	s26 =	simm.s32 $execute0_lowered;
	[smem:$0x3FD2] =	sst s25  }
0xa6: {  	s4 =	sshll.u32 s26, $0x1;
	_ =	strace $0x8000004C;
	[dreg:$0x1] =	wrdreg $0xFFFFFFFF  }
0xa7: {  	s28 =	simm.s32 $_size_execute0_lowered;
	s2 =	sadd.s32 s2, s4;
	[dreg:$0x0] =	wrdreg $0x0  }
0xa8: {  	s4 =	sshll.u32 s28, $0x1;
	[dreg:$0x2] =	wrdreg s2  }
0xa9: {  	[dreg:$0x3] =	wrdreg s4  }
0xaa: {  	[dreg:$0x4] =	wrdreg $0xC0  }
0xab: {  	_ =	task [dreg:s6], $0x5FFFF  }
0xac: {  	[dreg:$0x1] =	wrdreg $0xFFFFFFFF  }
0xad: {  	[dreg:$0x0] =	wrdreg $0x60  }
0xae: {  	[dreg:$0x2] =	wrdreg s24  }
0xaf: {  	[dreg:$0x3] =	wrdreg $0x28000  }
0xb0: {  	[dreg:$0x4] =	wrdreg $0x0  }
0xb1: {  	[dreg:$0x5] =	wrdreg $0x9  }
0xb2: {  	_ =	task.clear_ibuf [dreg:s6], $0x6FFFF;
	_ =	strace $0x9000004C  }
0xb3: {  	s29 =	simm.s32 $0x9;
	_ =	strace $0x8000004E  }
0xb4: {  	_ =	swait.ge [sflag:s29], $0x1  }
0xb5: {  	[sflag:s29] =	ssyncadd.s32 $0xFFFFFFFF  }
0xb6: {  	_ =	strace $0x9000004E  }
0xb7: {  	_ =	sfence  }
0xb8: {  	s30 =	sld [smem:$0x0];
	_ =	sdelay $0x2  }
0xb9: {  	s31 =	sshll.u32 s1, $0xD;
	s1 =	sshrl.u32 s1, $0x2  }
0xba: {  	s3 =	sand.u32 $0x4000, s31;
	s1 =	sadd.s32 s1, s30  }
0xbb: {  	s0 =	sor.u32 s3, s0;
	s1 =	sshll.u32 s1, $0x11  }
0xbc: {  	s0 =	sor.u32 s1, s0  }
0xbd: {  	s0 =	sadd.s32 $0x8F2B, s0  }
0xbe: {  	[sflag:s0] =	ssyncadd.remote.s32 $0x1  }
0xbf: {  	_ =	sfence.sel $0xFFFF  }
0xc0: {  	[dreg:$0x0] =	wrdreg $0xFFFFFFFF;
	(pc) =	sbr.abs _section_cstart, $3  }
0xc1: {  	[dreg:$0x1] =	wrdreg $0xFFFFFFFF  }
0xc2: {  	_ =	task.clear_ibuf [dreg:s6], $0x2FFFF;
	_ =	strace $0x9FFFFFFF  }
0xc3: {  	(tm) =	ssettm $0x7FFFFFFF  }
tec
execute0_lowered:
.L_overlay_start_1:
0x0: {  	(tag) =	ssettag $0x1  }
0x1: {  	s0 =	rddreg [dreg:$0x0]  }
0x2: {  	s2 =	rddreg [dreg:$0x1]  }
0x3: {  	s3 =	rddreg [dreg:$0x2]  }
0x4: {  	s13 =	stileid.u32;
	s25 =	simm.s32 $0x0;
	s4 =	srdreg.scid  }
0x5: {  	s11 =	simm.s32 $0xC000;
	s28 =	simm.s32 $0x5;
	s1 =	smul.u32 $0x2800, s13  }
0x6: {  	s29 =	simm.s32 $0x80;
	s31 =	simm.s32 $0xB000;
	s5 =	smul.u32 $0x500, s13  }
0x7: {  	[smem:$0x7FF] =	sst s25;
	s4 =	sand.u32 $0x1, s4;
	s24 =	smul.u32 $0x600, s13  }
0x8: {  	s7 =	sadd.s32 $0xB400, s0;
	s23 =	sshll.u32 s13, $0xA;
	s13 =	smul.u32 $0xA000, s13  }
0x9: {  	s8 =	sadd.s32 $0xE00, s0;
	_ =	strace $0x8000004D;
	s6 =	smul.u32 $0x5000, s4  }
0xa: {  	s9 =	ssub.s32 $0x2, s4;
	p0 =	seq.s32 s4, $0x0;
	s12 =	sadd.s32 $0x6000, s23  }
0xb: {  	s10 =	sshrl.u32 s1, $0x3;
	s22 =	sshrl.u32 s9, $0x1;
	s14 =	sadd.s32 s7, s12  }
0xc: {  	s11 =	simm.s32 @!p0 $0x8000;
	s12 =	sadd.s32 s8, s12;
	[dreg:$0x5] =	wrdreg s14  }
0xd: {  	s7 =	sadd.s32 s7, s24;
	s26 =	sshrl.u32 s13, $0x2;
	[dreg:$0x6] =	wrdreg s12  }
0xe: {  	s8 =	sadd.s32 s8, s24;
	s5 =	sadd.s32 s5, s6;
	[dreg:$0x7] =	wrdreg s7  }
0xf: {  	s10 =	sadd.s32 s10, s0;
	[dreg:$0x8] =	wrdreg s8;
	s21 =	sadd.s32 $0xFFFFE000, s11  }
0x10: {  	s6 =	ssub.s32 s9, s22;
	s9 =	sadd.s32 $0x15A00, s10;
	[dreg:$0x4] =	wrdreg s21  }
0x11: {  	s7 =	sadd.s32 s26, s3;
	s10 =	sadd.s32 s1, s2;
	[dreg:$0x9] =	wrdreg s9  }
0x12: {  	s30 =	simm.s32 $0xC800;
	s12 =	sadd.s32 $0xA00, s7;
	[dreg:$0xa] =	wrdreg s10  }
0x13: {  	p0 =	sne.s32 s4, $0x0;
	s13 =	sadd.s32 $0x1400, s7;
	[dreg:$0xb] =	wrdreg s12  }
0x14: {  	s15 =	sshrl.u32 s11, $0x2;
	s14 =	sadd.s32 $0x1E00, s7;
	[dreg:$0xc] =	wrdreg s13  }
0x15: {  	s4 =	simm.s32 $0xD800;
	s16 =	sadd.s32 $0x7C00, s15;
	[dreg:$0xd] =	wrdreg s14  }
0x16: {  	s26 =	sadd.s32 s1, s3;
	s17 =	sadd.s32 $0x7C80, s15;
	[dreg:$0xe] =	wrdreg s16  }
0x17: {  	s8 =	simm.s32 $0xF000;
	s18 =	sadd.s32 $0x7D00, s15;
	[dreg:$0xf] =	wrdreg s17  }
0x18: {  	s11 =	simm.s32 $0x10800;
	s19 =	sadd.s32 $0x7D80, s15;
	[dreg:$0x10] =	wrdreg s18  }
0x19: {  	s0 =	sadd.s32 s5, s0;
	s20 =	sadd.s32 $0x7E00, s15;
	[dreg:$0x11] =	wrdreg s19  }
0x1a: {  	s5 =	simm.s32 $0xC000;
	s22 =	sadd.s32 $0x7E80, s15;
	[dreg:$0x12] =	wrdreg s20  }
0x1b: {  	s23 =	sadd.s32 $0x7F00, s15;
	s1 =	sadd.s32 $0x7F80, s15;
	[dreg:$0x13] =	wrdreg s22  }
0x1c: {  	s24 =	smax.u32 s6, $0x1;
	s6 =	simm.s32 $0xE000;
	[dreg:$0x14] =	wrdreg s23  }
0x1d: {  	s7 =	simm.s32 $0xE800;
	s15 =	simm.s32 $0x12000;
	[dreg:$0x15] =	wrdreg s1  }
0x1e: {  	s21 =	simm.s32 $0x0;
	s0 =	sadd.s32 $0x1AA00, s0;
	[dreg:$0x17] =	wrdreg s24  }
0x1f: {  	s1 =	simm.s32 $0xB800;
	s9 =	simm.s32 $0xF800;
	s10 =	simm.s32 $0x10000  }
0x20: {  	s13 =	simm.s32 $0x11000;
	s14 =	simm.s32 $0x11800;
	s16 =	simm.s32 $0x12800  }
0x21: {  	s17 =	simm.s32 $0x1;
	s18 =	simm.s32 $0x3;
	s19 =	simm.s32 $0x2  }
0x22: {  	v0 =	vimm.f32 $0.0e+00;
	s20 =	simm.s32 $0x4;
	[dreg:$0x16] =	wrdreg s0;
	s0 =	simm.s32 $0xD000  }
.LBB2_1:
0x23: {  	s22 =	simm.s32 @p0 $0x0;
	s23 =	simm.s32 @p0 $0x5000;
	s24 =	rddreg [dreg:$0x5]  }
0x24: {  	[tilespmem:s23], [sflag:$0x5] =	stream.linear.gather @p0 [hbm4b:s24+s22], $0x2000, $0x38;
	[tilespmem:$0x15800] =	vst v63  }
0x25: {  	s23 =	simm.s32 @p0 $0x5  }
0x26: {  	_ =	swait.ge @p0 [sflag:s23], $0x2000  }
0x27: {  	[sflag:s23] =	ssyncset.done @p0 $0x0  }
0x28: {  	s24 =	simm.s32 @p0 $0x8000;
	s12 =	rddreg [dreg:$0x6];
	[sflag:s23] =	ssyncadd.s32 @p0 $0xFFFFE000  }
0x29: {  	[tilespmem:s24], [sflag:$0x5] =	stream.linear.gather @p0 [hbm4b:s12+s22], $0x2000, $0x38;
	[tilespmem:$0x15800] =	vst v63  }
0x2a: {  	_ =	swait.ge @p0 [sflag:s23], $0x2000  }
0x2b: {  	s22 =	simm.s32 @!p0 $0x0;
	[sflag:s23] =	ssyncset.done @p0 $0x0  }
0x2c: {  	s12 =	rddreg [dreg:$0x7];
	[sflag:s23] =	ssyncadd.s32 @p0 $0xFFFFE000;
	s23 =	simm.s32 @!p0 $0x5000  }
0x2d: {  	[tilespmem:s23], [sflag:$0x5] =	stream.linear.gather @!p0 [hbm4b:s12+s22], $0x3000, $0x38;
	[tilespmem:$0x15800] =	vst v63  }
0x2e: {  	s23 =	simm.s32 @!p0 $0x5  }
0x2f: {  	_ =	swait.ge @!p0 [sflag:s23], $0x3000  }
0x30: {  	[sflag:s23] =	ssyncset.done @!p0 $0x0  }
0x31: {  	s24 =	simm.s32 @!p0 $0x8000;
	s12 =	rddreg [dreg:$0x8];
	[sflag:s23] =	ssyncadd.s32 @!p0 $0xFFFFD000  }
0x32: {  	[tilespmem:s24], [sflag:$0x5] =	stream.linear.gather @!p0 [hbm4b:s12+s22], $0x3000, $0x38;
	[tilespmem:$0x15800] =	vst v63  }
0x33: {  	_ =	swait.ge @!p0 [sflag:s23], $0x3000  }
0x34: {  	[sflag:s23] =	ssyncset.done @!p0 $0x0  }
0x35: {  	s24 =	simm.s32 $0x13000;
	[sflag:s23] =	ssyncadd.s32 @!p0 $0xFFFFD000;
	s23 =	rddreg [dreg:$0x9]  }
0x36: {  	[tilespmem:s24], [sflag:$0x5] =	stream.linear.gather [hbm4b:s23+s25], $0x2800, $0x38;
	[tilespmem:$0x15800] =	vst v63  }
0x37: {  	_ =	swait.ge [sflag:s28], $0x2800  }
0x38: {  	[sflag:s28] =	ssyncset.done $0x0  }
0x39: {  	s25 =	rddreg [dreg:$0xa];
	[sflag:s28] =	ssyncadd.s32 $0xFFFFD800  }
0x3a: {  	[spmem:s25] =	stream.linear.scatter [tilespmem:s24], [sflag:$0x5], $0x2800, $0x38;
	[tilespmem:$0x15800] =	vst v63  }
0x3b: {  	_ =	swait.ge [sflag:s28], $0x2800  }
0x3c: {  	[sflag:s28] =	ssyncset.done $0x0  }
0x3d: {  	s22 =	simm.s32 $0x40;
	s23 =	simm.s32 $0x0;
	[sflag:s28] =	ssyncadd.s32 $0xFFFFD800  }
.LBB2_2:
0x3e: {  	p1 =	sne.s32 s22, $0x27C0;
	[tilespmem:s23+$0x13000] =	vst v0;
	s23 =	smov.u32 s22;
	s22 =	sadd.s32 $0x40, s22  }
.Ltmp0:
0x3f: {  	(pc) =	sbr.rel @p1 .LBB2_2-.Ltmp0, $2  }
0x40: {  	_ =	sdelay $0x2  }
0x41: {  	s23 =	sshra.s32 s23, $0x2  }
0x42: {  	[tilespmem:s23+$0x13000] =	vst v0  }
0x43: {  	[spmem:s26] =	stream.linear.scatter [tilespmem:s24], [sflag:$0x5], $0xA00, $0x38;
	[tilespmem:$0x15800] =	vst v63  }
0x44: {  	_ =	swait.ge [sflag:s28], $0xA00  }
0x45: {  	[sflag:s28] =	ssyncset.done $0x0  }
0x46: {  	s22 =	rddreg [dreg:$0xb];
	[sflag:s28] =	ssyncadd.s32 $0xFFFFF600  }
0x47: {  	[spmem:s22] =	stream.linear.scatter [tilespmem:s24], [sflag:$0x5], $0xA00, $0x38;
	[tilespmem:$0x15800] =	vst v63  }
0x48: {  	_ =	swait.ge [sflag:s28], $0xA00  }
0x49: {  	[sflag:s28] =	ssyncset.done $0x0  }
0x4a: {  	s12 =	rddreg [dreg:$0xc];
	[sflag:s28] =	ssyncadd.s32 $0xFFFFF600  }
0x4b: {  	[spmem:s12] =	stream.linear.scatter [tilespmem:s24], [sflag:$0x5], $0xA00, $0x38;
	[tilespmem:$0x15800] =	vst v63  }
0x4c: {  	_ =	swait.ge [sflag:s28], $0xA00  }
0x4d: {  	[sflag:s28] =	ssyncset.done $0x0  }
0x4e: {  	s23 =	rddreg [dreg:$0xd];
	[sflag:s28] =	ssyncadd.s32 $0xFFFFF600  }
0x4f: {  	[spmem:s23] =	stream.linear.scatter [tilespmem:s24], [sflag:$0x5], $0xA00, $0x38;
	[tilespmem:$0x15800] =	vst v63  }
0x50: {  	_ =	swait.ge [sflag:s28], $0xA00  }
0x51: {  	[sflag:s28] =	ssyncset.done $0x0  }
0x52: {  	[sflag:s28] =	ssyncadd.s32 $0xFFFFF600  }
0x53: {  	s25 =	simm.s32 $0x5000;
	[bflag:$0x0] =	sbarrier.arrive $0xFFFF  }
0x54: {  	[tilespmem:s31], [sflag:$0x1] =	stream.indirect.gather [spmem:s2], $0x10, s25, s29, $0xb8;
	[tilespmem:$0x15800] =	vst v63  }
0x55: {  	s12 =	simm.s32 $0x5080  }
0x56: {  	[tilespmem:s1], [sflag:$0x1] =	stream.indirect.gather [spmem:s2], $0x10, s12, s29, $0xb8;
	[tilespmem:$0x15800] =	vst v63  }
0x57: {  	s23 =	simm.s32 $0x5100  }
0x58: {  	[tilespmem:s5], [sflag:$0x1] =	stream.indirect.gather [spmem:s2], $0x10, s23, s29, $0xb8;
	[tilespmem:$0x15800] =	vst v63  }
0x59: {  	s24 =	simm.s32 $0x5180  }
0x5a: {  	[tilespmem:s30], [sflag:$0x1] =	stream.indirect.gather [spmem:s2], $0x10, s24, s29, $0xb8;
	[tilespmem:$0x15800] =	vst v63  }
0x5b: {  	s25 =	simm.s32 $0x5200  }
0x5c: {  	[tilespmem:s0], [sflag:$0x1] =	stream.indirect.gather [spmem:s2], $0x10, s25, s29, $0xb8;
	[tilespmem:$0x15800] =	vst v63  }
0x5d: {  	s12 =	simm.s32 $0x5280  }
0x5e: {  	[tilespmem:s4], [sflag:$0x1] =	stream.indirect.gather [spmem:s2], $0x10, s12, s29, $0xb8;
	[tilespmem:$0x15800] =	vst v63  }
0x5f: {  	s23 =	simm.s32 $0x5300  }
0x60: {  	[tilespmem:s6], [sflag:$0x1] =	stream.indirect.gather [spmem:s2], $0x10, s23, s29, $0xb8;
	[tilespmem:$0x15800] =	vst v63  }
0x61: {  	s24 =	simm.s32 $0x5380  }
0x62: {  	[tilespmem:s7], [sflag:$0x1] =	stream.indirect.gather [spmem:s2], $0x10, s24, s29, $0xb8;
	[tilespmem:$0x15800] =	vst v63  }
0x63: {  	s25 =	simm.s32 $0x5400  }
0x64: {  	[tilespmem:s8], [sflag:$0x2] =	stream.indirect.gather [spmem:s2], $0x10, s25, s29, $0xb8;
	[tilespmem:$0x15800] =	vst v63  }
0x65: {  	s12 =	simm.s32 $0x5480  }
0x66: {  	[tilespmem:s9], [sflag:$0x2] =	stream.indirect.gather [spmem:s2], $0x10, s12, s29, $0xb8;
	[tilespmem:$0x15800] =	vst v63  }
0x67: {  	s23 =	simm.s32 $0x5500  }
0x68: {  	[tilespmem:s10], [sflag:$0x2] =	stream.indirect.gather [spmem:s2], $0x10, s23, s29, $0xb8;
	[tilespmem:$0x15800] =	vst v63  }
0x69: {  	s24 =	simm.s32 $0x5580  }
0x6a: {  	[tilespmem:s11], [sflag:$0x2] =	stream.indirect.gather [spmem:s2], $0x10, s24, s29, $0xb8;
	[tilespmem:$0x15800] =	vst v63  }
0x6b: {  	s25 =	simm.s32 $0x5600  }
0x6c: {  	[tilespmem:s13], [sflag:$0x2] =	stream.indirect.gather [spmem:s2], $0x10, s25, s29, $0xb8;
	[tilespmem:$0x15800] =	vst v63  }
0x6d: {  	s12 =	simm.s32 $0x5680  }
0x6e: {  	[tilespmem:s14], [sflag:$0x2] =	stream.indirect.gather [spmem:s2], $0x10, s12, s29, $0xb8;
	[tilespmem:$0x15800] =	vst v63  }
0x6f: {  	s23 =	simm.s32 $0x5700  }
0x70: {  	[tilespmem:s15], [sflag:$0x2] =	stream.indirect.gather [spmem:s2], $0x10, s23, s29, $0xb8;
	[tilespmem:$0x15800] =	vst v63  }
0x71: {  	s24 =	simm.s32 $0x5780  }
0x72: {  	[tilespmem:s16], [sflag:$0x2] =	stream.indirect.gather [spmem:s2], $0x10, s24, s29, $0xb8;
	[tilespmem:$0x15800] =	vst v63  }
0x73: {  	_ =	swait.ge [sflag:s17], $0x4000  }
0x74: {  	[sflag:s17] =	ssyncset.done $0x0  }
0x75: {  	s25 =	simm.s32 $0x8000;
	[sflag:s17] =	ssyncadd.s32 $0xFFFFC000  }
0x76: {  	[spmem:s3] =	stream.indirect.scatter.add.f32 [tilespmem:s31], [sflag:$0x3], $0x10, s25, s29, $0xb8;
	[tilespmem:$0x15800] =	vst v63  }
0x77: {  	s12 =	simm.s32 $0x8080  }
0x78: {  	[spmem:s3] =	stream.indirect.scatter.add.f32 [tilespmem:s1], [sflag:$0x3], $0x10, s12, s29, $0xb8;
	[tilespmem:$0x15800] =	vst v63  }
0x79: {  	s23 =	simm.s32 $0x8100  }
0x7a: {  	[spmem:s3] =	stream.indirect.scatter.add.f32 [tilespmem:s5], [sflag:$0x3], $0x10, s23, s29, $0xb8;
	[tilespmem:$0x15800] =	vst v63  }
0x7b: {  	s24 =	simm.s32 $0x8180  }
0x7c: {  	[spmem:s3] =	stream.indirect.scatter.add.f32 [tilespmem:s30], [sflag:$0x3], $0x10, s24, s29, $0xb8;
	[tilespmem:$0x15800] =	vst v63  }
0x7d: {  	s25 =	simm.s32 $0x8200  }
0x7e: {  	[spmem:s3] =	stream.indirect.scatter.add.f32 [tilespmem:s0], [sflag:$0x3], $0x10, s25, s29, $0xb8;
	[tilespmem:$0x15800] =	vst v63  }
0x7f: {  	s12 =	simm.s32 $0x8280  }
0x80: {  	[spmem:s3] =	stream.indirect.scatter.add.f32 [tilespmem:s4], [sflag:$0x3], $0x10, s12, s29, $0xb8;
	[tilespmem:$0x15800] =	vst v63  }
0x81: {  	s23 =	simm.s32 $0x8300  }
0x82: {  	[spmem:s3] =	stream.indirect.scatter.add.f32 [tilespmem:s6], [sflag:$0x3], $0x10, s23, s29, $0xb8;
	[tilespmem:$0x15800] =	vst v63  }
0x83: {  	s24 =	simm.s32 $0x8380  }
0x84: {  	[spmem:s3] =	stream.indirect.scatter.add.f32 [tilespmem:s7], [sflag:$0x3], $0x10, s24, s29, $0xb8;
	[tilespmem:$0x15800] =	vst v63  }
0x85: {  	_ =	swait.ge [sflag:s18], $0x4000  }
0x86: {  	[sflag:s18] =	ssyncset.done $0x0  }
0x87: {  	s25 =	simm.s32 $0x5800;
	[sflag:s18] =	ssyncadd.s32 $0xFFFFC000  }
0x88: {  	[tilespmem:s31], [sflag:$0x1] =	stream.indirect.gather [spmem:s2], $0x10, s25, s29, $0xb8;
	[tilespmem:$0x15800] =	vst v63  }
0x89: {  	s12 =	simm.s32 $0x5880  }
0x8a: {  	[tilespmem:s1], [sflag:$0x1] =	stream.indirect.gather [spmem:s2], $0x10, s12, s29, $0xb8;
	[tilespmem:$0x15800] =	vst v63  }
0x8b: {  	s23 =	simm.s32 $0x5900  }
0x8c: {  	[tilespmem:s5], [sflag:$0x1] =	stream.indirect.gather [spmem:s2], $0x10, s23, s29, $0xb8;
	[tilespmem:$0x15800] =	vst v63  }
0x8d: {  	s24 =	simm.s32 $0x5980  }
0x8e: {  	[tilespmem:s30], [sflag:$0x1] =	stream.indirect.gather [spmem:s2], $0x10, s24, s29, $0xb8;
	[tilespmem:$0x15800] =	vst v63  }
0x8f: {  	s25 =	simm.s32 $0x5A00  }
0x90: {  	[tilespmem:s0], [sflag:$0x1] =	stream.indirect.gather [spmem:s2], $0x10, s25, s29, $0xb8;
	[tilespmem:$0x15800] =	vst v63  }
0x91: {  	s12 =	simm.s32 $0x5A80  }
0x92: {  	[tilespmem:s4], [sflag:$0x1] =	stream.indirect.gather [spmem:s2], $0x10, s12, s29, $0xb8;
	[tilespmem:$0x15800] =	vst v63  }
0x93: {  	s23 =	simm.s32 $0x5B00  }
0x94: {  	[tilespmem:s6], [sflag:$0x1] =	stream.indirect.gather [spmem:s2], $0x10, s23, s29, $0xb8;
	[tilespmem:$0x15800] =	vst v63  }
0x95: {  	s24 =	simm.s32 $0x5B80  }
0x96: {  	[tilespmem:s7], [sflag:$0x1] =	stream.indirect.gather [spmem:s2], $0x10, s24, s29, $0xb8;
	[tilespmem:$0x15800] =	vst v63  }
0x97: {  	_ =	swait.ge [sflag:s19], $0x4000  }
0x98: {  	[sflag:s19] =	ssyncset.done $0x0  }
0x99: {  	s25 =	simm.s32 $0x8400;
	[sflag:s19] =	ssyncadd.s32 $0xFFFFC000  }
0x9a: {  	[spmem:s3] =	stream.indirect.scatter.add.f32 [tilespmem:s8], [sflag:$0x4], $0x10, s25, s29, $0xb8;
	[tilespmem:$0x15800] =	vst v63  }
0x9b: {  	s12 =	simm.s32 $0x8480  }
0x9c: {  	[spmem:s3] =	stream.indirect.scatter.add.f32 [tilespmem:s9], [sflag:$0x4], $0x10, s12, s29, $0xb8;
	[tilespmem:$0x15800] =	vst v63  }
0x9d: {  	s23 =	simm.s32 $0x8500  }
0x9e: {  	[spmem:s3] =	stream.indirect.scatter.add.f32 [tilespmem:s10], [sflag:$0x4], $0x10, s23, s29, $0xb8;
	[tilespmem:$0x15800] =	vst v63  }
0x9f: {  	s24 =	simm.s32 $0x8580  }
0xa0: {  	[spmem:s3] =	stream.indirect.scatter.add.f32 [tilespmem:s11], [sflag:$0x4], $0x10, s24, s29, $0xb8;
	[tilespmem:$0x15800] =	vst v63  }
0xa1: {  	s25 =	simm.s32 $0x8600  }
0xa2: {  	[spmem:s3] =	stream.indirect.scatter.add.f32 [tilespmem:s13], [sflag:$0x4], $0x10, s25, s29, $0xb8;
	[tilespmem:$0x15800] =	vst v63  }
0xa3: {  	s12 =	simm.s32 $0x8680  }
0xa4: {  	[spmem:s3] =	stream.indirect.scatter.add.f32 [tilespmem:s14], [sflag:$0x4], $0x10, s12, s29, $0xb8;
	[tilespmem:$0x15800] =	vst v63  }
0xa5: {  	s23 =	simm.s32 $0x8700  }
0xa6: {  	[spmem:s3] =	stream.indirect.scatter.add.f32 [tilespmem:s15], [sflag:$0x4], $0x10, s23, s29, $0xb8;
	[tilespmem:$0x15800] =	vst v63  }
0xa7: {  	s24 =	simm.s32 $0x8780  }
0xa8: {  	[spmem:s3] =	stream.indirect.scatter.add.f32 [tilespmem:s16], [sflag:$0x4], $0x10, s24, s29, $0xb8;
	[tilespmem:$0x15800] =	vst v63  }
0xa9: {  	_ =	swait.ge [sflag:s20], $0x4000  }
0xaa: {  	[sflag:s20] =	ssyncset.done $0x0  }
0xab: {  	s25 =	simm.s32 $0x5C00;
	[sflag:s20] =	ssyncadd.s32 $0xFFFFC000  }
0xac: {  	[tilespmem:s8], [sflag:$0x2] =	stream.indirect.gather [spmem:s2], $0x10, s25, s29, $0xb8;
	[tilespmem:$0x15800] =	vst v63  }
0xad: {  	s12 =	simm.s32 $0x5C80  }
0xae: {  	[tilespmem:s9], [sflag:$0x2] =	stream.indirect.gather [spmem:s2], $0x10, s12, s29, $0xb8;
	[tilespmem:$0x15800] =	vst v63  }
0xaf: {  	s23 =	simm.s32 $0x5D00  }
0xb0: {  	[tilespmem:s10], [sflag:$0x2] =	stream.indirect.gather [spmem:s2], $0x10, s23, s29, $0xb8;
	[tilespmem:$0x15800] =	vst v63  }
0xb1: {  	s24 =	simm.s32 $0x5D80  }
0xb2: {  	[tilespmem:s11], [sflag:$0x2] =	stream.indirect.gather [spmem:s2], $0x10, s24, s29, $0xb8;
	[tilespmem:$0x15800] =	vst v63  }
0xb3: {  	s25 =	simm.s32 $0x5E00  }
0xb4: {  	[tilespmem:s13], [sflag:$0x2] =	stream.indirect.gather [spmem:s2], $0x10, s25, s29, $0xb8;
	[tilespmem:$0x15800] =	vst v63  }
0xb5: {  	s12 =	simm.s32 $0x5E80  }
0xb6: {  	[tilespmem:s14], [sflag:$0x2] =	stream.indirect.gather [spmem:s2], $0x10, s12, s29, $0xb8;
	[tilespmem:$0x15800] =	vst v63  }
0xb7: {  	s23 =	simm.s32 $0x5F00  }
0xb8: {  	[tilespmem:s15], [sflag:$0x2] =	stream.indirect.gather [spmem:s2], $0x10, s23, s29, $0xb8;
	[tilespmem:$0x15800] =	vst v63  }
0xb9: {  	s24 =	simm.s32 $0x5F80  }
0xba: {  	[tilespmem:s16], [sflag:$0x2] =	stream.indirect.gather [spmem:s2], $0x10, s24, s29, $0xb8;
	[tilespmem:$0x15800] =	vst v63  }
0xbb: {  	_ =	swait.ge [sflag:s17], $0x4000  }
0xbc: {  	[sflag:s17] =	ssyncset.done $0x0  }
0xbd: {  	s25 =	simm.s32 $0x8800;
	[sflag:s17] =	ssyncadd.s32 $0xFFFFC000  }
0xbe: {  	[spmem:s3] =	stream.indirect.scatter.add.f32 [tilespmem:s31], [sflag:$0x3], $0x10, s25, s29, $0xb8;
	[tilespmem:$0x15800] =	vst v63  }
0xbf: {  	s12 =	simm.s32 $0x8880  }
0xc0: {  	[spmem:s3] =	stream.indirect.scatter.add.f32 [tilespmem:s1], [sflag:$0x3], $0x10, s12, s29, $0xb8;
	[tilespmem:$0x15800] =	vst v63  }
0xc1: {  	s23 =	simm.s32 $0x8900  }
0xc2: {  	[spmem:s3] =	stream.indirect.scatter.add.f32 [tilespmem:s5], [sflag:$0x3], $0x10, s23, s29, $0xb8;
	[tilespmem:$0x15800] =	vst v63  }
0xc3: {  	s24 =	simm.s32 $0x8980;
	s12 =	rddreg [dreg:$0x4]  }
0xc4: {  	[spmem:s3] =	stream.indirect.scatter.add.f32 [tilespmem:s30], [sflag:$0x3], $0x10, s24, s29, $0xb8;
	[tilespmem:$0x15800] =	vst v63  }
0xc5: {  	s25 =	simm.s32 $0x8A00;
	p1 =	sne.s32 s12, $0x2000  }
0xc6: {  	[spmem:s3] =	stream.indirect.scatter.add.f32 [tilespmem:s0], [sflag:$0x3], $0x10, s25, s29, $0xb8;
	[tilespmem:$0x15800] =	vst v63  }
.Ltmp1:
0xc7: {  	_ = 	snop;
	(pc) =	sbr.rel @!p1 .LBB2_5-.Ltmp1, $4  }
0xc8: {  	s24 =	simm.s32 $0x8A80  }
0xc9: {  	[spmem:s3] =	stream.indirect.scatter.add.f32 [tilespmem:s4], [sflag:$0x3], $0x10, s24, s29, $0xb8;
	[tilespmem:$0x15800] =	vst v63  }
0xca: {  	s22 =	simm.s32 $0x2000;
	s23 =	simm.s32 $0x8B80;
	s25 =	simm.s32 $0x8B00  }
0xcb: {  	[spmem:s3] =	stream.indirect.scatter.add.f32 [tilespmem:s6], [sflag:$0x3], $0x10, s25, s29, $0xb8;
	[tilespmem:$0x15800] =	vst v63  }
.LBB2_4:
0xcc: {  	[spmem:s3] =	stream.indirect.scatter.add.f32 [tilespmem:s7], [sflag:$0x3], $0x10, s23, s29, $0xb8;
	[tilespmem:$0x15800] =	vst v63  }
0xcd: {  	s24 =	smov.u32 s22;
	_ =	swait.ge [sflag:s18], $0x4000  }
0xce: {  	s23 =	sshra.s32 s24, $0x2;
	[sflag:s18] =	ssyncset.done $0x0  }
0xcf: {  	s24 =	sadd.s32 $0x5800, s23;
	[sflag:s18] =	ssyncadd.s32 $0xFFFFC000  }
0xd0: {  	[tilespmem:s31], [sflag:$0x1] =	stream.indirect.gather [spmem:s2], $0x10, s24, s29, $0xb8;
	[tilespmem:$0x15800] =	vst v63  }
0xd1: {  	s25 =	sadd.s32 $0x5880, s23  }
0xd2: {  	[tilespmem:s1], [sflag:$0x1] =	stream.indirect.gather [spmem:s2], $0x10, s25, s29, $0xb8;
	[tilespmem:$0x15800] =	vst v63  }
0xd3: {  	s12 =	sadd.s32 $0x5900, s23  }
0xd4: {  	[tilespmem:s5], [sflag:$0x1] =	stream.indirect.gather [spmem:s2], $0x10, s12, s29, $0xb8;
	[tilespmem:$0x15800] =	vst v63  }
0xd5: {  	s25 =	sadd.s32 $0x5980, s23  }
0xd6: {  	[tilespmem:s30], [sflag:$0x1] =	stream.indirect.gather [spmem:s2], $0x10, s25, s29, $0xb8;
	[tilespmem:$0x15800] =	vst v63  }
0xd7: {  	s12 =	sadd.s32 $0x5A00, s23  }
0xd8: {  	[tilespmem:s0], [sflag:$0x1] =	stream.indirect.gather [spmem:s2], $0x10, s12, s29, $0xb8;
	[tilespmem:$0x15800] =	vst v63  }
0xd9: {  	s25 =	sadd.s32 $0x5A80, s23  }
0xda: {  	[tilespmem:s4], [sflag:$0x1] =	stream.indirect.gather [spmem:s2], $0x10, s25, s29, $0xb8;
	[tilespmem:$0x15800] =	vst v63  }
0xdb: {  	s12 =	sadd.s32 $0x5B00, s23  }
0xdc: {  	[tilespmem:s6], [sflag:$0x1] =	stream.indirect.gather [spmem:s2], $0x10, s12, s29, $0xb8;
	[tilespmem:$0x15800] =	vst v63  }
0xdd: {  	s25 =	sadd.s32 $0x5B80, s23  }
0xde: {  	[tilespmem:s7], [sflag:$0x1] =	stream.indirect.gather [spmem:s2], $0x10, s25, s29, $0xb8;
	[tilespmem:$0x15800] =	vst v63  }
0xdf: {  	_ =	swait.ge [sflag:s19], $0x4000  }
0xe0: {  	[sflag:s19] =	ssyncset.done $0x0  }
0xe1: {  	s12 =	sadd.s32 $0x8400, s23;
	[sflag:s19] =	ssyncadd.s32 $0xFFFFC000  }
0xe2: {  	[spmem:s3] =	stream.indirect.scatter.add.f32 [tilespmem:s8], [sflag:$0x4], $0x10, s12, s29, $0xb8;
	[tilespmem:$0x15800] =	vst v63  }
0xe3: {  	s25 =	sadd.s32 $0x8480, s23  }
0xe4: {  	[spmem:s3] =	stream.indirect.scatter.add.f32 [tilespmem:s9], [sflag:$0x4], $0x10, s25, s29, $0xb8;
	[tilespmem:$0x15800] =	vst v63  }
0xe5: {  	s12 =	sadd.s32 $0x8500, s23  }
0xe6: {  	[spmem:s3] =	stream.indirect.scatter.add.f32 [tilespmem:s10], [sflag:$0x4], $0x10, s12, s29, $0xb8;
	[tilespmem:$0x15800] =	vst v63  }
0xe7: {  	s25 =	sadd.s32 $0x8580, s23  }
0xe8: {  	[spmem:s3] =	stream.indirect.scatter.add.f32 [tilespmem:s11], [sflag:$0x4], $0x10, s25, s29, $0xb8;
	[tilespmem:$0x15800] =	vst v63  }
0xe9: {  	s12 =	sadd.s32 $0x8600, s23  }
0xea: {  	[spmem:s3] =	stream.indirect.scatter.add.f32 [tilespmem:s13], [sflag:$0x4], $0x10, s12, s29, $0xb8;
	[tilespmem:$0x15800] =	vst v63  }
0xeb: {  	s25 =	sadd.s32 $0x8680, s23  }
0xec: {  	[spmem:s3] =	stream.indirect.scatter.add.f32 [tilespmem:s14], [sflag:$0x4], $0x10, s25, s29, $0xb8;
	[tilespmem:$0x15800] =	vst v63  }
0xed: {  	s12 =	sadd.s32 $0x8700, s23  }
0xee: {  	[spmem:s3] =	stream.indirect.scatter.add.f32 [tilespmem:s15], [sflag:$0x4], $0x10, s12, s29, $0xb8;
	[tilespmem:$0x15800] =	vst v63  }
0xef: {  	s25 =	sadd.s32 $0x8780, s23  }
0xf0: {  	[spmem:s3] =	stream.indirect.scatter.add.f32 [tilespmem:s16], [sflag:$0x4], $0x10, s25, s29, $0xb8;
	[tilespmem:$0x15800] =	vst v63  }
0xf1: {  	_ =	swait.ge [sflag:s20], $0x4000  }
0xf2: {  	[sflag:s20] =	ssyncset.done $0x0  }
0xf3: {  	s12 =	sadd.s32 $0x5C00, s23;
	[sflag:s20] =	ssyncadd.s32 $0xFFFFC000  }
0xf4: {  	[tilespmem:s8], [sflag:$0x2] =	stream.indirect.gather [spmem:s2], $0x10, s12, s29, $0xb8;
	[tilespmem:$0x15800] =	vst v63  }
0xf5: {  	s25 =	sadd.s32 $0x5C80, s23  }
0xf6: {  	[tilespmem:s9], [sflag:$0x2] =	stream.indirect.gather [spmem:s2], $0x10, s25, s29, $0xb8;
	[tilespmem:$0x15800] =	vst v63  }
0xf7: {  	s12 =	sadd.s32 $0x5D00, s23  }
0xf8: {  	[tilespmem:s10], [sflag:$0x2] =	stream.indirect.gather [spmem:s2], $0x10, s12, s29, $0xb8;
	[tilespmem:$0x15800] =	vst v63  }
0xf9: {  	s25 =	sadd.s32 $0x5D80, s23  }
0xfa: {  	[tilespmem:s11], [sflag:$0x2] =	stream.indirect.gather [spmem:s2], $0x10, s25, s29, $0xb8;
	[tilespmem:$0x15800] =	vst v63  }
0xfb: {  	s12 =	sadd.s32 $0x5E00, s23  }
0xfc: {  	[tilespmem:s13], [sflag:$0x2] =	stream.indirect.gather [spmem:s2], $0x10, s12, s29, $0xb8;
	[tilespmem:$0x15800] =	vst v63  }
0xfd: {  	s25 =	sadd.s32 $0x5E80, s23  }
0xfe: {  	[tilespmem:s14], [sflag:$0x2] =	stream.indirect.gather [spmem:s2], $0x10, s25, s29, $0xb8;
	[tilespmem:$0x15800] =	vst v63  }
0xff: {  	s12 =	sadd.s32 $0x5F00, s23  }
0x100: {  	[tilespmem:s15], [sflag:$0x2] =	stream.indirect.gather [spmem:s2], $0x10, s12, s29, $0xb8;
	[tilespmem:$0x15800] =	vst v63  }
0x101: {  	s25 =	sadd.s32 $0x5F80, s23  }
0x102: {  	[tilespmem:s16], [sflag:$0x2] =	stream.indirect.gather [spmem:s2], $0x10, s25, s29, $0xb8;
	[tilespmem:$0x15800] =	vst v63  }
0x103: {  	_ =	swait.ge [sflag:s17], $0x4000  }
0x104: {  	[sflag:s17] =	ssyncset.done $0x0  }
0x105: {  	s25 =	sadd.s32 $0x8800, s23;
	[sflag:s17] =	ssyncadd.s32 $0xFFFFC000  }
0x106: {  	[spmem:s3] =	stream.indirect.scatter.add.f32 [tilespmem:s31], [sflag:$0x3], $0x10, s25, s29, $0xb8;
	[tilespmem:$0x15800] =	vst v63  }
0x107: {  	s12 =	sadd.s32 $0x8880, s23  }
0x108: {  	[spmem:s3] =	stream.indirect.scatter.add.f32 [tilespmem:s1], [sflag:$0x3], $0x10, s12, s29, $0xb8;
	[tilespmem:$0x15800] =	vst v63  }
0x109: {  	s25 =	sadd.s32 $0x8900, s23  }
0x10a: {  	[spmem:s3] =	stream.indirect.scatter.add.f32 [tilespmem:s5], [sflag:$0x3], $0x10, s25, s29, $0xb8;
	[tilespmem:$0x15800] =	vst v63  }
0x10b: {  	s22 =	sadd.s32 $0x2000, s22;
	s24 =	rddreg [dreg:$0x4];
	s12 =	sadd.s32 $0x8980, s23  }
0x10c: {  	[spmem:s3] =	stream.indirect.scatter.add.f32 [tilespmem:s30], [sflag:$0x3], $0x10, s12, s29, $0xb8;
	[tilespmem:$0x15800] =	vst v63  }
0x10d: {  	p1 =	sne.s32 s24, s22;
	s25 =	sadd.s32 $0x8A00, s23  }
0x10e: {  	[spmem:s3] =	stream.indirect.scatter.add.f32 [tilespmem:s0], [sflag:$0x3], $0x10, s25, s29, $0xb8;
	[tilespmem:$0x15800] =	vst v63  }
.Ltmp2:
0x10f: {  	_ = 	snop;
	(pc) =	sbr.rel @p1 .LBB2_4-.Ltmp2, $4  }
0x110: {  	s12 =	sadd.s32 $0x8A80, s23  }
0x111: {  	[spmem:s3] =	stream.indirect.scatter.add.f32 [tilespmem:s4], [sflag:$0x3], $0x10, s12, s29, $0xb8;
	[tilespmem:$0x15800] =	vst v63  }
0x112: {  	s25 =	sadd.s32 $0x8B00, s23;
	s23 =	sadd.s32 $0x8B80, s23  }
0x113: {  	[spmem:s3] =	stream.indirect.scatter.add.f32 [tilespmem:s6], [sflag:$0x3], $0x10, s25, s29, $0xb8;
	[tilespmem:$0x15800] =	vst v63  }
.LBB2_5:
0x114: {  	[spmem:s3] =	stream.indirect.scatter.add.f32 [tilespmem:s7], [sflag:$0x3], $0x10, s23, s29, $0xb8;
	[tilespmem:$0x15800] =	vst v63  }
0x115: {  	_ =	swait.ge [sflag:s18], $0x4000  }
0x116: {  	[sflag:s18] =	ssyncset.done $0x0  }
0x117: {  	[sflag:s18] =	ssyncadd.s32 $0xFFFFC000  }
0x118: {  	_ =	swait.ge [sflag:s19], $0x4000  }
0x119: {  	[sflag:s19] =	ssyncset.done $0x0  }
0x11a: {  	s22 =	rddreg [dreg:$0xe];
	[sflag:s19] =	ssyncadd.s32 $0xFFFFC000  }
0x11b: {  	[spmem:s3] =	stream.indirect.scatter.add.f32 [tilespmem:s8], [sflag:$0x4], $0x10, s22, s29, $0xb8;
	[tilespmem:$0x15800] =	vst v63  }
0x11c: {  	s25 =	rddreg [dreg:$0xf]  }
0x11d: {  	[spmem:s3] =	stream.indirect.scatter.add.f32 [tilespmem:s9], [sflag:$0x4], $0x10, s25, s29, $0xb8;
	[tilespmem:$0x15800] =	vst v63  }
0x11e: {  	s12 =	rddreg [dreg:$0x10]  }
0x11f: {  	[spmem:s3] =	stream.indirect.scatter.add.f32 [tilespmem:s10], [sflag:$0x4], $0x10, s12, s29, $0xb8;
	[tilespmem:$0x15800] =	vst v63  }
0x120: {  	s23 =	rddreg [dreg:$0x11]  }
0x121: {  	[spmem:s3] =	stream.indirect.scatter.add.f32 [tilespmem:s11], [sflag:$0x4], $0x10, s23, s29, $0xb8;
	[tilespmem:$0x15800] =	vst v63  }
0x122: {  	s24 =	rddreg [dreg:$0x12]  }
0x123: {  	[spmem:s3] =	stream.indirect.scatter.add.f32 [tilespmem:s13], [sflag:$0x4], $0x10, s24, s29, $0xb8;
	[tilespmem:$0x15800] =	vst v63  }
0x124: {  	s25 =	rddreg [dreg:$0x13]  }
0x125: {  	[spmem:s3] =	stream.indirect.scatter.add.f32 [tilespmem:s14], [sflag:$0x4], $0x10, s25, s29, $0xb8;
	[tilespmem:$0x15800] =	vst v63  }
0x126: {  	s12 =	rddreg [dreg:$0x14]  }
0x127: {  	[spmem:s3] =	stream.indirect.scatter.add.f32 [tilespmem:s15], [sflag:$0x4], $0x10, s12, s29, $0xb8;
	[tilespmem:$0x15800] =	vst v63  }
0x128: {  	s23 =	rddreg [dreg:$0x15]  }
0x129: {  	[spmem:s3] =	stream.indirect.scatter.add.f32 [tilespmem:s16], [sflag:$0x4], $0x10, s23, s29, $0xb8;
	[tilespmem:$0x15800] =	vst v63  }
0x12a: {  	_ =	swait.ge [sflag:s20], $0x4000  }
0x12b: {  	[sflag:s20] =	ssyncset.done $0x0  }
0x12c: {  	[sflag:s20] =	ssyncadd.s32 $0xFFFFC000  }
0x12d: {  	s24 =	simm.s32 $0x13000;
	[bflag:$0x0] =	sbarrier.arrive $0xFFFF  }
0x12e: {  	[tilespmem:s24], [sflag:$0x5] =	stream.linear.gather [spmem:s26], $0x2800, $0x38;
	[tilespmem:$0x15800] =	vst v63  }
0x12f: {  	_ =	swait.ge [sflag:s28], $0x2800  }
0x130: {  	[sflag:s28] =	ssyncset.done $0x0  }
0x131: {  	s25 =	simm.s32 $0x0;
	s12 =	rddreg [dreg:$0x16];
	[sflag:s28] =	ssyncadd.s32 $0xFFFFD800  }
0x132: {  	[hbm4b:s12+s25] =	stream.linear.scatter [tilespmem:s24], [sflag:$0x5], $0x2800, $0x38;
	[tilespmem:$0x15800] =	vst v63  }
0x133: {  	_ =	swait.ge [sflag:s28], $0x2800  }
0x134: {  	s21 =	sadd.s32 $0x1, s21;
	s24 =	rddreg [dreg:$0x17]  }
0x135: {  	p1 =	sne.s32 s21, s24  }
.Ltmp3:
0x136: {  	_ = 	snop;
	(pc) =	sbr.rel @p1 .LBB2_1-.Ltmp3, $3  }
0x137: {  	_ =	sdelay $0x1  }
0x138: {  	[sflag:s28] =	ssyncset.done $0x0  }
0x139: {  	[sflag:s28] =	ssyncadd.s32 $0xFFFFD800  }
0x13a: {  	_ =	sfence.sel $0x180000  }
0x13b: {  	[bflag:$0x0] =	sbarrier.arrive $0xFFFF  }
0x13c: {  	_ =	strace $0x9000004D  }
0x13d: {  	s0 =	stileid.u32;
	[bflag:$0x2] =	sbarrier.arrive $0xFFFF  }
0x13e: {  	p0 =	sne.s32 s0, $0x0;
	s0 =	rddreg [dreg:$0x3]  }
0x13f: {  	s0 =	sadd.s32 @!p0 $0x100000, s0  }
0x140: {  	[sflag:s0] =	ssyncadd.tile.s32 @!p0 $0x1;
	_ =	shalt  }
.Lfunc_end2:
_tile_overlayer_lowered:
.L_overlay_start_2:
0x141: {  	(tag) =	ssettag $0x2  }
0x142: {  	s0 =	rddreg [dreg:$0x0];
	s2 =	stileid.u32  }
0x143: {  	s1 =	rddreg [dreg:$0x1];
	p0 =	sne.s32 s2, $0x0  }
0x144: {  	s3 =	rddreg [dreg:$0x2];
	[bflag:$0x3] =	sbarrier.arrive $0xFFFF;
	s2 =	simm.s32 @!p0 $0x1C05  }
0x145: {  	[timem:s3], [sflag:s2] =	dma.local @!p0 [hbm:s0], s1  }
0x146: {  	s0 =	simm.s32 @!p0 $0x5  }
0x147: {  	_ =	swait.ge @!p0 [sflag:s0], s1  }
0x148: {  	s1 =	ssub.s32 @!p0 $0x0, s1;
	[sflag:s0] =	ssyncset.done @!p0 $0x0  }
0x149: {  	[sflag:s0] =	ssyncadd.s32 @!p0 s1  }
0x14a: {  	[bflag:$0x3] =	sbarrier.arrive $0xFFFF  }
0x14b: {  	_ =	shalt  }

// kernel: kernel.8.cloned.1.call-start
scs
__scs_entry_jumppad:
0x0: {  	(pc) =	sbr.rel $0x88, $3  }
0x1: {  	(tag) =	ssettag $0x0;
	lr =	simm.s32 $0x1  }
0x2: {  	[smem:$0x3F9B] =	sst lr;
	_ =	strace $0xD0000000  }
0x3: {  	_ = 	snop  }
0x4: {  	_ = 	snop  }
0x5: {  	_ = 	snop  }
0x6: {  	_ = 	snop  }
0x7: {  	_ = 	snop  }
__scs_overlays_trampoline_lowered:
0x8: {  	[smem:$0x3FAA] =	sst s0  }
0x9: {  	[smem:$0x3FAB] =	sst s1  }
0xa: {  	[smem:$0x3FAC] =	sst s2  }
0xb: {  	[smem:$0x3FAD] =	sst s3  }
0xc: {  	[smem:$0x3FAE] =	sst s4  }
0xd: {  	[smem:$0x3FAF] =	sst s5  }
0xe: {  	[smem:$0x3FB0] =	sst s6  }
0xf: {  	[smem:$0x3FB1] =	sst s7  }
0x10: {  	[smem:$0x3FB2] =	sst s8  }
0x11: {  	[smem:$0x3FB3] =	sst s9;
	s0 =	simm.s32 @!p0 $0x0  }
0x12: {  	s1 =	sld [smem:$0x3F99];
	s0 =	simm.s32 @p0 $0x1  }
0x13: {  	[smem:$0x3FB4] =	sst s0;
	s0 =	simm.s32 @!p1 $0x0  }
0x14: {  	s2 =	sld [smem:$0x3F98];
	s0 =	simm.s32 @p1 $0x1  }
0x15: {  	[smem:$0x3FB5] =	sst s0;
	s0 =	simm.s32 @!p2 $0x0  }
0x16: {  	s3 =	sld [smem:$0x3FDB];
	s0 =	simm.s32 @p2 $0x1  }
0x17: {  	s4 =	simm.s32 $0x1BF5;
	[smem:$0x3FB7] =	sst s0  }
0x18: {  	s0 =	sld [smem:$0x3F9A];
	_ =	swait.ge [sflag:s4], $0x0  }
0x19: {  	s7 =	sld [smem:$0x3F9B]  }
0x1a: {  	s8 =	sadd.s32 $0xFFFFE003, lr  }
0x1b: {  	s9 =	sadd.s32 $0xFFFFFEF7, lr;
	s5 =	simm.s32 $0xFFFFFFFF;
	p2 =	slt.u32 s8, $0xFFFFF086  }
0x1c: {  	p1 =	slt.u32 s9, $0xF7A;
	s5 =	simm.s32 @!p2 $0x0  }
0x1d: {  	s5 =	simm.s32 @p1 $0x1;
	p0 =	seq.s32 s7, s2  }
0x1e: {  	s7 =	smul.u32 @!p0 $0xF7A, s2;
	p2 =	seq.s32 @!p0 s5, $0x0  }
0x1f: {  	s9 =	smul.u32 $0xF7A, s1;
	s8 =	simm.s32 @!p0 $0x1BF5;
	p2 =	por !p2, p0  }
0x20: {  	[sflag:s8] =	ssyncset.s32 @!p0 $0xFFFFF086;
	s6 =	sadd.s32 @!p0 s3, s7;
	s7 =	simm.s32 @!p0 $0x108  }
0x21: {  	s3 =	sadd.s32 s3, s9;
	s6 =	sadd.s32 @!p0 $0x88, s6;
	s7 =	simm.s32 @p2 $0x1082  }
0x22: {  	[simem:s7], [sflag:s8] =	dma.local @!p0 [hbm:s6], $0xF7A  }
0x23: {  	s9 =	sor.u32 $0xD0000000, s2;
	s6 =	simm.s32 $0x108;
	_ =	swait.ge @!p0 [sflag:s8], $0x0  }
0x24: {  	s3 =	sadd.s32 $0x88, s3;
	s6 =	simm.s32 @!p1 $0x1082;
	[sflag:s4] =	ssyncset.s32 $0xFFFFF086  }
0x25: {  	[simem:s6], [sflag:s4] =	dma.local [hbm:s3], $0xF7A  }
0x26: {  	[smem:$0x3F9B] =	sst s1;
	(tag) =	ssettag s2;
	_ =	strace s9  }
0x27: {  	s1 =	sld [smem:$0x3FAB]  }
0x28: {  	s2 =	sld [smem:$0x3FAC]  }
0x29: {  	s4 =	sld [smem:$0x3FAE]  }
0x2a: {  	p0 =	seq.s32 s5, $0x0;
	s5 =	sld [smem:$0x3FAF]  }
0x2b: {  	s6 =	sld [smem:$0x3FB0]  }
0x2c: {  	s7 =	sld [smem:$0x3FB1]  }
0x2d: {  	s3 =	simm.s32 $0x108;
	s8 =	sld [smem:$0x3FB2]  }
0x2e: {  	s3 =	simm.s32 @!p0 $0x1082;
	s9 =	sld [smem:$0x3FB3]  }
0x2f: {  	lr =	sadd.s32 s0, s3;
	s0 =	sld [smem:$0x3FAA]  }
0x30: {  	s3 =	sld [smem:$0x3FAD]  }
0x31: {  	[smem:$0x3FB6] =	sst s10  }
0x32: {  	s10 =	sld [smem:$0x3FB4];
	_ =	sdelay $0x3  }
0x33: {  	p0 =	seq.s32 s10, $0x1;
	s10 =	sld [smem:$0x3FB6];
	_ =	sdelay $0x3  }
0x34: {  	[smem:$0x3FB6] =	sst s10  }
0x35: {  	s10 =	sld [smem:$0x3FB5];
	_ =	sdelay $0x3  }
0x36: {  	p1 =	seq.s32 s10, $0x1;
	s10 =	sld [smem:$0x3FB6];
	_ =	sdelay $0x3  }
0x37: {  	[smem:$0x3FB6] =	sst s10  }
0x38: {  	s10 =	sld [smem:$0x3FB7]  }
0x39: {  	_ = 	snop;
	(pc) =	sbr.ind lr, $3  }
0x3a: {  	_ = 	snop  }
0x3b: {  	_ = 	snop  }
0x3c: {  	p2 =	seq.s32 s10, $0x1;
	s10 =	sld [smem:$0x3FB6]  }
0x3d: {  	_ =	shalt  }
0x3e: {  	_ =	shalt  }
0x3f: {  	_ =	shalt  }
0x40: {  	_ =	shalt  }
0x41: {  	_ =	shalt  }
0x42: {  	_ =	shalt  }
0x43: {  	_ =	shalt  }
0x44: {  	_ =	shalt  }
0x45: {  	_ =	shalt  }
0x46: {  	_ =	shalt  }
0x47: {  	_ =	shalt  }
0x48: {  	_ =	shalt  }
0x49: {  	_ =	shalt  }
0x4a: {  	_ =	shalt  }
0x4b: {  	_ =	shalt  }
0x4c: {  	_ =	shalt  }
0x4d: {  	_ =	shalt  }
0x4e: {  	_ =	shalt  }
0x4f: {  	_ =	shalt  }
0x50: {  	_ =	shalt  }
0x51: {  	_ =	shalt  }
0x52: {  	_ =	shalt  }
0x53: {  	_ =	shalt  }
0x54: {  	_ =	shalt  }
0x55: {  	_ =	shalt  }
0x56: {  	_ =	shalt  }
0x57: {  	_ =	shalt  }
0x58: {  	_ =	shalt  }
0x59: {  	_ =	shalt  }
0x5a: {  	_ =	shalt  }
0x5b: {  	_ =	shalt  }
0x5c: {  	_ =	shalt  }
0x5d: {  	_ =	shalt  }
0x5e: {  	_ =	shalt  }
0x5f: {  	_ =	shalt  }
0x60: {  	_ =	shalt  }
0x61: {  	_ =	shalt  }
0x62: {  	_ =	shalt  }
0x63: {  	_ =	shalt  }
0x64: {  	_ =	shalt  }
0x65: {  	_ =	shalt  }
0x66: {  	_ =	shalt  }
0x67: {  	_ =	shalt  }
0x68: {  	_ =	shalt  }
0x69: {  	_ =	shalt  }
0x6a: {  	_ =	shalt  }
0x6b: {  	_ =	shalt  }
0x6c: {  	_ =	shalt  }
0x6d: {  	_ =	shalt  }
0x6e: {  	_ =	shalt  }
0x6f: {  	_ =	shalt  }
0x70: {  	_ =	shalt  }
0x71: {  	_ =	shalt  }
0x72: {  	_ =	shalt  }
0x73: {  	_ =	shalt  }
0x74: {  	_ =	shalt  }
0x75: {  	_ =	shalt  }
0x76: {  	_ =	shalt  }
0x77: {  	_ =	shalt  }
0x78: {  	_ =	shalt  }
0x79: {  	_ =	shalt  }
0x7a: {  	_ =	shalt  }
0x7b: {  	_ =	shalt  }
0x7c: {  	_ =	shalt  }
0x7d: {  	_ =	shalt  }
0x7e: {  	_ =	shalt  }
0x7f: {  	_ =	shalt  }
0x80: {  	_ =	shalt  }
0x81: {  	_ =	shalt  }
0x82: {  	_ =	shalt  }
0x83: {  	_ =	shalt  }
0x84: {  	_ =	shalt  }
0x85: {  	_ =	shalt  }
0x86: {  	_ =	shalt  }
0x87: {  	_ =	shalt  }
.Lfunc_end0:
.L_simem_size_0:
called_computation_lowered:
.L_overlay_start_0:
0x88: {  	s2 =	sld [smem:$0x3FD9]  }
0x89: {  	s3 =	sld [smem:$0x3FFE];
	_ =	sdelay $0x1  }
0x8a: {  	s1 =	srdreg.scid  }
0x8b: {  	s0 =	sand.u32 $0x1, s1  }
0x8c: {  	s17 =	sshll.u32 s0, $0xA;
	s2 =	sadd.s32 s3, s2  }
0x8d: {  	s2 =	sadd.s32 s2, s17  }
0x8e: {  	[smem:$0x3FC2] =	sst s2  }
0x8f: {  	_ = 	snop  }
0x90: {  	s2 =	sld [smem:$0x3FD0];
	(tm) =	ssettm $0x1  }
0x91: {  	s18 =	sld [smem:$0x3FFB];
	_ =	sdelay $0x3  }
0x92: {  	_ =	strace s18  }
0x93: {  	s3 =	sld [smem:$0x3FFC];
	_ =	sdelay $0x3  }
0x94: {  	_ =	strace s3  }
0x95: {  	s3 =	sld [smem:$0x3FFD];
	_ =	sdelay $0x3  }
0x96: {  	_ =	strace s3  }
0x97: {  	_ =	strace $0x8FFFFFFF  }
0x98: {  	s19 =	sld [smem:$0x3FDB];
	_ =	sdelay $0x1  }
0x99: {  	s4 =	simm.s32 $_scs_section_size  }
0x9a: {  	s5 =	simm.s32 $_size__tile_overlayer_lowered;
	s6 =	simm.s32 $_tile_overlayer_lowered  }
0x9b: {  	s22 =	simm.s32 $0x1BFF;
	s21 =	sshll.u32 s6, $0x1;
	s3 =	sadd.s32 s4, s19  }
0x9c: {  	s7 =	simm.s32 $0x0;
	s20 =	sshll.u32 s5, $0x1;
	s5 =	sadd.s32 s21, s3  }
0x9d: {  	[timem:s7], [sflag:s22] =	dma.local [hbm:s5], s20  }
0x9e: {  	_ =	swait.ge [sflag:s22], s20  }
0x9f: {  	s4 =	ssub.s32 $0x0, s20;
	[sflag:s22] =	ssyncset.done $0x0  }
0xa0: {  	[sflag:s22] =	ssyncadd.s32 s4;
	_ =	sdelay $0x1  }
0xa1: {  	s23 =	simm.s32 $0x1B8B  }
0xa2: {  	_ =	swait.ge [sflag:s23], $0x1  }
0xa3: {  	[sflag:s23] =	ssyncset.done $0x0  }
0xa4: {  	s25 =	simm.s32 $0x1B8E;
	s24 =	sld [smem:$0x3FFE];
	[sflag:s23] =	ssyncadd.s32 $0xFFFFFFFF  }
0xa5: {  	s26 =	simm.s32 $execute0_lowered;
	[smem:$0x3FD2] =	sst s25  }
0xa6: {  	s5 =	sshll.u32 s26, $0x1;
	_ =	strace $0x80000046;
	[dreg:$0x1] =	wrdreg $0xFFFFFFFF  }
0xa7: {  	s28 =	simm.s32 $_size_execute0_lowered;
	s3 =	sadd.s32 s3, s5;
	[dreg:$0x0] =	wrdreg $0x0  }
0xa8: {  	s5 =	sshll.u32 s28, $0x1;
	[dreg:$0x2] =	wrdreg s3  }
0xa9: {  	[dreg:$0x3] =	wrdreg s5  }
0xaa: {  	[dreg:$0x4] =	wrdreg $0xC0  }
0xab: {  	_ =	task [dreg:s7], $0x5FFFF  }
0xac: {  	[dreg:$0x1] =	wrdreg $0xFFFFFFFF  }
0xad: {  	[dreg:$0x0] =	wrdreg $0x60  }
0xae: {  	[dreg:$0x2] =	wrdreg s24  }
0xaf: {  	[dreg:$0x3] =	wrdreg s2  }
0xb0: {  	[dreg:$0x4] =	wrdreg $0x0  }
0xb1: {  	[dreg:$0x5] =	wrdreg $0x9  }
0xb2: {  	_ =	task.clear_ibuf [dreg:s7], $0x6FFFF;
	_ =	strace $0x90000046  }
0xb3: {  	s29 =	simm.s32 $0x9;
	_ =	strace $0x80000048  }
0xb4: {  	_ =	swait.ge [sflag:s29], $0x1  }
0xb5: {  	[sflag:s29] =	ssyncadd.s32 $0xFFFFFFFF  }
0xb6: {  	_ =	strace $0x90000048  }
0xb7: {  	_ =	sfence  }
0xb8: {  	s30 =	sld [smem:$0x0];
	_ =	sdelay $0x2  }
0xb9: {  	s31 =	sshll.u32 s1, $0xD;
	s1 =	sshrl.u32 s1, $0x2  }
0xba: {  	s3 =	sand.u32 $0x4000, s31;
	s1 =	sadd.s32 s1, s30  }
0xbb: {  	s0 =	sor.u32 s3, s0;
	s1 =	sshll.u32 s1, $0x11  }
0xbc: {  	s0 =	sor.u32 s1, s0  }
0xbd: {  	s0 =	sadd.s32 $0x8F2B, s0  }
0xbe: {  	[sflag:s0] =	ssyncadd.remote.s32 $0x1  }
0xbf: {  	_ =	sfence.sel $0xFFFF  }
0xc0: {  	[dreg:$0x0] =	wrdreg $0xFFFFFFFF;
	(pc) =	sbr.abs _section_cstart, $3  }
0xc1: {  	[dreg:$0x1] =	wrdreg $0xFFFFFFFF  }
0xc2: {  	_ =	task.clear_ibuf [dreg:s7], $0x2FFFF;
	_ =	strace $0x9FFFFFFF  }
0xc3: {  	(tm) =	ssettm $0x7FFFFFFF  }
tec
execute0_lowered:
.L_overlay_start_1:
0x0: {  	(tag) =	ssettag $0x1  }
0x1: {  	s4 =	rddreg [dreg:$0x0]  }
0x2: {  	s8 =	rddreg [dreg:$0x1]  }
0x3: {  	s1 =	rddreg [dreg:$0x2]  }
0x4: {  	s3 =	srdreg.scid;
	s0 =	rddreg [dreg:$0x3];
	s2 =	simm.s32 $0x0  }
0x5: {  	s14 =	simm.s32 $0x1;
	s15 =	simm.s32 $0x0;
	s10 =	sand.u32 $0x1, s3  }
0x6: {  	[smem:$0x7FF] =	sst s2;
	s3 =	stileid.u32;
	s7 =	sadd.s32 $0xE00, s4  }
0x7: {  	s4 =	simm.s32 $0xC000;
	s5 =	ssub.s32 $0x2, s10;
	s11 =	smul.u32 $0x280, s3  }
0x8: {  	_ =	strace $0x80000047;
	p0 =	seq.s32 s10, $0x0;
	s30 =	smul.u32 $0x2800, s10  }
0x9: {  	s29 =	sshll.u32 s3, $0xA;
	s12 =	smul.u32 $0x600, s3;
	s6 =	sshrl.u32 s5, $0x1  }
0xa: {  	s4 =	simm.s32 @!p0 $0x8000;
	p0 =	sne.s32 s10, $0x0;
	s10 =	simm.s32 $0x3680  }
0xb: {  	s9 =	ssub.s32 s5, s6;
	s5 =	sadd.s32 s29, s7;
	s13 =	sadd.s32 s11, s30  }
0xc: {  	s6 =	sadd.s32 s7, s12;
	s7 =	sadd.s32 s11, s1;
	s11 =	simm.s32 $0x2  }
0xd: {  	s12 =	simm.s32 $0x80;
	s5 =	sadd.s32 $0x6000, s5;
	s31 =	sshrl.u32 s13, $0x3  }
0xe: {  	v0 =	vimm.f32 $1.000000000e+00;
	v1 =	vimm.f32 $0.0e+00;
	s9 =	smax.u32 s9, $0x1;
	s13 =	simm.s32 $0x3280;
	s8 =	sadd.s32 s8, s31  }
.LBB2_1:
0xf: {  	s16 =	simm.s32 @p0 $0x0;
	s17 =	simm.s32 @p0 $0x280  }
0x10: {  	[tilespmem:s17], [sflag:$0x2] =	stream.linear.gather @p0 [hbm4b:s5+s16], $0x2000, $0x38;
	[tilespmem:$0x3900] =	vst v63  }
0x11: {  	s16 =	simm.s32 @p0 $0x2  }
0x12: {  	_ =	swait.ge @p0 [sflag:s16], $0x2000  }
0x13: {  	[sflag:s16] =	ssyncset.done @p0 $0x0  }
0x14: {  	s17 =	simm.s32 @!p0 $0x280;
	[sflag:s16] =	ssyncadd.s32 @p0 $0xFFFFE000;
	s16 =	simm.s32 @!p0 $0x0  }
0x15: {  	[tilespmem:s17], [sflag:$0x2] =	stream.linear.gather @!p0 [hbm4b:s6+s16], $0x3000, $0x38;
	[tilespmem:$0x3900] =	vst v63  }
0x16: {  	s16 =	simm.s32 @!p0 $0x2  }
0x17: {  	_ =	swait.ge @!p0 [sflag:s16], $0x3000  }
0x18: {  	[sflag:s16] =	ssyncset.done @!p0 $0x0  }
0x19: {  	s17 =	simm.s32 $0x0;
	[sflag:s16] =	ssyncadd.s32 @!p0 $0xFFFFD000;
	s16 =	simm.s32 $0x40  }
.LBB2_2:
0x1a: {  	p1 =	sne.s32 s16, $0xFC0;
	[tilespmem:s17+$0x3280] =	vst v0;
	s17 =	smov.u32 s16;
	s16 =	sadd.s32 $0x40, s16  }
.Ltmp0:
0x1b: {  	(pc) =	sbr.rel @p1 .LBB2_2-.Ltmp0, $2  }
0x1c: {  	_ =	sdelay $0x2  }
0x1d: {  	s17 =	sshra.s32 s17, $0x2  }
0x1e: {  	[tilespmem:s17+$0x3280] =	vst v0  }
0x1f: {  	[tilespmem:$0x3680] =	vst v1  }
0x20: {  	[tilespmem:$0x3690] =	vst v1  }
0x21: {  	[tilespmem:$0x36A0] =	vst v1  }
0x22: {  	[tilespmem:$0x36B0] =	vst v1  }
0x23: {  	[tilespmem:$0x36C0] =	vst v1  }
0x24: {  	[tilespmem:$0x36D0] =	vst v1  }
0x25: {  	[tilespmem:$0x36E0] =	vst v1  }
0x26: {  	[tilespmem:$0x36F0] =	vst v1  }
0x27: {  	[tilespmem:$0x3700] =	vst v1  }
0x28: {  	[tilespmem:$0x3710] =	vst v1  }
0x29: {  	[tilespmem:$0x3720] =	vst v1  }
0x2a: {  	[tilespmem:$0x3730] =	vst v1  }
0x2b: {  	[tilespmem:$0x3740] =	vst v1  }
0x2c: {  	[tilespmem:$0x3750] =	vst v1  }
0x2d: {  	[tilespmem:$0x3760] =	vst v1  }
0x2e: {  	[tilespmem:$0x3770] =	vst v1  }
0x2f: {  	[tilespmem:$0x3780] =	vst v1  }
0x30: {  	[tilespmem:$0x3790] =	vst v1  }
0x31: {  	[tilespmem:$0x37A0] =	vst v1  }
0x32: {  	[tilespmem:$0x37B0] =	vst v1  }
0x33: {  	[tilespmem:$0x37C0] =	vst v1  }
0x34: {  	[tilespmem:$0x37D0] =	vst v1  }
0x35: {  	[tilespmem:$0x37E0] =	vst v1  }
0x36: {  	[tilespmem:$0x37F0] =	vst v1  }
0x37: {  	[tilespmem:$0x3800] =	vst v1  }
0x38: {  	[tilespmem:$0x3810] =	vst v1  }
0x39: {  	[tilespmem:$0x3820] =	vst v1  }
0x3a: {  	[tilespmem:$0x3830] =	vst v1  }
0x3b: {  	[tilespmem:$0x3840] =	vst v1  }
0x3c: {  	[tilespmem:$0x3850] =	vst v1  }
0x3d: {  	[tilespmem:$0x3860] =	vst v1  }
0x3e: {  	[tilespmem:$0x3870] =	vst v1  }
0x3f: {  	[tilespmem:$0x3880] =	vst v1  }
0x40: {  	[tilespmem:$0x3890] =	vst v1  }
0x41: {  	[tilespmem:$0x38A0] =	vst v1  }
0x42: {  	[tilespmem:$0x38B0] =	vst v1  }
0x43: {  	[tilespmem:$0x38C0] =	vst v1  }
0x44: {  	[tilespmem:$0x38D0] =	vst v1  }
0x45: {  	[tilespmem:$0x38E0] =	vst v1  }
0x46: {  	p2 =	sne.s32 s4, $0x1000;
	[tilespmem:$0x38F0] =	vst v1  }
0x47: {  	[spmem:s7] =	stream.linear.scatter [tilespmem:s10], [sflag:$0x2], $0x280, $0x38;
	[tilespmem:$0x3900] =	vst v63  }
.Ltmp1:
0x48: {  	_ =	swait.ge [sflag:s11], $0x280;
	(pc) =	sbr.rel @!p2 .LBB2_8-.Ltmp1, $4  }
0x49: {  	[sflag:s11] =	ssyncset.done $0x0  }
0x4a: {  	[sflag:s11] =	ssyncadd.s32 $0xFFFFFD80  }
0x4b: {  	[bflag:$0x0] =	sbarrier.arrive $0xFFFF  }
0x4c: {  	s17 =	simm.s32 $0x0;
	s16 =	simm.s32 $0x1000;
	p1 =	por $0x0, $0x0  }
0x4d: {  	s17 =	simm.s32 $0x280  }
0x4e: {  	[spmem:s1] =	stream.indirect.scatter.add.f32 [tilespmem:s13], [sflag:$0x1], $0x1, s17, s12, $0xb8;
	[tilespmem:$0x3900] =	vst v63  }
0x4f: {  	s24 =	simm.s32 $0x300  }
0x50: {  	[spmem:s1] =	stream.indirect.scatter.add.f32 [tilespmem:s13], [sflag:$0x1], $0x1, s24, s12, $0xb8;
	[tilespmem:$0x3900] =	vst v63  }
0x51: {  	s25 =	simm.s32 $0x380  }
0x52: {  	[spmem:s1] =	stream.indirect.scatter.add.f32 [tilespmem:s13], [sflag:$0x1], $0x1, s25, s12, $0xb8;
	[tilespmem:$0x3900] =	vst v63  }
0x53: {  	s26 =	simm.s32 $0x400  }
0x54: {  	[spmem:s1] =	stream.indirect.scatter.add.f32 [tilespmem:s13], [sflag:$0x1], $0x1, s26, s12, $0xb8;
	[tilespmem:$0x3900] =	vst v63  }
0x55: {  	s28 =	simm.s32 $0x480  }
0x56: {  	[spmem:s1] =	stream.indirect.scatter.add.f32 [tilespmem:s13], [sflag:$0x1], $0x1, s28, s12, $0xb8;
	[tilespmem:$0x3900] =	vst v63  }
0x57: {  	s29 =	simm.s32 $0x500  }
0x58: {  	[spmem:s1] =	stream.indirect.scatter.add.f32 [tilespmem:s13], [sflag:$0x1], $0x1, s29, s12, $0xb8;
	[tilespmem:$0x3900] =	vst v63  }
0x59: {  	s30 =	simm.s32 $0x580;
	p2 =	sne.s32 s4, $0x2000  }
0x5a: {  	[spmem:s1] =	stream.indirect.scatter.add.f32 [tilespmem:s13], [sflag:$0x1], $0x1, s30, s12, $0xb8;
	[tilespmem:$0x3900] =	vst v63  }
.Ltmp2:
0x5b: {  	_ = 	snop;
	(pc) =	sbr.rel @!p2 .LBB2_5-.Ltmp2, $4  }
0x5c: {  	s31 =	simm.s32 $0x600  }
0x5d: {  	[spmem:s1] =	stream.indirect.scatter.add.f32 [tilespmem:s13], [sflag:$0x1], $0x1, s31, s12, $0xb8;
	[tilespmem:$0x3900] =	vst v63  }
0x5e: {  	_ =	swait.ge [sflag:s14], $0x400  }
0x5f: {  	p1 =	por $0x1, $0x1;
	s17 =	simm.s32 $0x2000;
	[sflag:s14] =	ssyncset.done $0x0  }
.LBB2_6:
0x60: {  	s18 =	sshra.s32 s16, $0x2  }
0x61: {  	[sflag:s14] =	ssyncadd.s32 $0xFFFFFC00;
	s16 =	smov.u32 s17;
	s17 =	sadd.s32 $0x1000, s17  }
0x62: {  	p2 =	sne.s32 s4, s17;
	s19 =	sadd.s32 $0x280, s18  }
0x63: {  	[spmem:s1] =	stream.indirect.scatter.add.f32 [tilespmem:s13], [sflag:$0x1], $0x1, s19, s12, $0xb8;
	[tilespmem:$0x3900] =	vst v63  }
0x64: {  	s19 =	sadd.s32 $0x300, s18  }
0x65: {  	[spmem:s1] =	stream.indirect.scatter.add.f32 [tilespmem:s13], [sflag:$0x1], $0x1, s19, s12, $0xb8;
	[tilespmem:$0x3900] =	vst v63  }
0x66: {  	s19 =	sadd.s32 $0x380, s18  }
0x67: {  	[spmem:s1] =	stream.indirect.scatter.add.f32 [tilespmem:s13], [sflag:$0x1], $0x1, s19, s12, $0xb8;
	[tilespmem:$0x3900] =	vst v63  }
0x68: {  	s19 =	sadd.s32 $0x400, s18  }
0x69: {  	[spmem:s1] =	stream.indirect.scatter.add.f32 [tilespmem:s13], [sflag:$0x1], $0x1, s19, s12, $0xb8;
	[tilespmem:$0x3900] =	vst v63  }
0x6a: {  	s19 =	sadd.s32 $0x480, s18  }
0x6b: {  	[spmem:s1] =	stream.indirect.scatter.add.f32 [tilespmem:s13], [sflag:$0x1], $0x1, s19, s12, $0xb8;
	[tilespmem:$0x3900] =	vst v63  }
0x6c: {  	s19 =	sadd.s32 $0x500, s18  }
0x6d: {  	[spmem:s1] =	stream.indirect.scatter.add.f32 [tilespmem:s13], [sflag:$0x1], $0x1, s19, s12, $0xb8;
	[tilespmem:$0x3900] =	vst v63  }
0x6e: {  	s19 =	sadd.s32 $0x580, s18  }
0x6f: {  	[spmem:s1] =	stream.indirect.scatter.add.f32 [tilespmem:s13], [sflag:$0x1], $0x1, s19, s12, $0xb8;
	[tilespmem:$0x3900] =	vst v63  }
.Ltmp3:
0x70: {  	_ = 	snop;
	(pc) =	sbr.rel @p2 .LBB2_6-.Ltmp3, $4  }
0x71: {  	s18 =	sadd.s32 $0x600, s18  }
0x72: {  	[spmem:s1] =	stream.indirect.scatter.add.f32 [tilespmem:s13], [sflag:$0x1], $0x1, s18, s12, $0xb8;
	[tilespmem:$0x3900] =	vst v63  }
0x73: {  	_ =	swait.ge [sflag:s14], $0x400  }
0x74: {  	[sflag:s14] =	ssyncset.done $0x0  }
0x75: {  	s17 =	smov.u32 s16  }
.LBB2_8:
0x76: {  	s16 =	sshra.s32 s17, $0x2  }
0x77: {  	[sflag:s14] =	ssyncadd.s32 @p1 $0xFFFFFC00;
	s17 =	sadd.s32 $0x280, s16  }
0x78: {  	[spmem:s1] =	stream.indirect.scatter.add.f32 [tilespmem:s13], [sflag:$0x1], $0x1, s17, s12, $0xb8;
	[tilespmem:$0x3900] =	vst v63  }
0x79: {  	s25 =	sadd.s32 $0x300, s16  }
0x7a: {  	[spmem:s1] =	stream.indirect.scatter.add.f32 [tilespmem:s13], [sflag:$0x1], $0x1, s25, s12, $0xb8;
	[tilespmem:$0x3900] =	vst v63  }
0x7b: {  	s26 =	sadd.s32 $0x380, s16  }
0x7c: {  	[spmem:s1] =	stream.indirect.scatter.add.f32 [tilespmem:s13], [sflag:$0x1], $0x1, s26, s12, $0xb8;
	[tilespmem:$0x3900] =	vst v63  }
0x7d: {  	s28 =	sadd.s32 $0x400, s16  }
0x7e: {  	[spmem:s1] =	stream.indirect.scatter.add.f32 [tilespmem:s13], [sflag:$0x1], $0x1, s28, s12, $0xb8;
	[tilespmem:$0x3900] =	vst v63  }
0x7f: {  	s29 =	sadd.s32 $0x480, s16  }
0x80: {  	[spmem:s1] =	stream.indirect.scatter.add.f32 [tilespmem:s13], [sflag:$0x1], $0x1, s29, s12, $0xb8;
	[tilespmem:$0x3900] =	vst v63  }
0x81: {  	s30 =	sadd.s32 $0x500, s16  }
0x82: {  	[spmem:s1] =	stream.indirect.scatter.add.f32 [tilespmem:s13], [sflag:$0x1], $0x1, s30, s12, $0xb8;
	[tilespmem:$0x3900] =	vst v63  }
0x83: {  	s31 =	sadd.s32 $0x580, s16  }
0x84: {  	[spmem:s1] =	stream.indirect.scatter.add.f32 [tilespmem:s13], [sflag:$0x1], $0x1, s31, s12, $0xb8;
	[tilespmem:$0x3900] =	vst v63  }
0x85: {  	s16 =	sadd.s32 $0x600, s16  }
0x86: {  	[spmem:s1] =	stream.indirect.scatter.add.f32 [tilespmem:s13], [sflag:$0x1], $0x1, s16, s12, $0xb8;
	[tilespmem:$0x3900] =	vst v63  }
0x87: {  	_ =	swait.ge [sflag:s14], $0x400  }
0x88: {  	[sflag:s14] =	ssyncset.done $0x0  }
0x89: {  	[sflag:s14] =	ssyncadd.s32 $0xFFFFFC00  }
0x8a: {  	[bflag:$0x0] =	sbarrier.arrive $0xFFFF  }
0x8b: {  	[tilespmem:s10], [sflag:$0x2] =	stream.linear.gather [spmem:s7], $0x280, $0x38;
	[tilespmem:$0x3900] =	vst v63  }
0x8c: {  	_ =	swait.ge [sflag:s11], $0x280  }
0x8d: {  	s15 =	sadd.s32 $0x1, s15;
	[sflag:s11] =	ssyncset.done $0x0  }
0x8e: {  	p1 =	sne.s32 s15, s9;
	[sflag:s11] =	ssyncadd.s32 $0xFFFFFD80  }
0x8f: {  	[hbm4b:s8+s2] =	stream.linear.scatter [tilespmem:s10], [sflag:$0x2], $0x280, $0x38;
	[tilespmem:$0x3900] =	vst v63  }
.Ltmp4:
0x90: {  	_ = 	snop;
	(pc) =	sbr.rel @p1 .LBB2_1-.Ltmp4, $4  }
.Ltmp5:
0x91: {  	_ = 	snop;
	(pc) =	sbr.rel @!p1 .LBB2_9-.Ltmp5, $4  }
0x92: {  	_ =	swait.ge [sflag:s11], $0x280  }
0x93: {  	[sflag:s11] =	ssyncset.done $0x0  }
0x94: {  	[sflag:s11] =	ssyncadd.s32 $0xFFFFFD80  }
0x95: {  	_ = 	snop  }
.LBB2_5:
.Ltmp6:
0x96: {  	(pc) =	sbr.rel .LBB2_8-.Ltmp6, $2  }
0x97: {  	_ =	sdelay $0x2  }
0x98: {  	s17 =	simm.s32 $0x1000  }
.LBB2_9:
0x99: {  	_ =	sfence.sel $0x180000  }
0x9a: {  	[bflag:$0x0] =	sbarrier.arrive $0xFFFF  }
0x9b: {  	p0 =	sne.s32 s3, $0x0;
	_ =	strace $0x90000047  }
0x9c: {  	s0 =	sadd.s32 @!p0 $0x100000, s0;
	[bflag:$0x2] =	sbarrier.arrive $0xFFFF  }
0x9d: {  	[sflag:s0] =	ssyncadd.tile.s32 @!p0 $0x1;
	_ =	shalt  }
.Lfunc_end2:
_tile_overlayer_lowered:
.L_overlay_start_2:
0x9e: {  	(tag) =	ssettag $0x2  }
0x9f: {  	s0 =	rddreg [dreg:$0x0];
	s2 =	stileid.u32  }
0xa0: {  	s1 =	rddreg [dreg:$0x1];
	p0 =	sne.s32 s2, $0x0  }
0xa1: {  	s3 =	rddreg [dreg:$0x2];
	[bflag:$0x3] =	sbarrier.arrive $0xFFFF;
	s2 =	simm.s32 @!p0 $0x1C02  }
0xa2: {  	[timem:s3], [sflag:s2] =	dma.local @!p0 [hbm:s0], s1  }
0xa3: {  	s0 =	simm.s32 @!p0 $0x2  }
0xa4: {  	_ =	swait.ge @!p0 [sflag:s0], s1  }
0xa5: {  	s1 =	ssub.s32 @!p0 $0x0, s1;
	[sflag:s0] =	ssyncset.done @!p0 $0x0  }
0xa6: {  	[sflag:s0] =	ssyncadd.s32 @!p0 s1  }
0xa7: {  	[bflag:$0x3] =	sbarrier.arrive $0xFFFF  }
0xa8: {  	_ =	shalt  }

</sc_bundles>
